<compile_context>
chip_gen: v7x
topology: tpu7x:2x2x1
jax: 0.10.2.dev20260603
libtpu: 0.0.44.dev20260713+nightly
codegen_flags: <defaults>
</compile_context>

<pallas_src>
import functools

import jax
import jax.numpy as jnp
from jax import lax
from jax.experimental import pallas as pl
from jax.experimental.pallas import tpu as pltpu
from jax.experimental.pallas import tpu_sc as plsc

_NSEG = 8
_NCLS = 48
_E = 2.718281828459045
_N = 16384


def _dot(a, b, dims):
    return lax.dot_general(a, b, dimension_numbers=(dims, ((), ())),
                           preferred_element_type=jnp.float32,
                           precision=lax.Precision.DEFAULT)



_info = plsc.get_sparse_core_info()
_NC, _NS = _info.num_cores, _info.num_subcores
_NW = _NC * _NS
_CHUNK = _N // _NW
_TBL = 4 * _NSEG * _NCLS


def _sc_body(xt_hbm, lab_hbm, rs_hbm, out_hbm, xv0, xv1, xv2, labf, rsf,
             tablef):
    cid = lax.axis_index("c")
    sid = lax.axis_index("s")
    wid = sid * _NC + cid
    base = wid * _CHUNK

    pltpu.sync_copy(xt_hbm.at[pl.ds(0, 1), pl.ds(base, _CHUNK)], xv0)
    pltpu.sync_copy(xt_hbm.at[pl.ds(1, 1), pl.ds(base, _CHUNK)], xv1)
    pltpu.sync_copy(xt_hbm.at[pl.ds(2, 1), pl.ds(base, _CHUNK)], xv2)
    pltpu.sync_copy(lab_hbm.at[pl.ds(0, 1), pl.ds(base, _CHUNK)], labf)
    pltpu.sync_copy(rs_hbm, rsf)

    zeros16 = jnp.zeros((16,), jnp.float32)
    for k in range(_TBL // 16):
        tablef[pl.ds(k * 16, 16)] = zeros16

    lane = lax.iota(jnp.int32, 16)
    ones = jnp.ones((16,), jnp.float32)
    rv = rsf[...]
    xvs = (xv0, xv1, xv2)
    for j in range(_CHUNK // 16):
        gidx = lane + (j * 16 + base)
        seg = jnp.zeros((16,), jnp.int32)
        for s in range(1, _NSEG):
            seg = seg + jnp.where(gidx >= rv[s], 1, 0)
        lab16 = labf[0, pl.ds(j * 16, 16)]
        rowbase = seg * _NCLS + lab16
        plsc.addupdate_scatter(tablef, [rowbase], ones)
        for d in range(3):
            xd = xvs[d][0, pl.ds(j * 16, 16)]
            plsc.addupdate_scatter(
                tablef, [rowbase + (_NSEG + _NSEG * d) * _NCLS], xd)

    pltpu.sync_copy(tablef, out_hbm.at[wid])


@functools.partial(
    pl.kernel,
    mesh=plsc.VectorSubcoreMesh(core_axis_name="c", subcore_axis_name="s"),
    compiler_params=pltpu.CompilerParams(needs_layout_passes=False),
    out_type=jax.ShapeDtypeStruct((_NW, _TBL), jnp.float32),
    scratch_types=[
        pltpu.VMEM((1, _CHUNK), jnp.float32),
        pltpu.VMEM((1, _CHUNK), jnp.float32),
        pltpu.VMEM((1, _CHUNK), jnp.float32),
        pltpu.VMEM((1, _CHUNK), jnp.int32),
        pltpu.VMEM((16,), jnp.int32),
        pltpu.VMEM((_TBL,), jnp.float32),
    ],
)
def _sc_buckets(xt_hbm, lab_hbm, rs_hbm, out_hbm, xv0, xv1, xv2, labf, rsf,
                tablef):
    _sc_body(xt_hbm, lab_hbm, rs_hbm, out_hbm, xv0, xv1, xv2, labf, rsf,
             tablef)



def _loss_body(rs_ref, x_ref, lab_ref, tbl_ref, out_ref):
    n_pts = x_ref.shape[1]
    colb = lax.broadcasted_iota(jnp.int32, (_NSEG, n_pts), 1)
    rs_lo = jnp.concatenate(
        [jnp.full((1, 1), rs_ref[s], jnp.int32) for s in range(_NSEG)], axis=0)
    rs_hi = jnp.concatenate(
        [jnp.full((1, 1), rs_ref[s + 1], jnp.int32) for s in range(_NSEG)],
        axis=0)
    seg1h = ((colb >= rs_lo) & (colb < rs_hi)).astype(jnp.float32)

    labels_i = lab_ref[0:1, :]
    lab1h = (lax.broadcasted_iota(jnp.int32, (_NCLS, n_pts), 0)
             == labels_i).astype(jnp.float32)

    x = x_ref[0:3, :]

    tbl = tbl_ref[...]
    big1 = tbl[0]
    for k in range(1, _NW):
        big1 = big1 + tbl[k]
    counts = big1[0:_NSEG]
    n_s = jnp.sum(counts, axis=1, keepdims=True)

    sx = jnp.concatenate([seg1h * x[d:d + 1, :] for d in range(3)], axis=0)
    stack1 = jnp.concatenate([seg1h, sx], axis=0)

    cnt_safe = jnp.where(counts == 0.0, 1.0, counts)
    cnt3 = jnp.concatenate([counts] * 3, axis=0)
    means = jnp.where(cnt3 == 0.0, 0.0,
                      big1[_NSEG:] / jnp.where(cnt3 == 0.0, 1.0, cnt3))
    msq = (means[0:8] * means[0:8] + means[8:16] * means[8:16]
           + means[16:24] * means[16:24])

    mfac = jnp.concatenate([msq, -2.0 * means], axis=0)
    xsq = (x[0:1] * x[0:1] + x[1:2] * x[1:2] + x[2:3] * x[2:3])
    dist2 = _dot(mfac, stack1, ((0,), (0,))) + xsq
    expd = jnp.exp(-dist2)

    d_own = jnp.sum(dist2 * lab1h, axis=0, keepdims=True)
    lt = jnp.log(_E * d_own + 1.0)
    eo = jnp.exp(-d_own)

    stack2 = jnp.concatenate([seg1h * lt, seg1h * eo], axis=0)
    big2 = _dot(stack2, lab1h, ((1,), (1,)))
    distsum = big2[0:_NSEG]
    repown = big2[_NSEG:]

    repall = _dot(seg1h, expd, ((1,), (1,)))
    repnum = repall - repown

    present = counts > 0.0
    k_s = jnp.sum(present.astype(jnp.float32), axis=1, keepdims=True)

    dl_c = jnp.where(present, distsum / cnt_safe, 0.0)
    dl_s = jnp.sum(dl_c, axis=1, keepdims=True)
    k_safe = jnp.where(k_s == 0.0, 1.0, k_s)
    distloss_s = jnp.where(k_s == 0.0, 0.0, dl_s / k_safe)

    denom_safe = jnp.where(present, n_s - counts, 1.0)
    rep_c = jnp.where(present, repnum / denom_safe, 0.0)
    reploss_s = jnp.sum(rep_c, axis=1, keepdims=True) / (k_s + 0.001)

    seg_loss = distloss_s + reploss_s
    valid = (n_s >= 20.0) & (k_s > 0.0)
    total = jnp.sum(jnp.where(valid, seg_loss, 0.0), keepdims=True)
    out_ref[...] = total.reshape(1, 1)


def _loss_call(x_t, lab_t, rs, tables):
    return pl.pallas_call(
        _loss_body,
        out_shape=jax.ShapeDtypeStruct((1, 1), jnp.float32),
        in_specs=[
            pl.BlockSpec(memory_space=pltpu.SMEM),
            pl.BlockSpec(memory_space=pltpu.VMEM),
            pl.BlockSpec(memory_space=pltpu.VMEM),
            pl.BlockSpec(memory_space=pltpu.VMEM),
        ],
        out_specs=pl.BlockSpec(memory_space=pltpu.VMEM),
    )(rs, x_t, lab_t, tables)


@jax.jit
def kernel(coords, tidx, rs):
    x_t = coords.T
    lab_t = tidx.T
    rs16 = jnp.concatenate(
        [rs, jnp.full((16 - rs.shape[0],), _N, jnp.int32)])
    tables = _sc_buckets(x_t, lab_t, rs16)
    tables3 = tables.reshape(_NW, 4 * _NSEG, _NCLS)
    loss = _loss_call(x_t, lab_t, rs, tables3)
    return (coords, loss[0, 0])

# --- scband reference (transcript-rebuilt; emitter-appended) ---
"""Pipeline reference for scband-llcluster-coordinates-49598282334780 (READ-ONLY COPY).

The authoritative reference and input builder live on the scoring server;
editing this copy changes nothing except your own understanding.
"""

import jax, jax.numpy as jnp
import numpy as np


def _create_midx(tidx_flat):
    flat = np.asarray(tidx_flat)
    u = np.unique(flat[flat >= 0])
    if u.size == 0:
        return None, None, None
    K = int(u.size)
    counts = np.array([(flat == ui).sum() for ui in u], dtype=np.int64)
    P = int(counts.max())
    Msel = -np.ones((K, P), dtype=np.int64)
    for k in range(K):
        idxs = np.where(flat == u[k])[0]
        Msel[k, :idxs.size] = idxs
    M_not = (flat[None, :] != u[:, None]).astype(np.float32)[:, :, None]
    N_per_obj = counts.reshape(K, 1).astype(np.float32)
    return jnp.asarray(Msel), jnp.asarray(M_not), jnp.asarray(N_per_obj)


def _select_with_default(Msel, tensor, default):
    mask = (Msel >= 0)[:, :, None]
    gathered = jnp.take(tensor, jnp.clip(Msel, 0), axis=0)
    return jnp.where(mask, gathered, default)


def _div_no_nan(a, b):
    safe = jnp.where(b == 0, 1.0, b)
    return jnp.where(b == 0, 0.0, a / safe)


def _rs_loop(coords, tidx, Msel, M_not, N_per_obj):
    N_tot = jnp.asarray(float(tidx.shape[0]), dtype=jnp.float32)
    K = jnp.asarray(float(Msel.shape[0]), dtype=jnp.float32)
    padmask_m = _select_with_default(Msel, jnp.ones_like(coords[:, 0:1]), 0.0)
    coords_m = _select_with_default(Msel, coords, 0.0)
    av_coords_m = jnp.sum(coords_m * padmask_m, axis=1)
    av_coords_m = _div_no_nan(av_coords_m, N_per_obj)
    av_coords_m = av_coords_m[:, None, :]
    distloss = jnp.sum((av_coords_m - coords_m) ** 2, axis=2)
    distloss = jnp.log(jnp.exp(1.0) * distloss + 1.0) * padmask_m[:, :, 0]
    distloss = _div_no_nan(jnp.sum(distloss, axis=1), N_per_obj[:, 0])
    distloss = _div_no_nan(jnp.sum(distloss), K)
    repdist = coords[None, :, :] - av_coords_m
    repdist = jnp.sum(repdist ** 2, axis=-1, keepdims=True)
    reploss = M_not * jnp.exp(-repdist)
    reploss = reploss * (1.0 - 0.9 * (tidx < 0).astype(jnp.float32))[None, :, :]
    reploss = jnp.sum(reploss, axis=1) / (N_tot - N_per_obj)
    reploss = jnp.sum(reploss) / (K + 0.001)
    return distloss + reploss


def setup_inputs(seed: int = 0):
    key = jax.random.key(seed)
    k1, k2, k3 = jax.random.split(key, 3)
    N = 16384
    coords = jax.random.normal(k1, (N, 3), dtype=jnp.float32)
    tidx = jax.random.randint(k2, (N, 1), 0, 48).astype(jnp.int32)
    inner = jnp.sort(jax.random.randint(k3, (7,), 0, N))
    rs = jnp.concatenate([jnp.array([0], dtype=jnp.int32), inner.astype(jnp.int32), jnp.array([N], dtype=jnp.int32)])
    return {"coords": coords, "tidx": tidx, "rs": rs}


def reference(coords, tidx, rs):
    scale = 1.0
    N = coords.shape[0]
    idx = jnp.arange(N, dtype=jnp.int32)
    labels = tidx[:, 0]
    cls = jnp.arange(48, dtype=jnp.int32)
    lossval = jnp.asarray(0.0, dtype=jnp.float32)
    for i in range(rs.shape[0] - 1):
        a = rs[i]
        b = rs[i + 1]
        seg = ((idx >= a) & (idx < b)).astype(jnp.float32)
        n = jnp.sum(seg)
        onehot = (labels[None, :] == cls[:, None]).astype(jnp.float32) * seg[None, :]
        counts = jnp.sum(onehot, axis=1)
        present = counts > 0
        K = jnp.sum(present.astype(jnp.float32))
        av_coords_m = jnp.sum(coords[None, :, :] * onehot[:, :, None], axis=1)
        av_coords_m = _div_no_nan(av_coords_m, counts[:, None])
        av_coords_m = av_coords_m[:, None, :]
        distloss = jnp.sum((av_coords_m - coords[None, :, :]) ** 2, axis=2)
        distloss = jnp.log(jnp.exp(1.0) * distloss + 1.0) * onehot
        distloss = _div_no_nan(jnp.sum(distloss, axis=1), counts)
        distloss = _div_no_nan(jnp.sum(distloss), K)
        repdist = coords[None, :, :] - av_coords_m
        repdist = jnp.sum(repdist ** 2, axis=-1, keepdims=True)
        M_not = ((labels[None, :] != cls[:, None]).astype(jnp.float32) * seg[None, :])[:, :, None]
        reploss = M_not * jnp.exp(-repdist)
        reploss = reploss * (1.0 - 0.9 * (tidx < 0).astype(jnp.float32))[None, :, :]
        num = jnp.sum(reploss, axis=1)
        denom = n - counts[:, None]
        denom_safe = jnp.where(present[:, None], denom, 1.0)
        reploss = jnp.where(present[:, None], num / denom_safe, 0.0)
        reploss = jnp.sum(reploss) / (K + 0.001)
        seg_loss = distloss + reploss
        valid_seg = (n >= 20.0) & (K > 0.0)
        lossval = lossval + jnp.where(valid_seg, seg_loss, 0.0)
    return (coords, scale * lossval)

if __name__ == "__main__":
    import jax
    _d = setup_inputs()
    print(jax.jit(kernel)(*tuple(_d.values())))

</pallas_src>

<mosaic_0001>
#map = affine_map<(d0, d1) -> (0, 0)>
#map1 = affine_map<(d0, d1) -> (0)>
module attributes {stable_mosaic.version = 14 : i64} {
  func.func @_sc_buckets(%arg0: i32, %arg1: i32, %arg2: memref<3x16384xf32, #tpu.memory_space<hbm>>, %arg3: memref<1x16384xi32, #tpu.memory_space<hbm>>, %arg4: memref<16xi32, #tpu.memory_space<hbm>>, %arg5: memref<32x1536xf32, #tpu.memory_space<hbm>>, %arg6: memref<1x512xf32, #tpu.memory_space<vmem>>, %arg7: memref<1x512xf32, #tpu.memory_space<vmem>>, %arg8: memref<1x512xf32, #tpu.memory_space<vmem>>, %arg9: memref<1x512xi32, #tpu.memory_space<vmem>>, %arg10: memref<16xi32, #tpu.memory_space<vmem>>, %arg11: memref<1536xf32, #tpu.memory_space<vmem>>) attributes {dimension_semantics = [#tpu.dimension_semantics<core_parallel>, #tpu.dimension_semantics<subcore_parallel>], iteration_bounds = array<i64: 2, 16>, scalar_prefetch = 0 : i64, scratch_operands = 6 : i64, tpu.core_type = #tpu.core_type<sc_vector_subcore>, window_params = [{transform_indices = #map}, {transform_indices = #map}, {transform_indices = #map1}, {transform_indices = #map}]} {
    %mul3A = arith.constant 2 : i32
    %mul3A_0 = arith.muli %arg1, %mul3A : i32
    %add3A = arith.addi %mul3A_0, %arg0 : i32
    %mul3A_1 = arith.constant 512 : i32
    %mul3A_2 = arith.muli %add3A, %mul3A_1 : i32
    "tpu.region"() ({
      %run_scoped3A = tpu.sem_alloc : memref<!tpu.dma_semaphore, #tpu.memory_space<semaphore_mem>>
      %dma_start3A = arith.constant 0 : i32
      %dma_start3A_3553 = tpu.memref_slice %arg2[%dma_start3A, %mul3A_2] : memref<3x16384xf32, #tpu.memory_space<hbm>> -> memref<1x512xf32, #tpu.memory_space<hbm>>
      %dma_start3A_3554 = arith.constant 0 : i32
      %dma_start3A_3555 = tpu.memref_slice %arg2[%dma_start3A_3554, %mul3A_2] : memref<3x16384xf32, #tpu.memory_space<hbm>> -> memref<1x512xf32, #tpu.memory_space<hbm>>
      tpu.enqueue_dma source(%dma_start3A_3555 : memref<1x512xf32, #tpu.memory_space<hbm>>) target(%arg6 : memref<1x512xf32, #tpu.memory_space<vmem>>) target_semaphore(%run_scoped3A : memref<!tpu.dma_semaphore, #tpu.memory_space<semaphore_mem>>)
      %dma_wait3A = arith.constant 0 : i32
      %dma_wait3A_3556 = tpu.memref_slice %arg2[%dma_wait3A, %mul3A_2] : memref<3x16384xf32, #tpu.memory_space<hbm>> -> memref<1x512xf32, #tpu.memory_space<hbm>>
      %dma_wait3A_3557 = arith.constant 0 : i32
      %dma_wait3A_3558 = tpu.memref_slice %arg2[%dma_wait3A_3557, %mul3A_2] : memref<3x16384xf32, #tpu.memory_space<hbm>> -> memref<1x512xf32, #tpu.memory_space<hbm>>
      tpu.wait_dma2 semaphore(%run_scoped3A : memref<!tpu.dma_semaphore, #tpu.memory_space<semaphore_mem>>) src(%dma_wait3A_3558 : memref<1x512xf32, #tpu.memory_space<hbm>>) dst(%arg6 : memref<1x512xf32, #tpu.memory_space<vmem>>)
      tpu.yield
    }) : () -> ()
    "tpu.region"() ({
      %run_scoped3A = tpu.sem_alloc : memref<!tpu.dma_semaphore, #tpu.memory_space<semaphore_mem>>
      %dma_start3A = arith.constant 1 : i32
      %dma_start3A_3553 = tpu.memref_slice %arg2[%dma_start3A, %mul3A_2] : memref<3x16384xf32, #tpu.memory_space<hbm>> -> memref<1x512xf32, #tpu.memory_space<hbm>>
      %dma_start3A_3554 = arith.constant 1 : i32
      %dma_start3A_3555 = tpu.memref_slice %arg2[%dma_start3A_3554, %mul3A_2] : memref<3x16384xf32, #tpu.memory_space<hbm>> -> memref<1x512xf32, #tpu.memory_space<hbm>>
      tpu.enqueue_dma source(%dma_start3A_3555 : memref<1x512xf32, #tpu.memory_space<hbm>>) target(%arg7 : memref<1x512xf32, #tpu.memory_space<vmem>>) target_semaphore(%run_scoped3A : memref<!tpu.dma_semaphore, #tpu.memory_space<semaphore_mem>>)
      %dma_wait3A = arith.constant 1 : i32
      %dma_wait3A_3556 = tpu.memref_slice %arg2[%dma_wait3A, %mul3A_2] : memref<3x16384xf32, #tpu.memory_space<hbm>> -> memref<1x512xf32, #tpu.memory_space<hbm>>
      %dma_wait3A_3557 = arith.constant 1 : i32
      %dma_wait3A_3558 = tpu.memref_slice %arg2[%dma_wait3A_3557, %mul3A_2] : memref<3x16384xf32, #tpu.memory_space<hbm>> -> memref<1x512xf32, #tpu.memory_space<hbm>>
      tpu.wait_dma2 semaphore(%run_scoped3A : memref<!tpu.dma_semaphore, #tpu.memory_space<semaphore_mem>>) src(%dma_wait3A_3558 : memref<1x512xf32, #tpu.memory_space<hbm>>) dst(%arg7 : memref<1x512xf32, #tpu.memory_space<vmem>>)
      tpu.yield
    }) : () -> ()
    "tpu.region"() ({
      %run_scoped3A = tpu.sem_alloc : memref<!tpu.dma_semaphore, #tpu.memory_space<semaphore_mem>>
      %dma_start3A = arith.constant 2 : i32
      %dma_start3A_3553 = tpu.memref_slice %arg2[%dma_start3A, %mul3A_2] : memref<3x16384xf32, #tpu.memory_space<hbm>> -> memref<1x512xf32, #tpu.memory_space<hbm>>
      %dma_start3A_3554 = arith.constant 2 : i32
      %dma_start3A_3555 = tpu.memref_slice %arg2[%dma_start3A_3554, %mul3A_2] : memref<3x16384xf32, #tpu.memory_space<hbm>> -> memref<1x512xf32, #tpu.memory_space<hbm>>
      tpu.enqueue_dma source(%dma_start3A_3555 : memref<1x512xf32, #tpu.memory_space<hbm>>) target(%arg8 : memref<1x512xf32, #tpu.memory_space<vmem>>) target_semaphore(%run_scoped3A : memref<!tpu.dma_semaphore, #tpu.memory_space<semaphore_mem>>)
      %dma_wait3A = arith.constant 2 : i32
      %dma_wait3A_3556 = tpu.memref_slice %arg2[%dma_wait3A, %mul3A_2] : memref<3x16384xf32, #tpu.memory_space<hbm>> -> memref<1x512xf32, #tpu.memory_space<hbm>>
      %dma_wait3A_3557 = arith.constant 2 : i32
      %dma_wait3A_3558 = tpu.memref_slice %arg2[%dma_wait3A_3557, %mul3A_2] : memref<3x16384xf32, #tpu.memory_space<hbm>> -> memref<1x512xf32, #tpu.memory_space<hbm>>
      tpu.wait_dma2 semaphore(%run_scoped3A : memref<!tpu.dma_semaphore, #tpu.memory_space<semaphore_mem>>) src(%dma_wait3A_3558 : memref<1x512xf32, #tpu.memory_space<hbm>>) dst(%arg8 : memref<1x512xf32, #tpu.memory_space<vmem>>)
      tpu.yield
    }) : () -> ()
    "tpu.region"() ({
      %run_scoped3A = tpu.sem_alloc : memref<!tpu.dma_semaphore, #tpu.memory_space<semaphore_mem>>
      %dma_start3A = arith.constant 0 : i32
      %dma_start3A_3553 = tpu.memref_slice %arg3[%dma_start3A, %mul3A_2] : memref<1x16384xi32, #tpu.memory_space<hbm>> -> memref<1x512xi32, #tpu.memory_space<hbm>>
      %dma_start3A_3554 = arith.constant 0 : i32
      %dma_start3A_3555 = tpu.memref_slice %arg3[%dma_start3A_3554, %mul3A_2] : memref<1x16384xi32, #tpu.memory_space<hbm>> -> memref<1x512xi32, #tpu.memory_space<hbm>>
      tpu.enqueue_dma source(%dma_start3A_3555 : memref<1x512xi32, #tpu.memory_space<hbm>>) target(%arg9 : memref<1x512xi32, #tpu.memory_space<vmem>>) target_semaphore(%run_scoped3A : memref<!tpu.dma_semaphore, #tpu.memory_space<semaphore_mem>>)
      %dma_wait3A = arith.constant 0 : i32
      %dma_wait3A_3556 = tpu.memref_slice %arg3[%dma_wait3A, %mul3A_2] : memref<1x16384xi32, #tpu.memory_space<hbm>> -> memref<1x512xi32, #tpu.memory_space<hbm>>
      %dma_wait3A_3557 = arith.constant 0 : i32
      %dma_wait3A_3558 = tpu.memref_slice %arg3[%dma_wait3A_3557, %mul3A_2] : memref<1x16384xi32, #tpu.memory_space<hbm>> -> memref<1x512xi32, #tpu.memory_space<hbm>>
      tpu.wait_dma2 semaphore(%run_scoped3A : memref<!tpu.dma_semaphore, #tpu.memory_space<semaphore_mem>>) src(%dma_wait3A_3558 : memref<1x512xi32, #tpu.memory_space<hbm>>) dst(%arg9 : memref<1x512xi32, #tpu.memory_space<vmem>>)
      tpu.yield
    }) : () -> ()
    "tpu.region"() ({
      %run_scoped3A = tpu.sem_alloc : memref<!tpu.dma_semaphore, #tpu.memory_space<semaphore_mem>>
      tpu.enqueue_dma source(%arg4 : memref<16xi32, #tpu.memory_space<hbm>>) target(%arg10 : memref<16xi32, #tpu.memory_space<vmem>>) target_semaphore(%run_scoped3A : memref<!tpu.dma_semaphore, #tpu.memory_space<semaphore_mem>>)
      tpu.wait_dma2 semaphore(%run_scoped3A : memref<!tpu.dma_semaphore, #tpu.memory_space<semaphore_mem>>) src(%arg4 : memref<16xi32, #tpu.memory_space<hbm>>) dst(%arg10 : memref<16xi32, #tpu.memory_space<vmem>>)
      tpu.yield
    }) : () -> ()
    %broadcast_in_dim3A = arith.constant 0.000000e+00 : f32
    %broadcast_in_dim3A_3 = vector.broadcast %broadcast_in_dim3A : f32 to vector<16xf32>
    %swap3A = arith.constant 0 : index
    %swap3A_4 = tpu.vector_load %arg11[%swap3A] {strides = array<i32>} : memref<1536xf32, #tpu.memory_space<vmem>>, vector<16xf32>,
    tpu.vector_store %arg11[%swap3A], %broadcast_in_dim3A_3 {strides = array<i32>} : memref<1536xf32, #tpu.memory_space<vmem>>, vector<16xf32>,
    %swap3A_5 = arith.constant 16 : index
    %swap3A_6 = tpu.vector_load %arg11[%swap3A_5] {strides = array<i32>} : memref<1536xf32, #tpu.memory_space<vmem>>, vector<16xf32>,
    tpu.vector_store %arg11[%swap3A_5], %broadcast_in_dim3A_3 {strides = array<i32>} : memref<1536xf32, #tpu.memory_space<vmem>>, vector<16xf32>,
    %swap3A_7 = arith.constant 32 : index
    %swap3A_8 = tpu.vector_load %arg11[%swap3A_7] {strides = array<i32>} : memref<1536xf32, #tpu.memory_space<vmem>>, vector<16xf32>,
    tpu.vector_store %arg11[%swap3A_7], %broadcast_in_dim3A_3 {strides = array<i32>} : memref<1536xf32, #tpu.memory_space<vmem>>, vector<16xf32>,
    %swap3A_9 = arith.constant 48 : index
    %swap3A_10 = tpu.vector_load %arg11[%swap3A_9] {strides = array<i32>} : memref<1536xf32, #tpu.memory_space<vmem>>, vector<16xf32>,
    tpu.vector_store %arg11[%swap3A_9], %broadcast_in_dim3A_3 {strides = array<i32>} : memref<1536xf32, #tpu.memory_space<vmem>>, vector<16xf32>,
    %swap3A_11 = arith.constant 64 : index
    %swap3A_12 = tpu.vector_load %arg11[%swap3A_11] {strides = array<i32>} : memref<1536xf32, #tpu.memory_space<vmem>>, vector<16xf32>,
    tpu.vector_store %arg11[%swap3A_11], %broadcast_in_dim3A_3 {strides = array<i32>} : memref<1536xf32, #tpu.memory_space<vmem>>, vector<16xf32>,
    %swap3A_13 = arith.constant 80 : index
    %swap3A_14 = tpu.vector_load %arg11[%swap3A_13] {strides = array<i32>} : memref<1536xf32, #tpu.memory_space<vmem>>, vector<16xf32>,
    tpu.vector_store %arg11[%swap3A_13], %broadcast_in_dim3A_3 {strides = array<i32>} : memref<1536xf32, #tpu.memory_space<vmem>>, vector<16xf32>,
    %swap3A_15 = arith.constant 96 : index
    %swap3A_16 = tpu.vector_load %arg11[%swap3A_15] {strides = array<i32>} : memref<1536xf32, #tpu.memory_space<vmem>>, vector<16xf32>,
    tpu.vector_store %arg11[%swap3A_15], %broadcast_in_dim3A_3 {strides = array<i32>} : memref<1536xf32, #tpu.memory_space<vmem>>, vector<16xf32>,
    %swap3A_17 = arith.constant 112 : index
    %swap3A_18 = tpu.vector_load %arg11[%swap3A_17] {strides = array<i32>} : memref<1536xf32, #tpu.memory_space<vmem>>, vector<16xf32>,
    tpu.vector_store %arg11[%swap3A_17], %broadcast_in_dim3A_3 {strides = array<i32>} : memref<1536xf32, #tpu.memory_space<vmem>>, vector<16xf32>,
    %swap3A_19 = arith.constant 128 : index
    %swap3A_20 = tpu.vector_load %arg11[%swap3A_19] {strides = array<i32>} : memref<1536xf32, #tpu.memory_space<vmem>>, vector<16xf32>,
    tpu.vector_store %arg11[%swap3A_19], %broadcast_in_dim3A_3 {strides = array<i32>} : memref<1536xf32, #tpu.memory_space<vmem>>, vector<16xf32>,
    %swap3A_21 = arith.constant 144 : index
    %swap3A_22 = tpu.vector_load %arg11[%swap3A_21] {strides = array<i32>} : memref<1536xf32, #tpu.memory_space<vmem>>, vector<16xf32>,
    tpu.vector_store %arg11[%swap3A_21], %broadcast_in_dim3A_3 {strides = array<i32>} : memref<1536xf32, #tpu.memory_space<vmem>>, vector<16xf32>,
    %swap3A_23 = arith.constant 160 : index
    %swap3A_24 = tpu.vector_load %arg11[%swap3A_23] {strides = array<i32>} : memref<1536xf32, #tpu.memory_space<vmem>>, vector<16xf32>,
    tpu.vector_store %arg11[%swap3A_23], %broadcast_in_dim3A_3 {strides = array<i32>} : memref<1536xf32, #tpu.memory_space<vmem>>, vector<16xf32>,
    %swap3A_25 = arith.constant 176 : index
    %swap3A_26 = tpu.vector_load %arg11[%swap3A_25] {strides = array<i32>} : memref<1536xf32, #tpu.memory_space<vmem>>, vector<16xf32>,
    tpu.vector_store %arg11[%swap3A_25], %broadcast_in_dim3A_3 {strides = array<i32>} : memref<1536xf32, #tpu.memory_space<vmem>>, vector<16xf32>,
    %swap3A_27 = arith.constant 192 : index
    %swap3A_28 = tpu.vector_load %arg11[%swap3A_27] {strides = array<i32>} : memref<1536xf32, #tpu.memory_space<vmem>>, vector<16xf32>,
    tpu.vector_store %arg11[%swap3A_27], %broadcast_in_dim3A_3 {strides = array<i32>} : memref<1536xf32, #tpu.memory_space<vmem>>, vector<16xf32>,
    %swap3A_29 = arith.constant 208 : index
    %swap3A_30 = tpu.vector_load %arg11[%swap3A_29] {strides = array<i32>} : memref<1536xf32, #tpu.memory_space<vmem>>, vector<16xf32>,
    tpu.vector_store %arg11[%swap3A_29], %broadcast_in_dim3A_3 {strides = array<i32>} : memref<1536xf32, #tpu.memory_space<vmem>>, vector<16xf32>,
    %swap3A_31 = arith.constant 224 : index
    %swap3A_32 = tpu.vector_load %arg11[%swap3A_31] {strides = array<i32>} : memref<1536xf32, #tpu.memory_space<vmem>>, vector<16xf32>,
    tpu.vector_store %arg11[%swap3A_31], %broadcast_in_dim3A_3 {strides = array<i32>} : memref<1536xf32, #tpu.memory_space<vmem>>, vector<16xf32>,
    %swap3A_33 = arith.constant 240 : index
    %swap3A_34 = tpu.vector_load %arg11[%swap3A_33] {strides = array<i32>} : memref<1536xf32, #tpu.memory_space<vmem>>, vector<16xf32>,
    tpu.vector_store %arg11[%swap3A_33], %broadcast_in_dim3A_3 {strides = array<i32>} : memref<1536xf32, #tpu.memory_space<vmem>>, vector<16xf32>,
    %swap3A_35 = arith.constant 256 : index
    %swap3A_36 = tpu.vector_load %arg11[%swap3A_35] {strides = array<i32>} : memref<1536xf32, #tpu.memory_space<vmem>>, vector<16xf32>,
    tpu.vector_store %arg11[%swap3A_35], %broadcast_in_dim3A_3 {strides = array<i32>} : memref<1536xf32, #tpu.memory_space<vmem>>, vector<16xf32>,
    %swap3A_37 = arith.constant 272 : index
    %swap3A_38 = tpu.vector_load %arg11[%swap3A_37] {strides = array<i32>} : memref<1536xf32, #tpu.memory_space<vmem>>, vector<16xf32>,
    tpu.vector_store %arg11[%swap3A_37], %broadcast_in_dim3A_3 {strides = array<i32>} : memref<1536xf32, #tpu.memory_space<vmem>>, vector<16xf32>,
    %swap3A_39 = arith.constant 288 : index
    %swap3A_40 = tpu.vector_load %arg11[%swap3A_39] {strides = array<i32>} : memref<1536xf32, #tpu.memory_space<vmem>>, vector<16xf32>,
    tpu.vector_store %arg11[%swap3A_39], %broadcast_in_dim3A_3 {strides = array<i32>} : memref<1536xf32, #tpu.memory_space<vmem>>, vector<16xf32>,
    %swap3A_41 = arith.constant 304 : index
    %swap3A_42 = tpu.vector_load %arg11[%swap3A_41] {strides = array<i32>} : memref<1536xf32, #tpu.memory_space<vmem>>, vector<16xf32>,
    tpu.vector_store %arg11[%swap3A_41], %broadcast_in_dim3A_3 {strides = array<i32>} : memref<1536xf32, #tpu.memory_space<vmem>>, vector<16xf32>,
    %swap3A_43 = arith.constant 320 : index
    %swap3A_44 = tpu.vector_load %arg11[%swap3A_43] {strides = array<i32>} : memref<1536xf32, #tpu.memory_space<vmem>>, vector<16xf32>,
    tpu.vector_store %arg11[%swap3A_43], %broadcast_in_dim3A_3 {strides = array<i32>} : memref<1536xf32, #tpu.memory_space<vmem>>, vector<16xf32>,
    %swap3A_45 = arith.constant 336 : index
    %swap3A_46 = tpu.vector_load %arg11[%swap3A_45] {strides = array<i32>} : memref<1536xf32, #tpu.memory_space<vmem>>, vector<16xf32>,
    tpu.vector_store %arg11[%swap3A_45], %broadcast_in_dim3A_3 {strides = array<i32>} : memref<1536xf32, #tpu.memory_space<vmem>>, vector<16xf32>,
    %swap3A_47 = arith.constant 352 : index
    %swap3A_48 = tpu.vector_load %arg11[%swap3A_47] {strides = array<i32>} : memref<1536xf32, #tpu.memory_space<vmem>>, vector<16xf32>,
    tpu.vector_store %arg11[%swap3A_47], %broadcast_in_dim3A_3 {strides = array<i32>} : memref<1536xf32, #tpu.memory_space<vmem>>, vector<16xf32>,
    %swap3A_49 = arith.constant 368 : index
    %swap3A_50 = tpu.vector_load %arg11[%swap3A_49] {strides = array<i32>} : memref<1536xf32, #tpu.memory_space<vmem>>, vector<16xf32>,
    tpu.vector_store %arg11[%swap3A_49], %broadcast_in_dim3A_3 {strides = array<i32>} : memref<1536xf32, #tpu.memory_space<vmem>>, vector<16xf32>,
    %swap3A_51 = arith.constant 384 : index
    %swap3A_52 = tpu.vector_load %arg11[%swap3A_51] {strides = array<i32>} : memref<1536xf32, #tpu.memory_space<vmem>>, vector<16xf32>,
    tpu.vector_store %arg11[%swap3A_51], %broadcast_in_dim3A_3 {strides = array<i32>} : memref<1536xf32, #tpu.memory_space<vmem>>, vector<16xf32>,
    %swap3A_53 = arith.constant 400 : index
    %swap3A_54 = tpu.vector_load %arg11[%swap3A_53] {strides = array<i32>} : memref<1536xf32, #tpu.memory_space<vmem>>, vector<16xf32>,
    tpu.vector_store %arg11[%swap3A_53], %broadcast_in_dim3A_3 {strides = array<i32>} : memref<1536xf32, #tpu.memory_space<vmem>>, vector<16xf32>,
    %swap3A_55 = arith.constant 416 : index
    %swap3A_56 = tpu.vector_load %arg11[%swap3A_55] {strides = array<i32>} : memref<1536xf32, #tpu.memory_space<vmem>>, vector<16xf32>,
    tpu.vector_store %arg11[%swap3A_55], %broadcast_in_dim3A_3 {strides = array<i32>} : memref<1536xf32, #tpu.memory_space<vmem>>, vector<16xf32>,
    %swap3A_57 = arith.constant 432 : index
    %swap3A_58 = tpu.vector_load %arg11[%swap3A_57] {strides = array<i32>} : memref<1536xf32, #tpu.memory_space<vmem>>, vector<16xf32>,
    tpu.vector_store %arg11[%swap3A_57], %broadcast_in_dim3A_3 {strides = array<i32>} : memref<1536xf32, #tpu.memory_space<vmem>>, vector<16xf32>,
    %swap3A_59 = arith.constant 448 : index
    %swap3A_60 = tpu.vector_load %arg11[%swap3A_59] {strides = array<i32>} : memref<1536xf32, #tpu.memory_space<vmem>>, vector<16xf32>,
    tpu.vector_store %arg11[%swap3A_59], %broadcast_in_dim3A_3 {strides = array<i32>} : memref<1536xf32, #tpu.memory_space<vmem>>, vector<16xf32>,
    %swap3A_61 = arith.constant 464 : index
    %swap3A_62 = tpu.vector_load %arg11[%swap3A_61] {strides = array<i32>} : memref<1536xf32, #tpu.memory_space<vmem>>, vector<16xf32>,
    tpu.vector_store %arg11[%swap3A_61], %broadcast_in_dim3A_3 {strides = array<i32>} : memref<1536xf32, #tpu.memory_space<vmem>>, vector<16xf32>,
    %swap3A_63 = arith.constant 480 : index
    %swap3A_64 = tpu.vector_load %arg11[%swap3A_63] {strides = array<i32>} : memref<1536xf32, #tpu.memory_space<vmem>>, vector<16xf32>,
    tpu.vector_store %arg11[%swap3A_63], %broadcast_in_dim3A_3 {strides = array<i32>} : memref<1536xf32, #tpu.memory_space<vmem>>, vector<16xf32>,
    %swap3A_65 = arith.constant 496 : index
    %swap3A_66 = tpu.vector_load %arg11[%swap3A_65] {strides = array<i32>} : memref<1536xf32, #tpu.memory_space<vmem>>, vector<16xf32>,
    tpu.vector_store %arg11[%swap3A_65], %broadcast_in_dim3A_3 {strides = array<i32>} : memref<1536xf32, #tpu.memory_space<vmem>>, vector<16xf32>,
    %swap3A_67 = arith.constant 512 : index
    %swap3A_68 = tpu.vector_load %arg11[%swap3A_67] {strides = array<i32>} : memref<1536xf32, #tpu.memory_space<vmem>>, vector<16xf32>,
    tpu.vector_store %arg11[%swap3A_67], %broadcast_in_dim3A_3 {strides = array<i32>} : memref<1536xf32, #tpu.memory_space<vmem>>, vector<16xf32>,
    %swap3A_69 = arith.constant 528 : index
    %swap3A_70 = tpu.vector_load %arg11[%swap3A_69] {strides = array<i32>} : memref<1536xf32, #tpu.memory_space<vmem>>, vector<16xf32>,
    tpu.vector_store %arg11[%swap3A_69], %broadcast_in_dim3A_3 {strides = array<i32>} : memref<1536xf32, #tpu.memory_space<vmem>>, vector<16xf32>,
    %swap3A_71 = arith.constant 544 : index
    %swap3A_72 = tpu.vector_load %arg11[%swap3A_71] {strides = array<i32>} : memref<1536xf32, #tpu.memory_space<vmem>>, vector<16xf32>,
    tpu.vector_store %arg11[%swap3A_71], %broadcast_in_dim3A_3 {strides = array<i32>} : memref<1536xf32, #tpu.memory_space<vmem>>, vector<16xf32>,
    %swap3A_73 = arith.constant 560 : index
    %swap3A_74 = tpu.vector_load %arg11[%swap3A_73] {strides = array<i32>} : memref<1536xf32, #tpu.memory_space<vmem>>, vector<16xf32>,
    tpu.vector_store %arg11[%swap3A_73], %broadcast_in_dim3A_3 {strides = array<i32>} : memref<1536xf32, #tpu.memory_space<vmem>>, vector<16xf32>,
    %swap3A_75 = arith.constant 576 : index
    %swap3A_76 = tpu.vector_load %arg11[%swap3A_75] {strides = array<i32>} : memref<1536xf32, #tpu.memory_space<vmem>>, vector<16xf32>,
    tpu.vector_store %arg11[%swap3A_75], %broadcast_in_dim3A_3 {strides = array<i32>} : memref<1536xf32, #tpu.memory_space<vmem>>, vector<16xf32>,
    %swap3A_77 = arith.constant 592 : index
    %swap3A_78 = tpu.vector_load %arg11[%swap3A_77] {strides = array<i32>} : memref<1536xf32, #tpu.memory_space<vmem>>, vector<16xf32>,
    tpu.vector_store %arg11[%swap3A_77], %broadcast_in_dim3A_3 {strides = array<i32>} : memref<1536xf32, #tpu.memory_space<vmem>>, vector<16xf32>,
    %swap3A_79 = arith.constant 608 : index
    %swap3A_80 = tpu.vector_load %arg11[%swap3A_79] {strides = array<i32>} : memref<1536xf32, #tpu.memory_space<vmem>>, vector<16xf32>,
    tpu.vector_store %arg11[%swap3A_79], %broadcast_in_dim3A_3 {strides = array<i32>} : memref<1536xf32, #tpu.memory_space<vmem>>, vector<16xf32>,
    %swap3A_81 = arith.constant 624 : index
    %swap3A_82 = tpu.vector_load %arg11[%swap3A_81] {strides = array<i32>} : memref<1536xf32, #tpu.memory_space<vmem>>, vector<16xf32>,
    tpu.vector_store %arg11[%swap3A_81], %broadcast_in_dim3A_3 {strides = array<i32>} : memref<1536xf32, #tpu.memory_space<vmem>>, vector<16xf32>,
    %swap3A_83 = arith.constant 640 : index
    %swap3A_84 = tpu.vector_load %arg11[%swap3A_83] {strides = array<i32>} : memref<1536xf32, #tpu.memory_space<vmem>>, vector<16xf32>,
    tpu.vector_store %arg11[%swap3A_83], %broadcast_in_dim3A_3 {strides = array<i32>} : memref<1536xf32, #tpu.memory_space<vmem>>, vector<16xf32>,
    %swap3A_85 = arith.constant 656 : index
    %swap3A_86 = tpu.vector_load %arg11[%swap3A_85] {strides = array<i32>} : memref<1536xf32, #tpu.memory_space<vmem>>, vector<16xf32>,
    tpu.vector_store %arg11[%swap3A_85], %broadcast_in_dim3A_3 {strides = array<i32>} : memref<1536xf32, #tpu.memory_space<vmem>>, vector<16xf32>,
    %swap3A_87 = arith.constant 672 : index
    %swap3A_88 = tpu.vector_load %arg11[%swap3A_87] {strides = array<i32>} : memref<1536xf32, #tpu.memory_space<vmem>>, vector<16xf32>,
    tpu.vector_store %arg11[%swap3A_87], %broadcast_in_dim3A_3 {strides = array<i32>} : memref<1536xf32, #tpu.memory_space<vmem>>, vector<16xf32>,
    %swap3A_89 = arith.constant 688 : index
    %swap3A_90 = tpu.vector_load %arg11[%swap3A_89] {strides = array<i32>} : memref<1536xf32, #tpu.memory_space<vmem>>, vector<16xf32>,
    tpu.vector_store %arg11[%swap3A_89], %broadcast_in_dim3A_3 {strides = array<i32>} : memref<1536xf32, #tpu.memory_space<vmem>>, vector<16xf32>,
    %swap3A_91 = arith.constant 704 : index
    %swap3A_92 = tpu.vector_load %arg11[%swap3A_91] {strides = array<i32>} : memref<1536xf32, #tpu.memory_space<vmem>>, vector<16xf32>,
    tpu.vector_store %arg11[%swap3A_91], %broadcast_in_dim3A_3 {strides = array<i32>} : memref<1536xf32, #tpu.memory_space<vmem>>, vector<16xf32>,
    %swap3A_93 = arith.constant 720 : index
    %swap3A_94 = tpu.vector_load %arg11[%swap3A_93] {strides = array<i32>} : memref<1536xf32, #tpu.memory_space<vmem>>, vector<16xf32>,
    tpu.vector_store %arg11[%swap3A_93], %broadcast_in_dim3A_3 {strides = array<i32>} : memref<1536xf32, #tpu.memory_space<vmem>>, vector<16xf32>,
    %swap3A_95 = arith.constant 736 : index
    %swap3A_96 = tpu.vector_load %arg11[%swap3A_95] {strides = array<i32>} : memref<1536xf32, #tpu.memory_space<vmem>>, vector<16xf32>,
    tpu.vector_store %arg11[%swap3A_95], %broadcast_in_dim3A_3 {strides = array<i32>} : memref<1536xf32, #tpu.memory_space<vmem>>, vector<16xf32>,
    %swap3A_97 = arith.constant 752 : index
    %swap3A_98 = tpu.vector_load %arg11[%swap3A_97] {strides = array<i32>} : memref<1536xf32, #tpu.memory_space<vmem>>, vector<16xf32>,
    tpu.vector_store %arg11[%swap3A_97], %broadcast_in_dim3A_3 {strides = array<i32>} : memref<1536xf32, #tpu.memory_space<vmem>>, vector<16xf32>,
    %swap3A_99 = arith.constant 768 : index
    %swap3A_100 = tpu.vector_load %arg11[%swap3A_99] {strides = array<i32>} : memref<1536xf32, #tpu.memory_space<vmem>>, vector<16xf32>,
    tpu.vector_store %arg11[%swap3A_99], %broadcast_in_dim3A_3 {strides = array<i32>} : memref<1536xf32, #tpu.memory_space<vmem>>, vector<16xf32>,
    %swap3A_101 = arith.constant 784 : index
    %swap3A_102 = tpu.vector_load %arg11[%swap3A_101] {strides = array<i32>} : memref<1536xf32, #tpu.memory_space<vmem>>, vector<16xf32>,
    tpu.vector_store %arg11[%swap3A_101], %broadcast_in_dim3A_3 {strides = array<i32>} : memref<1536xf32, #tpu.memory_space<vmem>>, vector<16xf32>,
    %swap3A_103 = arith.constant 800 : index
    %swap3A_104 = tpu.vector_load %arg11[%swap3A_103] {strides = array<i32>} : memref<1536xf32, #tpu.memory_space<vmem>>, vector<16xf32>,
    tpu.vector_store %arg11[%swap3A_103], %broadcast_in_dim3A_3 {strides = array<i32>} : memref<1536xf32, #tpu.memory_space<vmem>>, vector<16xf32>,
    %swap3A_105 = arith.constant 816 : index
    %swap3A_106 = tpu.vector_load %arg11[%swap3A_105] {strides = array<i32>} : memref<1536xf32, #tpu.memory_space<vmem>>, vector<16xf32>,
    tpu.vector_store %arg11[%swap3A_105], %broadcast_in_dim3A_3 {strides = array<i32>} : memref<1536xf32, #tpu.memory_space<vmem>>, vector<16xf32>,
    %swap3A_107 = arith.constant 832 : index
    %swap3A_108 = tpu.vector_load %arg11[%swap3A_107] {strides = array<i32>} : memref<1536xf32, #tpu.memory_space<vmem>>, vector<16xf32>,
    tpu.vector_store %arg11[%swap3A_107], %broadcast_in_dim3A_3 {strides = array<i32>} : memref<1536xf32, #tpu.memory_space<vmem>>, vector<16xf32>,
    %swap3A_109 = arith.constant 848 : index
    %swap3A_110 = tpu.vector_load %arg11[%swap3A_109] {strides = array<i32>} : memref<1536xf32, #tpu.memory_space<vmem>>, vector<16xf32>,
    tpu.vector_store %arg11[%swap3A_109], %broadcast_in_dim3A_3 {strides = array<i32>} : memref<1536xf32, #tpu.memory_space<vmem>>, vector<16xf32>,
    %swap3A_111 = arith.constant 864 : index
    %swap3A_112 = tpu.vector_load %arg11[%swap3A_111] {strides = array<i32>} : memref<1536xf32, #tpu.memory_space<vmem>>, vector<16xf32>,
    tpu.vector_store %arg11[%swap3A_111], %broadcast_in_dim3A_3 {strides = array<i32>} : memref<1536xf32, #tpu.memory_space<vmem>>, vector<16xf32>,
    %swap3A_113 = arith.constant 880 : index
    %swap3A_114 = tpu.vector_load %arg11[%swap3A_113] {strides = array<i32>} : memref<1536xf32, #tpu.memory_space<vmem>>, vector<16xf32>,
    tpu.vector_store %arg11[%swap3A_113], %broadcast_in_dim3A_3 {strides = array<i32>} : memref<1536xf32, #tpu.memory_space<vmem>>, vector<16xf32>,
    %swap3A_115 = arith.constant 896 : index
    %swap3A_116 = tpu.vector_load %arg11[%swap3A_115] {strides = array<i32>} : memref<1536xf32, #tpu.memory_space<vmem>>, vector<16xf32>,
    tpu.vector_store %arg11[%swap3A_115], %broadcast_in_dim3A_3 {strides = array<i32>} : memref<1536xf32, #tpu.memory_space<vmem>>, vector<16xf32>,
    %swap3A_117 = arith.constant 912 : index
    %swap3A_118 = tpu.vector_load %arg11[%swap3A_117] {strides = array<i32>} : memref<1536xf32, #tpu.memory_space<vmem>>, vector<16xf32>,
    tpu.vector_store %arg11[%swap3A_117], %broadcast_in_dim3A_3 {strides = array<i32>} : memref<1536xf32, #tpu.memory_space<vmem>>, vector<16xf32>,
    %swap3A_119 = arith.constant 928 : index
    %swap3A_120 = tpu.vector_load %arg11[%swap3A_119] {strides = array<i32>} : memref<1536xf32, #tpu.memory_space<vmem>>, vector<16xf32>,
    tpu.vector_store %arg11[%swap3A_119], %broadcast_in_dim3A_3 {strides = array<i32>} : memref<1536xf32, #tpu.memory_space<vmem>>, vector<16xf32>,
    %swap3A_121 = arith.constant 944 : index
    %swap3A_122 = tpu.vector_load %arg11[%swap3A_121] {strides = array<i32>} : memref<1536xf32, #tpu.memory_space<vmem>>, vector<16xf32>,
    tpu.vector_store %arg11[%swap3A_121], %broadcast_in_dim3A_3 {strides = array<i32>} : memref<1536xf32, #tpu.memory_space<vmem>>, vector<16xf32>,
    %swap3A_123 = arith.constant 960 : index
    %swap3A_124 = tpu.vector_load %arg11[%swap3A_123] {strides = array<i32>} : memref<1536xf32, #tpu.memory_space<vmem>>, vector<16xf32>,
    tpu.vector_store %arg11[%swap3A_123], %broadcast_in_dim3A_3 {strides = array<i32>} : memref<1536xf32, #tpu.memory_space<vmem>>, vector<16xf32>,
    %swap3A_125 = arith.constant 976 : index
    %swap3A_126 = tpu.vector_load %arg11[%swap3A_125] {strides = array<i32>} : memref<1536xf32, #tpu.memory_space<vmem>>, vector<16xf32>,
    tpu.vector_store %arg11[%swap3A_125], %broadcast_in_dim3A_3 {strides = array<i32>} : memref<1536xf32, #tpu.memory_space<vmem>>, vector<16xf32>,
    %swap3A_127 = arith.constant 992 : index
    %swap3A_128 = tpu.vector_load %arg11[%swap3A_127] {strides = array<i32>} : memref<1536xf32, #tpu.memory_space<vmem>>, vector<16xf32>,
    tpu.vector_store %arg11[%swap3A_127], %broadcast_in_dim3A_3 {strides = array<i32>} : memref<1536xf32, #tpu.memory_space<vmem>>, vector<16xf32>,
    %swap3A_129 = arith.constant 1008 : index
    %swap3A_130 = tpu.vector_load %arg11[%swap3A_129] {strides = array<i32>} : memref<1536xf32, #tpu.memory_space<vmem>>, vector<16xf32>,
    tpu.vector_store %arg11[%swap3A_129], %broadcast_in_dim3A_3 {strides = array<i32>} : memref<1536xf32, #tpu.memory_space<vmem>>, vector<16xf32>,
    %swap3A_131 = arith.constant 1024 : index
    %swap3A_132 = tpu.vector_load %arg11[%swap3A_131] {strides = array<i32>} : memref<1536xf32, #tpu.memory_space<vmem>>, vector<16xf32>,
    tpu.vector_store %arg11[%swap3A_131], %broadcast_in_dim3A_3 {strides = array<i32>} : memref<1536xf32, #tpu.memory_space<vmem>>, vector<16xf32>,
    %swap3A_133 = arith.constant 1040 : index
    %swap3A_134 = tpu.vector_load %arg11[%swap3A_133] {strides = array<i32>} : memref<1536xf32, #tpu.memory_space<vmem>>, vector<16xf32>,
    tpu.vector_store %arg11[%swap3A_133], %broadcast_in_dim3A_3 {strides = array<i32>} : memref<1536xf32, #tpu.memory_space<vmem>>, vector<16xf32>,
    %swap3A_135 = arith.constant 1056 : index
    %swap3A_136 = tpu.vector_load %arg11[%swap3A_135] {strides = array<i32>} : memref<1536xf32, #tpu.memory_space<vmem>>, vector<16xf32>,
    tpu.vector_store %arg11[%swap3A_135], %broadcast_in_dim3A_3 {strides = array<i32>} : memref<1536xf32, #tpu.memory_space<vmem>>, vector<16xf32>,
    %swap3A_137 = arith.constant 1072 : index
    %swap3A_138 = tpu.vector_load %arg11[%swap3A_137] {strides = array<i32>} : memref<1536xf32, #tpu.memory_space<vmem>>, vector<16xf32>,
    tpu.vector_store %arg11[%swap3A_137], %broadcast_in_dim3A_3 {strides = array<i32>} : memref<1536xf32, #tpu.memory_space<vmem>>, vector<16xf32>,
    %swap3A_139 = arith.constant 1088 : index
    %swap3A_140 = tpu.vector_load %arg11[%swap3A_139] {strides = array<i32>} : memref<1536xf32, #tpu.memory_space<vmem>>, vector<16xf32>,
    tpu.vector_store %arg11[%swap3A_139], %broadcast_in_dim3A_3 {strides = array<i32>} : memref<1536xf32, #tpu.memory_space<vmem>>, vector<16xf32>,
    %swap3A_141 = arith.constant 1104 : index
    %swap3A_142 = tpu.vector_load %arg11[%swap3A_141] {strides = array<i32>} : memref<1536xf32, #tpu.memory_space<vmem>>, vector<16xf32>,
    tpu.vector_store %arg11[%swap3A_141], %broadcast_in_dim3A_3 {strides = array<i32>} : memref<1536xf32, #tpu.memory_space<vmem>>, vector<16xf32>,
    %swap3A_143 = arith.constant 1120 : index
    %swap3A_144 = tpu.vector_load %arg11[%swap3A_143] {strides = array<i32>} : memref<1536xf32, #tpu.memory_space<vmem>>, vector<16xf32>,
    tpu.vector_store %arg11[%swap3A_143], %broadcast_in_dim3A_3 {strides = array<i32>} : memref<1536xf32, #tpu.memory_space<vmem>>, vector<16xf32>,
    %swap3A_145 = arith.constant 1136 : index
    %swap3A_146 = tpu.vector_load %arg11[%swap3A_145] {strides = array<i32>} : memref<1536xf32, #tpu.memory_space<vmem>>, vector<16xf32>,
    tpu.vector_store %arg11[%swap3A_145], %broadcast_in_dim3A_3 {strides = array<i32>} : memref<1536xf32, #tpu.memory_space<vmem>>, vector<16xf32>,
    %swap3A_147 = arith.constant 1152 : index
    %swap3A_148 = tpu.vector_load %arg11[%swap3A_147] {strides = array<i32>} : memref<1536xf32, #tpu.memory_space<vmem>>, vector<16xf32>,
    tpu.vector_store %arg11[%swap3A_147], %broadcast_in_dim3A_3 {strides = array<i32>} : memref<1536xf32, #tpu.memory_space<vmem>>, vector<16xf32>,
    %swap3A_149 = arith.constant 1168 : index
    %swap3A_150 = tpu.vector_load %arg11[%swap3A_149] {strides = array<i32>} : memref<1536xf32, #tpu.memory_space<vmem>>, vector<16xf32>,
    tpu.vector_store %arg11[%swap3A_149], %broadcast_in_dim3A_3 {strides = array<i32>} : memref<1536xf32, #tpu.memory_space<vmem>>, vector<16xf32>,
    %swap3A_151 = arith.constant 1184 : index
    %swap3A_152 = tpu.vector_load %arg11[%swap3A_151] {strides = array<i32>} : memref<1536xf32, #tpu.memory_space<vmem>>, vector<16xf32>,
    tpu.vector_store %arg11[%swap3A_151], %broadcast_in_dim3A_3 {strides = array<i32>} : memref<1536xf32, #tpu.memory_space<vmem>>, vector<16xf32>,
    %swap3A_153 = arith.constant 1200 : index
    %swap3A_154 = tpu.vector_load %arg11[%swap3A_153] {strides = array<i32>} : memref<1536xf32, #tpu.memory_space<vmem>>, vector<16xf32>,
    tpu.vector_store %arg11[%swap3A_153], %broadcast_in_dim3A_3 {strides = array<i32>} : memref<1536xf32, #tpu.memory_space<vmem>>, vector<16xf32>,
    %swap3A_155 = arith.constant 1216 : index
    %swap3A_156 = tpu.vector_load %arg11[%swap3A_155] {strides = array<i32>} : memref<1536xf32, #tpu.memory_space<vmem>>, vector<16xf32>,
    tpu.vector_store %arg11[%swap3A_155], %broadcast_in_dim3A_3 {strides = array<i32>} : memref<1536xf32, #tpu.memory_space<vmem>>, vector<16xf32>,
    %swap3A_157 = arith.constant 1232 : index
    %swap3A_158 = tpu.vector_load %arg11[%swap3A_157] {strides = array<i32>} : memref<1536xf32, #tpu.memory_space<vmem>>, vector<16xf32>,
    tpu.vector_store %arg11[%swap3A_157], %broadcast_in_dim3A_3 {strides = array<i32>} : memref<1536xf32, #tpu.memory_space<vmem>>, vector<16xf32>,
    %swap3A_159 = arith.constant 1248 : index
    %swap3A_160 = tpu.vector_load %arg11[%swap3A_159] {strides = array<i32>} : memref<1536xf32, #tpu.memory_space<vmem>>, vector<16xf32>,
    tpu.vector_store %arg11[%swap3A_159], %broadcast_in_dim3A_3 {strides = array<i32>} : memref<1536xf32, #tpu.memory_space<vmem>>, vector<16xf32>,
    %swap3A_161 = arith.constant 1264 : index
    %swap3A_162 = tpu.vector_load %arg11[%swap3A_161] {strides = array<i32>} : memref<1536xf32, #tpu.memory_space<vmem>>, vector<16xf32>,
    tpu.vector_store %arg11[%swap3A_161], %broadcast_in_dim3A_3 {strides = array<i32>} : memref<1536xf32, #tpu.memory_space<vmem>>, vector<16xf32>,
    %swap3A_163 = arith.constant 1280 : index
    %swap3A_164 = tpu.vector_load %arg11[%swap3A_163] {strides = array<i32>} : memref<1536xf32, #tpu.memory_space<vmem>>, vector<16xf32>,
    tpu.vector_store %arg11[%swap3A_163], %broadcast_in_dim3A_3 {strides = array<i32>} : memref<1536xf32, #tpu.memory_space<vmem>>, vector<16xf32>,
    %swap3A_165 = arith.constant 1296 : index
    %swap3A_166 = tpu.vector_load %arg11[%swap3A_165] {strides = array<i32>} : memref<1536xf32, #tpu.memory_space<vmem>>, vector<16xf32>,
    tpu.vector_store %arg11[%swap3A_165], %broadcast_in_dim3A_3 {strides = array<i32>} : memref<1536xf32, #tpu.memory_space<vmem>>, vector<16xf32>,
    %swap3A_167 = arith.constant 1312 : index
    %swap3A_168 = tpu.vector_load %arg11[%swap3A_167] {strides = array<i32>} : memref<1536xf32, #tpu.memory_space<vmem>>, vector<16xf32>,
    tpu.vector_store %arg11[%swap3A_167], %broadcast_in_dim3A_3 {strides = array<i32>} : memref<1536xf32, #tpu.memory_space<vmem>>, vector<16xf32>,
    %swap3A_169 = arith.constant 1328 : index
    %swap3A_170 = tpu.vector_load %arg11[%swap3A_169] {strides = array<i32>} : memref<1536xf32, #tpu.memory_space<vmem>>, vector<16xf32>,
    tpu.vector_store %arg11[%swap3A_169], %broadcast_in_dim3A_3 {strides = array<i32>} : memref<1536xf32, #tpu.memory_space<vmem>>, vector<16xf32>,
    %swap3A_171 = arith.constant 1344 : index
    %swap3A_172 = tpu.vector_load %arg11[%swap3A_171] {strides = array<i32>} : memref<1536xf32, #tpu.memory_space<vmem>>, vector<16xf32>,
    tpu.vector_store %arg11[%swap3A_171], %broadcast_in_dim3A_3 {strides = array<i32>} : memref<1536xf32, #tpu.memory_space<vmem>>, vector<16xf32>,
    %swap3A_173 = arith.constant 1360 : index
    %swap3A_174 = tpu.vector_load %arg11[%swap3A_173] {strides = array<i32>} : memref<1536xf32, #tpu.memory_space<vmem>>, vector<16xf32>,
    tpu.vector_store %arg11[%swap3A_173], %broadcast_in_dim3A_3 {strides = array<i32>} : memref<1536xf32, #tpu.memory_space<vmem>>, vector<16xf32>,
    %swap3A_175 = arith.constant 1376 : index
    %swap3A_176 = tpu.vector_load %arg11[%swap3A_175] {strides = array<i32>} : memref<1536xf32, #tpu.memory_space<vmem>>, vector<16xf32>,
    tpu.vector_store %arg11[%swap3A_175], %broadcast_in_dim3A_3 {strides = array<i32>} : memref<1536xf32, #tpu.memory_space<vmem>>, vector<16xf32>,
    %swap3A_177 = arith.constant 1392 : index
    %swap3A_178 = tpu.vector_load %arg11[%swap3A_177] {strides = array<i32>} : memref<1536xf32, #tpu.memory_space<vmem>>, vector<16xf32>,
    tpu.vector_store %arg11[%swap3A_177], %broadcast_in_dim3A_3 {strides = array<i32>} : memref<1536xf32, #tpu.memory_space<vmem>>, vector<16xf32>,
    %swap3A_179 = arith.constant 1408 : index
    %swap3A_180 = tpu.vector_load %arg11[%swap3A_179] {strides = array<i32>} : memref<1536xf32, #tpu.memory_space<vmem>>, vector<16xf32>,
    tpu.vector_store %arg11[%swap3A_179], %broadcast_in_dim3A_3 {strides = array<i32>} : memref<1536xf32, #tpu.memory_space<vmem>>, vector<16xf32>,
    %swap3A_181 = arith.constant 1424 : index
    %swap3A_182 = tpu.vector_load %arg11[%swap3A_181] {strides = array<i32>} : memref<1536xf32, #tpu.memory_space<vmem>>, vector<16xf32>,
    tpu.vector_store %arg11[%swap3A_181], %broadcast_in_dim3A_3 {strides = array<i32>} : memref<1536xf32, #tpu.memory_space<vmem>>, vector<16xf32>,
    %swap3A_183 = arith.constant 1440 : index
    %swap3A_184 = tpu.vector_load %arg11[%swap3A_183] {strides = array<i32>} : memref<1536xf32, #tpu.memory_space<vmem>>, vector<16xf32>,
    tpu.vector_store %arg11[%swap3A_183], %broadcast_in_dim3A_3 {strides = array<i32>} : memref<1536xf32, #tpu.memory_space<vmem>>, vector<16xf32>,
    %swap3A_185 = arith.constant 1456 : index
    %swap3A_186 = tpu.vector_load %arg11[%swap3A_185] {strides = array<i32>} : memref<1536xf32, #tpu.memory_space<vmem>>, vector<16xf32>,
    tpu.vector_store %arg11[%swap3A_185], %broadcast_in_dim3A_3 {strides = array<i32>} : memref<1536xf32, #tpu.memory_space<vmem>>, vector<16xf32>,
    %swap3A_187 = arith.constant 1472 : index
    %swap3A_188 = tpu.vector_load %arg11[%swap3A_187] {strides = array<i32>} : memref<1536xf32, #tpu.memory_space<vmem>>, vector<16xf32>,
    tpu.vector_store %arg11[%swap3A_187], %broadcast_in_dim3A_3 {strides = array<i32>} : memref<1536xf32, #tpu.memory_space<vmem>>, vector<16xf32>,
    %swap3A_189 = arith.constant 1488 : index
    %swap3A_190 = tpu.vector_load %arg11[%swap3A_189] {strides = array<i32>} : memref<1536xf32, #tpu.memory_space<vmem>>, vector<16xf32>,
    tpu.vector_store %arg11[%swap3A_189], %broadcast_in_dim3A_3 {strides = array<i32>} : memref<1536xf32, #tpu.memory_space<vmem>>, vector<16xf32>,
    %swap3A_191 = arith.constant 1504 : index
    %swap3A_192 = tpu.vector_load %arg11[%swap3A_191] {strides = array<i32>} : memref<1536xf32, #tpu.memory_space<vmem>>, vector<16xf32>,
    tpu.vector_store %arg11[%swap3A_191], %broadcast_in_dim3A_3 {strides = array<i32>} : memref<1536xf32, #tpu.memory_space<vmem>>, vector<16xf32>,
    %swap3A_193 = arith.constant 1520 : index
    %swap3A_194 = tpu.vector_load %arg11[%swap3A_193] {strides = array<i32>} : memref<1536xf32, #tpu.memory_space<vmem>>, vector<16xf32>,
    tpu.vector_store %arg11[%swap3A_193], %broadcast_in_dim3A_3 {strides = array<i32>} : memref<1536xf32, #tpu.memory_space<vmem>>, vector<16xf32>,
    %iota3A = tpu.iota {dimensions = array<i32: 0>} : vector<16xi32>
    %broadcast_in_dim3A_195 = arith.constant 1.000000e+00 : f32
    %broadcast_in_dim3A_196 = vector.broadcast %broadcast_in_dim3A_195 : f32 to vector<16xf32>
    %get3A = arith.constant 0 : index
    %get3A_197 = tpu.vector_load %arg10[%get3A] {strides = array<i32>} : memref<16xi32, #tpu.memory_space<vmem>>, vector<16xi32>,
    %add3A_198 = arith.constant 0 : i32
    %add3A_199 = arith.addi %add3A_198, %mul3A_2 : i32
    %add3A_200 = vector.broadcast %add3A_199 : i32 to vector<16xi32>
    %add3A_201 = arith.addi %iota3A, %add3A_200 : vector<16xi32>
    %broadcast_in_dim3A_202 = arith.constant 0 : i32
    %broadcast_in_dim3A_203 = vector.broadcast %broadcast_in_dim3A_202 : i32 to vector<16xi32>
    %slice3A = vector.extract_strided_slice %get3A_197 {offsets = [1], sizes = [1], strides = [1]} : vector<16xi32> to vector<1xi32>
    %squeeze3A = vector.extract %slice3A[0] : i32 from vector<1xi32>
    %ge3A = vector.broadcast %squeeze3A : i32 to vector<16xi32>
    %ge3A_204 = arith.cmpi sge, %add3A_201, %ge3A : vector<16xi32>
    %jit3A = arith.constant 1 : i32
    %jit3A_205 = arith.constant 0 : i32
    %broadcast_in_dim3A_206 = vector.broadcast %jit3A : i32 to vector<16xi32>
    %broadcast_in_dim3A_207 = vector.broadcast %jit3A_205 : i32 to vector<16xi32>
    %select_n3A = arith.select %ge3A_204, %broadcast_in_dim3A_206, %broadcast_in_dim3A_207 : vector<16xi1>, vector<16xi32>
    %add3A_208 = arith.addi %broadcast_in_dim3A_203, %select_n3A : vector<16xi32>
    %slice3A_209 = vector.extract_strided_slice %get3A_197 {offsets = [2], sizes = [1], strides = [1]} : vector<16xi32> to vector<1xi32>
    %squeeze3A_210 = vector.extract %slice3A_209[0] : i32 from vector<1xi32>
    %ge3A_211 = vector.broadcast %squeeze3A_210 : i32 to vector<16xi32>
    %ge3A_212 = arith.cmpi sge, %add3A_201, %ge3A_211 : vector<16xi32>
    %jit3A_213 = arith.constant 1 : i32
    %jit3A_214 = arith.constant 0 : i32
    %broadcast_in_dim3A_215 = vector.broadcast %jit3A_213 : i32 to vector<16xi32>
    %broadcast_in_dim3A_216 = vector.broadcast %jit3A_214 : i32 to vector<16xi32>
    %select_n3A_217 = arith.select %ge3A_212, %broadcast_in_dim3A_215, %broadcast_in_dim3A_216 : vector<16xi1>, vector<16xi32>
    %add3A_218 = arith.addi %add3A_208, %select_n3A_217 : vector<16xi32>
    %slice3A_219 = vector.extract_strided_slice %get3A_197 {offsets = [3], sizes = [1], strides = [1]} : vector<16xi32> to vector<1xi32>
    %squeeze3A_220 = vector.extract %slice3A_219[0] : i32 from vector<1xi32>
    %ge3A_221 = vector.broadcast %squeeze3A_220 : i32 to vector<16xi32>
    %ge3A_222 = arith.cmpi sge, %add3A_201, %ge3A_221 : vector<16xi32>
    %jit3A_223 = arith.constant 1 : i32
    %jit3A_224 = arith.constant 0 : i32
    %broadcast_in_dim3A_225 = vector.broadcast %jit3A_223 : i32 to vector<16xi32>
    %broadcast_in_dim3A_226 = vector.broadcast %jit3A_224 : i32 to vector<16xi32>
    %select_n3A_227 = arith.select %ge3A_222, %broadcast_in_dim3A_225, %broadcast_in_dim3A_226 : vector<16xi1>, vector<16xi32>
    %add3A_228 = arith.addi %add3A_218, %select_n3A_227 : vector<16xi32>
    %slice3A_229 = vector.extract_strided_slice %get3A_197 {offsets = [4], sizes = [1], strides = [1]} : vector<16xi32> to vector<1xi32>
    %squeeze3A_230 = vector.extract %slice3A_229[0] : i32 from vector<1xi32>
    %ge3A_231 = vector.broadcast %squeeze3A_230 : i32 to vector<16xi32>
    %ge3A_232 = arith.cmpi sge, %add3A_201, %ge3A_231 : vector<16xi32>
    %jit3A_233 = arith.constant 1 : i32
    %jit3A_234 = arith.constant 0 : i32
    %broadcast_in_dim3A_235 = vector.broadcast %jit3A_233 : i32 to vector<16xi32>
    %broadcast_in_dim3A_236 = vector.broadcast %jit3A_234 : i32 to vector<16xi32>
    %select_n3A_237 = arith.select %ge3A_232, %broadcast_in_dim3A_235, %broadcast_in_dim3A_236 : vector<16xi1>, vector<16xi32>
    %add3A_238 = arith.addi %add3A_228, %select_n3A_237 : vector<16xi32>
    %slice3A_239 = vector.extract_strided_slice %get3A_197 {offsets = [5], sizes = [1], strides = [1]} : vector<16xi32> to vector<1xi32>
    %squeeze3A_240 = vector.extract %slice3A_239[0] : i32 from vector<1xi32>
    %ge3A_241 = vector.broadcast %squeeze3A_240 : i32 to vector<16xi32>
    %ge3A_242 = arith.cmpi sge, %add3A_201, %ge3A_241 : vector<16xi32>
    %jit3A_243 = arith.constant 1 : i32
    %jit3A_244 = arith.constant 0 : i32
    %broadcast_in_dim3A_245 = vector.broadcast %jit3A_243 : i32 to vector<16xi32>
    %broadcast_in_dim3A_246 = vector.broadcast %jit3A_244 : i32 to vector<16xi32>
    %select_n3A_247 = arith.select %ge3A_242, %broadcast_in_dim3A_245, %broadcast_in_dim3A_246 : vector<16xi1>, vector<16xi32>
    %add3A_248 = arith.addi %add3A_238, %select_n3A_247 : vector<16xi32>
    %slice3A_249 = vector.extract_strided_slice %get3A_197 {offsets = [6], sizes = [1], strides = [1]} : vector<16xi32> to vector<1xi32>
    %squeeze3A_250 = vector.extract %slice3A_249[0] : i32 from vector<1xi32>
    %ge3A_251 = vector.broadcast %squeeze3A_250 : i32 to vector<16xi32>
    %ge3A_252 = arith.cmpi sge, %add3A_201, %ge3A_251 : vector<16xi32>
    %jit3A_253 = arith.constant 1 : i32
    %jit3A_254 = arith.constant 0 : i32
    %broadcast_in_dim3A_255 = vector.broadcast %jit3A_253 : i32 to vector<16xi32>
    %broadcast_in_dim3A_256 = vector.broadcast %jit3A_254 : i32 to vector<16xi32>
    %select_n3A_257 = arith.select %ge3A_252, %broadcast_in_dim3A_255, %broadcast_in_dim3A_256 : vector<16xi1>, vector<16xi32>
    %add3A_258 = arith.addi %add3A_248, %select_n3A_257 : vector<16xi32>
    %slice3A_259 = vector.extract_strided_slice %get3A_197 {offsets = [7], sizes = [1], strides = [1]} : vector<16xi32> to vector<1xi32>
    %squeeze3A_260 = vector.extract %slice3A_259[0] : i32 from vector<1xi32>
    %ge3A_261 = vector.broadcast %squeeze3A_260 : i32 to vector<16xi32>
    %ge3A_262 = arith.cmpi sge, %add3A_201, %ge3A_261 : vector<16xi32>
    %jit3A_263 = arith.constant 1 : i32
    %jit3A_264 = arith.constant 0 : i32
    %broadcast_in_dim3A_265 = vector.broadcast %jit3A_263 : i32 to vector<16xi32>
    %broadcast_in_dim3A_266 = vector.broadcast %jit3A_264 : i32 to vector<16xi32>
    %select_n3A_267 = arith.select %ge3A_262, %broadcast_in_dim3A_265, %broadcast_in_dim3A_266 : vector<16xi1>, vector<16xi32>
    %add3A_268 = arith.addi %add3A_258, %select_n3A_267 : vector<16xi32>
    %get3A_269 = arith.constant 0 : i32
    %get3A_270 = arith.index_cast %get3A_269 : i32 to index
    %get3A_271 = arith.constant 0 : index
    %get3A_272 = tpu.vector_load %arg9[%get3A_270, %get3A_271] {strides = array<i32>} : memref<1x512xi32, #tpu.memory_space<vmem>>, vector<16xi32>,
    %mul3A_273 = arith.constant 48 : i32
    %mul3A_274 = vector.broadcast %mul3A_273 : i32 to vector<16xi32>
    %mul3A_275 = arith.muli %add3A_268, %mul3A_274 : vector<16xi32>
    %add3A_276 = arith.addi %mul3A_275, %get3A_272 : vector<16xi32>
    tpu.vector_store_idx %arg11[%add3A_276], %broadcast_in_dim3A_196 {add = true} : memref<1536xf32, #tpu.memory_space<vmem>>[vector<16xi32>], vector<16xf32>,
    %get3A_277 = arith.constant 0 : i32
    %get3A_278 = arith.index_cast %get3A_277 : i32 to index
    %get3A_279 = arith.constant 0 : index
    %get3A_280 = tpu.vector_load %arg6[%get3A_278, %get3A_279] {strides = array<i32>} : memref<1x512xf32, #tpu.memory_space<vmem>>, vector<16xf32>,
    %add3A_281 = arith.constant 384 : i32
    %add3A_282 = vector.broadcast %add3A_281 : i32 to vector<16xi32>
    %add3A_283 = arith.addi %add3A_276, %add3A_282 : vector<16xi32>
    tpu.vector_store_idx %arg11[%add3A_283], %get3A_280 {add = true} : memref<1536xf32, #tpu.memory_space<vmem>>[vector<16xi32>], vector<16xf32>,
    %get3A_284 = arith.constant 0 : i32
    %get3A_285 = arith.index_cast %get3A_284 : i32 to index
    %get3A_286 = arith.constant 0 : index
    %get3A_287 = tpu.vector_load %arg7[%get3A_285, %get3A_286] {strides = array<i32>} : memref<1x512xf32, #tpu.memory_space<vmem>>, vector<16xf32>,
    %add3A_288 = arith.constant 768 : i32
    %add3A_289 = vector.broadcast %add3A_288 : i32 to vector<16xi32>
    %add3A_290 = arith.addi %add3A_276, %add3A_289 : vector<16xi32>
    tpu.vector_store_idx %arg11[%add3A_290], %get3A_287 {add = true} : memref<1536xf32, #tpu.memory_space<vmem>>[vector<16xi32>], vector<16xf32>,
    %get3A_291 = arith.constant 0 : i32
    %get3A_292 = arith.index_cast %get3A_291 : i32 to index
    %get3A_293 = arith.constant 0 : index
    %get3A_294 = tpu.vector_load %arg8[%get3A_292, %get3A_293] {strides = array<i32>} : memref<1x512xf32, #tpu.memory_space<vmem>>, vector<16xf32>,
    %add3A_295 = arith.constant 1152 : i32
    %add3A_296 = vector.broadcast %add3A_295 : i32 to vector<16xi32>
    %add3A_297 = arith.addi %add3A_276, %add3A_296 : vector<16xi32>
    tpu.vector_store_idx %arg11[%add3A_297], %get3A_294 {add = true} : memref<1536xf32, #tpu.memory_space<vmem>>[vector<16xi32>], vector<16xf32>,
    %add3A_298 = arith.constant 16 : i32
    %add3A_299 = arith.addi %add3A_298, %mul3A_2 : i32
    %add3A_300 = vector.broadcast %add3A_299 : i32 to vector<16xi32>
    %add3A_301 = arith.addi %iota3A, %add3A_300 : vector<16xi32>
    %broadcast_in_dim3A_302 = arith.constant 0 : i32
    %broadcast_in_dim3A_303 = vector.broadcast %broadcast_in_dim3A_302 : i32 to vector<16xi32>
    %slice3A_304 = vector.extract_strided_slice %get3A_197 {offsets = [1], sizes = [1], strides = [1]} : vector<16xi32> to vector<1xi32>
    %squeeze3A_305 = vector.extract %slice3A_304[0] : i32 from vector<1xi32>
    %ge3A_306 = vector.broadcast %squeeze3A_305 : i32 to vector<16xi32>
    %ge3A_307 = arith.cmpi sge, %add3A_301, %ge3A_306 : vector<16xi32>
    %jit3A_308 = arith.constant 1 : i32
    %jit3A_309 = arith.constant 0 : i32
    %broadcast_in_dim3A_310 = vector.broadcast %jit3A_308 : i32 to vector<16xi32>
    %broadcast_in_dim3A_311 = vector.broadcast %jit3A_309 : i32 to vector<16xi32>
    %select_n3A_312 = arith.select %ge3A_307, %broadcast_in_dim3A_310, %broadcast_in_dim3A_311 : vector<16xi1>, vector<16xi32>
    %add3A_313 = arith.addi %broadcast_in_dim3A_303, %select_n3A_312 : vector<16xi32>
    %slice3A_314 = vector.extract_strided_slice %get3A_197 {offsets = [2], sizes = [1], strides = [1]} : vector<16xi32> to vector<1xi32>
    %squeeze3A_315 = vector.extract %slice3A_314[0] : i32 from vector<1xi32>
    %ge3A_316 = vector.broadcast %squeeze3A_315 : i32 to vector<16xi32>
    %ge3A_317 = arith.cmpi sge, %add3A_301, %ge3A_316 : vector<16xi32>
    %jit3A_318 = arith.constant 1 : i32
    %jit3A_319 = arith.constant 0 : i32
    %broadcast_in_dim3A_320 = vector.broadcast %jit3A_318 : i32 to vector<16xi32>
    %broadcast_in_dim3A_321 = vector.broadcast %jit3A_319 : i32 to vector<16xi32>
    %select_n3A_322 = arith.select %ge3A_317, %broadcast_in_dim3A_320, %broadcast_in_dim3A_321 : vector<16xi1>, vector<16xi32>
    %add3A_323 = arith.addi %add3A_313, %select_n3A_322 : vector<16xi32>
    %slice3A_324 = vector.extract_strided_slice %get3A_197 {offsets = [3], sizes = [1], strides = [1]} : vector<16xi32> to vector<1xi32>
    %squeeze3A_325 = vector.extract %slice3A_324[0] : i32 from vector<1xi32>
    %ge3A_326 = vector.broadcast %squeeze3A_325 : i32 to vector<16xi32>
    %ge3A_327 = arith.cmpi sge, %add3A_301, %ge3A_326 : vector<16xi32>
    %jit3A_328 = arith.constant 1 : i32
    %jit3A_329 = arith.constant 0 : i32
    %broadcast_in_dim3A_330 = vector.broadcast %jit3A_328 : i32 to vector<16xi32>
    %broadcast_in_dim3A_331 = vector.broadcast %jit3A_329 : i32 to vector<16xi32>
    %select_n3A_332 = arith.select %ge3A_327, %broadcast_in_dim3A_330, %broadcast_in_dim3A_331 : vector<16xi1>, vector<16xi32>
    %add3A_333 = arith.addi %add3A_323, %select_n3A_332 : vector<16xi32>
    %slice3A_334 = vector.extract_strided_slice %get3A_197 {offsets = [4], sizes = [1], strides = [1]} : vector<16xi32> to vector<1xi32>
    %squeeze3A_335 = vector.extract %slice3A_334[0] : i32 from vector<1xi32>
    %ge3A_336 = vector.broadcast %squeeze3A_335 : i32 to vector<16xi32>
    %ge3A_337 = arith.cmpi sge, %add3A_301, %ge3A_336 : vector<16xi32>
    %jit3A_338 = arith.constant 1 : i32
    %jit3A_339 = arith.constant 0 : i32
    %broadcast_in_dim3A_340 = vector.broadcast %jit3A_338 : i32 to vector<16xi32>
    %broadcast_in_dim3A_341 = vector.broadcast %jit3A_339 : i32 to vector<16xi32>
    %select_n3A_342 = arith.select %ge3A_337, %broadcast_in_dim3A_340, %broadcast_in_dim3A_341 : vector<16xi1>, vector<16xi32>
    %add3A_343 = arith.addi %add3A_333, %select_n3A_342 : vector<16xi32>
    %slice3A_344 = vector.extract_strided_slice %get3A_197 {offsets = [5], sizes = [1], strides = [1]} : vector<16xi32> to vector<1xi32>
    %squeeze3A_345 = vector.extract %slice3A_344[0] : i32 from vector<1xi32>
    %ge3A_346 = vector.broadcast %squeeze3A_345 : i32 to vector<16xi32>
    %ge3A_347 = arith.cmpi sge, %add3A_301, %ge3A_346 : vector<16xi32>
    %jit3A_348 = arith.constant 1 : i32
    %jit3A_349 = arith.constant 0 : i32
    %broadcast_in_dim3A_350 = vector.broadcast %jit3A_348 : i32 to vector<16xi32>
    %broadcast_in_dim3A_351 = vector.broadcast %jit3A_349 : i32 to vector<16xi32>
    %select_n3A_352 = arith.select %ge3A_347, %broadcast_in_dim3A_350, %broadcast_in_dim3A_351 : vector<16xi1>, vector<16xi32>
    %add3A_353 = arith.addi %add3A_343, %select_n3A_352 : vector<16xi32>
    %slice3A_354 = vector.extract_strided_slice %get3A_197 {offsets = [6], sizes = [1], strides = [1]} : vector<16xi32> to vector<1xi32>
    %squeeze3A_355 = vector.extract %slice3A_354[0] : i32 from vector<1xi32>
    %ge3A_356 = vector.broadcast %squeeze3A_355 : i32 to vector<16xi32>
    %ge3A_357 = arith.cmpi sge, %add3A_301, %ge3A_356 : vector<16xi32>
    %jit3A_358 = arith.constant 1 : i32
    %jit3A_359 = arith.constant 0 : i32
    %broadcast_in_dim3A_360 = vector.broadcast %jit3A_358 : i32 to vector<16xi32>
    %broadcast_in_dim3A_361 = vector.broadcast %jit3A_359 : i32 to vector<16xi32>
    %select_n3A_362 = arith.select %ge3A_357, %broadcast_in_dim3A_360, %broadcast_in_dim3A_361 : vector<16xi1>, vector<16xi32>
    %add3A_363 = arith.addi %add3A_353, %select_n3A_362 : vector<16xi32>
    %slice3A_364 = vector.extract_strided_slice %get3A_197 {offsets = [7], sizes = [1], strides = [1]} : vector<16xi32> to vector<1xi32>
    %squeeze3A_365 = vector.extract %slice3A_364[0] : i32 from vector<1xi32>
    %ge3A_366 = vector.broadcast %squeeze3A_365 : i32 to vector<16xi32>
    %ge3A_367 = arith.cmpi sge, %add3A_301, %ge3A_366 : vector<16xi32>
    %jit3A_368 = arith.constant 1 : i32
    %jit3A_369 = arith.constant 0 : i32
    %broadcast_in_dim3A_370 = vector.broadcast %jit3A_368 : i32 to vector<16xi32>
    %broadcast_in_dim3A_371 = vector.broadcast %jit3A_369 : i32 to vector<16xi32>
    %select_n3A_372 = arith.select %ge3A_367, %broadcast_in_dim3A_370, %broadcast_in_dim3A_371 : vector<16xi1>, vector<16xi32>
    %add3A_373 = arith.addi %add3A_363, %select_n3A_372 : vector<16xi32>
    %get3A_374 = arith.constant 0 : i32
    %get3A_375 = arith.index_cast %get3A_374 : i32 to index
    %get3A_376 = arith.constant 16 : index
    %get3A_377 = tpu.vector_load %arg9[%get3A_375, %get3A_376] {strides = array<i32>} : memref<1x512xi32, #tpu.memory_space<vmem>>, vector<16xi32>,
    %mul3A_378 = arith.constant 48 : i32
    %mul3A_379 = vector.broadcast %mul3A_378 : i32 to vector<16xi32>
    %mul3A_380 = arith.muli %add3A_373, %mul3A_379 : vector<16xi32>
    %add3A_381 = arith.addi %mul3A_380, %get3A_377 : vector<16xi32>
    tpu.vector_store_idx %arg11[%add3A_381], %broadcast_in_dim3A_196 {add = true} : memref<1536xf32, #tpu.memory_space<vmem>>[vector<16xi32>], vector<16xf32>,
    %get3A_382 = arith.constant 0 : i32
    %get3A_383 = arith.index_cast %get3A_382 : i32 to index
    %get3A_384 = arith.constant 16 : index
    %get3A_385 = tpu.vector_load %arg6[%get3A_383, %get3A_384] {strides = array<i32>} : memref<1x512xf32, #tpu.memory_space<vmem>>, vector<16xf32>,
    %add3A_386 = arith.constant 384 : i32
    %add3A_387 = vector.broadcast %add3A_386 : i32 to vector<16xi32>
    %add3A_388 = arith.addi %add3A_381, %add3A_387 : vector<16xi32>
    tpu.vector_store_idx %arg11[%add3A_388], %get3A_385 {add = true} : memref<1536xf32, #tpu.memory_space<vmem>>[vector<16xi32>], vector<16xf32>,
    %get3A_389 = arith.constant 0 : i32
    %get3A_390 = arith.index_cast %get3A_389 : i32 to index
    %get3A_391 = arith.constant 16 : index
    %get3A_392 = tpu.vector_load %arg7[%get3A_390, %get3A_391] {strides = array<i32>} : memref<1x512xf32, #tpu.memory_space<vmem>>, vector<16xf32>,
    %add3A_393 = arith.constant 768 : i32
    %add3A_394 = vector.broadcast %add3A_393 : i32 to vector<16xi32>
    %add3A_395 = arith.addi %add3A_381, %add3A_394 : vector<16xi32>
    tpu.vector_store_idx %arg11[%add3A_395], %get3A_392 {add = true} : memref<1536xf32, #tpu.memory_space<vmem>>[vector<16xi32>], vector<16xf32>,
    %get3A_396 = arith.constant 0 : i32
    %get3A_397 = arith.index_cast %get3A_396 : i32 to index
    %get3A_398 = arith.constant 16 : index
    %get3A_399 = tpu.vector_load %arg8[%get3A_397, %get3A_398] {strides = array<i32>} : memref<1x512xf32, #tpu.memory_space<vmem>>, vector<16xf32>,
    %add3A_400 = arith.constant 1152 : i32
    %add3A_401 = vector.broadcast %add3A_400 : i32 to vector<16xi32>
    %add3A_402 = arith.addi %add3A_381, %add3A_401 : vector<16xi32>
    tpu.vector_store_idx %arg11[%add3A_402], %get3A_399 {add = true} : memref<1536xf32, #tpu.memory_space<vmem>>[vector<16xi32>], vector<16xf32>,
    %add3A_403 = arith.constant 32 : i32
    %add3A_404 = arith.addi %add3A_403, %mul3A_2 : i32
    %add3A_405 = vector.broadcast %add3A_404 : i32 to vector<16xi32>
    %add3A_406 = arith.addi %iota3A, %add3A_405 : vector<16xi32>
    %broadcast_in_dim3A_407 = arith.constant 0 : i32
    %broadcast_in_dim3A_408 = vector.broadcast %broadcast_in_dim3A_407 : i32 to vector<16xi32>
    %slice3A_409 = vector.extract_strided_slice %get3A_197 {offsets = [1], sizes = [1], strides = [1]} : vector<16xi32> to vector<1xi32>
    %squeeze3A_410 = vector.extract %slice3A_409[0] : i32 from vector<1xi32>
    %ge3A_411 = vector.broadcast %squeeze3A_410 : i32 to vector<16xi32>
    %ge3A_412 = arith.cmpi sge, %add3A_406, %ge3A_411 : vector<16xi32>
    %jit3A_413 = arith.constant 1 : i32
    %jit3A_414 = arith.constant 0 : i32
    %broadcast_in_dim3A_415 = vector.broadcast %jit3A_413 : i32 to vector<16xi32>
    %broadcast_in_dim3A_416 = vector.broadcast %jit3A_414 : i32 to vector<16xi32>
    %select_n3A_417 = arith.select %ge3A_412, %broadcast_in_dim3A_415, %broadcast_in_dim3A_416 : vector<16xi1>, vector<16xi32>
    %add3A_418 = arith.addi %broadcast_in_dim3A_408, %select_n3A_417 : vector<16xi32>
    %slice3A_419 = vector.extract_strided_slice %get3A_197 {offsets = [2], sizes = [1], strides = [1]} : vector<16xi32> to vector<1xi32>
    %squeeze3A_420 = vector.extract %slice3A_419[0] : i32 from vector<1xi32>
    %ge3A_421 = vector.broadcast %squeeze3A_420 : i32 to vector<16xi32>
    %ge3A_422 = arith.cmpi sge, %add3A_406, %ge3A_421 : vector<16xi32>
    %jit3A_423 = arith.constant 1 : i32
    %jit3A_424 = arith.constant 0 : i32
    %broadcast_in_dim3A_425 = vector.broadcast %jit3A_423 : i32 to vector<16xi32>
    %broadcast_in_dim3A_426 = vector.broadcast %jit3A_424 : i32 to vector<16xi32>
    %select_n3A_427 = arith.select %ge3A_422, %broadcast_in_dim3A_425, %broadcast_in_dim3A_426 : vector<16xi1>, vector<16xi32>
    %add3A_428 = arith.addi %add3A_418, %select_n3A_427 : vector<16xi32>
    %slice3A_429 = vector.extract_strided_slice %get3A_197 {offsets = [3], sizes = [1], strides = [1]} : vector<16xi32> to vector<1xi32>
    %squeeze3A_430 = vector.extract %slice3A_429[0] : i32 from vector<1xi32>
    %ge3A_431 = vector.broadcast %squeeze3A_430 : i32 to vector<16xi32>
    %ge3A_432 = arith.cmpi sge, %add3A_406, %ge3A_431 : vector<16xi32>
    %jit3A_433 = arith.constant 1 : i32
    %jit3A_434 = arith.constant 0 : i32
    %broadcast_in_dim3A_435 = vector.broadcast %jit3A_433 : i32 to vector<16xi32>
    %broadcast_in_dim3A_436 = vector.broadcast %jit3A_434 : i32 to vector<16xi32>
    %select_n3A_437 = arith.select %ge3A_432, %broadcast_in_dim3A_435, %broadcast_in_dim3A_436 : vector<16xi1>, vector<16xi32>
    %add3A_438 = arith.addi %add3A_428, %select_n3A_437 : vector<16xi32>
    %slice3A_439 = vector.extract_strided_slice %get3A_197 {offsets = [4], sizes = [1], strides = [1]} : vector<16xi32> to vector<1xi32>
    %squeeze3A_440 = vector.extract %slice3A_439[0] : i32 from vector<1xi32>
    %ge3A_441 = vector.broadcast %squeeze3A_440 : i32 to vector<16xi32>
    %ge3A_442 = arith.cmpi sge, %add3A_406, %ge3A_441 : vector<16xi32>
    %jit3A_443 = arith.constant 1 : i32
    %jit3A_444 = arith.constant 0 : i32
    %broadcast_in_dim3A_445 = vector.broadcast %jit3A_443 : i32 to vector<16xi32>
    %broadcast_in_dim3A_446 = vector.broadcast %jit3A_444 : i32 to vector<16xi32>
    %select_n3A_447 = arith.select %ge3A_442, %broadcast_in_dim3A_445, %broadcast_in_dim3A_446 : vector<16xi1>, vector<16xi32>
    %add3A_448 = arith.addi %add3A_438, %select_n3A_447 : vector<16xi32>
    %slice3A_449 = vector.extract_strided_slice %get3A_197 {offsets = [5], sizes = [1], strides = [1]} : vector<16xi32> to vector<1xi32>
    %squeeze3A_450 = vector.extract %slice3A_449[0] : i32 from vector<1xi32>
    %ge3A_451 = vector.broadcast %squeeze3A_450 : i32 to vector<16xi32>
    %ge3A_452 = arith.cmpi sge, %add3A_406, %ge3A_451 : vector<16xi32>
    %jit3A_453 = arith.constant 1 : i32
    %jit3A_454 = arith.constant 0 : i32
    %broadcast_in_dim3A_455 = vector.broadcast %jit3A_453 : i32 to vector<16xi32>
    %broadcast_in_dim3A_456 = vector.broadcast %jit3A_454 : i32 to vector<16xi32>
    %select_n3A_457 = arith.select %ge3A_452, %broadcast_in_dim3A_455, %broadcast_in_dim3A_456 : vector<16xi1>, vector<16xi32>
    %add3A_458 = arith.addi %add3A_448, %select_n3A_457 : vector<16xi32>
    %slice3A_459 = vector.extract_strided_slice %get3A_197 {offsets = [6], sizes = [1], strides = [1]} : vector<16xi32> to vector<1xi32>
    %squeeze3A_460 = vector.extract %slice3A_459[0] : i32 from vector<1xi32>
    %ge3A_461 = vector.broadcast %squeeze3A_460 : i32 to vector<16xi32>
    %ge3A_462 = arith.cmpi sge, %add3A_406, %ge3A_461 : vector<16xi32>
    %jit3A_463 = arith.constant 1 : i32
    %jit3A_464 = arith.constant 0 : i32
    %broadcast_in_dim3A_465 = vector.broadcast %jit3A_463 : i32 to vector<16xi32>
    %broadcast_in_dim3A_466 = vector.broadcast %jit3A_464 : i32 to vector<16xi32>
    %select_n3A_467 = arith.select %ge3A_462, %broadcast_in_dim3A_465, %broadcast_in_dim3A_466 : vector<16xi1>, vector<16xi32>
    %add3A_468 = arith.addi %add3A_458, %select_n3A_467 : vector<16xi32>
    %slice3A_469 = vector.extract_strided_slice %get3A_197 {offsets = [7], sizes = [1], strides = [1]} : vector<16xi32> to vector<1xi32>
    %squeeze3A_470 = vector.extract %slice3A_469[0] : i32 from vector<1xi32>
    %ge3A_471 = vector.broadcast %squeeze3A_470 : i32 to vector<16xi32>
    %ge3A_472 = arith.cmpi sge, %add3A_406, %ge3A_471 : vector<16xi32>
    %jit3A_473 = arith.constant 1 : i32
    %jit3A_474 = arith.constant 0 : i32
    %broadcast_in_dim3A_475 = vector.broadcast %jit3A_473 : i32 to vector<16xi32>
    %broadcast_in_dim3A_476 = vector.broadcast %jit3A_474 : i32 to vector<16xi32>
    %select_n3A_477 = arith.select %ge3A_472, %broadcast_in_dim3A_475, %broadcast_in_dim3A_476 : vector<16xi1>, vector<16xi32>
    %add3A_478 = arith.addi %add3A_468, %select_n3A_477 : vector<16xi32>
    %get3A_479 = arith.constant 0 : i32
    %get3A_480 = arith.index_cast %get3A_479 : i32 to index
    %get3A_481 = arith.constant 32 : index
    %get3A_482 = tpu.vector_load %arg9[%get3A_480, %get3A_481] {strides = array<i32>} : memref<1x512xi32, #tpu.memory_space<vmem>>, vector<16xi32>,
    %mul3A_483 = arith.constant 48 : i32
    %mul3A_484 = vector.broadcast %mul3A_483 : i32 to vector<16xi32>
    %mul3A_485 = arith.muli %add3A_478, %mul3A_484 : vector<16xi32>
    %add3A_486 = arith.addi %mul3A_485, %get3A_482 : vector<16xi32>
    tpu.vector_store_idx %arg11[%add3A_486], %broadcast_in_dim3A_196 {add = true} : memref<1536xf32, #tpu.memory_space<vmem>>[vector<16xi32>], vector<16xf32>,
    %get3A_487 = arith.constant 0 : i32
    %get3A_488 = arith.index_cast %get3A_487 : i32 to index
    %get3A_489 = arith.constant 32 : index
    %get3A_490 = tpu.vector_load %arg6[%get3A_488, %get3A_489] {strides = array<i32>} : memref<1x512xf32, #tpu.memory_space<vmem>>, vector<16xf32>,
    %add3A_491 = arith.constant 384 : i32
    %add3A_492 = vector.broadcast %add3A_491 : i32 to vector<16xi32>
    %add3A_493 = arith.addi %add3A_486, %add3A_492 : vector<16xi32>
    tpu.vector_store_idx %arg11[%add3A_493], %get3A_490 {add = true} : memref<1536xf32, #tpu.memory_space<vmem>>[vector<16xi32>], vector<16xf32>,
    %get3A_494 = arith.constant 0 : i32
    %get3A_495 = arith.index_cast %get3A_494 : i32 to index
    %get3A_496 = arith.constant 32 : index
    %get3A_497 = tpu.vector_load %arg7[%get3A_495, %get3A_496] {strides = array<i32>} : memref<1x512xf32, #tpu.memory_space<vmem>>, vector<16xf32>,
    %add3A_498 = arith.constant 768 : i32
    %add3A_499 = vector.broadcast %add3A_498 : i32 to vector<16xi32>
    %add3A_500 = arith.addi %add3A_486, %add3A_499 : vector<16xi32>
    tpu.vector_store_idx %arg11[%add3A_500], %get3A_497 {add = true} : memref<1536xf32, #tpu.memory_space<vmem>>[vector<16xi32>], vector<16xf32>,
    %get3A_501 = arith.constant 0 : i32
    %get3A_502 = arith.index_cast %get3A_501 : i32 to index
    %get3A_503 = arith.constant 32 : index
    %get3A_504 = tpu.vector_load %arg8[%get3A_502, %get3A_503] {strides = array<i32>} : memref<1x512xf32, #tpu.memory_space<vmem>>, vector<16xf32>,
    %add3A_505 = arith.constant 1152 : i32
    %add3A_506 = vector.broadcast %add3A_505 : i32 to vector<16xi32>
    %add3A_507 = arith.addi %add3A_486, %add3A_506 : vector<16xi32>
    tpu.vector_store_idx %arg11[%add3A_507], %get3A_504 {add = true} : memref<1536xf32, #tpu.memory_space<vmem>>[vector<16xi32>], vector<16xf32>,
    %add3A_508 = arith.constant 48 : i32
    %add3A_509 = arith.addi %add3A_508, %mul3A_2 : i32
    %add3A_510 = vector.broadcast %add3A_509 : i32 to vector<16xi32>
    %add3A_511 = arith.addi %iota3A, %add3A_510 : vector<16xi32>
    %broadcast_in_dim3A_512 = arith.constant 0 : i32
    %broadcast_in_dim3A_513 = vector.broadcast %broadcast_in_dim3A_512 : i32 to vector<16xi32>
    %slice3A_514 = vector.extract_strided_slice %get3A_197 {offsets = [1], sizes = [1], strides = [1]} : vector<16xi32> to vector<1xi32>
    %squeeze3A_515 = vector.extract %slice3A_514[0] : i32 from vector<1xi32>
    %ge3A_516 = vector.broadcast %squeeze3A_515 : i32 to vector<16xi32>
    %ge3A_517 = arith.cmpi sge, %add3A_511, %ge3A_516 : vector<16xi32>
    %jit3A_518 = arith.constant 1 : i32
    %jit3A_519 = arith.constant 0 : i32
    %broadcast_in_dim3A_520 = vector.broadcast %jit3A_518 : i32 to vector<16xi32>
    %broadcast_in_dim3A_521 = vector.broadcast %jit3A_519 : i32 to vector<16xi32>
    %select_n3A_522 = arith.select %ge3A_517, %broadcast_in_dim3A_520, %broadcast_in_dim3A_521 : vector<16xi1>, vector<16xi32>
    %add3A_523 = arith.addi %broadcast_in_dim3A_513, %select_n3A_522 : vector<16xi32>
    %slice3A_524 = vector.extract_strided_slice %get3A_197 {offsets = [2], sizes = [1], strides = [1]} : vector<16xi32> to vector<1xi32>
    %squeeze3A_525 = vector.extract %slice3A_524[0] : i32 from vector<1xi32>
    %ge3A_526 = vector.broadcast %squeeze3A_525 : i32 to vector<16xi32>
    %ge3A_527 = arith.cmpi sge, %add3A_511, %ge3A_526 : vector<16xi32>
    %jit3A_528 = arith.constant 1 : i32
    %jit3A_529 = arith.constant 0 : i32
    %broadcast_in_dim3A_530 = vector.broadcast %jit3A_528 : i32 to vector<16xi32>
    %broadcast_in_dim3A_531 = vector.broadcast %jit3A_529 : i32 to vector<16xi32>
    %select_n3A_532 = arith.select %ge3A_527, %broadcast_in_dim3A_530, %broadcast_in_dim3A_531 : vector<16xi1>, vector<16xi32>
    %add3A_533 = arith.addi %add3A_523, %select_n3A_532 : vector<16xi32>
    %slice3A_534 = vector.extract_strided_slice %get3A_197 {offsets = [3], sizes = [1], strides = [1]} : vector<16xi32> to vector<1xi32>
    %squeeze3A_535 = vector.extract %slice3A_534[0] : i32 from vector<1xi32>
    %ge3A_536 = vector.broadcast %squeeze3A_535 : i32 to vector<16xi32>
    %ge3A_537 = arith.cmpi sge, %add3A_511, %ge3A_536 : vector<16xi32>
    %jit3A_538 = arith.constant 1 : i32
    %jit3A_539 = arith.constant 0 : i32
    %broadcast_in_dim3A_540 = vector.broadcast %jit3A_538 : i32 to vector<16xi32>
    %broadcast_in_dim3A_541 = vector.broadcast %jit3A_539 : i32 to vector<16xi32>
    %select_n3A_542 = arith.select %ge3A_537, %broadcast_in_dim3A_540, %broadcast_in_dim3A_541 : vector<16xi1>, vector<16xi32>
    %add3A_543 = arith.addi %add3A_533, %select_n3A_542 : vector<16xi32>
    %slice3A_544 = vector.extract_strided_slice %get3A_197 {offsets = [4], sizes = [1], strides = [1]} : vector<16xi32> to vector<1xi32>
    %squeeze3A_545 = vector.extract %slice3A_544[0] : i32 from vector<1xi32>
    %ge3A_546 = vector.broadcast %squeeze3A_545 : i32 to vector<16xi32>
    %ge3A_547 = arith.cmpi sge, %add3A_511, %ge3A_546 : vector<16xi32>
    %jit3A_548 = arith.constant 1 : i32
    %jit3A_549 = arith.constant 0 : i32
    %broadcast_in_dim3A_550 = vector.broadcast %jit3A_548 : i32 to vector<16xi32>
    %broadcast_in_dim3A_551 = vector.broadcast %jit3A_549 : i32 to vector<16xi32>
    %select_n3A_552 = arith.select %ge3A_547, %broadcast_in_dim3A_550, %broadcast_in_dim3A_551 : vector<16xi1>, vector<16xi32>
    %add3A_553 = arith.addi %add3A_543, %select_n3A_552 : vector<16xi32>
    %slice3A_554 = vector.extract_strided_slice %get3A_197 {offsets = [5], sizes = [1], strides = [1]} : vector<16xi32> to vector<1xi32>
    %squeeze3A_555 = vector.extract %slice3A_554[0] : i32 from vector<1xi32>
    %ge3A_556 = vector.broadcast %squeeze3A_555 : i32 to vector<16xi32>
    %ge3A_557 = arith.cmpi sge, %add3A_511, %ge3A_556 : vector<16xi32>
    %jit3A_558 = arith.constant 1 : i32
    %jit3A_559 = arith.constant 0 : i32
    %broadcast_in_dim3A_560 = vector.broadcast %jit3A_558 : i32 to vector<16xi32>
    %broadcast_in_dim3A_561 = vector.broadcast %jit3A_559 : i32 to vector<16xi32>
    %select_n3A_562 = arith.select %ge3A_557, %broadcast_in_dim3A_560, %broadcast_in_dim3A_561 : vector<16xi1>, vector<16xi32>
    %add3A_563 = arith.addi %add3A_553, %select_n3A_562 : vector<16xi32>
    %slice3A_564 = vector.extract_strided_slice %get3A_197 {offsets = [6], sizes = [1], strides = [1]} : vector<16xi32> to vector<1xi32>
    %squeeze3A_565 = vector.extract %slice3A_564[0] : i32 from vector<1xi32>
    %ge3A_566 = vector.broadcast %squeeze3A_565 : i32 to vector<16xi32>
    %ge3A_567 = arith.cmpi sge, %add3A_511, %ge3A_566 : vector<16xi32>
    %jit3A_568 = arith.constant 1 : i32
    %jit3A_569 = arith.constant 0 : i32
    %broadcast_in_dim3A_570 = vector.broadcast %jit3A_568 : i32 to vector<16xi32>
    %broadcast_in_dim3A_571 = vector.broadcast %jit3A_569 : i32 to vector<16xi32>
    %select_n3A_572 = arith.select %ge3A_567, %broadcast_in_dim3A_570, %broadcast_in_dim3A_571 : vector<16xi1>, vector<16xi32>
    %add3A_573 = arith.addi %add3A_563, %select_n3A_572 : vector<16xi32>
    %slice3A_574 = vector.extract_strided_slice %get3A_197 {offsets = [7], sizes = [1], strides = [1]} : vector<16xi32> to vector<1xi32>
    %squeeze3A_575 = vector.extract %slice3A_574[0] : i32 from vector<1xi32>
    %ge3A_576 = vector.broadcast %squeeze3A_575 : i32 to vector<16xi32>
    %ge3A_577 = arith.cmpi sge, %add3A_511, %ge3A_576 : vector<16xi32>
    %jit3A_578 = arith.constant 1 : i32
    %jit3A_579 = arith.constant 0 : i32
    %broadcast_in_dim3A_580 = vector.broadcast %jit3A_578 : i32 to vector<16xi32>
    %broadcast_in_dim3A_581 = vector.broadcast %jit3A_579 : i32 to vector<16xi32>
    %select_n3A_582 = arith.select %ge3A_577, %broadcast_in_dim3A_580, %broadcast_in_dim3A_581 : vector<16xi1>, vector<16xi32>
    %add3A_583 = arith.addi %add3A_573, %select_n3A_582 : vector<16xi32>
    %get3A_584 = arith.constant 0 : i32
    %get3A_585 = arith.index_cast %get3A_584 : i32 to index
    %get3A_586 = arith.constant 48 : index
    %get3A_587 = tpu.vector_load %arg9[%get3A_585, %get3A_586] {strides = array<i32>} : memref<1x512xi32, #tpu.memory_space<vmem>>, vector<16xi32>,
    %mul3A_588 = arith.constant 48 : i32
    %mul3A_589 = vector.broadcast %mul3A_588 : i32 to vector<16xi32>
    %mul3A_590 = arith.muli %add3A_583, %mul3A_589 : vector<16xi32>
    %add3A_591 = arith.addi %mul3A_590, %get3A_587 : vector<16xi32>
    tpu.vector_store_idx %arg11[%add3A_591], %broadcast_in_dim3A_196 {add = true} : memref<1536xf32, #tpu.memory_space<vmem>>[vector<16xi32>], vector<16xf32>,
    %get3A_592 = arith.constant 0 : i32
    %get3A_593 = arith.index_cast %get3A_592 : i32 to index
    %get3A_594 = arith.constant 48 : index
    %get3A_595 = tpu.vector_load %arg6[%get3A_593, %get3A_594] {strides = array<i32>} : memref<1x512xf32, #tpu.memory_space<vmem>>, vector<16xf32>,
    %add3A_596 = arith.constant 384 : i32
    %add3A_597 = vector.broadcast %add3A_596 : i32 to vector<16xi32>
    %add3A_598 = arith.addi %add3A_591, %add3A_597 : vector<16xi32>
    tpu.vector_store_idx %arg11[%add3A_598], %get3A_595 {add = true} : memref<1536xf32, #tpu.memory_space<vmem>>[vector<16xi32>], vector<16xf32>,
    %get3A_599 = arith.constant 0 : i32
    %get3A_600 = arith.index_cast %get3A_599 : i32 to index
    %get3A_601 = arith.constant 48 : index
    %get3A_602 = tpu.vector_load %arg7[%get3A_600, %get3A_601] {strides = array<i32>} : memref<1x512xf32, #tpu.memory_space<vmem>>, vector<16xf32>,
    %add3A_603 = arith.constant 768 : i32
    %add3A_604 = vector.broadcast %add3A_603 : i32 to vector<16xi32>
    %add3A_605 = arith.addi %add3A_591, %add3A_604 : vector<16xi32>
    tpu.vector_store_idx %arg11[%add3A_605], %get3A_602 {add = true} : memref<1536xf32, #tpu.memory_space<vmem>>[vector<16xi32>], vector<16xf32>,
    %get3A_606 = arith.constant 0 : i32
    %get3A_607 = arith.index_cast %get3A_606 : i32 to index
    %get3A_608 = arith.constant 48 : index
    %get3A_609 = tpu.vector_load %arg8[%get3A_607, %get3A_608] {strides = array<i32>} : memref<1x512xf32, #tpu.memory_space<vmem>>, vector<16xf32>,
    %add3A_610 = arith.constant 1152 : i32
    %add3A_611 = vector.broadcast %add3A_610 : i32 to vector<16xi32>
    %add3A_612 = arith.addi %add3A_591, %add3A_611 : vector<16xi32>
    tpu.vector_store_idx %arg11[%add3A_612], %get3A_609 {add = true} : memref<1536xf32, #tpu.memory_space<vmem>>[vector<16xi32>], vector<16xf32>,
    %add3A_613 = arith.constant 64 : i32
    %add3A_614 = arith.addi %add3A_613, %mul3A_2 : i32
    %add3A_615 = vector.broadcast %add3A_614 : i32 to vector<16xi32>
    %add3A_616 = arith.addi %iota3A, %add3A_615 : vector<16xi32>
    %broadcast_in_dim3A_617 = arith.constant 0 : i32
    %broadcast_in_dim3A_618 = vector.broadcast %broadcast_in_dim3A_617 : i32 to vector<16xi32>
    %slice3A_619 = vector.extract_strided_slice %get3A_197 {offsets = [1], sizes = [1], strides = [1]} : vector<16xi32> to vector<1xi32>
    %squeeze3A_620 = vector.extract %slice3A_619[0] : i32 from vector<1xi32>
    %ge3A_621 = vector.broadcast %squeeze3A_620 : i32 to vector<16xi32>
    %ge3A_622 = arith.cmpi sge, %add3A_616, %ge3A_621 : vector<16xi32>
    %jit3A_623 = arith.constant 1 : i32
    %jit3A_624 = arith.constant 0 : i32
    %broadcast_in_dim3A_625 = vector.broadcast %jit3A_623 : i32 to vector<16xi32>
    %broadcast_in_dim3A_626 = vector.broadcast %jit3A_624 : i32 to vector<16xi32>
    %select_n3A_627 = arith.select %ge3A_622, %broadcast_in_dim3A_625, %broadcast_in_dim3A_626 : vector<16xi1>, vector<16xi32>
    %add3A_628 = arith.addi %broadcast_in_dim3A_618, %select_n3A_627 : vector<16xi32>
    %slice3A_629 = vector.extract_strided_slice %get3A_197 {offsets = [2], sizes = [1], strides = [1]} : vector<16xi32> to vector<1xi32>
    %squeeze3A_630 = vector.extract %slice3A_629[0] : i32 from vector<1xi32>
    %ge3A_631 = vector.broadcast %squeeze3A_630 : i32 to vector<16xi32>
    %ge3A_632 = arith.cmpi sge, %add3A_616, %ge3A_631 : vector<16xi32>
    %jit3A_633 = arith.constant 1 : i32
    %jit3A_634 = arith.constant 0 : i32
    %broadcast_in_dim3A_635 = vector.broadcast %jit3A_633 : i32 to vector<16xi32>
    %broadcast_in_dim3A_636 = vector.broadcast %jit3A_634 : i32 to vector<16xi32>
    %select_n3A_637 = arith.select %ge3A_632, %broadcast_in_dim3A_635, %broadcast_in_dim3A_636 : vector<16xi1>, vector<16xi32>
    %add3A_638 = arith.addi %add3A_628, %select_n3A_637 : vector<16xi32>
    %slice3A_639 = vector.extract_strided_slice %get3A_197 {offsets = [3], sizes = [1], strides = [1]} : vector<16xi32> to vector<1xi32>
    %squeeze3A_640 = vector.extract %slice3A_639[0] : i32 from vector<1xi32>
    %ge3A_641 = vector.broadcast %squeeze3A_640 : i32 to vector<16xi32>
    %ge3A_642 = arith.cmpi sge, %add3A_616, %ge3A_641 : vector<16xi32>
    %jit3A_643 = arith.constant 1 : i32
    %jit3A_644 = arith.constant 0 : i32
    %broadcast_in_dim3A_645 = vector.broadcast %jit3A_643 : i32 to vector<16xi32>
    %broadcast_in_dim3A_646 = vector.broadcast %jit3A_644 : i32 to vector<16xi32>
    %select_n3A_647 = arith.select %ge3A_642, %broadcast_in_dim3A_645, %broadcast_in_dim3A_646 : vector<16xi1>, vector<16xi32>
    %add3A_648 = arith.addi %add3A_638, %select_n3A_647 : vector<16xi32>
    %slice3A_649 = vector.extract_strided_slice %get3A_197 {offsets = [4], sizes = [1], strides = [1]} : vector<16xi32> to vector<1xi32>
    %squeeze3A_650 = vector.extract %slice3A_649[0] : i32 from vector<1xi32>
    %ge3A_651 = vector.broadcast %squeeze3A_650 : i32 to vector<16xi32>
    %ge3A_652 = arith.cmpi sge, %add3A_616, %ge3A_651 : vector<16xi32>
    %jit3A_653 = arith.constant 1 : i32
    %jit3A_654 = arith.constant 0 : i32
    %broadcast_in_dim3A_655 = vector.broadcast %jit3A_653 : i32 to vector<16xi32>
    %broadcast_in_dim3A_656 = vector.broadcast %jit3A_654 : i32 to vector<16xi32>
    %select_n3A_657 = arith.select %ge3A_652, %broadcast_in_dim3A_655, %broadcast_in_dim3A_656 : vector<16xi1>, vector<16xi32>
    %add3A_658 = arith.addi %add3A_648, %select_n3A_657 : vector<16xi32>
    %slice3A_659 = vector.extract_strided_slice %get3A_197 {offsets = [5], sizes = [1], strides = [1]} : vector<16xi32> to vector<1xi32>
    %squeeze3A_660 = vector.extract %slice3A_659[0] : i32 from vector<1xi32>
    %ge3A_661 = vector.broadcast %squeeze3A_660 : i32 to vector<16xi32>
    %ge3A_662 = arith.cmpi sge, %add3A_616, %ge3A_661 : vector<16xi32>
    %jit3A_663 = arith.constant 1 : i32
    %jit3A_664 = arith.constant 0 : i32
    %broadcast_in_dim3A_665 = vector.broadcast %jit3A_663 : i32 to vector<16xi32>
    %broadcast_in_dim3A_666 = vector.broadcast %jit3A_664 : i32 to vector<16xi32>
    %select_n3A_667 = arith.select %ge3A_662, %broadcast_in_dim3A_665, %broadcast_in_dim3A_666 : vector<16xi1>, vector<16xi32>
    %add3A_668 = arith.addi %add3A_658, %select_n3A_667 : vector<16xi32>
    %slice3A_669 = vector.extract_strided_slice %get3A_197 {offsets = [6], sizes = [1], strides = [1]} : vector<16xi32> to vector<1xi32>
    %squeeze3A_670 = vector.extract %slice3A_669[0] : i32 from vector<1xi32>
    %ge3A_671 = vector.broadcast %squeeze3A_670 : i32 to vector<16xi32>
    %ge3A_672 = arith.cmpi sge, %add3A_616, %ge3A_671 : vector<16xi32>
    %jit3A_673 = arith.constant 1 : i32
    %jit3A_674 = arith.constant 0 : i32
    %broadcast_in_dim3A_675 = vector.broadcast %jit3A_673 : i32 to vector<16xi32>
    %broadcast_in_dim3A_676 = vector.broadcast %jit3A_674 : i32 to vector<16xi32>
    %select_n3A_677 = arith.select %ge3A_672, %broadcast_in_dim3A_675, %broadcast_in_dim3A_676 : vector<16xi1>, vector<16xi32>
    %add3A_678 = arith.addi %add3A_668, %select_n3A_677 : vector<16xi32>
    %slice3A_679 = vector.extract_strided_slice %get3A_197 {offsets = [7], sizes = [1], strides = [1]} : vector<16xi32> to vector<1xi32>
    %squeeze3A_680 = vector.extract %slice3A_679[0] : i32 from vector<1xi32>
    %ge3A_681 = vector.broadcast %squeeze3A_680 : i32 to vector<16xi32>
    %ge3A_682 = arith.cmpi sge, %add3A_616, %ge3A_681 : vector<16xi32>
    %jit3A_683 = arith.constant 1 : i32
    %jit3A_684 = arith.constant 0 : i32
    %broadcast_in_dim3A_685 = vector.broadcast %jit3A_683 : i32 to vector<16xi32>
    %broadcast_in_dim3A_686 = vector.broadcast %jit3A_684 : i32 to vector<16xi32>
    %select_n3A_687 = arith.select %ge3A_682, %broadcast_in_dim3A_685, %broadcast_in_dim3A_686 : vector<16xi1>, vector<16xi32>
    %add3A_688 = arith.addi %add3A_678, %select_n3A_687 : vector<16xi32>
    %get3A_689 = arith.constant 0 : i32
    %get3A_690 = arith.index_cast %get3A_689 : i32 to index
    %get3A_691 = arith.constant 64 : index
    %get3A_692 = tpu.vector_load %arg9[%get3A_690, %get3A_691] {strides = array<i32>} : memref<1x512xi32, #tpu.memory_space<vmem>>, vector<16xi32>,
    %mul3A_693 = arith.constant 48 : i32
    %mul3A_694 = vector.broadcast %mul3A_693 : i32 to vector<16xi32>
    %mul3A_695 = arith.muli %add3A_688, %mul3A_694 : vector<16xi32>
    %add3A_696 = arith.addi %mul3A_695, %get3A_692 : vector<16xi32>
    tpu.vector_store_idx %arg11[%add3A_696], %broadcast_in_dim3A_196 {add = true} : memref<1536xf32, #tpu.memory_space<vmem>>[vector<16xi32>], vector<16xf32>,
    %get3A_697 = arith.constant 0 : i32
    %get3A_698 = arith.index_cast %get3A_697 : i32 to index
    %get3A_699 = arith.constant 64 : index
    %get3A_700 = tpu.vector_load %arg6[%get3A_698, %get3A_699] {strides = array<i32>} : memref<1x512xf32, #tpu.memory_space<vmem>>, vector<16xf32>,
    %add3A_701 = arith.constant 384 : i32
    %add3A_702 = vector.broadcast %add3A_701 : i32 to vector<16xi32>
    %add3A_703 = arith.addi %add3A_696, %add3A_702 : vector<16xi32>
    tpu.vector_store_idx %arg11[%add3A_703], %get3A_700 {add = true} : memref<1536xf32, #tpu.memory_space<vmem>>[vector<16xi32>], vector<16xf32>,
    %get3A_704 = arith.constant 0 : i32
    %get3A_705 = arith.index_cast %get3A_704 : i32 to index
    %get3A_706 = arith.constant 64 : index
    %get3A_707 = tpu.vector_load %arg7[%get3A_705, %get3A_706] {strides = array<i32>} : memref<1x512xf32, #tpu.memory_space<vmem>>, vector<16xf32>,
    %add3A_708 = arith.constant 768 : i32
    %add3A_709 = vector.broadcast %add3A_708 : i32 to vector<16xi32>
    %add3A_710 = arith.addi %add3A_696, %add3A_709 : vector<16xi32>
    tpu.vector_store_idx %arg11[%add3A_710], %get3A_707 {add = true} : memref<1536xf32, #tpu.memory_space<vmem>>[vector<16xi32>], vector<16xf32>,
    %get3A_711 = arith.constant 0 : i32
    %get3A_712 = arith.index_cast %get3A_711 : i32 to index
    %get3A_713 = arith.constant 64 : index
    %get3A_714 = tpu.vector_load %arg8[%get3A_712, %get3A_713] {strides = array<i32>} : memref<1x512xf32, #tpu.memory_space<vmem>>, vector<16xf32>,
    %add3A_715 = arith.constant 1152 : i32
    %add3A_716 = vector.broadcast %add3A_715 : i32 to vector<16xi32>
    %add3A_717 = arith.addi %add3A_696, %add3A_716 : vector<16xi32>
    tpu.vector_store_idx %arg11[%add3A_717], %get3A_714 {add = true} : memref<1536xf32, #tpu.memory_space<vmem>>[vector<16xi32>], vector<16xf32>,
    %add3A_718 = arith.constant 80 : i32
    %add3A_719 = arith.addi %add3A_718, %mul3A_2 : i32
    %add3A_720 = vector.broadcast %add3A_719 : i32 to vector<16xi32>
    %add3A_721 = arith.addi %iota3A, %add3A_720 : vector<16xi32>
    %broadcast_in_dim3A_722 = arith.constant 0 : i32
    %broadcast_in_dim3A_723 = vector.broadcast %broadcast_in_dim3A_722 : i32 to vector<16xi32>
    %slice3A_724 = vector.extract_strided_slice %get3A_197 {offsets = [1], sizes = [1], strides = [1]} : vector<16xi32> to vector<1xi32>
    %squeeze3A_725 = vector.extract %slice3A_724[0] : i32 from vector<1xi32>
    %ge3A_726 = vector.broadcast %squeeze3A_725 : i32 to vector<16xi32>
    %ge3A_727 = arith.cmpi sge, %add3A_721, %ge3A_726 : vector<16xi32>
    %jit3A_728 = arith.constant 1 : i32
    %jit3A_729 = arith.constant 0 : i32
    %broadcast_in_dim3A_730 = vector.broadcast %jit3A_728 : i32 to vector<16xi32>
    %broadcast_in_dim3A_731 = vector.broadcast %jit3A_729 : i32 to vector<16xi32>
    %select_n3A_732 = arith.select %ge3A_727, %broadcast_in_dim3A_730, %broadcast_in_dim3A_731 : vector<16xi1>, vector<16xi32>
    %add3A_733 = arith.addi %broadcast_in_dim3A_723, %select_n3A_732 : vector<16xi32>
    %slice3A_734 = vector.extract_strided_slice %get3A_197 {offsets = [2], sizes = [1], strides = [1]} : vector<16xi32> to vector<1xi32>
    %squeeze3A_735 = vector.extract %slice3A_734[0] : i32 from vector<1xi32>
    %ge3A_736 = vector.broadcast %squeeze3A_735 : i32 to vector<16xi32>
    %ge3A_737 = arith.cmpi sge, %add3A_721, %ge3A_736 : vector<16xi32>
    %jit3A_738 = arith.constant 1 : i32
    %jit3A_739 = arith.constant 0 : i32
    %broadcast_in_dim3A_740 = vector.broadcast %jit3A_738 : i32 to vector<16xi32>
    %broadcast_in_dim3A_741 = vector.broadcast %jit3A_739 : i32 to vector<16xi32>
    %select_n3A_742 = arith.select %ge3A_737, %broadcast_in_dim3A_740, %broadcast_in_dim3A_741 : vector<16xi1>, vector<16xi32>
    %add3A_743 = arith.addi %add3A_733, %select_n3A_742 : vector<16xi32>
    %slice3A_744 = vector.extract_strided_slice %get3A_197 {offsets = [3], sizes = [1], strides = [1]} : vector<16xi32> to vector<1xi32>
    %squeeze3A_745 = vector.extract %slice3A_744[0] : i32 from vector<1xi32>
    %ge3A_746 = vector.broadcast %squeeze3A_745 : i32 to vector<16xi32>
    %ge3A_747 = arith.cmpi sge, %add3A_721, %ge3A_746 : vector<16xi32>
    %jit3A_748 = arith.constant 1 : i32
    %jit3A_749 = arith.constant 0 : i32
    %broadcast_in_dim3A_750 = vector.broadcast %jit3A_748 : i32 to vector<16xi32>
    %broadcast_in_dim3A_751 = vector.broadcast %jit3A_749 : i32 to vector<16xi32>
    %select_n3A_752 = arith.select %ge3A_747, %broadcast_in_dim3A_750, %broadcast_in_dim3A_751 : vector<16xi1>, vector<16xi32>
    %add3A_753 = arith.addi %add3A_743, %select_n3A_752 : vector<16xi32>
    %slice3A_754 = vector.extract_strided_slice %get3A_197 {offsets = [4], sizes = [1], strides = [1]} : vector<16xi32> to vector<1xi32>
    %squeeze3A_755 = vector.extract %slice3A_754[0] : i32 from vector<1xi32>
    %ge3A_756 = vector.broadcast %squeeze3A_755 : i32 to vector<16xi32>
    %ge3A_757 = arith.cmpi sge, %add3A_721, %ge3A_756 : vector<16xi32>
    %jit3A_758 = arith.constant 1 : i32
    %jit3A_759 = arith.constant 0 : i32
    %broadcast_in_dim3A_760 = vector.broadcast %jit3A_758 : i32 to vector<16xi32>
    %broadcast_in_dim3A_761 = vector.broadcast %jit3A_759 : i32 to vector<16xi32>
    %select_n3A_762 = arith.select %ge3A_757, %broadcast_in_dim3A_760, %broadcast_in_dim3A_761 : vector<16xi1>, vector<16xi32>
    %add3A_763 = arith.addi %add3A_753, %select_n3A_762 : vector<16xi32>
    %slice3A_764 = vector.extract_strided_slice %get3A_197 {offsets = [5], sizes = [1], strides = [1]} : vector<16xi32> to vector<1xi32>
    %squeeze3A_765 = vector.extract %slice3A_764[0] : i32 from vector<1xi32>
    %ge3A_766 = vector.broadcast %squeeze3A_765 : i32 to vector<16xi32>
    %ge3A_767 = arith.cmpi sge, %add3A_721, %ge3A_766 : vector<16xi32>
    %jit3A_768 = arith.constant 1 : i32
    %jit3A_769 = arith.constant 0 : i32
    %broadcast_in_dim3A_770 = vector.broadcast %jit3A_768 : i32 to vector<16xi32>
    %broadcast_in_dim3A_771 = vector.broadcast %jit3A_769 : i32 to vector<16xi32>
    %select_n3A_772 = arith.select %ge3A_767, %broadcast_in_dim3A_770, %broadcast_in_dim3A_771 : vector<16xi1>, vector<16xi32>
    %add3A_773 = arith.addi %add3A_763, %select_n3A_772 : vector<16xi32>
    %slice3A_774 = vector.extract_strided_slice %get3A_197 {offsets = [6], sizes = [1], strides = [1]} : vector<16xi32> to vector<1xi32>
    %squeeze3A_775 = vector.extract %slice3A_774[0] : i32 from vector<1xi32>
    %ge3A_776 = vector.broadcast %squeeze3A_775 : i32 to vector<16xi32>
    %ge3A_777 = arith.cmpi sge, %add3A_721, %ge3A_776 : vector<16xi32>
    %jit3A_778 = arith.constant 1 : i32
    %jit3A_779 = arith.constant 0 : i32
    %broadcast_in_dim3A_780 = vector.broadcast %jit3A_778 : i32 to vector<16xi32>
    %broadcast_in_dim3A_781 = vector.broadcast %jit3A_779 : i32 to vector<16xi32>
    %select_n3A_782 = arith.select %ge3A_777, %broadcast_in_dim3A_780, %broadcast_in_dim3A_781 : vector<16xi1>, vector<16xi32>
    %add3A_783 = arith.addi %add3A_773, %select_n3A_782 : vector<16xi32>
    %slice3A_784 = vector.extract_strided_slice %get3A_197 {offsets = [7], sizes = [1], strides = [1]} : vector<16xi32> to vector<1xi32>
    %squeeze3A_785 = vector.extract %slice3A_784[0] : i32 from vector<1xi32>
    %ge3A_786 = vector.broadcast %squeeze3A_785 : i32 to vector<16xi32>
    %ge3A_787 = arith.cmpi sge, %add3A_721, %ge3A_786 : vector<16xi32>
    %jit3A_788 = arith.constant 1 : i32
    %jit3A_789 = arith.constant 0 : i32
    %broadcast_in_dim3A_790 = vector.broadcast %jit3A_788 : i32 to vector<16xi32>
    %broadcast_in_dim3A_791 = vector.broadcast %jit3A_789 : i32 to vector<16xi32>
    %select_n3A_792 = arith.select %ge3A_787, %broadcast_in_dim3A_790, %broadcast_in_dim3A_791 : vector<16xi1>, vector<16xi32>
    %add3A_793 = arith.addi %add3A_783, %select_n3A_792 : vector<16xi32>
    %get3A_794 = arith.constant 0 : i32
    %get3A_795 = arith.index_cast %get3A_794 : i32 to index
    %get3A_796 = arith.constant 80 : index
    %get3A_797 = tpu.vector_load %arg9[%get3A_795, %get3A_796] {strides = array<i32>} : memref<1x512xi32, #tpu.memory_space<vmem>>, vector<16xi32>,
    %mul3A_798 = arith.constant 48 : i32
    %mul3A_799 = vector.broadcast %mul3A_798 : i32 to vector<16xi32>
    %mul3A_800 = arith.muli %add3A_793, %mul3A_799 : vector<16xi32>
    %add3A_801 = arith.addi %mul3A_800, %get3A_797 : vector<16xi32>
    tpu.vector_store_idx %arg11[%add3A_801], %broadcast_in_dim3A_196 {add = true} : memref<1536xf32, #tpu.memory_space<vmem>>[vector<16xi32>], vector<16xf32>,
    %get3A_802 = arith.constant 0 : i32
    %get3A_803 = arith.index_cast %get3A_802 : i32 to index
    %get3A_804 = arith.constant 80 : index
    %get3A_805 = tpu.vector_load %arg6[%get3A_803, %get3A_804] {strides = array<i32>} : memref<1x512xf32, #tpu.memory_space<vmem>>, vector<16xf32>,
    %add3A_806 = arith.constant 384 : i32
    %add3A_807 = vector.broadcast %add3A_806 : i32 to vector<16xi32>
    %add3A_808 = arith.addi %add3A_801, %add3A_807 : vector<16xi32>
    tpu.vector_store_idx %arg11[%add3A_808], %get3A_805 {add = true} : memref<1536xf32, #tpu.memory_space<vmem>>[vector<16xi32>], vector<16xf32>,
    %get3A_809 = arith.constant 0 : i32
    %get3A_810 = arith.index_cast %get3A_809 : i32 to index
    %get3A_811 = arith.constant 80 : index
    %get3A_812 = tpu.vector_load %arg7[%get3A_810, %get3A_811] {strides = array<i32>} : memref<1x512xf32, #tpu.memory_space<vmem>>, vector<16xf32>,
    %add3A_813 = arith.constant 768 : i32
    %add3A_814 = vector.broadcast %add3A_813 : i32 to vector<16xi32>
    %add3A_815 = arith.addi %add3A_801, %add3A_814 : vector<16xi32>
    tpu.vector_store_idx %arg11[%add3A_815], %get3A_812 {add = true} : memref<1536xf32, #tpu.memory_space<vmem>>[vector<16xi32>], vector<16xf32>,
    %get3A_816 = arith.constant 0 : i32
    %get3A_817 = arith.index_cast %get3A_816 : i32 to index
    %get3A_818 = arith.constant 80 : index
    %get3A_819 = tpu.vector_load %arg8[%get3A_817, %get3A_818] {strides = array<i32>} : memref<1x512xf32, #tpu.memory_space<vmem>>, vector<16xf32>,
    %add3A_820 = arith.constant 1152 : i32
    %add3A_821 = vector.broadcast %add3A_820 : i32 to vector<16xi32>
    %add3A_822 = arith.addi %add3A_801, %add3A_821 : vector<16xi32>
    tpu.vector_store_idx %arg11[%add3A_822], %get3A_819 {add = true} : memref<1536xf32, #tpu.memory_space<vmem>>[vector<16xi32>], vector<16xf32>,
    %add3A_823 = arith.constant 96 : i32
    %add3A_824 = arith.addi %add3A_823, %mul3A_2 : i32
    %add3A_825 = vector.broadcast %add3A_824 : i32 to vector<16xi32>
    %add3A_826 = arith.addi %iota3A, %add3A_825 : vector<16xi32>
    %broadcast_in_dim3A_827 = arith.constant 0 : i32
    %broadcast_in_dim3A_828 = vector.broadcast %broadcast_in_dim3A_827 : i32 to vector<16xi32>
    %slice3A_829 = vector.extract_strided_slice %get3A_197 {offsets = [1], sizes = [1], strides = [1]} : vector<16xi32> to vector<1xi32>
    %squeeze3A_830 = vector.extract %slice3A_829[0] : i32 from vector<1xi32>
    %ge3A_831 = vector.broadcast %squeeze3A_830 : i32 to vector<16xi32>
    %ge3A_832 = arith.cmpi sge, %add3A_826, %ge3A_831 : vector<16xi32>
    %jit3A_833 = arith.constant 1 : i32
    %jit3A_834 = arith.constant 0 : i32
    %broadcast_in_dim3A_835 = vector.broadcast %jit3A_833 : i32 to vector<16xi32>
    %broadcast_in_dim3A_836 = vector.broadcast %jit3A_834 : i32 to vector<16xi32>
    %select_n3A_837 = arith.select %ge3A_832, %broadcast_in_dim3A_835, %broadcast_in_dim3A_836 : vector<16xi1>, vector<16xi32>
    %add3A_838 = arith.addi %broadcast_in_dim3A_828, %select_n3A_837 : vector<16xi32>
    %slice3A_839 = vector.extract_strided_slice %get3A_197 {offsets = [2], sizes = [1], strides = [1]} : vector<16xi32> to vector<1xi32>
    %squeeze3A_840 = vector.extract %slice3A_839[0] : i32 from vector<1xi32>
    %ge3A_841 = vector.broadcast %squeeze3A_840 : i32 to vector<16xi32>
    %ge3A_842 = arith.cmpi sge, %add3A_826, %ge3A_841 : vector<16xi32>
    %jit3A_843 = arith.constant 1 : i32
    %jit3A_844 = arith.constant 0 : i32
    %broadcast_in_dim3A_845 = vector.broadcast %jit3A_843 : i32 to vector<16xi32>
    %broadcast_in_dim3A_846 = vector.broadcast %jit3A_844 : i32 to vector<16xi32>
    %select_n3A_847 = arith.select %ge3A_842, %broadcast_in_dim3A_845, %broadcast_in_dim3A_846 : vector<16xi1>, vector<16xi32>
    %add3A_848 = arith.addi %add3A_838, %select_n3A_847 : vector<16xi32>
    %slice3A_849 = vector.extract_strided_slice %get3A_197 {offsets = [3], sizes = [1], strides = [1]} : vector<16xi32> to vector<1xi32>
    %squeeze3A_850 = vector.extract %slice3A_849[0] : i32 from vector<1xi32>
    %ge3A_851 = vector.broadcast %squeeze3A_850 : i32 to vector<16xi32>
    %ge3A_852 = arith.cmpi sge, %add3A_826, %ge3A_851 : vector<16xi32>
    %jit3A_853 = arith.constant 1 : i32
    %jit3A_854 = arith.constant 0 : i32
    %broadcast_in_dim3A_855 = vector.broadcast %jit3A_853 : i32 to vector<16xi32>
    %broadcast_in_dim3A_856 = vector.broadcast %jit3A_854 : i32 to vector<16xi32>
    %select_n3A_857 = arith.select %ge3A_852, %broadcast_in_dim3A_855, %broadcast_in_dim3A_856 : vector<16xi1>, vector<16xi32>
    %add3A_858 = arith.addi %add3A_848, %select_n3A_857 : vector<16xi32>
    %slice3A_859 = vector.extract_strided_slice %get3A_197 {offsets = [4], sizes = [1], strides = [1]} : vector<16xi32> to vector<1xi32>
    %squeeze3A_860 = vector.extract %slice3A_859[0] : i32 from vector<1xi32>
    %ge3A_861 = vector.broadcast %squeeze3A_860 : i32 to vector<16xi32>
    %ge3A_862 = arith.cmpi sge, %add3A_826, %ge3A_861 : vector<16xi32>
    %jit3A_863 = arith.constant 1 : i32
    %jit3A_864 = arith.constant 0 : i32
    %broadcast_in_dim3A_865 = vector.broadcast %jit3A_863 : i32 to vector<16xi32>
    %broadcast_in_dim3A_866 = vector.broadcast %jit3A_864 : i32 to vector<16xi32>
    %select_n3A_867 = arith.select %ge3A_862, %broadcast_in_dim3A_865, %broadcast_in_dim3A_866 : vector<16xi1>, vector<16xi32>
    %add3A_868 = arith.addi %add3A_858, %select_n3A_867 : vector<16xi32>
    %slice3A_869 = vector.extract_strided_slice %get3A_197 {offsets = [5], sizes = [1], strides = [1]} : vector<16xi32> to vector<1xi32>
    %squeeze3A_870 = vector.extract %slice3A_869[0] : i32 from vector<1xi32>
    %ge3A_871 = vector.broadcast %squeeze3A_870 : i32 to vector<16xi32>
    %ge3A_872 = arith.cmpi sge, %add3A_826, %ge3A_871 : vector<16xi32>
    %jit3A_873 = arith.constant 1 : i32
    %jit3A_874 = arith.constant 0 : i32
    %broadcast_in_dim3A_875 = vector.broadcast %jit3A_873 : i32 to vector<16xi32>
    %broadcast_in_dim3A_876 = vector.broadcast %jit3A_874 : i32 to vector<16xi32>
    %select_n3A_877 = arith.select %ge3A_872, %broadcast_in_dim3A_875, %broadcast_in_dim3A_876 : vector<16xi1>, vector<16xi32>
    %add3A_878 = arith.addi %add3A_868, %select_n3A_877 : vector<16xi32>
    %slice3A_879 = vector.extract_strided_slice %get3A_197 {offsets = [6], sizes = [1], strides = [1]} : vector<16xi32> to vector<1xi32>
    %squeeze3A_880 = vector.extract %slice3A_879[0] : i32 from vector<1xi32>
    %ge3A_881 = vector.broadcast %squeeze3A_880 : i32 to vector<16xi32>
    %ge3A_882 = arith.cmpi sge, %add3A_826, %ge3A_881 : vector<16xi32>
    %jit3A_883 = arith.constant 1 : i32
    %jit3A_884 = arith.constant 0 : i32
    %broadcast_in_dim3A_885 = vector.broadcast %jit3A_883 : i32 to vector<16xi32>
    %broadcast_in_dim3A_886 = vector.broadcast %jit3A_884 : i32 to vector<16xi32>
    %select_n3A_887 = arith.select %ge3A_882, %broadcast_in_dim3A_885, %broadcast_in_dim3A_886 : vector<16xi1>, vector<16xi32>
    %add3A_888 = arith.addi %add3A_878, %select_n3A_887 : vector<16xi32>
    %slice3A_889 = vector.extract_strided_slice %get3A_197 {offsets = [7], sizes = [1], strides = [1]} : vector<16xi32> to vector<1xi32>
    %squeeze3A_890 = vector.extract %slice3A_889[0] : i32 from vector<1xi32>
    %ge3A_891 = vector.broadcast %squeeze3A_890 : i32 to vector<16xi32>
    %ge3A_892 = arith.cmpi sge, %add3A_826, %ge3A_891 : vector<16xi32>
    %jit3A_893 = arith.constant 1 : i32
    %jit3A_894 = arith.constant 0 : i32
    %broadcast_in_dim3A_895 = vector.broadcast %jit3A_893 : i32 to vector<16xi32>
    %broadcast_in_dim3A_896 = vector.broadcast %jit3A_894 : i32 to vector<16xi32>
    %select_n3A_897 = arith.select %ge3A_892, %broadcast_in_dim3A_895, %broadcast_in_dim3A_896 : vector<16xi1>, vector<16xi32>
    %add3A_898 = arith.addi %add3A_888, %select_n3A_897 : vector<16xi32>
    %get3A_899 = arith.constant 0 : i32
    %get3A_900 = arith.index_cast %get3A_899 : i32 to index
    %get3A_901 = arith.constant 96 : index
    %get3A_902 = tpu.vector_load %arg9[%get3A_900, %get3A_901] {strides = array<i32>} : memref<1x512xi32, #tpu.memory_space<vmem>>, vector<16xi32>,
    %mul3A_903 = arith.constant 48 : i32
    %mul3A_904 = vector.broadcast %mul3A_903 : i32 to vector<16xi32>
    %mul3A_905 = arith.muli %add3A_898, %mul3A_904 : vector<16xi32>
    %add3A_906 = arith.addi %mul3A_905, %get3A_902 : vector<16xi32>
    tpu.vector_store_idx %arg11[%add3A_906], %broadcast_in_dim3A_196 {add = true} : memref<1536xf32, #tpu.memory_space<vmem>>[vector<16xi32>], vector<16xf32>,
    %get3A_907 = arith.constant 0 : i32
    %get3A_908 = arith.index_cast %get3A_907 : i32 to index
    %get3A_909 = arith.constant 96 : index
    %get3A_910 = tpu.vector_load %arg6[%get3A_908, %get3A_909] {strides = array<i32>} : memref<1x512xf32, #tpu.memory_space<vmem>>, vector<16xf32>,
    %add3A_911 = arith.constant 384 : i32
    %add3A_912 = vector.broadcast %add3A_911 : i32 to vector<16xi32>
    %add3A_913 = arith.addi %add3A_906, %add3A_912 : vector<16xi32>
    tpu.vector_store_idx %arg11[%add3A_913], %get3A_910 {add = true} : memref<1536xf32, #tpu.memory_space<vmem>>[vector<16xi32>], vector<16xf32>,
    %get3A_914 = arith.constant 0 : i32
    %get3A_915 = arith.index_cast %get3A_914 : i32 to index
    %get3A_916 = arith.constant 96 : index
    %get3A_917 = tpu.vector_load %arg7[%get3A_915, %get3A_916] {strides = array<i32>} : memref<1x512xf32, #tpu.memory_space<vmem>>, vector<16xf32>,
    %add3A_918 = arith.constant 768 : i32
    %add3A_919 = vector.broadcast %add3A_918 : i32 to vector<16xi32>
    %add3A_920 = arith.addi %add3A_906, %add3A_919 : vector<16xi32>
    tpu.vector_store_idx %arg11[%add3A_920], %get3A_917 {add = true} : memref<1536xf32, #tpu.memory_space<vmem>>[vector<16xi32>], vector<16xf32>,
    %get3A_921 = arith.constant 0 : i32
    %get3A_922 = arith.index_cast %get3A_921 : i32 to index
    %get3A_923 = arith.constant 96 : index
    %get3A_924 = tpu.vector_load %arg8[%get3A_922, %get3A_923] {strides = array<i32>} : memref<1x512xf32, #tpu.memory_space<vmem>>, vector<16xf32>,
    %add3A_925 = arith.constant 1152 : i32
    %add3A_926 = vector.broadcast %add3A_925 : i32 to vector<16xi32>
    %add3A_927 = arith.addi %add3A_906, %add3A_926 : vector<16xi32>
    tpu.vector_store_idx %arg11[%add3A_927], %get3A_924 {add = true} : memref<1536xf32, #tpu.memory_space<vmem>>[vector<16xi32>], vector<16xf32>,
    %add3A_928 = arith.constant 112 : i32
    %add3A_929 = arith.addi %add3A_928, %mul3A_2 : i32
    %add3A_930 = vector.broadcast %add3A_929 : i32 to vector<16xi32>
    %add3A_931 = arith.addi %iota3A, %add3A_930 : vector<16xi32>
    %broadcast_in_dim3A_932 = arith.constant 0 : i32
    %broadcast_in_dim3A_933 = vector.broadcast %broadcast_in_dim3A_932 : i32 to vector<16xi32>
    %slice3A_934 = vector.extract_strided_slice %get3A_197 {offsets = [1], sizes = [1], strides = [1]} : vector<16xi32> to vector<1xi32>
    %squeeze3A_935 = vector.extract %slice3A_934[0] : i32 from vector<1xi32>
    %ge3A_936 = vector.broadcast %squeeze3A_935 : i32 to vector<16xi32>
    %ge3A_937 = arith.cmpi sge, %add3A_931, %ge3A_936 : vector<16xi32>
    %jit3A_938 = arith.constant 1 : i32
    %jit3A_939 = arith.constant 0 : i32
    %broadcast_in_dim3A_940 = vector.broadcast %jit3A_938 : i32 to vector<16xi32>
    %broadcast_in_dim3A_941 = vector.broadcast %jit3A_939 : i32 to vector<16xi32>
    %select_n3A_942 = arith.select %ge3A_937, %broadcast_in_dim3A_940, %broadcast_in_dim3A_941 : vector<16xi1>, vector<16xi32>
    %add3A_943 = arith.addi %broadcast_in_dim3A_933, %select_n3A_942 : vector<16xi32>
    %slice3A_944 = vector.extract_strided_slice %get3A_197 {offsets = [2], sizes = [1], strides = [1]} : vector<16xi32> to vector<1xi32>
    %squeeze3A_945 = vector.extract %slice3A_944[0] : i32 from vector<1xi32>
    %ge3A_946 = vector.broadcast %squeeze3A_945 : i32 to vector<16xi32>
    %ge3A_947 = arith.cmpi sge, %add3A_931, %ge3A_946 : vector<16xi32>
    %jit3A_948 = arith.constant 1 : i32
    %jit3A_949 = arith.constant 0 : i32
    %broadcast_in_dim3A_950 = vector.broadcast %jit3A_948 : i32 to vector<16xi32>
    %broadcast_in_dim3A_951 = vector.broadcast %jit3A_949 : i32 to vector<16xi32>
    %select_n3A_952 = arith.select %ge3A_947, %broadcast_in_dim3A_950, %broadcast_in_dim3A_951 : vector<16xi1>, vector<16xi32>
    %add3A_953 = arith.addi %add3A_943, %select_n3A_952 : vector<16xi32>
    %slice3A_954 = vector.extract_strided_slice %get3A_197 {offsets = [3], sizes = [1], strides = [1]} : vector<16xi32> to vector<1xi32>
    %squeeze3A_955 = vector.extract %slice3A_954[0] : i32 from vector<1xi32>
    %ge3A_956 = vector.broadcast %squeeze3A_955 : i32 to vector<16xi32>
    %ge3A_957 = arith.cmpi sge, %add3A_931, %ge3A_956 : vector<16xi32>
    %jit3A_958 = arith.constant 1 : i32
    %jit3A_959 = arith.constant 0 : i32
    %broadcast_in_dim3A_960 = vector.broadcast %jit3A_958 : i32 to vector<16xi32>
    %broadcast_in_dim3A_961 = vector.broadcast %jit3A_959 : i32 to vector<16xi32>
    %select_n3A_962 = arith.select %ge3A_957, %broadcast_in_dim3A_960, %broadcast_in_dim3A_961 : vector<16xi1>, vector<16xi32>
    %add3A_963 = arith.addi %add3A_953, %select_n3A_962 : vector<16xi32>
    %slice3A_964 = vector.extract_strided_slice %get3A_197 {offsets = [4], sizes = [1], strides = [1]} : vector<16xi32> to vector<1xi32>
    %squeeze3A_965 = vector.extract %slice3A_964[0] : i32 from vector<1xi32>
    %ge3A_966 = vector.broadcast %squeeze3A_965 : i32 to vector<16xi32>
    %ge3A_967 = arith.cmpi sge, %add3A_931, %ge3A_966 : vector<16xi32>
    %jit3A_968 = arith.constant 1 : i32
    %jit3A_969 = arith.constant 0 : i32
    %broadcast_in_dim3A_970 = vector.broadcast %jit3A_968 : i32 to vector<16xi32>
    %broadcast_in_dim3A_971 = vector.broadcast %jit3A_969 : i32 to vector<16xi32>
    %select_n3A_972 = arith.select %ge3A_967, %broadcast_in_dim3A_970, %broadcast_in_dim3A_971 : vector<16xi1>, vector<16xi32>
    %add3A_973 = arith.addi %add3A_963, %select_n3A_972 : vector<16xi32>
    %slice3A_974 = vector.extract_strided_slice %get3A_197 {offsets = [5], sizes = [1], strides = [1]} : vector<16xi32> to vector<1xi32>
    %squeeze3A_975 = vector.extract %slice3A_974[0] : i32 from vector<1xi32>
    %ge3A_976 = vector.broadcast %squeeze3A_975 : i32 to vector<16xi32>
    %ge3A_977 = arith.cmpi sge, %add3A_931, %ge3A_976 : vector<16xi32>
    %jit3A_978 = arith.constant 1 : i32
    %jit3A_979 = arith.constant 0 : i32
    %broadcast_in_dim3A_980 = vector.broadcast %jit3A_978 : i32 to vector<16xi32>
    %broadcast_in_dim3A_981 = vector.broadcast %jit3A_979 : i32 to vector<16xi32>
    %select_n3A_982 = arith.select %ge3A_977, %broadcast_in_dim3A_980, %broadcast_in_dim3A_981 : vector<16xi1>, vector<16xi32>
    %add3A_983 = arith.addi %add3A_973, %select_n3A_982 : vector<16xi32>
    %slice3A_984 = vector.extract_strided_slice %get3A_197 {offsets = [6], sizes = [1], strides = [1]} : vector<16xi32> to vector<1xi32>
    %squeeze3A_985 = vector.extract %slice3A_984[0] : i32 from vector<1xi32>
    %ge3A_986 = vector.broadcast %squeeze3A_985 : i32 to vector<16xi32>
    %ge3A_987 = arith.cmpi sge, %add3A_931, %ge3A_986 : vector<16xi32>
    %jit3A_988 = arith.constant 1 : i32
    %jit3A_989 = arith.constant 0 : i32
    %broadcast_in_dim3A_990 = vector.broadcast %jit3A_988 : i32 to vector<16xi32>
    %broadcast_in_dim3A_991 = vector.broadcast %jit3A_989 : i32 to vector<16xi32>
    %select_n3A_992 = arith.select %ge3A_987, %broadcast_in_dim3A_990, %broadcast_in_dim3A_991 : vector<16xi1>, vector<16xi32>
    %add3A_993 = arith.addi %add3A_983, %select_n3A_992 : vector<16xi32>
    %slice3A_994 = vector.extract_strided_slice %get3A_197 {offsets = [7], sizes = [1], strides = [1]} : vector<16xi32> to vector<1xi32>
    %squeeze3A_995 = vector.extract %slice3A_994[0] : i32 from vector<1xi32>
    %ge3A_996 = vector.broadcast %squeeze3A_995 : i32 to vector<16xi32>
    %ge3A_997 = arith.cmpi sge, %add3A_931, %ge3A_996 : vector<16xi32>
    %jit3A_998 = arith.constant 1 : i32
    %jit3A_999 = arith.constant 0 : i32
    %broadcast_in_dim3A_1000 = vector.broadcast %jit3A_998 : i32 to vector<16xi32>
    %broadcast_in_dim3A_1001 = vector.broadcast %jit3A_999 : i32 to vector<16xi32>
    %select_n3A_1002 = arith.select %ge3A_997, %broadcast_in_dim3A_1000, %broadcast_in_dim3A_1001 : vector<16xi1>, vector<16xi32>
    %add3A_1003 = arith.addi %add3A_993, %select_n3A_1002 : vector<16xi32>
    %get3A_1004 = arith.constant 0 : i32
    %get3A_1005 = arith.index_cast %get3A_1004 : i32 to index
    %get3A_1006 = arith.constant 112 : index
    %get3A_1007 = tpu.vector_load %arg9[%get3A_1005, %get3A_1006] {strides = array<i32>} : memref<1x512xi32, #tpu.memory_space<vmem>>, vector<16xi32>,
    %mul3A_1008 = arith.constant 48 : i32
    %mul3A_1009 = vector.broadcast %mul3A_1008 : i32 to vector<16xi32>
    %mul3A_1010 = arith.muli %add3A_1003, %mul3A_1009 : vector<16xi32>
    %add3A_1011 = arith.addi %mul3A_1010, %get3A_1007 : vector<16xi32>
    tpu.vector_store_idx %arg11[%add3A_1011], %broadcast_in_dim3A_196 {add = true} : memref<1536xf32, #tpu.memory_space<vmem>>[vector<16xi32>], vector<16xf32>,
    %get3A_1012 = arith.constant 0 : i32
    %get3A_1013 = arith.index_cast %get3A_1012 : i32 to index
    %get3A_1014 = arith.constant 112 : index
    %get3A_1015 = tpu.vector_load %arg6[%get3A_1013, %get3A_1014] {strides = array<i32>} : memref<1x512xf32, #tpu.memory_space<vmem>>, vector<16xf32>,
    %add3A_1016 = arith.constant 384 : i32
    %add3A_1017 = vector.broadcast %add3A_1016 : i32 to vector<16xi32>
    %add3A_1018 = arith.addi %add3A_1011, %add3A_1017 : vector<16xi32>
    tpu.vector_store_idx %arg11[%add3A_1018], %get3A_1015 {add = true} : memref<1536xf32, #tpu.memory_space<vmem>>[vector<16xi32>], vector<16xf32>,
    %get3A_1019 = arith.constant 0 : i32
    %get3A_1020 = arith.index_cast %get3A_1019 : i32 to index
    %get3A_1021 = arith.constant 112 : index
    %get3A_1022 = tpu.vector_load %arg7[%get3A_1020, %get3A_1021] {strides = array<i32>} : memref<1x512xf32, #tpu.memory_space<vmem>>, vector<16xf32>,
    %add3A_1023 = arith.constant 768 : i32
    %add3A_1024 = vector.broadcast %add3A_1023 : i32 to vector<16xi32>
    %add3A_1025 = arith.addi %add3A_1011, %add3A_1024 : vector<16xi32>
    tpu.vector_store_idx %arg11[%add3A_1025], %get3A_1022 {add = true} : memref<1536xf32, #tpu.memory_space<vmem>>[vector<16xi32>], vector<16xf32>,
    %get3A_1026 = arith.constant 0 : i32
    %get3A_1027 = arith.index_cast %get3A_1026 : i32 to index
    %get3A_1028 = arith.constant 112 : index
    %get3A_1029 = tpu.vector_load %arg8[%get3A_1027, %get3A_1028] {strides = array<i32>} : memref<1x512xf32, #tpu.memory_space<vmem>>, vector<16xf32>,
    %add3A_1030 = arith.constant 1152 : i32
    %add3A_1031 = vector.broadcast %add3A_1030 : i32 to vector<16xi32>
    %add3A_1032 = arith.addi %add3A_1011, %add3A_1031 : vector<16xi32>
    tpu.vector_store_idx %arg11[%add3A_1032], %get3A_1029 {add = true} : memref<1536xf32, #tpu.memory_space<vmem>>[vector<16xi32>], vector<16xf32>,
    %add3A_1033 = arith.constant 128 : i32
    %add3A_1034 = arith.addi %add3A_1033, %mul3A_2 : i32
    %add3A_1035 = vector.broadcast %add3A_1034 : i32 to vector<16xi32>
    %add3A_1036 = arith.addi %iota3A, %add3A_1035 : vector<16xi32>
    %broadcast_in_dim3A_1037 = arith.constant 0 : i32
    %broadcast_in_dim3A_1038 = vector.broadcast %broadcast_in_dim3A_1037 : i32 to vector<16xi32>
    %slice3A_1039 = vector.extract_strided_slice %get3A_197 {offsets = [1], sizes = [1], strides = [1]} : vector<16xi32> to vector<1xi32>
    %squeeze3A_1040 = vector.extract %slice3A_1039[0] : i32 from vector<1xi32>
    %ge3A_1041 = vector.broadcast %squeeze3A_1040 : i32 to vector<16xi32>
    %ge3A_1042 = arith.cmpi sge, %add3A_1036, %ge3A_1041 : vector<16xi32>
    %jit3A_1043 = arith.constant 1 : i32
    %jit3A_1044 = arith.constant 0 : i32
    %broadcast_in_dim3A_1045 = vector.broadcast %jit3A_1043 : i32 to vector<16xi32>
    %broadcast_in_dim3A_1046 = vector.broadcast %jit3A_1044 : i32 to vector<16xi32>
    %select_n3A_1047 = arith.select %ge3A_1042, %broadcast_in_dim3A_1045, %broadcast_in_dim3A_1046 : vector<16xi1>, vector<16xi32>
    %add3A_1048 = arith.addi %broadcast_in_dim3A_1038, %select_n3A_1047 : vector<16xi32>
    %slice3A_1049 = vector.extract_strided_slice %get3A_197 {offsets = [2], sizes = [1], strides = [1]} : vector<16xi32> to vector<1xi32>
    %squeeze3A_1050 = vector.extract %slice3A_1049[0] : i32 from vector<1xi32>
    %ge3A_1051 = vector.broadcast %squeeze3A_1050 : i32 to vector<16xi32>
    %ge3A_1052 = arith.cmpi sge, %add3A_1036, %ge3A_1051 : vector<16xi32>
    %jit3A_1053 = arith.constant 1 : i32
    %jit3A_1054 = arith.constant 0 : i32
    %broadcast_in_dim3A_1055 = vector.broadcast %jit3A_1053 : i32 to vector<16xi32>
    %broadcast_in_dim3A_1056 = vector.broadcast %jit3A_1054 : i32 to vector<16xi32>
    %select_n3A_1057 = arith.select %ge3A_1052, %broadcast_in_dim3A_1055, %broadcast_in_dim3A_1056 : vector<16xi1>, vector<16xi32>
    %add3A_1058 = arith.addi %add3A_1048, %select_n3A_1057 : vector<16xi32>
    %slice3A_1059 = vector.extract_strided_slice %get3A_197 {offsets = [3], sizes = [1], strides = [1]} : vector<16xi32> to vector<1xi32>
    %squeeze3A_1060 = vector.extract %slice3A_1059[0] : i32 from vector<1xi32>
    %ge3A_1061 = vector.broadcast %squeeze3A_1060 : i32 to vector<16xi32>
    %ge3A_1062 = arith.cmpi sge, %add3A_1036, %ge3A_1061 : vector<16xi32>
    %jit3A_1063 = arith.constant 1 : i32
    %jit3A_1064 = arith.constant 0 : i32
    %broadcast_in_dim3A_1065 = vector.broadcast %jit3A_1063 : i32 to vector<16xi32>
    %broadcast_in_dim3A_1066 = vector.broadcast %jit3A_1064 : i32 to vector<16xi32>
    %select_n3A_1067 = arith.select %ge3A_1062, %broadcast_in_dim3A_1065, %broadcast_in_dim3A_1066 : vector<16xi1>, vector<16xi32>
    %add3A_1068 = arith.addi %add3A_1058, %select_n3A_1067 : vector<16xi32>
    %slice3A_1069 = vector.extract_strided_slice %get3A_197 {offsets = [4], sizes = [1], strides = [1]} : vector<16xi32> to vector<1xi32>
    %squeeze3A_1070 = vector.extract %slice3A_1069[0] : i32 from vector<1xi32>
    %ge3A_1071 = vector.broadcast %squeeze3A_1070 : i32 to vector<16xi32>
    %ge3A_1072 = arith.cmpi sge, %add3A_1036, %ge3A_1071 : vector<16xi32>
    %jit3A_1073 = arith.constant 1 : i32
    %jit3A_1074 = arith.constant 0 : i32
    %broadcast_in_dim3A_1075 = vector.broadcast %jit3A_1073 : i32 to vector<16xi32>
    %broadcast_in_dim3A_1076 = vector.broadcast %jit3A_1074 : i32 to vector<16xi32>
    %select_n3A_1077 = arith.select %ge3A_1072, %broadcast_in_dim3A_1075, %broadcast_in_dim3A_1076 : vector<16xi1>, vector<16xi32>
    %add3A_1078 = arith.addi %add3A_1068, %select_n3A_1077 : vector<16xi32>
    %slice3A_1079 = vector.extract_strided_slice %get3A_197 {offsets = [5], sizes = [1], strides = [1]} : vector<16xi32> to vector<1xi32>
    %squeeze3A_1080 = vector.extract %slice3A_1079[0] : i32 from vector<1xi32>
    %ge3A_1081 = vector.broadcast %squeeze3A_1080 : i32 to vector<16xi32>
    %ge3A_1082 = arith.cmpi sge, %add3A_1036, %ge3A_1081 : vector<16xi32>
    %jit3A_1083 = arith.constant 1 : i32
    %jit3A_1084 = arith.constant 0 : i32
    %broadcast_in_dim3A_1085 = vector.broadcast %jit3A_1083 : i32 to vector<16xi32>
    %broadcast_in_dim3A_1086 = vector.broadcast %jit3A_1084 : i32 to vector<16xi32>
    %select_n3A_1087 = arith.select %ge3A_1082, %broadcast_in_dim3A_1085, %broadcast_in_dim3A_1086 : vector<16xi1>, vector<16xi32>
    %add3A_1088 = arith.addi %add3A_1078, %select_n3A_1087 : vector<16xi32>
    %slice3A_1089 = vector.extract_strided_slice %get3A_197 {offsets = [6], sizes = [1], strides = [1]} : vector<16xi32> to vector<1xi32>
    %squeeze3A_1090 = vector.extract %slice3A_1089[0] : i32 from vector<1xi32>
    %ge3A_1091 = vector.broadcast %squeeze3A_1090 : i32 to vector<16xi32>
    %ge3A_1092 = arith.cmpi sge, %add3A_1036, %ge3A_1091 : vector<16xi32>
    %jit3A_1093 = arith.constant 1 : i32
    %jit3A_1094 = arith.constant 0 : i32
    %broadcast_in_dim3A_1095 = vector.broadcast %jit3A_1093 : i32 to vector<16xi32>
    %broadcast_in_dim3A_1096 = vector.broadcast %jit3A_1094 : i32 to vector<16xi32>
    %select_n3A_1097 = arith.select %ge3A_1092, %broadcast_in_dim3A_1095, %broadcast_in_dim3A_1096 : vector<16xi1>, vector<16xi32>
    %add3A_1098 = arith.addi %add3A_1088, %select_n3A_1097 : vector<16xi32>
    %slice3A_1099 = vector.extract_strided_slice %get3A_197 {offsets = [7], sizes = [1], strides = [1]} : vector<16xi32> to vector<1xi32>
    %squeeze3A_1100 = vector.extract %slice3A_1099[0] : i32 from vector<1xi32>
    %ge3A_1101 = vector.broadcast %squeeze3A_1100 : i32 to vector<16xi32>
    %ge3A_1102 = arith.cmpi sge, %add3A_1036, %ge3A_1101 : vector<16xi32>
    %jit3A_1103 = arith.constant 1 : i32
    %jit3A_1104 = arith.constant 0 : i32
    %broadcast_in_dim3A_1105 = vector.broadcast %jit3A_1103 : i32 to vector<16xi32>
    %broadcast_in_dim3A_1106 = vector.broadcast %jit3A_1104 : i32 to vector<16xi32>
    %select_n3A_1107 = arith.select %ge3A_1102, %broadcast_in_dim3A_1105, %broadcast_in_dim3A_1106 : vector<16xi1>, vector<16xi32>
    %add3A_1108 = arith.addi %add3A_1098, %select_n3A_1107 : vector<16xi32>
    %get3A_1109 = arith.constant 0 : i32
    %get3A_1110 = arith.index_cast %get3A_1109 : i32 to index
    %get3A_1111 = arith.constant 128 : index
    %get3A_1112 = tpu.vector_load %arg9[%get3A_1110, %get3A_1111] {strides = array<i32>} : memref<1x512xi32, #tpu.memory_space<vmem>>, vector<16xi32>,
    %mul3A_1113 = arith.constant 48 : i32
    %mul3A_1114 = vector.broadcast %mul3A_1113 : i32 to vector<16xi32>
    %mul3A_1115 = arith.muli %add3A_1108, %mul3A_1114 : vector<16xi32>
    %add3A_1116 = arith.addi %mul3A_1115, %get3A_1112 : vector<16xi32>
    tpu.vector_store_idx %arg11[%add3A_1116], %broadcast_in_dim3A_196 {add = true} : memref<1536xf32, #tpu.memory_space<vmem>>[vector<16xi32>], vector<16xf32>,
    %get3A_1117 = arith.constant 0 : i32
    %get3A_1118 = arith.index_cast %get3A_1117 : i32 to index
    %get3A_1119 = arith.constant 128 : index
    %get3A_1120 = tpu.vector_load %arg6[%get3A_1118, %get3A_1119] {strides = array<i32>} : memref<1x512xf32, #tpu.memory_space<vmem>>, vector<16xf32>,
    %add3A_1121 = arith.constant 384 : i32
    %add3A_1122 = vector.broadcast %add3A_1121 : i32 to vector<16xi32>
    %add3A_1123 = arith.addi %add3A_1116, %add3A_1122 : vector<16xi32>
    tpu.vector_store_idx %arg11[%add3A_1123], %get3A_1120 {add = true} : memref<1536xf32, #tpu.memory_space<vmem>>[vector<16xi32>], vector<16xf32>,
    %get3A_1124 = arith.constant 0 : i32
    %get3A_1125 = arith.index_cast %get3A_1124 : i32 to index
    %get3A_1126 = arith.constant 128 : index
    %get3A_1127 = tpu.vector_load %arg7[%get3A_1125, %get3A_1126] {strides = array<i32>} : memref<1x512xf32, #tpu.memory_space<vmem>>, vector<16xf32>,
    %add3A_1128 = arith.constant 768 : i32
    %add3A_1129 = vector.broadcast %add3A_1128 : i32 to vector<16xi32>
    %add3A_1130 = arith.addi %add3A_1116, %add3A_1129 : vector<16xi32>
    tpu.vector_store_idx %arg11[%add3A_1130], %get3A_1127 {add = true} : memref<1536xf32, #tpu.memory_space<vmem>>[vector<16xi32>], vector<16xf32>,
    %get3A_1131 = arith.constant 0 : i32
    %get3A_1132 = arith.index_cast %get3A_1131 : i32 to index
    %get3A_1133 = arith.constant 128 : index
    %get3A_1134 = tpu.vector_load %arg8[%get3A_1132, %get3A_1133] {strides = array<i32>} : memref<1x512xf32, #tpu.memory_space<vmem>>, vector<16xf32>,
    %add3A_1135 = arith.constant 1152 : i32
    %add3A_1136 = vector.broadcast %add3A_1135 : i32 to vector<16xi32>
    %add3A_1137 = arith.addi %add3A_1116, %add3A_1136 : vector<16xi32>
    tpu.vector_store_idx %arg11[%add3A_1137], %get3A_1134 {add = true} : memref<1536xf32, #tpu.memory_space<vmem>>[vector<16xi32>], vector<16xf32>,
    %add3A_1138 = arith.constant 144 : i32
    %add3A_1139 = arith.addi %add3A_1138, %mul3A_2 : i32
    %add3A_1140 = vector.broadcast %add3A_1139 : i32 to vector<16xi32>
    %add3A_1141 = arith.addi %iota3A, %add3A_1140 : vector<16xi32>
    %broadcast_in_dim3A_1142 = arith.constant 0 : i32
    %broadcast_in_dim3A_1143 = vector.broadcast %broadcast_in_dim3A_1142 : i32 to vector<16xi32>
    %slice3A_1144 = vector.extract_strided_slice %get3A_197 {offsets = [1], sizes = [1], strides = [1]} : vector<16xi32> to vector<1xi32>
    %squeeze3A_1145 = vector.extract %slice3A_1144[0] : i32 from vector<1xi32>
    %ge3A_1146 = vector.broadcast %squeeze3A_1145 : i32 to vector<16xi32>
    %ge3A_1147 = arith.cmpi sge, %add3A_1141, %ge3A_1146 : vector<16xi32>
    %jit3A_1148 = arith.constant 1 : i32
    %jit3A_1149 = arith.constant 0 : i32
    %broadcast_in_dim3A_1150 = vector.broadcast %jit3A_1148 : i32 to vector<16xi32>
    %broadcast_in_dim3A_1151 = vector.broadcast %jit3A_1149 : i32 to vector<16xi32>
    %select_n3A_1152 = arith.select %ge3A_1147, %broadcast_in_dim3A_1150, %broadcast_in_dim3A_1151 : vector<16xi1>, vector<16xi32>
    %add3A_1153 = arith.addi %broadcast_in_dim3A_1143, %select_n3A_1152 : vector<16xi32>
    %slice3A_1154 = vector.extract_strided_slice %get3A_197 {offsets = [2], sizes = [1], strides = [1]} : vector<16xi32> to vector<1xi32>
    %squeeze3A_1155 = vector.extract %slice3A_1154[0] : i32 from vector<1xi32>
    %ge3A_1156 = vector.broadcast %squeeze3A_1155 : i32 to vector<16xi32>
    %ge3A_1157 = arith.cmpi sge, %add3A_1141, %ge3A_1156 : vector<16xi32>
    %jit3A_1158 = arith.constant 1 : i32
    %jit3A_1159 = arith.constant 0 : i32
    %broadcast_in_dim3A_1160 = vector.broadcast %jit3A_1158 : i32 to vector<16xi32>
    %broadcast_in_dim3A_1161 = vector.broadcast %jit3A_1159 : i32 to vector<16xi32>
    %select_n3A_1162 = arith.select %ge3A_1157, %broadcast_in_dim3A_1160, %broadcast_in_dim3A_1161 : vector<16xi1>, vector<16xi32>
    %add3A_1163 = arith.addi %add3A_1153, %select_n3A_1162 : vector<16xi32>
    %slice3A_1164 = vector.extract_strided_slice %get3A_197 {offsets = [3], sizes = [1], strides = [1]} : vector<16xi32> to vector<1xi32>
    %squeeze3A_1165 = vector.extract %slice3A_1164[0] : i32 from vector<1xi32>
    %ge3A_1166 = vector.broadcast %squeeze3A_1165 : i32 to vector<16xi32>
    %ge3A_1167 = arith.cmpi sge, %add3A_1141, %ge3A_1166 : vector<16xi32>
    %jit3A_1168 = arith.constant 1 : i32
    %jit3A_1169 = arith.constant 0 : i32
    %broadcast_in_dim3A_1170 = vector.broadcast %jit3A_1168 : i32 to vector<16xi32>
    %broadcast_in_dim3A_1171 = vector.broadcast %jit3A_1169 : i32 to vector<16xi32>
    %select_n3A_1172 = arith.select %ge3A_1167, %broadcast_in_dim3A_1170, %broadcast_in_dim3A_1171 : vector<16xi1>, vector<16xi32>
    %add3A_1173 = arith.addi %add3A_1163, %select_n3A_1172 : vector<16xi32>
    %slice3A_1174 = vector.extract_strided_slice %get3A_197 {offsets = [4], sizes = [1], strides = [1]} : vector<16xi32> to vector<1xi32>
    %squeeze3A_1175 = vector.extract %slice3A_1174[0] : i32 from vector<1xi32>
    %ge3A_1176 = vector.broadcast %squeeze3A_1175 : i32 to vector<16xi32>
    %ge3A_1177 = arith.cmpi sge, %add3A_1141, %ge3A_1176 : vector<16xi32>
    %jit3A_1178 = arith.constant 1 : i32
    %jit3A_1179 = arith.constant 0 : i32
    %broadcast_in_dim3A_1180 = vector.broadcast %jit3A_1178 : i32 to vector<16xi32>
    %broadcast_in_dim3A_1181 = vector.broadcast %jit3A_1179 : i32 to vector<16xi32>
    %select_n3A_1182 = arith.select %ge3A_1177, %broadcast_in_dim3A_1180, %broadcast_in_dim3A_1181 : vector<16xi1>, vector<16xi32>
    %add3A_1183 = arith.addi %add3A_1173, %select_n3A_1182 : vector<16xi32>
    %slice3A_1184 = vector.extract_strided_slice %get3A_197 {offsets = [5], sizes = [1], strides = [1]} : vector<16xi32> to vector<1xi32>
    %squeeze3A_1185 = vector.extract %slice3A_1184[0] : i32 from vector<1xi32>
    %ge3A_1186 = vector.broadcast %squeeze3A_1185 : i32 to vector<16xi32>
    %ge3A_1187 = arith.cmpi sge, %add3A_1141, %ge3A_1186 : vector<16xi32>
    %jit3A_1188 = arith.constant 1 : i32
    %jit3A_1189 = arith.constant 0 : i32
    %broadcast_in_dim3A_1190 = vector.broadcast %jit3A_1188 : i32 to vector<16xi32>
    %broadcast_in_dim3A_1191 = vector.broadcast %jit3A_1189 : i32 to vector<16xi32>
    %select_n3A_1192 = arith.select %ge3A_1187, %broadcast_in_dim3A_1190, %broadcast_in_dim3A_1191 : vector<16xi1>, vector<16xi32>
    %add3A_1193 = arith.addi %add3A_1183, %select_n3A_1192 : vector<16xi32>
    %slice3A_1194 = vector.extract_strided_slice %get3A_197 {offsets = [6], sizes = [1], strides = [1]} : vector<16xi32> to vector<1xi32>
    %squeeze3A_1195 = vector.extract %slice3A_1194[0] : i32 from vector<1xi32>
    %ge3A_1196 = vector.broadcast %squeeze3A_1195 : i32 to vector<16xi32>
    %ge3A_1197 = arith.cmpi sge, %add3A_1141, %ge3A_1196 : vector<16xi32>
    %jit3A_1198 = arith.constant 1 : i32
    %jit3A_1199 = arith.constant 0 : i32
    %broadcast_in_dim3A_1200 = vector.broadcast %jit3A_1198 : i32 to vector<16xi32>
    %broadcast_in_dim3A_1201 = vector.broadcast %jit3A_1199 : i32 to vector<16xi32>
    %select_n3A_1202 = arith.select %ge3A_1197, %broadcast_in_dim3A_1200, %broadcast_in_dim3A_1201 : vector<16xi1>, vector<16xi32>
    %add3A_1203 = arith.addi %add3A_1193, %select_n3A_1202 : vector<16xi32>
    %slice3A_1204 = vector.extract_strided_slice %get3A_197 {offsets = [7], sizes = [1], strides = [1]} : vector<16xi32> to vector<1xi32>
    %squeeze3A_1205 = vector.extract %slice3A_1204[0] : i32 from vector<1xi32>
    %ge3A_1206 = vector.broadcast %squeeze3A_1205 : i32 to vector<16xi32>
    %ge3A_1207 = arith.cmpi sge, %add3A_1141, %ge3A_1206 : vector<16xi32>
    %jit3A_1208 = arith.constant 1 : i32
    %jit3A_1209 = arith.constant 0 : i32
    %broadcast_in_dim3A_1210 = vector.broadcast %jit3A_1208 : i32 to vector<16xi32>
    %broadcast_in_dim3A_1211 = vector.broadcast %jit3A_1209 : i32 to vector<16xi32>
    %select_n3A_1212 = arith.select %ge3A_1207, %broadcast_in_dim3A_1210, %broadcast_in_dim3A_1211 : vector<16xi1>, vector<16xi32>
    %add3A_1213 = arith.addi %add3A_1203, %select_n3A_1212 : vector<16xi32>
    %get3A_1214 = arith.constant 0 : i32
    %get3A_1215 = arith.index_cast %get3A_1214 : i32 to index
    %get3A_1216 = arith.constant 144 : index
    %get3A_1217 = tpu.vector_load %arg9[%get3A_1215, %get3A_1216] {strides = array<i32>} : memref<1x512xi32, #tpu.memory_space<vmem>>, vector<16xi32>,
    %mul3A_1218 = arith.constant 48 : i32
    %mul3A_1219 = vector.broadcast %mul3A_1218 : i32 to vector<16xi32>
    %mul3A_1220 = arith.muli %add3A_1213, %mul3A_1219 : vector<16xi32>
    %add3A_1221 = arith.addi %mul3A_1220, %get3A_1217 : vector<16xi32>
    tpu.vector_store_idx %arg11[%add3A_1221], %broadcast_in_dim3A_196 {add = true} : memref<1536xf32, #tpu.memory_space<vmem>>[vector<16xi32>], vector<16xf32>,
    %get3A_1222 = arith.constant 0 : i32
    %get3A_1223 = arith.index_cast %get3A_1222 : i32 to index
    %get3A_1224 = arith.constant 144 : index
    %get3A_1225 = tpu.vector_load %arg6[%get3A_1223, %get3A_1224] {strides = array<i32>} : memref<1x512xf32, #tpu.memory_space<vmem>>, vector<16xf32>,
    %add3A_1226 = arith.constant 384 : i32
    %add3A_1227 = vector.broadcast %add3A_1226 : i32 to vector<16xi32>
    %add3A_1228 = arith.addi %add3A_1221, %add3A_1227 : vector<16xi32>
    tpu.vector_store_idx %arg11[%add3A_1228], %get3A_1225 {add = true} : memref<1536xf32, #tpu.memory_space<vmem>>[vector<16xi32>], vector<16xf32>,
    %get3A_1229 = arith.constant 0 : i32
    %get3A_1230 = arith.index_cast %get3A_1229 : i32 to index
    %get3A_1231 = arith.constant 144 : index
    %get3A_1232 = tpu.vector_load %arg7[%get3A_1230, %get3A_1231] {strides = array<i32>} : memref<1x512xf32, #tpu.memory_space<vmem>>, vector<16xf32>,
    %add3A_1233 = arith.constant 768 : i32
    %add3A_1234 = vector.broadcast %add3A_1233 : i32 to vector<16xi32>
    %add3A_1235 = arith.addi %add3A_1221, %add3A_1234 : vector<16xi32>
    tpu.vector_store_idx %arg11[%add3A_1235], %get3A_1232 {add = true} : memref<1536xf32, #tpu.memory_space<vmem>>[vector<16xi32>], vector<16xf32>,
    %get3A_1236 = arith.constant 0 : i32
    %get3A_1237 = arith.index_cast %get3A_1236 : i32 to index
    %get3A_1238 = arith.constant 144 : index
    %get3A_1239 = tpu.vector_load %arg8[%get3A_1237, %get3A_1238] {strides = array<i32>} : memref<1x512xf32, #tpu.memory_space<vmem>>, vector<16xf32>,
    %add3A_1240 = arith.constant 1152 : i32
    %add3A_1241 = vector.broadcast %add3A_1240 : i32 to vector<16xi32>
    %add3A_1242 = arith.addi %add3A_1221, %add3A_1241 : vector<16xi32>
    tpu.vector_store_idx %arg11[%add3A_1242], %get3A_1239 {add = true} : memref<1536xf32, #tpu.memory_space<vmem>>[vector<16xi32>], vector<16xf32>,
    %add3A_1243 = arith.constant 160 : i32
    %add3A_1244 = arith.addi %add3A_1243, %mul3A_2 : i32
    %add3A_1245 = vector.broadcast %add3A_1244 : i32 to vector<16xi32>
    %add3A_1246 = arith.addi %iota3A, %add3A_1245 : vector<16xi32>
    %broadcast_in_dim3A_1247 = arith.constant 0 : i32
    %broadcast_in_dim3A_1248 = vector.broadcast %broadcast_in_dim3A_1247 : i32 to vector<16xi32>
    %slice3A_1249 = vector.extract_strided_slice %get3A_197 {offsets = [1], sizes = [1], strides = [1]} : vector<16xi32> to vector<1xi32>
    %squeeze3A_1250 = vector.extract %slice3A_1249[0] : i32 from vector<1xi32>
    %ge3A_1251 = vector.broadcast %squeeze3A_1250 : i32 to vector<16xi32>
    %ge3A_1252 = arith.cmpi sge, %add3A_1246, %ge3A_1251 : vector<16xi32>
    %jit3A_1253 = arith.constant 1 : i32
    %jit3A_1254 = arith.constant 0 : i32
    %broadcast_in_dim3A_1255 = vector.broadcast %jit3A_1253 : i32 to vector<16xi32>
    %broadcast_in_dim3A_1256 = vector.broadcast %jit3A_1254 : i32 to vector<16xi32>
    %select_n3A_1257 = arith.select %ge3A_1252, %broadcast_in_dim3A_1255, %broadcast_in_dim3A_1256 : vector<16xi1>, vector<16xi32>
    %add3A_1258 = arith.addi %broadcast_in_dim3A_1248, %select_n3A_1257 : vector<16xi32>
    %slice3A_1259 = vector.extract_strided_slice %get3A_197 {offsets = [2], sizes = [1], strides = [1]} : vector<16xi32> to vector<1xi32>
    %squeeze3A_1260 = vector.extract %slice3A_1259[0] : i32 from vector<1xi32>
    %ge3A_1261 = vector.broadcast %squeeze3A_1260 : i32 to vector<16xi32>
    %ge3A_1262 = arith.cmpi sge, %add3A_1246, %ge3A_1261 : vector<16xi32>
    %jit3A_1263 = arith.constant 1 : i32
    %jit3A_1264 = arith.constant 0 : i32
    %broadcast_in_dim3A_1265 = vector.broadcast %jit3A_1263 : i32 to vector<16xi32>
    %broadcast_in_dim3A_1266 = vector.broadcast %jit3A_1264 : i32 to vector<16xi32>
    %select_n3A_1267 = arith.select %ge3A_1262, %broadcast_in_dim3A_1265, %broadcast_in_dim3A_1266 : vector<16xi1>, vector<16xi32>
    %add3A_1268 = arith.addi %add3A_1258, %select_n3A_1267 : vector<16xi32>
    %slice3A_1269 = vector.extract_strided_slice %get3A_197 {offsets = [3], sizes = [1], strides = [1]} : vector<16xi32> to vector<1xi32>
    %squeeze3A_1270 = vector.extract %slice3A_1269[0] : i32 from vector<1xi32>
    %ge3A_1271 = vector.broadcast %squeeze3A_1270 : i32 to vector<16xi32>
    %ge3A_1272 = arith.cmpi sge, %add3A_1246, %ge3A_1271 : vector<16xi32>
    %jit3A_1273 = arith.constant 1 : i32
    %jit3A_1274 = arith.constant 0 : i32
    %broadcast_in_dim3A_1275 = vector.broadcast %jit3A_1273 : i32 to vector<16xi32>
    %broadcast_in_dim3A_1276 = vector.broadcast %jit3A_1274 : i32 to vector<16xi32>
    %select_n3A_1277 = arith.select %ge3A_1272, %broadcast_in_dim3A_1275, %broadcast_in_dim3A_1276 : vector<16xi1>, vector<16xi32>
    %add3A_1278 = arith.addi %add3A_1268, %select_n3A_1277 : vector<16xi32>
    %slice3A_1279 = vector.extract_strided_slice %get3A_197 {offsets = [4], sizes = [1], strides = [1]} : vector<16xi32> to vector<1xi32>
    %squeeze3A_1280 = vector.extract %slice3A_1279[0] : i32 from vector<1xi32>
    %ge3A_1281 = vector.broadcast %squeeze3A_1280 : i32 to vector<16xi32>
    %ge3A_1282 = arith.cmpi sge, %add3A_1246, %ge3A_1281 : vector<16xi32>
    %jit3A_1283 = arith.constant 1 : i32
    %jit3A_1284 = arith.constant 0 : i32
    %broadcast_in_dim3A_1285 = vector.broadcast %jit3A_1283 : i32 to vector<16xi32>
    %broadcast_in_dim3A_1286 = vector.broadcast %jit3A_1284 : i32 to vector<16xi32>
    %select_n3A_1287 = arith.select %ge3A_1282, %broadcast_in_dim3A_1285, %broadcast_in_dim3A_1286 : vector<16xi1>, vector<16xi32>
    %add3A_1288 = arith.addi %add3A_1278, %select_n3A_1287 : vector<16xi32>
    %slice3A_1289 = vector.extract_strided_slice %get3A_197 {offsets = [5], sizes = [1], strides = [1]} : vector<16xi32> to vector<1xi32>
    %squeeze3A_1290 = vector.extract %slice3A_1289[0] : i32 from vector<1xi32>
    %ge3A_1291 = vector.broadcast %squeeze3A_1290 : i32 to vector<16xi32>
    %ge3A_1292 = arith.cmpi sge, %add3A_1246, %ge3A_1291 : vector<16xi32>
    %jit3A_1293 = arith.constant 1 : i32
    %jit3A_1294 = arith.constant 0 : i32
    %broadcast_in_dim3A_1295 = vector.broadcast %jit3A_1293 : i32 to vector<16xi32>
    %broadcast_in_dim3A_1296 = vector.broadcast %jit3A_1294 : i32 to vector<16xi32>
    %select_n3A_1297 = arith.select %ge3A_1292, %broadcast_in_dim3A_1295, %broadcast_in_dim3A_1296 : vector<16xi1>, vector<16xi32>
    %add3A_1298 = arith.addi %add3A_1288, %select_n3A_1297 : vector<16xi32>
    %slice3A_1299 = vector.extract_strided_slice %get3A_197 {offsets = [6], sizes = [1], strides = [1]} : vector<16xi32> to vector<1xi32>
    %squeeze3A_1300 = vector.extract %slice3A_1299[0] : i32 from vector<1xi32>
    %ge3A_1301 = vector.broadcast %squeeze3A_1300 : i32 to vector<16xi32>
    %ge3A_1302 = arith.cmpi sge, %add3A_1246, %ge3A_1301 : vector<16xi32>
    %jit3A_1303 = arith.constant 1 : i32
    %jit3A_1304 = arith.constant 0 : i32
    %broadcast_in_dim3A_1305 = vector.broadcast %jit3A_1303 : i32 to vector<16xi32>
    %broadcast_in_dim3A_1306 = vector.broadcast %jit3A_1304 : i32 to vector<16xi32>
    %select_n3A_1307 = arith.select %ge3A_1302, %broadcast_in_dim3A_1305, %broadcast_in_dim3A_1306 : vector<16xi1>, vector<16xi32>
    %add3A_1308 = arith.addi %add3A_1298, %select_n3A_1307 : vector<16xi32>
    %slice3A_1309 = vector.extract_strided_slice %get3A_197 {offsets = [7], sizes = [1], strides = [1]} : vector<16xi32> to vector<1xi32>
    %squeeze3A_1310 = vector.extract %slice3A_1309[0] : i32 from vector<1xi32>
    %ge3A_1311 = vector.broadcast %squeeze3A_1310 : i32 to vector<16xi32>
    %ge3A_1312 = arith.cmpi sge, %add3A_1246, %ge3A_1311 : vector<16xi32>
    %jit3A_1313 = arith.constant 1 : i32
    %jit3A_1314 = arith.constant 0 : i32
    %broadcast_in_dim3A_1315 = vector.broadcast %jit3A_1313 : i32 to vector<16xi32>
    %broadcast_in_dim3A_1316 = vector.broadcast %jit3A_1314 : i32 to vector<16xi32>
    %select_n3A_1317 = arith.select %ge3A_1312, %broadcast_in_dim3A_1315, %broadcast_in_dim3A_1316 : vector<16xi1>, vector<16xi32>
    %add3A_1318 = arith.addi %add3A_1308, %select_n3A_1317 : vector<16xi32>
    %get3A_1319 = arith.constant 0 : i32
    %get3A_1320 = arith.index_cast %get3A_1319 : i32 to index
    %get3A_1321 = arith.constant 160 : index
    %get3A_1322 = tpu.vector_load %arg9[%get3A_1320, %get3A_1321] {strides = array<i32>} : memref<1x512xi32, #tpu.memory_space<vmem>>, vector<16xi32>,
    %mul3A_1323 = arith.constant 48 : i32
    %mul3A_1324 = vector.broadcast %mul3A_1323 : i32 to vector<16xi32>
    %mul3A_1325 = arith.muli %add3A_1318, %mul3A_1324 : vector<16xi32>
    %add3A_1326 = arith.addi %mul3A_1325, %get3A_1322 : vector<16xi32>
    tpu.vector_store_idx %arg11[%add3A_1326], %broadcast_in_dim3A_196 {add = true} : memref<1536xf32, #tpu.memory_space<vmem>>[vector<16xi32>], vector<16xf32>,
    %get3A_1327 = arith.constant 0 : i32
    %get3A_1328 = arith.index_cast %get3A_1327 : i32 to index
    %get3A_1329 = arith.constant 160 : index
    %get3A_1330 = tpu.vector_load %arg6[%get3A_1328, %get3A_1329] {strides = array<i32>} : memref<1x512xf32, #tpu.memory_space<vmem>>, vector<16xf32>,
    %add3A_1331 = arith.constant 384 : i32
    %add3A_1332 = vector.broadcast %add3A_1331 : i32 to vector<16xi32>
    %add3A_1333 = arith.addi %add3A_1326, %add3A_1332 : vector<16xi32>
    tpu.vector_store_idx %arg11[%add3A_1333], %get3A_1330 {add = true} : memref<1536xf32, #tpu.memory_space<vmem>>[vector<16xi32>], vector<16xf32>,
    %get3A_1334 = arith.constant 0 : i32
    %get3A_1335 = arith.index_cast %get3A_1334 : i32 to index
    %get3A_1336 = arith.constant 160 : index
    %get3A_1337 = tpu.vector_load %arg7[%get3A_1335, %get3A_1336] {strides = array<i32>} : memref<1x512xf32, #tpu.memory_space<vmem>>, vector<16xf32>,
    %add3A_1338 = arith.constant 768 : i32
    %add3A_1339 = vector.broadcast %add3A_1338 : i32 to vector<16xi32>
    %add3A_1340 = arith.addi %add3A_1326, %add3A_1339 : vector<16xi32>
    tpu.vector_store_idx %arg11[%add3A_1340], %get3A_1337 {add = true} : memref<1536xf32, #tpu.memory_space<vmem>>[vector<16xi32>], vector<16xf32>,
    %get3A_1341 = arith.constant 0 : i32
    %get3A_1342 = arith.index_cast %get3A_1341 : i32 to index
    %get3A_1343 = arith.constant 160 : index
    %get3A_1344 = tpu.vector_load %arg8[%get3A_1342, %get3A_1343] {strides = array<i32>} : memref<1x512xf32, #tpu.memory_space<vmem>>, vector<16xf32>,
    %add3A_1345 = arith.constant 1152 : i32
    %add3A_1346 = vector.broadcast %add3A_1345 : i32 to vector<16xi32>
    %add3A_1347 = arith.addi %add3A_1326, %add3A_1346 : vector<16xi32>
    tpu.vector_store_idx %arg11[%add3A_1347], %get3A_1344 {add = true} : memref<1536xf32, #tpu.memory_space<vmem>>[vector<16xi32>], vector<16xf32>,
    %add3A_1348 = arith.constant 176 : i32
    %add3A_1349 = arith.addi %add3A_1348, %mul3A_2 : i32
    %add3A_1350 = vector.broadcast %add3A_1349 : i32 to vector<16xi32>
    %add3A_1351 = arith.addi %iota3A, %add3A_1350 : vector<16xi32>
    %broadcast_in_dim3A_1352 = arith.constant 0 : i32
    %broadcast_in_dim3A_1353 = vector.broadcast %broadcast_in_dim3A_1352 : i32 to vector<16xi32>
    %slice3A_1354 = vector.extract_strided_slice %get3A_197 {offsets = [1], sizes = [1], strides = [1]} : vector<16xi32> to vector<1xi32>
    %squeeze3A_1355 = vector.extract %slice3A_1354[0] : i32 from vector<1xi32>
    %ge3A_1356 = vector.broadcast %squeeze3A_1355 : i32 to vector<16xi32>
    %ge3A_1357 = arith.cmpi sge, %add3A_1351, %ge3A_1356 : vector<16xi32>
    %jit3A_1358 = arith.constant 1 : i32
    %jit3A_1359 = arith.constant 0 : i32
    %broadcast_in_dim3A_1360 = vector.broadcast %jit3A_1358 : i32 to vector<16xi32>
    %broadcast_in_dim3A_1361 = vector.broadcast %jit3A_1359 : i32 to vector<16xi32>
    %select_n3A_1362 = arith.select %ge3A_1357, %broadcast_in_dim3A_1360, %broadcast_in_dim3A_1361 : vector<16xi1>, vector<16xi32>
    %add3A_1363 = arith.addi %broadcast_in_dim3A_1353, %select_n3A_1362 : vector<16xi32>
    %slice3A_1364 = vector.extract_strided_slice %get3A_197 {offsets = [2], sizes = [1], strides = [1]} : vector<16xi32> to vector<1xi32>
    %squeeze3A_1365 = vector.extract %slice3A_1364[0] : i32 from vector<1xi32>
    %ge3A_1366 = vector.broadcast %squeeze3A_1365 : i32 to vector<16xi32>
    %ge3A_1367 = arith.cmpi sge, %add3A_1351, %ge3A_1366 : vector<16xi32>
    %jit3A_1368 = arith.constant 1 : i32
    %jit3A_1369 = arith.constant 0 : i32
    %broadcast_in_dim3A_1370 = vector.broadcast %jit3A_1368 : i32 to vector<16xi32>
    %broadcast_in_dim3A_1371 = vector.broadcast %jit3A_1369 : i32 to vector<16xi32>
    %select_n3A_1372 = arith.select %ge3A_1367, %broadcast_in_dim3A_1370, %broadcast_in_dim3A_1371 : vector<16xi1>, vector<16xi32>
    %add3A_1373 = arith.addi %add3A_1363, %select_n3A_1372 : vector<16xi32>
    %slice3A_1374 = vector.extract_strided_slice %get3A_197 {offsets = [3], sizes = [1], strides = [1]} : vector<16xi32> to vector<1xi32>
    %squeeze3A_1375 = vector.extract %slice3A_1374[0] : i32 from vector<1xi32>
    %ge3A_1376 = vector.broadcast %squeeze3A_1375 : i32 to vector<16xi32>
    %ge3A_1377 = arith.cmpi sge, %add3A_1351, %ge3A_1376 : vector<16xi32>
    %jit3A_1378 = arith.constant 1 : i32
    %jit3A_1379 = arith.constant 0 : i32
    %broadcast_in_dim3A_1380 = vector.broadcast %jit3A_1378 : i32 to vector<16xi32>
    %broadcast_in_dim3A_1381 = vector.broadcast %jit3A_1379 : i32 to vector<16xi32>
    %select_n3A_1382 = arith.select %ge3A_1377, %broadcast_in_dim3A_1380, %broadcast_in_dim3A_1381 : vector<16xi1>, vector<16xi32>
    %add3A_1383 = arith.addi %add3A_1373, %select_n3A_1382 : vector<16xi32>
    %slice3A_1384 = vector.extract_strided_slice %get3A_197 {offsets = [4], sizes = [1], strides = [1]} : vector<16xi32> to vector<1xi32>
    %squeeze3A_1385 = vector.extract %slice3A_1384[0] : i32 from vector<1xi32>
    %ge3A_1386 = vector.broadcast %squeeze3A_1385 : i32 to vector<16xi32>
    %ge3A_1387 = arith.cmpi sge, %add3A_1351, %ge3A_1386 : vector<16xi32>
    %jit3A_1388 = arith.constant 1 : i32
    %jit3A_1389 = arith.constant 0 : i32
    %broadcast_in_dim3A_1390 = vector.broadcast %jit3A_1388 : i32 to vector<16xi32>
    %broadcast_in_dim3A_1391 = vector.broadcast %jit3A_1389 : i32 to vector<16xi32>
    %select_n3A_1392 = arith.select %ge3A_1387, %broadcast_in_dim3A_1390, %broadcast_in_dim3A_1391 : vector<16xi1>, vector<16xi32>
    %add3A_1393 = arith.addi %add3A_1383, %select_n3A_1392 : vector<16xi32>
    %slice3A_1394 = vector.extract_strided_slice %get3A_197 {offsets = [5], sizes = [1], strides = [1]} : vector<16xi32> to vector<1xi32>
    %squeeze3A_1395 = vector.extract %slice3A_1394[0] : i32 from vector<1xi32>
    %ge3A_1396 = vector.broadcast %squeeze3A_1395 : i32 to vector<16xi32>
    %ge3A_1397 = arith.cmpi sge, %add3A_1351, %ge3A_1396 : vector<16xi32>
    %jit3A_1398 = arith.constant 1 : i32
    %jit3A_1399 = arith.constant 0 : i32
    %broadcast_in_dim3A_1400 = vector.broadcast %jit3A_1398 : i32 to vector<16xi32>
    %broadcast_in_dim3A_1401 = vector.broadcast %jit3A_1399 : i32 to vector<16xi32>
    %select_n3A_1402 = arith.select %ge3A_1397, %broadcast_in_dim3A_1400, %broadcast_in_dim3A_1401 : vector<16xi1>, vector<16xi32>
    %add3A_1403 = arith.addi %add3A_1393, %select_n3A_1402 : vector<16xi32>
    %slice3A_1404 = vector.extract_strided_slice %get3A_197 {offsets = [6], sizes = [1], strides = [1]} : vector<16xi32> to vector<1xi32>
    %squeeze3A_1405 = vector.extract %slice3A_1404[0] : i32 from vector<1xi32>
    %ge3A_1406 = vector.broadcast %squeeze3A_1405 : i32 to vector<16xi32>
    %ge3A_1407 = arith.cmpi sge, %add3A_1351, %ge3A_1406 : vector<16xi32>
    %jit3A_1408 = arith.constant 1 : i32
    %jit3A_1409 = arith.constant 0 : i32
    %broadcast_in_dim3A_1410 = vector.broadcast %jit3A_1408 : i32 to vector<16xi32>
    %broadcast_in_dim3A_1411 = vector.broadcast %jit3A_1409 : i32 to vector<16xi32>
    %select_n3A_1412 = arith.select %ge3A_1407, %broadcast_in_dim3A_1410, %broadcast_in_dim3A_1411 : vector<16xi1>, vector<16xi32>
    %add3A_1413 = arith.addi %add3A_1403, %select_n3A_1412 : vector<16xi32>
    %slice3A_1414 = vector.extract_strided_slice %get3A_197 {offsets = [7], sizes = [1], strides = [1]} : vector<16xi32> to vector<1xi32>
    %squeeze3A_1415 = vector.extract %slice3A_1414[0] : i32 from vector<1xi32>
    %ge3A_1416 = vector.broadcast %squeeze3A_1415 : i32 to vector<16xi32>
    %ge3A_1417 = arith.cmpi sge, %add3A_1351, %ge3A_1416 : vector<16xi32>
    %jit3A_1418 = arith.constant 1 : i32
    %jit3A_1419 = arith.constant 0 : i32
    %broadcast_in_dim3A_1420 = vector.broadcast %jit3A_1418 : i32 to vector<16xi32>
    %broadcast_in_dim3A_1421 = vector.broadcast %jit3A_1419 : i32 to vector<16xi32>
    %select_n3A_1422 = arith.select %ge3A_1417, %broadcast_in_dim3A_1420, %broadcast_in_dim3A_1421 : vector<16xi1>, vector<16xi32>
    %add3A_1423 = arith.addi %add3A_1413, %select_n3A_1422 : vector<16xi32>
    %get3A_1424 = arith.constant 0 : i32
    %get3A_1425 = arith.index_cast %get3A_1424 : i32 to index
    %get3A_1426 = arith.constant 176 : index
    %get3A_1427 = tpu.vector_load %arg9[%get3A_1425, %get3A_1426] {strides = array<i32>} : memref<1x512xi32, #tpu.memory_space<vmem>>, vector<16xi32>,
    %mul3A_1428 = arith.constant 48 : i32
    %mul3A_1429 = vector.broadcast %mul3A_1428 : i32 to vector<16xi32>
    %mul3A_1430 = arith.muli %add3A_1423, %mul3A_1429 : vector<16xi32>
    %add3A_1431 = arith.addi %mul3A_1430, %get3A_1427 : vector<16xi32>
    tpu.vector_store_idx %arg11[%add3A_1431], %broadcast_in_dim3A_196 {add = true} : memref<1536xf32, #tpu.memory_space<vmem>>[vector<16xi32>], vector<16xf32>,
    %get3A_1432 = arith.constant 0 : i32
    %get3A_1433 = arith.index_cast %get3A_1432 : i32 to index
    %get3A_1434 = arith.constant 176 : index
    %get3A_1435 = tpu.vector_load %arg6[%get3A_1433, %get3A_1434] {strides = array<i32>} : memref<1x512xf32, #tpu.memory_space<vmem>>, vector<16xf32>,
    %add3A_1436 = arith.constant 384 : i32
    %add3A_1437 = vector.broadcast %add3A_1436 : i32 to vector<16xi32>
    %add3A_1438 = arith.addi %add3A_1431, %add3A_1437 : vector<16xi32>
    tpu.vector_store_idx %arg11[%add3A_1438], %get3A_1435 {add = true} : memref<1536xf32, #tpu.memory_space<vmem>>[vector<16xi32>], vector<16xf32>,
    %get3A_1439 = arith.constant 0 : i32
    %get3A_1440 = arith.index_cast %get3A_1439 : i32 to index
    %get3A_1441 = arith.constant 176 : index
    %get3A_1442 = tpu.vector_load %arg7[%get3A_1440, %get3A_1441] {strides = array<i32>} : memref<1x512xf32, #tpu.memory_space<vmem>>, vector<16xf32>,
    %add3A_1443 = arith.constant 768 : i32
    %add3A_1444 = vector.broadcast %add3A_1443 : i32 to vector<16xi32>
    %add3A_1445 = arith.addi %add3A_1431, %add3A_1444 : vector<16xi32>
    tpu.vector_store_idx %arg11[%add3A_1445], %get3A_1442 {add = true} : memref<1536xf32, #tpu.memory_space<vmem>>[vector<16xi32>], vector<16xf32>,
    %get3A_1446 = arith.constant 0 : i32
    %get3A_1447 = arith.index_cast %get3A_1446 : i32 to index
    %get3A_1448 = arith.constant 176 : index
    %get3A_1449 = tpu.vector_load %arg8[%get3A_1447, %get3A_1448] {strides = array<i32>} : memref<1x512xf32, #tpu.memory_space<vmem>>, vector<16xf32>,
    %add3A_1450 = arith.constant 1152 : i32
    %add3A_1451 = vector.broadcast %add3A_1450 : i32 to vector<16xi32>
    %add3A_1452 = arith.addi %add3A_1431, %add3A_1451 : vector<16xi32>
    tpu.vector_store_idx %arg11[%add3A_1452], %get3A_1449 {add = true} : memref<1536xf32, #tpu.memory_space<vmem>>[vector<16xi32>], vector<16xf32>,
    %add3A_1453 = arith.constant 192 : i32
    %add3A_1454 = arith.addi %add3A_1453, %mul3A_2 : i32
    %add3A_1455 = vector.broadcast %add3A_1454 : i32 to vector<16xi32>
    %add3A_1456 = arith.addi %iota3A, %add3A_1455 : vector<16xi32>
    %broadcast_in_dim3A_1457 = arith.constant 0 : i32
    %broadcast_in_dim3A_1458 = vector.broadcast %broadcast_in_dim3A_1457 : i32 to vector<16xi32>
    %slice3A_1459 = vector.extract_strided_slice %get3A_197 {offsets = [1], sizes = [1], strides = [1]} : vector<16xi32> to vector<1xi32>
    %squeeze3A_1460 = vector.extract %slice3A_1459[0] : i32 from vector<1xi32>
    %ge3A_1461 = vector.broadcast %squeeze3A_1460 : i32 to vector<16xi32>
    %ge3A_1462 = arith.cmpi sge, %add3A_1456, %ge3A_1461 : vector<16xi32>
    %jit3A_1463 = arith.constant 1 : i32
    %jit3A_1464 = arith.constant 0 : i32
    %broadcast_in_dim3A_1465 = vector.broadcast %jit3A_1463 : i32 to vector<16xi32>
    %broadcast_in_dim3A_1466 = vector.broadcast %jit3A_1464 : i32 to vector<16xi32>
    %select_n3A_1467 = arith.select %ge3A_1462, %broadcast_in_dim3A_1465, %broadcast_in_dim3A_1466 : vector<16xi1>, vector<16xi32>
    %add3A_1468 = arith.addi %broadcast_in_dim3A_1458, %select_n3A_1467 : vector<16xi32>
    %slice3A_1469 = vector.extract_strided_slice %get3A_197 {offsets = [2], sizes = [1], strides = [1]} : vector<16xi32> to vector<1xi32>
    %squeeze3A_1470 = vector.extract %slice3A_1469[0] : i32 from vector<1xi32>
    %ge3A_1471 = vector.broadcast %squeeze3A_1470 : i32 to vector<16xi32>
    %ge3A_1472 = arith.cmpi sge, %add3A_1456, %ge3A_1471 : vector<16xi32>
    %jit3A_1473 = arith.constant 1 : i32
    %jit3A_1474 = arith.constant 0 : i32
    %broadcast_in_dim3A_1475 = vector.broadcast %jit3A_1473 : i32 to vector<16xi32>
    %broadcast_in_dim3A_1476 = vector.broadcast %jit3A_1474 : i32 to vector<16xi32>
    %select_n3A_1477 = arith.select %ge3A_1472, %broadcast_in_dim3A_1475, %broadcast_in_dim3A_1476 : vector<16xi1>, vector<16xi32>
    %add3A_1478 = arith.addi %add3A_1468, %select_n3A_1477 : vector<16xi32>
    %slice3A_1479 = vector.extract_strided_slice %get3A_197 {offsets = [3], sizes = [1], strides = [1]} : vector<16xi32> to vector<1xi32>
    %squeeze3A_1480 = vector.extract %slice3A_1479[0] : i32 from vector<1xi32>
    %ge3A_1481 = vector.broadcast %squeeze3A_1480 : i32 to vector<16xi32>
    %ge3A_1482 = arith.cmpi sge, %add3A_1456, %ge3A_1481 : vector<16xi32>
    %jit3A_1483 = arith.constant 1 : i32
    %jit3A_1484 = arith.constant 0 : i32
    %broadcast_in_dim3A_1485 = vector.broadcast %jit3A_1483 : i32 to vector<16xi32>
    %broadcast_in_dim3A_1486 = vector.broadcast %jit3A_1484 : i32 to vector<16xi32>
    %select_n3A_1487 = arith.select %ge3A_1482, %broadcast_in_dim3A_1485, %broadcast_in_dim3A_1486 : vector<16xi1>, vector<16xi32>
    %add3A_1488 = arith.addi %add3A_1478, %select_n3A_1487 : vector<16xi32>
    %slice3A_1489 = vector.extract_strided_slice %get3A_197 {offsets = [4], sizes = [1], strides = [1]} : vector<16xi32> to vector<1xi32>
    %squeeze3A_1490 = vector.extract %slice3A_1489[0] : i32 from vector<1xi32>
    %ge3A_1491 = vector.broadcast %squeeze3A_1490 : i32 to vector<16xi32>
    %ge3A_1492 = arith.cmpi sge, %add3A_1456, %ge3A_1491 : vector<16xi32>
    %jit3A_1493 = arith.constant 1 : i32
    %jit3A_1494 = arith.constant 0 : i32
    %broadcast_in_dim3A_1495 = vector.broadcast %jit3A_1493 : i32 to vector<16xi32>
    %broadcast_in_dim3A_1496 = vector.broadcast %jit3A_1494 : i32 to vector<16xi32>
    %select_n3A_1497 = arith.select %ge3A_1492, %broadcast_in_dim3A_1495, %broadcast_in_dim3A_1496 : vector<16xi1>, vector<16xi32>
    %add3A_1498 = arith.addi %add3A_1488, %select_n3A_1497 : vector<16xi32>
    %slice3A_1499 = vector.extract_strided_slice %get3A_197 {offsets = [5], sizes = [1], strides = [1]} : vector<16xi32> to vector<1xi32>
    %squeeze3A_1500 = vector.extract %slice3A_1499[0] : i32 from vector<1xi32>
    %ge3A_1501 = vector.broadcast %squeeze3A_1500 : i32 to vector<16xi32>
    %ge3A_1502 = arith.cmpi sge, %add3A_1456, %ge3A_1501 : vector<16xi32>
    %jit3A_1503 = arith.constant 1 : i32
    %jit3A_1504 = arith.constant 0 : i32
    %broadcast_in_dim3A_1505 = vector.broadcast %jit3A_1503 : i32 to vector<16xi32>
    %broadcast_in_dim3A_1506 = vector.broadcast %jit3A_1504 : i32 to vector<16xi32>
    %select_n3A_1507 = arith.select %ge3A_1502, %broadcast_in_dim3A_1505, %broadcast_in_dim3A_1506 : vector<16xi1>, vector<16xi32>
    %add3A_1508 = arith.addi %add3A_1498, %select_n3A_1507 : vector<16xi32>
    %slice3A_1509 = vector.extract_strided_slice %get3A_197 {offsets = [6], sizes = [1], strides = [1]} : vector<16xi32> to vector<1xi32>
    %squeeze3A_1510 = vector.extract %slice3A_1509[0] : i32 from vector<1xi32>
    %ge3A_1511 = vector.broadcast %squeeze3A_1510 : i32 to vector<16xi32>
    %ge3A_1512 = arith.cmpi sge, %add3A_1456, %ge3A_1511 : vector<16xi32>
    %jit3A_1513 = arith.constant 1 : i32
    %jit3A_1514 = arith.constant 0 : i32
    %broadcast_in_dim3A_1515 = vector.broadcast %jit3A_1513 : i32 to vector<16xi32>
    %broadcast_in_dim3A_1516 = vector.broadcast %jit3A_1514 : i32 to vector<16xi32>
    %select_n3A_1517 = arith.select %ge3A_1512, %broadcast_in_dim3A_1515, %broadcast_in_dim3A_1516 : vector<16xi1>, vector<16xi32>
    %add3A_1518 = arith.addi %add3A_1508, %select_n3A_1517 : vector<16xi32>
    %slice3A_1519 = vector.extract_strided_slice %get3A_197 {offsets = [7], sizes = [1], strides = [1]} : vector<16xi32> to vector<1xi32>
    %squeeze3A_1520 = vector.extract %slice3A_1519[0] : i32 from vector<1xi32>
    %ge3A_1521 = vector.broadcast %squeeze3A_1520 : i32 to vector<16xi32>
    %ge3A_1522 = arith.cmpi sge, %add3A_1456, %ge3A_1521 : vector<16xi32>
    %jit3A_1523 = arith.constant 1 : i32
    %jit3A_1524 = arith.constant 0 : i32
    %broadcast_in_dim3A_1525 = vector.broadcast %jit3A_1523 : i32 to vector<16xi32>
    %broadcast_in_dim3A_1526 = vector.broadcast %jit3A_1524 : i32 to vector<16xi32>
    %select_n3A_1527 = arith.select %ge3A_1522, %broadcast_in_dim3A_1525, %broadcast_in_dim3A_1526 : vector<16xi1>, vector<16xi32>
    %add3A_1528 = arith.addi %add3A_1518, %select_n3A_1527 : vector<16xi32>
    %get3A_1529 = arith.constant 0 : i32
    %get3A_1530 = arith.index_cast %get3A_1529 : i32 to index
    %get3A_1531 = arith.constant 192 : index
    %get3A_1532 = tpu.vector_load %arg9[%get3A_1530, %get3A_1531] {strides = array<i32>} : memref<1x512xi32, #tpu.memory_space<vmem>>, vector<16xi32>,
    %mul3A_1533 = arith.constant 48 : i32
    %mul3A_1534 = vector.broadcast %mul3A_1533 : i32 to vector<16xi32>
    %mul3A_1535 = arith.muli %add3A_1528, %mul3A_1534 : vector<16xi32>
    %add3A_1536 = arith.addi %mul3A_1535, %get3A_1532 : vector<16xi32>
    tpu.vector_store_idx %arg11[%add3A_1536], %broadcast_in_dim3A_196 {add = true} : memref<1536xf32, #tpu.memory_space<vmem>>[vector<16xi32>], vector<16xf32>,
    %get3A_1537 = arith.constant 0 : i32
    %get3A_1538 = arith.index_cast %get3A_1537 : i32 to index
    %get3A_1539 = arith.constant 192 : index
    %get3A_1540 = tpu.vector_load %arg6[%get3A_1538, %get3A_1539] {strides = array<i32>} : memref<1x512xf32, #tpu.memory_space<vmem>>, vector<16xf32>,
    %add3A_1541 = arith.constant 384 : i32
    %add3A_1542 = vector.broadcast %add3A_1541 : i32 to vector<16xi32>
    %add3A_1543 = arith.addi %add3A_1536, %add3A_1542 : vector<16xi32>
    tpu.vector_store_idx %arg11[%add3A_1543], %get3A_1540 {add = true} : memref<1536xf32, #tpu.memory_space<vmem>>[vector<16xi32>], vector<16xf32>,
    %get3A_1544 = arith.constant 0 : i32
    %get3A_1545 = arith.index_cast %get3A_1544 : i32 to index
    %get3A_1546 = arith.constant 192 : index
    %get3A_1547 = tpu.vector_load %arg7[%get3A_1545, %get3A_1546] {strides = array<i32>} : memref<1x512xf32, #tpu.memory_space<vmem>>, vector<16xf32>,
    %add3A_1548 = arith.constant 768 : i32
    %add3A_1549 = vector.broadcast %add3A_1548 : i32 to vector<16xi32>
    %add3A_1550 = arith.addi %add3A_1536, %add3A_1549 : vector<16xi32>
    tpu.vector_store_idx %arg11[%add3A_1550], %get3A_1547 {add = true} : memref<1536xf32, #tpu.memory_space<vmem>>[vector<16xi32>], vector<16xf32>,
    %get3A_1551 = arith.constant 0 : i32
    %get3A_1552 = arith.index_cast %get3A_1551 : i32 to index
    %get3A_1553 = arith.constant 192 : index
    %get3A_1554 = tpu.vector_load %arg8[%get3A_1552, %get3A_1553] {strides = array<i32>} : memref<1x512xf32, #tpu.memory_space<vmem>>, vector<16xf32>,
    %add3A_1555 = arith.constant 1152 : i32
    %add3A_1556 = vector.broadcast %add3A_1555 : i32 to vector<16xi32>
    %add3A_1557 = arith.addi %add3A_1536, %add3A_1556 : vector<16xi32>
    tpu.vector_store_idx %arg11[%add3A_1557], %get3A_1554 {add = true} : memref<1536xf32, #tpu.memory_space<vmem>>[vector<16xi32>], vector<16xf32>,
    %add3A_1558 = arith.constant 208 : i32
    %add3A_1559 = arith.addi %add3A_1558, %mul3A_2 : i32
    %add3A_1560 = vector.broadcast %add3A_1559 : i32 to vector<16xi32>
    %add3A_1561 = arith.addi %iota3A, %add3A_1560 : vector<16xi32>
    %broadcast_in_dim3A_1562 = arith.constant 0 : i32
    %broadcast_in_dim3A_1563 = vector.broadcast %broadcast_in_dim3A_1562 : i32 to vector<16xi32>
    %slice3A_1564 = vector.extract_strided_slice %get3A_197 {offsets = [1], sizes = [1], strides = [1]} : vector<16xi32> to vector<1xi32>
    %squeeze3A_1565 = vector.extract %slice3A_1564[0] : i32 from vector<1xi32>
    %ge3A_1566 = vector.broadcast %squeeze3A_1565 : i32 to vector<16xi32>
    %ge3A_1567 = arith.cmpi sge, %add3A_1561, %ge3A_1566 : vector<16xi32>
    %jit3A_1568 = arith.constant 1 : i32
    %jit3A_1569 = arith.constant 0 : i32
    %broadcast_in_dim3A_1570 = vector.broadcast %jit3A_1568 : i32 to vector<16xi32>
    %broadcast_in_dim3A_1571 = vector.broadcast %jit3A_1569 : i32 to vector<16xi32>
    %select_n3A_1572 = arith.select %ge3A_1567, %broadcast_in_dim3A_1570, %broadcast_in_dim3A_1571 : vector<16xi1>, vector<16xi32>
    %add3A_1573 = arith.addi %broadcast_in_dim3A_1563, %select_n3A_1572 : vector<16xi32>
    %slice3A_1574 = vector.extract_strided_slice %get3A_197 {offsets = [2], sizes = [1], strides = [1]} : vector<16xi32> to vector<1xi32>
    %squeeze3A_1575 = vector.extract %slice3A_1574[0] : i32 from vector<1xi32>
    %ge3A_1576 = vector.broadcast %squeeze3A_1575 : i32 to vector<16xi32>
    %ge3A_1577 = arith.cmpi sge, %add3A_1561, %ge3A_1576 : vector<16xi32>
    %jit3A_1578 = arith.constant 1 : i32
    %jit3A_1579 = arith.constant 0 : i32
    %broadcast_in_dim3A_1580 = vector.broadcast %jit3A_1578 : i32 to vector<16xi32>
    %broadcast_in_dim3A_1581 = vector.broadcast %jit3A_1579 : i32 to vector<16xi32>
    %select_n3A_1582 = arith.select %ge3A_1577, %broadcast_in_dim3A_1580, %broadcast_in_dim3A_1581 : vector<16xi1>, vector<16xi32>
    %add3A_1583 = arith.addi %add3A_1573, %select_n3A_1582 : vector<16xi32>
    %slice3A_1584 = vector.extract_strided_slice %get3A_197 {offsets = [3], sizes = [1], strides = [1]} : vector<16xi32> to vector<1xi32>
    %squeeze3A_1585 = vector.extract %slice3A_1584[0] : i32 from vector<1xi32>
    %ge3A_1586 = vector.broadcast %squeeze3A_1585 : i32 to vector<16xi32>
    %ge3A_1587 = arith.cmpi sge, %add3A_1561, %ge3A_1586 : vector<16xi32>
    %jit3A_1588 = arith.constant 1 : i32
    %jit3A_1589 = arith.constant 0 : i32
    %broadcast_in_dim3A_1590 = vector.broadcast %jit3A_1588 : i32 to vector<16xi32>
    %broadcast_in_dim3A_1591 = vector.broadcast %jit3A_1589 : i32 to vector<16xi32>
    %select_n3A_1592 = arith.select %ge3A_1587, %broadcast_in_dim3A_1590, %broadcast_in_dim3A_1591 : vector<16xi1>, vector<16xi32>
    %add3A_1593 = arith.addi %add3A_1583, %select_n3A_1592 : vector<16xi32>
    %slice3A_1594 = vector.extract_strided_slice %get3A_197 {offsets = [4], sizes = [1], strides = [1]} : vector<16xi32> to vector<1xi32>
    %squeeze3A_1595 = vector.extract %slice3A_1594[0] : i32 from vector<1xi32>
    %ge3A_1596 = vector.broadcast %squeeze3A_1595 : i32 to vector<16xi32>
    %ge3A_1597 = arith.cmpi sge, %add3A_1561, %ge3A_1596 : vector<16xi32>
    %jit3A_1598 = arith.constant 1 : i32
    %jit3A_1599 = arith.constant 0 : i32
    %broadcast_in_dim3A_1600 = vector.broadcast %jit3A_1598 : i32 to vector<16xi32>
    %broadcast_in_dim3A_1601 = vector.broadcast %jit3A_1599 : i32 to vector<16xi32>
    %select_n3A_1602 = arith.select %ge3A_1597, %broadcast_in_dim3A_1600, %broadcast_in_dim3A_1601 : vector<16xi1>, vector<16xi32>
    %add3A_1603 = arith.addi %add3A_1593, %select_n3A_1602 : vector<16xi32>
    %slice3A_1604 = vector.extract_strided_slice %get3A_197 {offsets = [5], sizes = [1], strides = [1]} : vector<16xi32> to vector<1xi32>
    %squeeze3A_1605 = vector.extract %slice3A_1604[0] : i32 from vector<1xi32>
    %ge3A_1606 = vector.broadcast %squeeze3A_1605 : i32 to vector<16xi32>
    %ge3A_1607 = arith.cmpi sge, %add3A_1561, %ge3A_1606 : vector<16xi32>
    %jit3A_1608 = arith.constant 1 : i32
    %jit3A_1609 = arith.constant 0 : i32
    %broadcast_in_dim3A_1610 = vector.broadcast %jit3A_1608 : i32 to vector<16xi32>
    %broadcast_in_dim3A_1611 = vector.broadcast %jit3A_1609 : i32 to vector<16xi32>
    %select_n3A_1612 = arith.select %ge3A_1607, %broadcast_in_dim3A_1610, %broadcast_in_dim3A_1611 : vector<16xi1>, vector<16xi32>
    %add3A_1613 = arith.addi %add3A_1603, %select_n3A_1612 : vector<16xi32>
    %slice3A_1614 = vector.extract_strided_slice %get3A_197 {offsets = [6], sizes = [1], strides = [1]} : vector<16xi32> to vector<1xi32>
    %squeeze3A_1615 = vector.extract %slice3A_1614[0] : i32 from vector<1xi32>
    %ge3A_1616 = vector.broadcast %squeeze3A_1615 : i32 to vector<16xi32>
    %ge3A_1617 = arith.cmpi sge, %add3A_1561, %ge3A_1616 : vector<16xi32>
    %jit3A_1618 = arith.constant 1 : i32
    %jit3A_1619 = arith.constant 0 : i32
    %broadcast_in_dim3A_1620 = vector.broadcast %jit3A_1618 : i32 to vector<16xi32>
    %broadcast_in_dim3A_1621 = vector.broadcast %jit3A_1619 : i32 to vector<16xi32>
    %select_n3A_1622 = arith.select %ge3A_1617, %broadcast_in_dim3A_1620, %broadcast_in_dim3A_1621 : vector<16xi1>, vector<16xi32>
    %add3A_1623 = arith.addi %add3A_1613, %select_n3A_1622 : vector<16xi32>
    %slice3A_1624 = vector.extract_strided_slice %get3A_197 {offsets = [7], sizes = [1], strides = [1]} : vector<16xi32> to vector<1xi32>
    %squeeze3A_1625 = vector.extract %slice3A_1624[0] : i32 from vector<1xi32>
    %ge3A_1626 = vector.broadcast %squeeze3A_1625 : i32 to vector<16xi32>
    %ge3A_1627 = arith.cmpi sge, %add3A_1561, %ge3A_1626 : vector<16xi32>
    %jit3A_1628 = arith.constant 1 : i32
    %jit3A_1629 = arith.constant 0 : i32
    %broadcast_in_dim3A_1630 = vector.broadcast %jit3A_1628 : i32 to vector<16xi32>
    %broadcast_in_dim3A_1631 = vector.broadcast %jit3A_1629 : i32 to vector<16xi32>
    %select_n3A_1632 = arith.select %ge3A_1627, %broadcast_in_dim3A_1630, %broadcast_in_dim3A_1631 : vector<16xi1>, vector<16xi32>
    %add3A_1633 = arith.addi %add3A_1623, %select_n3A_1632 : vector<16xi32>
    %get3A_1634 = arith.constant 0 : i32
    %get3A_1635 = arith.index_cast %get3A_1634 : i32 to index
    %get3A_1636 = arith.constant 208 : index
    %get3A_1637 = tpu.vector_load %arg9[%get3A_1635, %get3A_1636] {strides = array<i32>} : memref<1x512xi32, #tpu.memory_space<vmem>>, vector<16xi32>,
    %mul3A_1638 = arith.constant 48 : i32
    %mul3A_1639 = vector.broadcast %mul3A_1638 : i32 to vector<16xi32>
    %mul3A_1640 = arith.muli %add3A_1633, %mul3A_1639 : vector<16xi32>
    %add3A_1641 = arith.addi %mul3A_1640, %get3A_1637 : vector<16xi32>
    tpu.vector_store_idx %arg11[%add3A_1641], %broadcast_in_dim3A_196 {add = true} : memref<1536xf32, #tpu.memory_space<vmem>>[vector<16xi32>], vector<16xf32>,
    %get3A_1642 = arith.constant 0 : i32
    %get3A_1643 = arith.index_cast %get3A_1642 : i32 to index
    %get3A_1644 = arith.constant 208 : index
    %get3A_1645 = tpu.vector_load %arg6[%get3A_1643, %get3A_1644] {strides = array<i32>} : memref<1x512xf32, #tpu.memory_space<vmem>>, vector<16xf32>,
    %add3A_1646 = arith.constant 384 : i32
    %add3A_1647 = vector.broadcast %add3A_1646 : i32 to vector<16xi32>
    %add3A_1648 = arith.addi %add3A_1641, %add3A_1647 : vector<16xi32>
    tpu.vector_store_idx %arg11[%add3A_1648], %get3A_1645 {add = true} : memref<1536xf32, #tpu.memory_space<vmem>>[vector<16xi32>], vector<16xf32>,
    %get3A_1649 = arith.constant 0 : i32
    %get3A_1650 = arith.index_cast %get3A_1649 : i32 to index
    %get3A_1651 = arith.constant 208 : index
    %get3A_1652 = tpu.vector_load %arg7[%get3A_1650, %get3A_1651] {strides = array<i32>} : memref<1x512xf32, #tpu.memory_space<vmem>>, vector<16xf32>,
    %add3A_1653 = arith.constant 768 : i32
    %add3A_1654 = vector.broadcast %add3A_1653 : i32 to vector<16xi32>
    %add3A_1655 = arith.addi %add3A_1641, %add3A_1654 : vector<16xi32>
    tpu.vector_store_idx %arg11[%add3A_1655], %get3A_1652 {add = true} : memref<1536xf32, #tpu.memory_space<vmem>>[vector<16xi32>], vector<16xf32>,
    %get3A_1656 = arith.constant 0 : i32
    %get3A_1657 = arith.index_cast %get3A_1656 : i32 to index
    %get3A_1658 = arith.constant 208 : index
    %get3A_1659 = tpu.vector_load %arg8[%get3A_1657, %get3A_1658] {strides = array<i32>} : memref<1x512xf32, #tpu.memory_space<vmem>>, vector<16xf32>,
    %add3A_1660 = arith.constant 1152 : i32
    %add3A_1661 = vector.broadcast %add3A_1660 : i32 to vector<16xi32>
    %add3A_1662 = arith.addi %add3A_1641, %add3A_1661 : vector<16xi32>
    tpu.vector_store_idx %arg11[%add3A_1662], %get3A_1659 {add = true} : memref<1536xf32, #tpu.memory_space<vmem>>[vector<16xi32>], vector<16xf32>,
    %add3A_1663 = arith.constant 224 : i32
    %add3A_1664 = arith.addi %add3A_1663, %mul3A_2 : i32
    %add3A_1665 = vector.broadcast %add3A_1664 : i32 to vector<16xi32>
    %add3A_1666 = arith.addi %iota3A, %add3A_1665 : vector<16xi32>
    %broadcast_in_dim3A_1667 = arith.constant 0 : i32
    %broadcast_in_dim3A_1668 = vector.broadcast %broadcast_in_dim3A_1667 : i32 to vector<16xi32>
    %slice3A_1669 = vector.extract_strided_slice %get3A_197 {offsets = [1], sizes = [1], strides = [1]} : vector<16xi32> to vector<1xi32>
    %squeeze3A_1670 = vector.extract %slice3A_1669[0] : i32 from vector<1xi32>
    %ge3A_1671 = vector.broadcast %squeeze3A_1670 : i32 to vector<16xi32>
    %ge3A_1672 = arith.cmpi sge, %add3A_1666, %ge3A_1671 : vector<16xi32>
    %jit3A_1673 = arith.constant 1 : i32
    %jit3A_1674 = arith.constant 0 : i32
    %broadcast_in_dim3A_1675 = vector.broadcast %jit3A_1673 : i32 to vector<16xi32>
    %broadcast_in_dim3A_1676 = vector.broadcast %jit3A_1674 : i32 to vector<16xi32>
    %select_n3A_1677 = arith.select %ge3A_1672, %broadcast_in_dim3A_1675, %broadcast_in_dim3A_1676 : vector<16xi1>, vector<16xi32>
    %add3A_1678 = arith.addi %broadcast_in_dim3A_1668, %select_n3A_1677 : vector<16xi32>
    %slice3A_1679 = vector.extract_strided_slice %get3A_197 {offsets = [2], sizes = [1], strides = [1]} : vector<16xi32> to vector<1xi32>
    %squeeze3A_1680 = vector.extract %slice3A_1679[0] : i32 from vector<1xi32>
    %ge3A_1681 = vector.broadcast %squeeze3A_1680 : i32 to vector<16xi32>
    %ge3A_1682 = arith.cmpi sge, %add3A_1666, %ge3A_1681 : vector<16xi32>
    %jit3A_1683 = arith.constant 1 : i32
    %jit3A_1684 = arith.constant 0 : i32
    %broadcast_in_dim3A_1685 = vector.broadcast %jit3A_1683 : i32 to vector<16xi32>
    %broadcast_in_dim3A_1686 = vector.broadcast %jit3A_1684 : i32 to vector<16xi32>
    %select_n3A_1687 = arith.select %ge3A_1682, %broadcast_in_dim3A_1685, %broadcast_in_dim3A_1686 : vector<16xi1>, vector<16xi32>
    %add3A_1688 = arith.addi %add3A_1678, %select_n3A_1687 : vector<16xi32>
    %slice3A_1689 = vector.extract_strided_slice %get3A_197 {offsets = [3], sizes = [1], strides = [1]} : vector<16xi32> to vector<1xi32>
    %squeeze3A_1690 = vector.extract %slice3A_1689[0] : i32 from vector<1xi32>
    %ge3A_1691 = vector.broadcast %squeeze3A_1690 : i32 to vector<16xi32>
    %ge3A_1692 = arith.cmpi sge, %add3A_1666, %ge3A_1691 : vector<16xi32>
    %jit3A_1693 = arith.constant 1 : i32
    %jit3A_1694 = arith.constant 0 : i32
    %broadcast_in_dim3A_1695 = vector.broadcast %jit3A_1693 : i32 to vector<16xi32>
    %broadcast_in_dim3A_1696 = vector.broadcast %jit3A_1694 : i32 to vector<16xi32>
    %select_n3A_1697 = arith.select %ge3A_1692, %broadcast_in_dim3A_1695, %broadcast_in_dim3A_1696 : vector<16xi1>, vector<16xi32>
    %add3A_1698 = arith.addi %add3A_1688, %select_n3A_1697 : vector<16xi32>
    %slice3A_1699 = vector.extract_strided_slice %get3A_197 {offsets = [4], sizes = [1], strides = [1]} : vector<16xi32> to vector<1xi32>
    %squeeze3A_1700 = vector.extract %slice3A_1699[0] : i32 from vector<1xi32>
    %ge3A_1701 = vector.broadcast %squeeze3A_1700 : i32 to vector<16xi32>
    %ge3A_1702 = arith.cmpi sge, %add3A_1666, %ge3A_1701 : vector<16xi32>
    %jit3A_1703 = arith.constant 1 : i32
    %jit3A_1704 = arith.constant 0 : i32
    %broadcast_in_dim3A_1705 = vector.broadcast %jit3A_1703 : i32 to vector<16xi32>
    %broadcast_in_dim3A_1706 = vector.broadcast %jit3A_1704 : i32 to vector<16xi32>
    %select_n3A_1707 = arith.select %ge3A_1702, %broadcast_in_dim3A_1705, %broadcast_in_dim3A_1706 : vector<16xi1>, vector<16xi32>
    %add3A_1708 = arith.addi %add3A_1698, %select_n3A_1707 : vector<16xi32>
    %slice3A_1709 = vector.extract_strided_slice %get3A_197 {offsets = [5], sizes = [1], strides = [1]} : vector<16xi32> to vector<1xi32>
    %squeeze3A_1710 = vector.extract %slice3A_1709[0] : i32 from vector<1xi32>
    %ge3A_1711 = vector.broadcast %squeeze3A_1710 : i32 to vector<16xi32>
    %ge3A_1712 = arith.cmpi sge, %add3A_1666, %ge3A_1711 : vector<16xi32>
    %jit3A_1713 = arith.constant 1 : i32
    %jit3A_1714 = arith.constant 0 : i32
    %broadcast_in_dim3A_1715 = vector.broadcast %jit3A_1713 : i32 to vector<16xi32>
    %broadcast_in_dim3A_1716 = vector.broadcast %jit3A_1714 : i32 to vector<16xi32>
    %select_n3A_1717 = arith.select %ge3A_1712, %broadcast_in_dim3A_1715, %broadcast_in_dim3A_1716 : vector<16xi1>, vector<16xi32>
    %add3A_1718 = arith.addi %add3A_1708, %select_n3A_1717 : vector<16xi32>
    %slice3A_1719 = vector.extract_strided_slice %get3A_197 {offsets = [6], sizes = [1], strides = [1]} : vector<16xi32> to vector<1xi32>
    %squeeze3A_1720 = vector.extract %slice3A_1719[0] : i32 from vector<1xi32>
    %ge3A_1721 = vector.broadcast %squeeze3A_1720 : i32 to vector<16xi32>
    %ge3A_1722 = arith.cmpi sge, %add3A_1666, %ge3A_1721 : vector<16xi32>
    %jit3A_1723 = arith.constant 1 : i32
    %jit3A_1724 = arith.constant 0 : i32
    %broadcast_in_dim3A_1725 = vector.broadcast %jit3A_1723 : i32 to vector<16xi32>
    %broadcast_in_dim3A_1726 = vector.broadcast %jit3A_1724 : i32 to vector<16xi32>
    %select_n3A_1727 = arith.select %ge3A_1722, %broadcast_in_dim3A_1725, %broadcast_in_dim3A_1726 : vector<16xi1>, vector<16xi32>
    %add3A_1728 = arith.addi %add3A_1718, %select_n3A_1727 : vector<16xi32>
    %slice3A_1729 = vector.extract_strided_slice %get3A_197 {offsets = [7], sizes = [1], strides = [1]} : vector<16xi32> to vector<1xi32>
    %squeeze3A_1730 = vector.extract %slice3A_1729[0] : i32 from vector<1xi32>
    %ge3A_1731 = vector.broadcast %squeeze3A_1730 : i32 to vector<16xi32>
    %ge3A_1732 = arith.cmpi sge, %add3A_1666, %ge3A_1731 : vector<16xi32>
    %jit3A_1733 = arith.constant 1 : i32
    %jit3A_1734 = arith.constant 0 : i32
    %broadcast_in_dim3A_1735 = vector.broadcast %jit3A_1733 : i32 to vector<16xi32>
    %broadcast_in_dim3A_1736 = vector.broadcast %jit3A_1734 : i32 to vector<16xi32>
    %select_n3A_1737 = arith.select %ge3A_1732, %broadcast_in_dim3A_1735, %broadcast_in_dim3A_1736 : vector<16xi1>, vector<16xi32>
    %add3A_1738 = arith.addi %add3A_1728, %select_n3A_1737 : vector<16xi32>
    %get3A_1739 = arith.constant 0 : i32
    %get3A_1740 = arith.index_cast %get3A_1739 : i32 to index
    %get3A_1741 = arith.constant 224 : index
    %get3A_1742 = tpu.vector_load %arg9[%get3A_1740, %get3A_1741] {strides = array<i32>} : memref<1x512xi32, #tpu.memory_space<vmem>>, vector<16xi32>,
    %mul3A_1743 = arith.constant 48 : i32
    %mul3A_1744 = vector.broadcast %mul3A_1743 : i32 to vector<16xi32>
    %mul3A_1745 = arith.muli %add3A_1738, %mul3A_1744 : vector<16xi32>
    %add3A_1746 = arith.addi %mul3A_1745, %get3A_1742 : vector<16xi32>
    tpu.vector_store_idx %arg11[%add3A_1746], %broadcast_in_dim3A_196 {add = true} : memref<1536xf32, #tpu.memory_space<vmem>>[vector<16xi32>], vector<16xf32>,
    %get3A_1747 = arith.constant 0 : i32
    %get3A_1748 = arith.index_cast %get3A_1747 : i32 to index
    %get3A_1749 = arith.constant 224 : index
    %get3A_1750 = tpu.vector_load %arg6[%get3A_1748, %get3A_1749] {strides = array<i32>} : memref<1x512xf32, #tpu.memory_space<vmem>>, vector<16xf32>,
    %add3A_1751 = arith.constant 384 : i32
    %add3A_1752 = vector.broadcast %add3A_1751 : i32 to vector<16xi32>
    %add3A_1753 = arith.addi %add3A_1746, %add3A_1752 : vector<16xi32>
    tpu.vector_store_idx %arg11[%add3A_1753], %get3A_1750 {add = true} : memref<1536xf32, #tpu.memory_space<vmem>>[vector<16xi32>], vector<16xf32>,
    %get3A_1754 = arith.constant 0 : i32
    %get3A_1755 = arith.index_cast %get3A_1754 : i32 to index
    %get3A_1756 = arith.constant 224 : index
    %get3A_1757 = tpu.vector_load %arg7[%get3A_1755, %get3A_1756] {strides = array<i32>} : memref<1x512xf32, #tpu.memory_space<vmem>>, vector<16xf32>,
    %add3A_1758 = arith.constant 768 : i32
    %add3A_1759 = vector.broadcast %add3A_1758 : i32 to vector<16xi32>
    %add3A_1760 = arith.addi %add3A_1746, %add3A_1759 : vector<16xi32>
    tpu.vector_store_idx %arg11[%add3A_1760], %get3A_1757 {add = true} : memref<1536xf32, #tpu.memory_space<vmem>>[vector<16xi32>], vector<16xf32>,
    %get3A_1761 = arith.constant 0 : i32
    %get3A_1762 = arith.index_cast %get3A_1761 : i32 to index
    %get3A_1763 = arith.constant 224 : index
    %get3A_1764 = tpu.vector_load %arg8[%get3A_1762, %get3A_1763] {strides = array<i32>} : memref<1x512xf32, #tpu.memory_space<vmem>>, vector<16xf32>,
    %add3A_1765 = arith.constant 1152 : i32
    %add3A_1766 = vector.broadcast %add3A_1765 : i32 to vector<16xi32>
    %add3A_1767 = arith.addi %add3A_1746, %add3A_1766 : vector<16xi32>
    tpu.vector_store_idx %arg11[%add3A_1767], %get3A_1764 {add = true} : memref<1536xf32, #tpu.memory_space<vmem>>[vector<16xi32>], vector<16xf32>,
    %add3A_1768 = arith.constant 240 : i32
    %add3A_1769 = arith.addi %add3A_1768, %mul3A_2 : i32
    %add3A_1770 = vector.broadcast %add3A_1769 : i32 to vector<16xi32>
    %add3A_1771 = arith.addi %iota3A, %add3A_1770 : vector<16xi32>
    %broadcast_in_dim3A_1772 = arith.constant 0 : i32
    %broadcast_in_dim3A_1773 = vector.broadcast %broadcast_in_dim3A_1772 : i32 to vector<16xi32>
    %slice3A_1774 = vector.extract_strided_slice %get3A_197 {offsets = [1], sizes = [1], strides = [1]} : vector<16xi32> to vector<1xi32>
    %squeeze3A_1775 = vector.extract %slice3A_1774[0] : i32 from vector<1xi32>
    %ge3A_1776 = vector.broadcast %squeeze3A_1775 : i32 to vector<16xi32>
    %ge3A_1777 = arith.cmpi sge, %add3A_1771, %ge3A_1776 : vector<16xi32>
    %jit3A_1778 = arith.constant 1 : i32
    %jit3A_1779 = arith.constant 0 : i32
    %broadcast_in_dim3A_1780 = vector.broadcast %jit3A_1778 : i32 to vector<16xi32>
    %broadcast_in_dim3A_1781 = vector.broadcast %jit3A_1779 : i32 to vector<16xi32>
    %select_n3A_1782 = arith.select %ge3A_1777, %broadcast_in_dim3A_1780, %broadcast_in_dim3A_1781 : vector<16xi1>, vector<16xi32>
    %add3A_1783 = arith.addi %broadcast_in_dim3A_1773, %select_n3A_1782 : vector<16xi32>
    %slice3A_1784 = vector.extract_strided_slice %get3A_197 {offsets = [2], sizes = [1], strides = [1]} : vector<16xi32> to vector<1xi32>
    %squeeze3A_1785 = vector.extract %slice3A_1784[0] : i32 from vector<1xi32>
    %ge3A_1786 = vector.broadcast %squeeze3A_1785 : i32 to vector<16xi32>
    %ge3A_1787 = arith.cmpi sge, %add3A_1771, %ge3A_1786 : vector<16xi32>
    %jit3A_1788 = arith.constant 1 : i32
    %jit3A_1789 = arith.constant 0 : i32
    %broadcast_in_dim3A_1790 = vector.broadcast %jit3A_1788 : i32 to vector<16xi32>
    %broadcast_in_dim3A_1791 = vector.broadcast %jit3A_1789 : i32 to vector<16xi32>
    %select_n3A_1792 = arith.select %ge3A_1787, %broadcast_in_dim3A_1790, %broadcast_in_dim3A_1791 : vector<16xi1>, vector<16xi32>
    %add3A_1793 = arith.addi %add3A_1783, %select_n3A_1792 : vector<16xi32>
    %slice3A_1794 = vector.extract_strided_slice %get3A_197 {offsets = [3], sizes = [1], strides = [1]} : vector<16xi32> to vector<1xi32>
    %squeeze3A_1795 = vector.extract %slice3A_1794[0] : i32 from vector<1xi32>
    %ge3A_1796 = vector.broadcast %squeeze3A_1795 : i32 to vector<16xi32>
    %ge3A_1797 = arith.cmpi sge, %add3A_1771, %ge3A_1796 : vector<16xi32>
    %jit3A_1798 = arith.constant 1 : i32
    %jit3A_1799 = arith.constant 0 : i32
    %broadcast_in_dim3A_1800 = vector.broadcast %jit3A_1798 : i32 to vector<16xi32>
    %broadcast_in_dim3A_1801 = vector.broadcast %jit3A_1799 : i32 to vector<16xi32>
    %select_n3A_1802 = arith.select %ge3A_1797, %broadcast_in_dim3A_1800, %broadcast_in_dim3A_1801 : vector<16xi1>, vector<16xi32>
    %add3A_1803 = arith.addi %add3A_1793, %select_n3A_1802 : vector<16xi32>
    %slice3A_1804 = vector.extract_strided_slice %get3A_197 {offsets = [4], sizes = [1], strides = [1]} : vector<16xi32> to vector<1xi32>
    %squeeze3A_1805 = vector.extract %slice3A_1804[0] : i32 from vector<1xi32>
    %ge3A_1806 = vector.broadcast %squeeze3A_1805 : i32 to vector<16xi32>
    %ge3A_1807 = arith.cmpi sge, %add3A_1771, %ge3A_1806 : vector<16xi32>
    %jit3A_1808 = arith.constant 1 : i32
    %jit3A_1809 = arith.constant 0 : i32
    %broadcast_in_dim3A_1810 = vector.broadcast %jit3A_1808 : i32 to vector<16xi32>
    %broadcast_in_dim3A_1811 = vector.broadcast %jit3A_1809 : i32 to vector<16xi32>
    %select_n3A_1812 = arith.select %ge3A_1807, %broadcast_in_dim3A_1810, %broadcast_in_dim3A_1811 : vector<16xi1>, vector<16xi32>
    %add3A_1813 = arith.addi %add3A_1803, %select_n3A_1812 : vector<16xi32>
    %slice3A_1814 = vector.extract_strided_slice %get3A_197 {offsets = [5], sizes = [1], strides = [1]} : vector<16xi32> to vector<1xi32>
    %squeeze3A_1815 = vector.extract %slice3A_1814[0] : i32 from vector<1xi32>
    %ge3A_1816 = vector.broadcast %squeeze3A_1815 : i32 to vector<16xi32>
    %ge3A_1817 = arith.cmpi sge, %add3A_1771, %ge3A_1816 : vector<16xi32>
    %jit3A_1818 = arith.constant 1 : i32
    %jit3A_1819 = arith.constant 0 : i32
    %broadcast_in_dim3A_1820 = vector.broadcast %jit3A_1818 : i32 to vector<16xi32>
    %broadcast_in_dim3A_1821 = vector.broadcast %jit3A_1819 : i32 to vector<16xi32>
    %select_n3A_1822 = arith.select %ge3A_1817, %broadcast_in_dim3A_1820, %broadcast_in_dim3A_1821 : vector<16xi1>, vector<16xi32>
    %add3A_1823 = arith.addi %add3A_1813, %select_n3A_1822 : vector<16xi32>
    %slice3A_1824 = vector.extract_strided_slice %get3A_197 {offsets = [6], sizes = [1], strides = [1]} : vector<16xi32> to vector<1xi32>
    %squeeze3A_1825 = vector.extract %slice3A_1824[0] : i32 from vector<1xi32>
    %ge3A_1826 = vector.broadcast %squeeze3A_1825 : i32 to vector<16xi32>
    %ge3A_1827 = arith.cmpi sge, %add3A_1771, %ge3A_1826 : vector<16xi32>
    %jit3A_1828 = arith.constant 1 : i32
    %jit3A_1829 = arith.constant 0 : i32
    %broadcast_in_dim3A_1830 = vector.broadcast %jit3A_1828 : i32 to vector<16xi32>
    %broadcast_in_dim3A_1831 = vector.broadcast %jit3A_1829 : i32 to vector<16xi32>
    %select_n3A_1832 = arith.select %ge3A_1827, %broadcast_in_dim3A_1830, %broadcast_in_dim3A_1831 : vector<16xi1>, vector<16xi32>
    %add3A_1833 = arith.addi %add3A_1823, %select_n3A_1832 : vector<16xi32>
    %slice3A_1834 = vector.extract_strided_slice %get3A_197 {offsets = [7], sizes = [1], strides = [1]} : vector<16xi32> to vector<1xi32>
    %squeeze3A_1835 = vector.extract %slice3A_1834[0] : i32 from vector<1xi32>
    %ge3A_1836 = vector.broadcast %squeeze3A_1835 : i32 to vector<16xi32>
    %ge3A_1837 = arith.cmpi sge, %add3A_1771, %ge3A_1836 : vector<16xi32>
    %jit3A_1838 = arith.constant 1 : i32
    %jit3A_1839 = arith.constant 0 : i32
    %broadcast_in_dim3A_1840 = vector.broadcast %jit3A_1838 : i32 to vector<16xi32>
    %broadcast_in_dim3A_1841 = vector.broadcast %jit3A_1839 : i32 to vector<16xi32>
    %select_n3A_1842 = arith.select %ge3A_1837, %broadcast_in_dim3A_1840, %broadcast_in_dim3A_1841 : vector<16xi1>, vector<16xi32>
    %add3A_1843 = arith.addi %add3A_1833, %select_n3A_1842 : vector<16xi32>
    %get3A_1844 = arith.constant 0 : i32
    %get3A_1845 = arith.index_cast %get3A_1844 : i32 to index
    %get3A_1846 = arith.constant 240 : index
    %get3A_1847 = tpu.vector_load %arg9[%get3A_1845, %get3A_1846] {strides = array<i32>} : memref<1x512xi32, #tpu.memory_space<vmem>>, vector<16xi32>,
    %mul3A_1848 = arith.constant 48 : i32
    %mul3A_1849 = vector.broadcast %mul3A_1848 : i32 to vector<16xi32>
    %mul3A_1850 = arith.muli %add3A_1843, %mul3A_1849 : vector<16xi32>
    %add3A_1851 = arith.addi %mul3A_1850, %get3A_1847 : vector<16xi32>
    tpu.vector_store_idx %arg11[%add3A_1851], %broadcast_in_dim3A_196 {add = true} : memref<1536xf32, #tpu.memory_space<vmem>>[vector<16xi32>], vector<16xf32>,
    %get3A_1852 = arith.constant 0 : i32
    %get3A_1853 = arith.index_cast %get3A_1852 : i32 to index
    %get3A_1854 = arith.constant 240 : index
    %get3A_1855 = tpu.vector_load %arg6[%get3A_1853, %get3A_1854] {strides = array<i32>} : memref<1x512xf32, #tpu.memory_space<vmem>>, vector<16xf32>,
    %add3A_1856 = arith.constant 384 : i32
    %add3A_1857 = vector.broadcast %add3A_1856 : i32 to vector<16xi32>
    %add3A_1858 = arith.addi %add3A_1851, %add3A_1857 : vector<16xi32>
    tpu.vector_store_idx %arg11[%add3A_1858], %get3A_1855 {add = true} : memref<1536xf32, #tpu.memory_space<vmem>>[vector<16xi32>], vector<16xf32>,
    %get3A_1859 = arith.constant 0 : i32
    %get3A_1860 = arith.index_cast %get3A_1859 : i32 to index
    %get3A_1861 = arith.constant 240 : index
    %get3A_1862 = tpu.vector_load %arg7[%get3A_1860, %get3A_1861] {strides = array<i32>} : memref<1x512xf32, #tpu.memory_space<vmem>>, vector<16xf32>,
    %add3A_1863 = arith.constant 768 : i32
    %add3A_1864 = vector.broadcast %add3A_1863 : i32 to vector<16xi32>
    %add3A_1865 = arith.addi %add3A_1851, %add3A_1864 : vector<16xi32>
    tpu.vector_store_idx %arg11[%add3A_1865], %get3A_1862 {add = true} : memref<1536xf32, #tpu.memory_space<vmem>>[vector<16xi32>], vector<16xf32>,
    %get3A_1866 = arith.constant 0 : i32
    %get3A_1867 = arith.index_cast %get3A_1866 : i32 to index
    %get3A_1868 = arith.constant 240 : index
    %get3A_1869 = tpu.vector_load %arg8[%get3A_1867, %get3A_1868] {strides = array<i32>} : memref<1x512xf32, #tpu.memory_space<vmem>>, vector<16xf32>,
    %add3A_1870 = arith.constant 1152 : i32
    %add3A_1871 = vector.broadcast %add3A_1870 : i32 to vector<16xi32>
    %add3A_1872 = arith.addi %add3A_1851, %add3A_1871 : vector<16xi32>
    tpu.vector_store_idx %arg11[%add3A_1872], %get3A_1869 {add = true} : memref<1536xf32, #tpu.memory_space<vmem>>[vector<16xi32>], vector<16xf32>,
    %add3A_1873 = arith.constant 256 : i32
    %add3A_1874 = arith.addi %add3A_1873, %mul3A_2 : i32
    %add3A_1875 = vector.broadcast %add3A_1874 : i32 to vector<16xi32>
    %add3A_1876 = arith.addi %iota3A, %add3A_1875 : vector<16xi32>
    %broadcast_in_dim3A_1877 = arith.constant 0 : i32
    %broadcast_in_dim3A_1878 = vector.broadcast %broadcast_in_dim3A_1877 : i32 to vector<16xi32>
    %slice3A_1879 = vector.extract_strided_slice %get3A_197 {offsets = [1], sizes = [1], strides = [1]} : vector<16xi32> to vector<1xi32>
    %squeeze3A_1880 = vector.extract %slice3A_1879[0] : i32 from vector<1xi32>
    %ge3A_1881 = vector.broadcast %squeeze3A_1880 : i32 to vector<16xi32>
    %ge3A_1882 = arith.cmpi sge, %add3A_1876, %ge3A_1881 : vector<16xi32>
    %jit3A_1883 = arith.constant 1 : i32
    %jit3A_1884 = arith.constant 0 : i32
    %broadcast_in_dim3A_1885 = vector.broadcast %jit3A_1883 : i32 to vector<16xi32>
    %broadcast_in_dim3A_1886 = vector.broadcast %jit3A_1884 : i32 to vector<16xi32>
    %select_n3A_1887 = arith.select %ge3A_1882, %broadcast_in_dim3A_1885, %broadcast_in_dim3A_1886 : vector<16xi1>, vector<16xi32>
    %add3A_1888 = arith.addi %broadcast_in_dim3A_1878, %select_n3A_1887 : vector<16xi32>
    %slice3A_1889 = vector.extract_strided_slice %get3A_197 {offsets = [2], sizes = [1], strides = [1]} : vector<16xi32> to vector<1xi32>
    %squeeze3A_1890 = vector.extract %slice3A_1889[0] : i32 from vector<1xi32>
    %ge3A_1891 = vector.broadcast %squeeze3A_1890 : i32 to vector<16xi32>
    %ge3A_1892 = arith.cmpi sge, %add3A_1876, %ge3A_1891 : vector<16xi32>
    %jit3A_1893 = arith.constant 1 : i32
    %jit3A_1894 = arith.constant 0 : i32
    %broadcast_in_dim3A_1895 = vector.broadcast %jit3A_1893 : i32 to vector<16xi32>
    %broadcast_in_dim3A_1896 = vector.broadcast %jit3A_1894 : i32 to vector<16xi32>
    %select_n3A_1897 = arith.select %ge3A_1892, %broadcast_in_dim3A_1895, %broadcast_in_dim3A_1896 : vector<16xi1>, vector<16xi32>
    %add3A_1898 = arith.addi %add3A_1888, %select_n3A_1897 : vector<16xi32>
    %slice3A_1899 = vector.extract_strided_slice %get3A_197 {offsets = [3], sizes = [1], strides = [1]} : vector<16xi32> to vector<1xi32>
    %squeeze3A_1900 = vector.extract %slice3A_1899[0] : i32 from vector<1xi32>
    %ge3A_1901 = vector.broadcast %squeeze3A_1900 : i32 to vector<16xi32>
    %ge3A_1902 = arith.cmpi sge, %add3A_1876, %ge3A_1901 : vector<16xi32>
    %jit3A_1903 = arith.constant 1 : i32
    %jit3A_1904 = arith.constant 0 : i32
    %broadcast_in_dim3A_1905 = vector.broadcast %jit3A_1903 : i32 to vector<16xi32>
    %broadcast_in_dim3A_1906 = vector.broadcast %jit3A_1904 : i32 to vector<16xi32>
    %select_n3A_1907 = arith.select %ge3A_1902, %broadcast_in_dim3A_1905, %broadcast_in_dim3A_1906 : vector<16xi1>, vector<16xi32>
    %add3A_1908 = arith.addi %add3A_1898, %select_n3A_1907 : vector<16xi32>
    %slice3A_1909 = vector.extract_strided_slice %get3A_197 {offsets = [4], sizes = [1], strides = [1]} : vector<16xi32> to vector<1xi32>
    %squeeze3A_1910 = vector.extract %slice3A_1909[0] : i32 from vector<1xi32>
    %ge3A_1911 = vector.broadcast %squeeze3A_1910 : i32 to vector<16xi32>
    %ge3A_1912 = arith.cmpi sge, %add3A_1876, %ge3A_1911 : vector<16xi32>
    %jit3A_1913 = arith.constant 1 : i32
    %jit3A_1914 = arith.constant 0 : i32
    %broadcast_in_dim3A_1915 = vector.broadcast %jit3A_1913 : i32 to vector<16xi32>
    %broadcast_in_dim3A_1916 = vector.broadcast %jit3A_1914 : i32 to vector<16xi32>
    %select_n3A_1917 = arith.select %ge3A_1912, %broadcast_in_dim3A_1915, %broadcast_in_dim3A_1916 : vector<16xi1>, vector<16xi32>
    %add3A_1918 = arith.addi %add3A_1908, %select_n3A_1917 : vector<16xi32>
    %slice3A_1919 = vector.extract_strided_slice %get3A_197 {offsets = [5], sizes = [1], strides = [1]} : vector<16xi32> to vector<1xi32>
    %squeeze3A_1920 = vector.extract %slice3A_1919[0] : i32 from vector<1xi32>
    %ge3A_1921 = vector.broadcast %squeeze3A_1920 : i32 to vector<16xi32>
    %ge3A_1922 = arith.cmpi sge, %add3A_1876, %ge3A_1921 : vector<16xi32>
    %jit3A_1923 = arith.constant 1 : i32
    %jit3A_1924 = arith.constant 0 : i32
    %broadcast_in_dim3A_1925 = vector.broadcast %jit3A_1923 : i32 to vector<16xi32>
    %broadcast_in_dim3A_1926 = vector.broadcast %jit3A_1924 : i32 to vector<16xi32>
    %select_n3A_1927 = arith.select %ge3A_1922, %broadcast_in_dim3A_1925, %broadcast_in_dim3A_1926 : vector<16xi1>, vector<16xi32>
    %add3A_1928 = arith.addi %add3A_1918, %select_n3A_1927 : vector<16xi32>
    %slice3A_1929 = vector.extract_strided_slice %get3A_197 {offsets = [6], sizes = [1], strides = [1]} : vector<16xi32> to vector<1xi32>
    %squeeze3A_1930 = vector.extract %slice3A_1929[0] : i32 from vector<1xi32>
    %ge3A_1931 = vector.broadcast %squeeze3A_1930 : i32 to vector<16xi32>
    %ge3A_1932 = arith.cmpi sge, %add3A_1876, %ge3A_1931 : vector<16xi32>
    %jit3A_1933 = arith.constant 1 : i32
    %jit3A_1934 = arith.constant 0 : i32
    %broadcast_in_dim3A_1935 = vector.broadcast %jit3A_1933 : i32 to vector<16xi32>
    %broadcast_in_dim3A_1936 = vector.broadcast %jit3A_1934 : i32 to vector<16xi32>
    %select_n3A_1937 = arith.select %ge3A_1932, %broadcast_in_dim3A_1935, %broadcast_in_dim3A_1936 : vector<16xi1>, vector<16xi32>
    %add3A_1938 = arith.addi %add3A_1928, %select_n3A_1937 : vector<16xi32>
    %slice3A_1939 = vector.extract_strided_slice %get3A_197 {offsets = [7], sizes = [1], strides = [1]} : vector<16xi32> to vector<1xi32>
    %squeeze3A_1940 = vector.extract %slice3A_1939[0] : i32 from vector<1xi32>
    %ge3A_1941 = vector.broadcast %squeeze3A_1940 : i32 to vector<16xi32>
    %ge3A_1942 = arith.cmpi sge, %add3A_1876, %ge3A_1941 : vector<16xi32>
    %jit3A_1943 = arith.constant 1 : i32
    %jit3A_1944 = arith.constant 0 : i32
    %broadcast_in_dim3A_1945 = vector.broadcast %jit3A_1943 : i32 to vector<16xi32>
    %broadcast_in_dim3A_1946 = vector.broadcast %jit3A_1944 : i32 to vector<16xi32>
    %select_n3A_1947 = arith.select %ge3A_1942, %broadcast_in_dim3A_1945, %broadcast_in_dim3A_1946 : vector<16xi1>, vector<16xi32>
    %add3A_1948 = arith.addi %add3A_1938, %select_n3A_1947 : vector<16xi32>
    %get3A_1949 = arith.constant 0 : i32
    %get3A_1950 = arith.index_cast %get3A_1949 : i32 to index
    %get3A_1951 = arith.constant 256 : index
    %get3A_1952 = tpu.vector_load %arg9[%get3A_1950, %get3A_1951] {strides = array<i32>} : memref<1x512xi32, #tpu.memory_space<vmem>>, vector<16xi32>,
    %mul3A_1953 = arith.constant 48 : i32
    %mul3A_1954 = vector.broadcast %mul3A_1953 : i32 to vector<16xi32>
    %mul3A_1955 = arith.muli %add3A_1948, %mul3A_1954 : vector<16xi32>
    %add3A_1956 = arith.addi %mul3A_1955, %get3A_1952 : vector<16xi32>
    tpu.vector_store_idx %arg11[%add3A_1956], %broadcast_in_dim3A_196 {add = true} : memref<1536xf32, #tpu.memory_space<vmem>>[vector<16xi32>], vector<16xf32>,
    %get3A_1957 = arith.constant 0 : i32
    %get3A_1958 = arith.index_cast %get3A_1957 : i32 to index
    %get3A_1959 = arith.constant 256 : index
    %get3A_1960 = tpu.vector_load %arg6[%get3A_1958, %get3A_1959] {strides = array<i32>} : memref<1x512xf32, #tpu.memory_space<vmem>>, vector<16xf32>,
    %add3A_1961 = arith.constant 384 : i32
    %add3A_1962 = vector.broadcast %add3A_1961 : i32 to vector<16xi32>
    %add3A_1963 = arith.addi %add3A_1956, %add3A_1962 : vector<16xi32>
    tpu.vector_store_idx %arg11[%add3A_1963], %get3A_1960 {add = true} : memref<1536xf32, #tpu.memory_space<vmem>>[vector<16xi32>], vector<16xf32>,
    %get3A_1964 = arith.constant 0 : i32
    %get3A_1965 = arith.index_cast %get3A_1964 : i32 to index
    %get3A_1966 = arith.constant 256 : index
    %get3A_1967 = tpu.vector_load %arg7[%get3A_1965, %get3A_1966] {strides = array<i32>} : memref<1x512xf32, #tpu.memory_space<vmem>>, vector<16xf32>,
    %add3A_1968 = arith.constant 768 : i32
    %add3A_1969 = vector.broadcast %add3A_1968 : i32 to vector<16xi32>
    %add3A_1970 = arith.addi %add3A_1956, %add3A_1969 : vector<16xi32>
    tpu.vector_store_idx %arg11[%add3A_1970], %get3A_1967 {add = true} : memref<1536xf32, #tpu.memory_space<vmem>>[vector<16xi32>], vector<16xf32>,
    %get3A_1971 = arith.constant 0 : i32
    %get3A_1972 = arith.index_cast %get3A_1971 : i32 to index
    %get3A_1973 = arith.constant 256 : index
    %get3A_1974 = tpu.vector_load %arg8[%get3A_1972, %get3A_1973] {strides = array<i32>} : memref<1x512xf32, #tpu.memory_space<vmem>>, vector<16xf32>,
    %add3A_1975 = arith.constant 1152 : i32
    %add3A_1976 = vector.broadcast %add3A_1975 : i32 to vector<16xi32>
    %add3A_1977 = arith.addi %add3A_1956, %add3A_1976 : vector<16xi32>
    tpu.vector_store_idx %arg11[%add3A_1977], %get3A_1974 {add = true} : memref<1536xf32, #tpu.memory_space<vmem>>[vector<16xi32>], vector<16xf32>,
    %add3A_1978 = arith.constant 272 : i32
    %add3A_1979 = arith.addi %add3A_1978, %mul3A_2 : i32
    %add3A_1980 = vector.broadcast %add3A_1979 : i32 to vector<16xi32>
    %add3A_1981 = arith.addi %iota3A, %add3A_1980 : vector<16xi32>
    %broadcast_in_dim3A_1982 = arith.constant 0 : i32
    %broadcast_in_dim3A_1983 = vector.broadcast %broadcast_in_dim3A_1982 : i32 to vector<16xi32>
    %slice3A_1984 = vector.extract_strided_slice %get3A_197 {offsets = [1], sizes = [1], strides = [1]} : vector<16xi32> to vector<1xi32>
    %squeeze3A_1985 = vector.extract %slice3A_1984[0] : i32 from vector<1xi32>
    %ge3A_1986 = vector.broadcast %squeeze3A_1985 : i32 to vector<16xi32>
    %ge3A_1987 = arith.cmpi sge, %add3A_1981, %ge3A_1986 : vector<16xi32>
    %jit3A_1988 = arith.constant 1 : i32
    %jit3A_1989 = arith.constant 0 : i32
    %broadcast_in_dim3A_1990 = vector.broadcast %jit3A_1988 : i32 to vector<16xi32>
    %broadcast_in_dim3A_1991 = vector.broadcast %jit3A_1989 : i32 to vector<16xi32>
    %select_n3A_1992 = arith.select %ge3A_1987, %broadcast_in_dim3A_1990, %broadcast_in_dim3A_1991 : vector<16xi1>, vector<16xi32>
    %add3A_1993 = arith.addi %broadcast_in_dim3A_1983, %select_n3A_1992 : vector<16xi32>
    %slice3A_1994 = vector.extract_strided_slice %get3A_197 {offsets = [2], sizes = [1], strides = [1]} : vector<16xi32> to vector<1xi32>
    %squeeze3A_1995 = vector.extract %slice3A_1994[0] : i32 from vector<1xi32>
    %ge3A_1996 = vector.broadcast %squeeze3A_1995 : i32 to vector<16xi32>
    %ge3A_1997 = arith.cmpi sge, %add3A_1981, %ge3A_1996 : vector<16xi32>
    %jit3A_1998 = arith.constant 1 : i32
    %jit3A_1999 = arith.constant 0 : i32
    %broadcast_in_dim3A_2000 = vector.broadcast %jit3A_1998 : i32 to vector<16xi32>
    %broadcast_in_dim3A_2001 = vector.broadcast %jit3A_1999 : i32 to vector<16xi32>
    %select_n3A_2002 = arith.select %ge3A_1997, %broadcast_in_dim3A_2000, %broadcast_in_dim3A_2001 : vector<16xi1>, vector<16xi32>
    %add3A_2003 = arith.addi %add3A_1993, %select_n3A_2002 : vector<16xi32>
    %slice3A_2004 = vector.extract_strided_slice %get3A_197 {offsets = [3], sizes = [1], strides = [1]} : vector<16xi32> to vector<1xi32>
    %squeeze3A_2005 = vector.extract %slice3A_2004[0] : i32 from vector<1xi32>
    %ge3A_2006 = vector.broadcast %squeeze3A_2005 : i32 to vector<16xi32>
    %ge3A_2007 = arith.cmpi sge, %add3A_1981, %ge3A_2006 : vector<16xi32>
    %jit3A_2008 = arith.constant 1 : i32
    %jit3A_2009 = arith.constant 0 : i32
    %broadcast_in_dim3A_2010 = vector.broadcast %jit3A_2008 : i32 to vector<16xi32>
    %broadcast_in_dim3A_2011 = vector.broadcast %jit3A_2009 : i32 to vector<16xi32>
    %select_n3A_2012 = arith.select %ge3A_2007, %broadcast_in_dim3A_2010, %broadcast_in_dim3A_2011 : vector<16xi1>, vector<16xi32>
    %add3A_2013 = arith.addi %add3A_2003, %select_n3A_2012 : vector<16xi32>
    %slice3A_2014 = vector.extract_strided_slice %get3A_197 {offsets = [4], sizes = [1], strides = [1]} : vector<16xi32> to vector<1xi32>
    %squeeze3A_2015 = vector.extract %slice3A_2014[0] : i32 from vector<1xi32>
    %ge3A_2016 = vector.broadcast %squeeze3A_2015 : i32 to vector<16xi32>
    %ge3A_2017 = arith.cmpi sge, %add3A_1981, %ge3A_2016 : vector<16xi32>
    %jit3A_2018 = arith.constant 1 : i32
    %jit3A_2019 = arith.constant 0 : i32
    %broadcast_in_dim3A_2020 = vector.broadcast %jit3A_2018 : i32 to vector<16xi32>
    %broadcast_in_dim3A_2021 = vector.broadcast %jit3A_2019 : i32 to vector<16xi32>
    %select_n3A_2022 = arith.select %ge3A_2017, %broadcast_in_dim3A_2020, %broadcast_in_dim3A_2021 : vector<16xi1>, vector<16xi32>
    %add3A_2023 = arith.addi %add3A_2013, %select_n3A_2022 : vector<16xi32>
    %slice3A_2024 = vector.extract_strided_slice %get3A_197 {offsets = [5], sizes = [1], strides = [1]} : vector<16xi32> to vector<1xi32>
    %squeeze3A_2025 = vector.extract %slice3A_2024[0] : i32 from vector<1xi32>
    %ge3A_2026 = vector.broadcast %squeeze3A_2025 : i32 to vector<16xi32>
    %ge3A_2027 = arith.cmpi sge, %add3A_1981, %ge3A_2026 : vector<16xi32>
    %jit3A_2028 = arith.constant 1 : i32
    %jit3A_2029 = arith.constant 0 : i32
    %broadcast_in_dim3A_2030 = vector.broadcast %jit3A_2028 : i32 to vector<16xi32>
    %broadcast_in_dim3A_2031 = vector.broadcast %jit3A_2029 : i32 to vector<16xi32>
    %select_n3A_2032 = arith.select %ge3A_2027, %broadcast_in_dim3A_2030, %broadcast_in_dim3A_2031 : vector<16xi1>, vector<16xi32>
    %add3A_2033 = arith.addi %add3A_2023, %select_n3A_2032 : vector<16xi32>
    %slice3A_2034 = vector.extract_strided_slice %get3A_197 {offsets = [6], sizes = [1], strides = [1]} : vector<16xi32> to vector<1xi32>
    %squeeze3A_2035 = vector.extract %slice3A_2034[0] : i32 from vector<1xi32>
    %ge3A_2036 = vector.broadcast %squeeze3A_2035 : i32 to vector<16xi32>
    %ge3A_2037 = arith.cmpi sge, %add3A_1981, %ge3A_2036 : vector<16xi32>
    %jit3A_2038 = arith.constant 1 : i32
    %jit3A_2039 = arith.constant 0 : i32
    %broadcast_in_dim3A_2040 = vector.broadcast %jit3A_2038 : i32 to vector<16xi32>
    %broadcast_in_dim3A_2041 = vector.broadcast %jit3A_2039 : i32 to vector<16xi32>
    %select_n3A_2042 = arith.select %ge3A_2037, %broadcast_in_dim3A_2040, %broadcast_in_dim3A_2041 : vector<16xi1>, vector<16xi32>
    %add3A_2043 = arith.addi %add3A_2033, %select_n3A_2042 : vector<16xi32>
    %slice3A_2044 = vector.extract_strided_slice %get3A_197 {offsets = [7], sizes = [1], strides = [1]} : vector<16xi32> to vector<1xi32>
    %squeeze3A_2045 = vector.extract %slice3A_2044[0] : i32 from vector<1xi32>
    %ge3A_2046 = vector.broadcast %squeeze3A_2045 : i32 to vector<16xi32>
    %ge3A_2047 = arith.cmpi sge, %add3A_1981, %ge3A_2046 : vector<16xi32>
    %jit3A_2048 = arith.constant 1 : i32
    %jit3A_2049 = arith.constant 0 : i32
    %broadcast_in_dim3A_2050 = vector.broadcast %jit3A_2048 : i32 to vector<16xi32>
    %broadcast_in_dim3A_2051 = vector.broadcast %jit3A_2049 : i32 to vector<16xi32>
    %select_n3A_2052 = arith.select %ge3A_2047, %broadcast_in_dim3A_2050, %broadcast_in_dim3A_2051 : vector<16xi1>, vector<16xi32>
    %add3A_2053 = arith.addi %add3A_2043, %select_n3A_2052 : vector<16xi32>
    %get3A_2054 = arith.constant 0 : i32
    %get3A_2055 = arith.index_cast %get3A_2054 : i32 to index
    %get3A_2056 = arith.constant 272 : index
    %get3A_2057 = tpu.vector_load %arg9[%get3A_2055, %get3A_2056] {strides = array<i32>} : memref<1x512xi32, #tpu.memory_space<vmem>>, vector<16xi32>,
    %mul3A_2058 = arith.constant 48 : i32
    %mul3A_2059 = vector.broadcast %mul3A_2058 : i32 to vector<16xi32>
    %mul3A_2060 = arith.muli %add3A_2053, %mul3A_2059 : vector<16xi32>
    %add3A_2061 = arith.addi %mul3A_2060, %get3A_2057 : vector<16xi32>
    tpu.vector_store_idx %arg11[%add3A_2061], %broadcast_in_dim3A_196 {add = true} : memref<1536xf32, #tpu.memory_space<vmem>>[vector<16xi32>], vector<16xf32>,
    %get3A_2062 = arith.constant 0 : i32
    %get3A_2063 = arith.index_cast %get3A_2062 : i32 to index
    %get3A_2064 = arith.constant 272 : index
    %get3A_2065 = tpu.vector_load %arg6[%get3A_2063, %get3A_2064] {strides = array<i32>} : memref<1x512xf32, #tpu.memory_space<vmem>>, vector<16xf32>,
    %add3A_2066 = arith.constant 384 : i32
    %add3A_2067 = vector.broadcast %add3A_2066 : i32 to vector<16xi32>
    %add3A_2068 = arith.addi %add3A_2061, %add3A_2067 : vector<16xi32>
    tpu.vector_store_idx %arg11[%add3A_2068], %get3A_2065 {add = true} : memref<1536xf32, #tpu.memory_space<vmem>>[vector<16xi32>], vector<16xf32>,
    %get3A_2069 = arith.constant 0 : i32
    %get3A_2070 = arith.index_cast %get3A_2069 : i32 to index
    %get3A_2071 = arith.constant 272 : index
    %get3A_2072 = tpu.vector_load %arg7[%get3A_2070, %get3A_2071] {strides = array<i32>} : memref<1x512xf32, #tpu.memory_space<vmem>>, vector<16xf32>,
    %add3A_2073 = arith.constant 768 : i32
    %add3A_2074 = vector.broadcast %add3A_2073 : i32 to vector<16xi32>
    %add3A_2075 = arith.addi %add3A_2061, %add3A_2074 : vector<16xi32>
    tpu.vector_store_idx %arg11[%add3A_2075], %get3A_2072 {add = true} : memref<1536xf32, #tpu.memory_space<vmem>>[vector<16xi32>], vector<16xf32>,
    %get3A_2076 = arith.constant 0 : i32
    %get3A_2077 = arith.index_cast %get3A_2076 : i32 to index
    %get3A_2078 = arith.constant 272 : index
    %get3A_2079 = tpu.vector_load %arg8[%get3A_2077, %get3A_2078] {strides = array<i32>} : memref<1x512xf32, #tpu.memory_space<vmem>>, vector<16xf32>,
    %add3A_2080 = arith.constant 1152 : i32
    %add3A_2081 = vector.broadcast %add3A_2080 : i32 to vector<16xi32>
    %add3A_2082 = arith.addi %add3A_2061, %add3A_2081 : vector<16xi32>
    tpu.vector_store_idx %arg11[%add3A_2082], %get3A_2079 {add = true} : memref<1536xf32, #tpu.memory_space<vmem>>[vector<16xi32>], vector<16xf32>,
    %add3A_2083 = arith.constant 288 : i32
    %add3A_2084 = arith.addi %add3A_2083, %mul3A_2 : i32
    %add3A_2085 = vector.broadcast %add3A_2084 : i32 to vector<16xi32>
    %add3A_2086 = arith.addi %iota3A, %add3A_2085 : vector<16xi32>
    %broadcast_in_dim3A_2087 = arith.constant 0 : i32
    %broadcast_in_dim3A_2088 = vector.broadcast %broadcast_in_dim3A_2087 : i32 to vector<16xi32>
    %slice3A_2089 = vector.extract_strided_slice %get3A_197 {offsets = [1], sizes = [1], strides = [1]} : vector<16xi32> to vector<1xi32>
    %squeeze3A_2090 = vector.extract %slice3A_2089[0] : i32 from vector<1xi32>
    %ge3A_2091 = vector.broadcast %squeeze3A_2090 : i32 to vector<16xi32>
    %ge3A_2092 = arith.cmpi sge, %add3A_2086, %ge3A_2091 : vector<16xi32>
    %jit3A_2093 = arith.constant 1 : i32
    %jit3A_2094 = arith.constant 0 : i32
    %broadcast_in_dim3A_2095 = vector.broadcast %jit3A_2093 : i32 to vector<16xi32>
    %broadcast_in_dim3A_2096 = vector.broadcast %jit3A_2094 : i32 to vector<16xi32>
    %select_n3A_2097 = arith.select %ge3A_2092, %broadcast_in_dim3A_2095, %broadcast_in_dim3A_2096 : vector<16xi1>, vector<16xi32>
    %add3A_2098 = arith.addi %broadcast_in_dim3A_2088, %select_n3A_2097 : vector<16xi32>
    %slice3A_2099 = vector.extract_strided_slice %get3A_197 {offsets = [2], sizes = [1], strides = [1]} : vector<16xi32> to vector<1xi32>
    %squeeze3A_2100 = vector.extract %slice3A_2099[0] : i32 from vector<1xi32>
    %ge3A_2101 = vector.broadcast %squeeze3A_2100 : i32 to vector<16xi32>
    %ge3A_2102 = arith.cmpi sge, %add3A_2086, %ge3A_2101 : vector<16xi32>
    %jit3A_2103 = arith.constant 1 : i32
    %jit3A_2104 = arith.constant 0 : i32
    %broadcast_in_dim3A_2105 = vector.broadcast %jit3A_2103 : i32 to vector<16xi32>
    %broadcast_in_dim3A_2106 = vector.broadcast %jit3A_2104 : i32 to vector<16xi32>
    %select_n3A_2107 = arith.select %ge3A_2102, %broadcast_in_dim3A_2105, %broadcast_in_dim3A_2106 : vector<16xi1>, vector<16xi32>
    %add3A_2108 = arith.addi %add3A_2098, %select_n3A_2107 : vector<16xi32>
    %slice3A_2109 = vector.extract_strided_slice %get3A_197 {offsets = [3], sizes = [1], strides = [1]} : vector<16xi32> to vector<1xi32>
    %squeeze3A_2110 = vector.extract %slice3A_2109[0] : i32 from vector<1xi32>
    %ge3A_2111 = vector.broadcast %squeeze3A_2110 : i32 to vector<16xi32>
    %ge3A_2112 = arith.cmpi sge, %add3A_2086, %ge3A_2111 : vector<16xi32>
    %jit3A_2113 = arith.constant 1 : i32
    %jit3A_2114 = arith.constant 0 : i32
    %broadcast_in_dim3A_2115 = vector.broadcast %jit3A_2113 : i32 to vector<16xi32>
    %broadcast_in_dim3A_2116 = vector.broadcast %jit3A_2114 : i32 to vector<16xi32>
    %select_n3A_2117 = arith.select %ge3A_2112, %broadcast_in_dim3A_2115, %broadcast_in_dim3A_2116 : vector<16xi1>, vector<16xi32>
    %add3A_2118 = arith.addi %add3A_2108, %select_n3A_2117 : vector<16xi32>
    %slice3A_2119 = vector.extract_strided_slice %get3A_197 {offsets = [4], sizes = [1], strides = [1]} : vector<16xi32> to vector<1xi32>
    %squeeze3A_2120 = vector.extract %slice3A_2119[0] : i32 from vector<1xi32>
    %ge3A_2121 = vector.broadcast %squeeze3A_2120 : i32 to vector<16xi32>
    %ge3A_2122 = arith.cmpi sge, %add3A_2086, %ge3A_2121 : vector<16xi32>
    %jit3A_2123 = arith.constant 1 : i32
    %jit3A_2124 = arith.constant 0 : i32
    %broadcast_in_dim3A_2125 = vector.broadcast %jit3A_2123 : i32 to vector<16xi32>
    %broadcast_in_dim3A_2126 = vector.broadcast %jit3A_2124 : i32 to vector<16xi32>
    %select_n3A_2127 = arith.select %ge3A_2122, %broadcast_in_dim3A_2125, %broadcast_in_dim3A_2126 : vector<16xi1>, vector<16xi32>
    %add3A_2128 = arith.addi %add3A_2118, %select_n3A_2127 : vector<16xi32>
    %slice3A_2129 = vector.extract_strided_slice %get3A_197 {offsets = [5], sizes = [1], strides = [1]} : vector<16xi32> to vector<1xi32>
    %squeeze3A_2130 = vector.extract %slice3A_2129[0] : i32 from vector<1xi32>
    %ge3A_2131 = vector.broadcast %squeeze3A_2130 : i32 to vector<16xi32>
    %ge3A_2132 = arith.cmpi sge, %add3A_2086, %ge3A_2131 : vector<16xi32>
    %jit3A_2133 = arith.constant 1 : i32
    %jit3A_2134 = arith.constant 0 : i32
    %broadcast_in_dim3A_2135 = vector.broadcast %jit3A_2133 : i32 to vector<16xi32>
    %broadcast_in_dim3A_2136 = vector.broadcast %jit3A_2134 : i32 to vector<16xi32>
    %select_n3A_2137 = arith.select %ge3A_2132, %broadcast_in_dim3A_2135, %broadcast_in_dim3A_2136 : vector<16xi1>, vector<16xi32>
    %add3A_2138 = arith.addi %add3A_2128, %select_n3A_2137 : vector<16xi32>
    %slice3A_2139 = vector.extract_strided_slice %get3A_197 {offsets = [6], sizes = [1], strides = [1]} : vector<16xi32> to vector<1xi32>
    %squeeze3A_2140 = vector.extract %slice3A_2139[0] : i32 from vector<1xi32>
    %ge3A_2141 = vector.broadcast %squeeze3A_2140 : i32 to vector<16xi32>
    %ge3A_2142 = arith.cmpi sge, %add3A_2086, %ge3A_2141 : vector<16xi32>
    %jit3A_2143 = arith.constant 1 : i32
    %jit3A_2144 = arith.constant 0 : i32
    %broadcast_in_dim3A_2145 = vector.broadcast %jit3A_2143 : i32 to vector<16xi32>
    %broadcast_in_dim3A_2146 = vector.broadcast %jit3A_2144 : i32 to vector<16xi32>
    %select_n3A_2147 = arith.select %ge3A_2142, %broadcast_in_dim3A_2145, %broadcast_in_dim3A_2146 : vector<16xi1>, vector<16xi32>
    %add3A_2148 = arith.addi %add3A_2138, %select_n3A_2147 : vector<16xi32>
    %slice3A_2149 = vector.extract_strided_slice %get3A_197 {offsets = [7], sizes = [1], strides = [1]} : vector<16xi32> to vector<1xi32>
    %squeeze3A_2150 = vector.extract %slice3A_2149[0] : i32 from vector<1xi32>
    %ge3A_2151 = vector.broadcast %squeeze3A_2150 : i32 to vector<16xi32>
    %ge3A_2152 = arith.cmpi sge, %add3A_2086, %ge3A_2151 : vector<16xi32>
    %jit3A_2153 = arith.constant 1 : i32
    %jit3A_2154 = arith.constant 0 : i32
    %broadcast_in_dim3A_2155 = vector.broadcast %jit3A_2153 : i32 to vector<16xi32>
    %broadcast_in_dim3A_2156 = vector.broadcast %jit3A_2154 : i32 to vector<16xi32>
    %select_n3A_2157 = arith.select %ge3A_2152, %broadcast_in_dim3A_2155, %broadcast_in_dim3A_2156 : vector<16xi1>, vector<16xi32>
    %add3A_2158 = arith.addi %add3A_2148, %select_n3A_2157 : vector<16xi32>
    %get3A_2159 = arith.constant 0 : i32
    %get3A_2160 = arith.index_cast %get3A_2159 : i32 to index
    %get3A_2161 = arith.constant 288 : index
    %get3A_2162 = tpu.vector_load %arg9[%get3A_2160, %get3A_2161] {strides = array<i32>} : memref<1x512xi32, #tpu.memory_space<vmem>>, vector<16xi32>,
    %mul3A_2163 = arith.constant 48 : i32
    %mul3A_2164 = vector.broadcast %mul3A_2163 : i32 to vector<16xi32>
    %mul3A_2165 = arith.muli %add3A_2158, %mul3A_2164 : vector<16xi32>
    %add3A_2166 = arith.addi %mul3A_2165, %get3A_2162 : vector<16xi32>
    tpu.vector_store_idx %arg11[%add3A_2166], %broadcast_in_dim3A_196 {add = true} : memref<1536xf32, #tpu.memory_space<vmem>>[vector<16xi32>], vector<16xf32>,
    %get3A_2167 = arith.constant 0 : i32
    %get3A_2168 = arith.index_cast %get3A_2167 : i32 to index
    %get3A_2169 = arith.constant 288 : index
    %get3A_2170 = tpu.vector_load %arg6[%get3A_2168, %get3A_2169] {strides = array<i32>} : memref<1x512xf32, #tpu.memory_space<vmem>>, vector<16xf32>,
    %add3A_2171 = arith.constant 384 : i32
    %add3A_2172 = vector.broadcast %add3A_2171 : i32 to vector<16xi32>
    %add3A_2173 = arith.addi %add3A_2166, %add3A_2172 : vector<16xi32>
    tpu.vector_store_idx %arg11[%add3A_2173], %get3A_2170 {add = true} : memref<1536xf32, #tpu.memory_space<vmem>>[vector<16xi32>], vector<16xf32>,
    %get3A_2174 = arith.constant 0 : i32
    %get3A_2175 = arith.index_cast %get3A_2174 : i32 to index
    %get3A_2176 = arith.constant 288 : index
    %get3A_2177 = tpu.vector_load %arg7[%get3A_2175, %get3A_2176] {strides = array<i32>} : memref<1x512xf32, #tpu.memory_space<vmem>>, vector<16xf32>,
    %add3A_2178 = arith.constant 768 : i32
    %add3A_2179 = vector.broadcast %add3A_2178 : i32 to vector<16xi32>
    %add3A_2180 = arith.addi %add3A_2166, %add3A_2179 : vector<16xi32>
    tpu.vector_store_idx %arg11[%add3A_2180], %get3A_2177 {add = true} : memref<1536xf32, #tpu.memory_space<vmem>>[vector<16xi32>], vector<16xf32>,
    %get3A_2181 = arith.constant 0 : i32
    %get3A_2182 = arith.index_cast %get3A_2181 : i32 to index
    %get3A_2183 = arith.constant 288 : index
    %get3A_2184 = tpu.vector_load %arg8[%get3A_2182, %get3A_2183] {strides = array<i32>} : memref<1x512xf32, #tpu.memory_space<vmem>>, vector<16xf32>,
    %add3A_2185 = arith.constant 1152 : i32
    %add3A_2186 = vector.broadcast %add3A_2185 : i32 to vector<16xi32>
    %add3A_2187 = arith.addi %add3A_2166, %add3A_2186 : vector<16xi32>
    tpu.vector_store_idx %arg11[%add3A_2187], %get3A_2184 {add = true} : memref<1536xf32, #tpu.memory_space<vmem>>[vector<16xi32>], vector<16xf32>,
    %add3A_2188 = arith.constant 304 : i32
    %add3A_2189 = arith.addi %add3A_2188, %mul3A_2 : i32
    %add3A_2190 = vector.broadcast %add3A_2189 : i32 to vector<16xi32>
    %add3A_2191 = arith.addi %iota3A, %add3A_2190 : vector<16xi32>
    %broadcast_in_dim3A_2192 = arith.constant 0 : i32
    %broadcast_in_dim3A_2193 = vector.broadcast %broadcast_in_dim3A_2192 : i32 to vector<16xi32>
    %slice3A_2194 = vector.extract_strided_slice %get3A_197 {offsets = [1], sizes = [1], strides = [1]} : vector<16xi32> to vector<1xi32>
    %squeeze3A_2195 = vector.extract %slice3A_2194[0] : i32 from vector<1xi32>
    %ge3A_2196 = vector.broadcast %squeeze3A_2195 : i32 to vector<16xi32>
    %ge3A_2197 = arith.cmpi sge, %add3A_2191, %ge3A_2196 : vector<16xi32>
    %jit3A_2198 = arith.constant 1 : i32
    %jit3A_2199 = arith.constant 0 : i32
    %broadcast_in_dim3A_2200 = vector.broadcast %jit3A_2198 : i32 to vector<16xi32>
    %broadcast_in_dim3A_2201 = vector.broadcast %jit3A_2199 : i32 to vector<16xi32>
    %select_n3A_2202 = arith.select %ge3A_2197, %broadcast_in_dim3A_2200, %broadcast_in_dim3A_2201 : vector<16xi1>, vector<16xi32>
    %add3A_2203 = arith.addi %broadcast_in_dim3A_2193, %select_n3A_2202 : vector<16xi32>
    %slice3A_2204 = vector.extract_strided_slice %get3A_197 {offsets = [2], sizes = [1], strides = [1]} : vector<16xi32> to vector<1xi32>
    %squeeze3A_2205 = vector.extract %slice3A_2204[0] : i32 from vector<1xi32>
    %ge3A_2206 = vector.broadcast %squeeze3A_2205 : i32 to vector<16xi32>
    %ge3A_2207 = arith.cmpi sge, %add3A_2191, %ge3A_2206 : vector<16xi32>
    %jit3A_2208 = arith.constant 1 : i32
    %jit3A_2209 = arith.constant 0 : i32
    %broadcast_in_dim3A_2210 = vector.broadcast %jit3A_2208 : i32 to vector<16xi32>
    %broadcast_in_dim3A_2211 = vector.broadcast %jit3A_2209 : i32 to vector<16xi32>
    %select_n3A_2212 = arith.select %ge3A_2207, %broadcast_in_dim3A_2210, %broadcast_in_dim3A_2211 : vector<16xi1>, vector<16xi32>
    %add3A_2213 = arith.addi %add3A_2203, %select_n3A_2212 : vector<16xi32>
    %slice3A_2214 = vector.extract_strided_slice %get3A_197 {offsets = [3], sizes = [1], strides = [1]} : vector<16xi32> to vector<1xi32>
    %squeeze3A_2215 = vector.extract %slice3A_2214[0] : i32 from vector<1xi32>
    %ge3A_2216 = vector.broadcast %squeeze3A_2215 : i32 to vector<16xi32>
    %ge3A_2217 = arith.cmpi sge, %add3A_2191, %ge3A_2216 : vector<16xi32>
    %jit3A_2218 = arith.constant 1 : i32
    %jit3A_2219 = arith.constant 0 : i32
    %broadcast_in_dim3A_2220 = vector.broadcast %jit3A_2218 : i32 to vector<16xi32>
    %broadcast_in_dim3A_2221 = vector.broadcast %jit3A_2219 : i32 to vector<16xi32>
    %select_n3A_2222 = arith.select %ge3A_2217, %broadcast_in_dim3A_2220, %broadcast_in_dim3A_2221 : vector<16xi1>, vector<16xi32>
    %add3A_2223 = arith.addi %add3A_2213, %select_n3A_2222 : vector<16xi32>
    %slice3A_2224 = vector.extract_strided_slice %get3A_197 {offsets = [4], sizes = [1], strides = [1]} : vector<16xi32> to vector<1xi32>
    %squeeze3A_2225 = vector.extract %slice3A_2224[0] : i32 from vector<1xi32>
    %ge3A_2226 = vector.broadcast %squeeze3A_2225 : i32 to vector<16xi32>
    %ge3A_2227 = arith.cmpi sge, %add3A_2191, %ge3A_2226 : vector<16xi32>
    %jit3A_2228 = arith.constant 1 : i32
    %jit3A_2229 = arith.constant 0 : i32
    %broadcast_in_dim3A_2230 = vector.broadcast %jit3A_2228 : i32 to vector<16xi32>
    %broadcast_in_dim3A_2231 = vector.broadcast %jit3A_2229 : i32 to vector<16xi32>
    %select_n3A_2232 = arith.select %ge3A_2227, %broadcast_in_dim3A_2230, %broadcast_in_dim3A_2231 : vector<16xi1>, vector<16xi32>
    %add3A_2233 = arith.addi %add3A_2223, %select_n3A_2232 : vector<16xi32>
    %slice3A_2234 = vector.extract_strided_slice %get3A_197 {offsets = [5], sizes = [1], strides = [1]} : vector<16xi32> to vector<1xi32>
    %squeeze3A_2235 = vector.extract %slice3A_2234[0] : i32 from vector<1xi32>
    %ge3A_2236 = vector.broadcast %squeeze3A_2235 : i32 to vector<16xi32>
    %ge3A_2237 = arith.cmpi sge, %add3A_2191, %ge3A_2236 : vector<16xi32>
    %jit3A_2238 = arith.constant 1 : i32
    %jit3A_2239 = arith.constant 0 : i32
    %broadcast_in_dim3A_2240 = vector.broadcast %jit3A_2238 : i32 to vector<16xi32>
    %broadcast_in_dim3A_2241 = vector.broadcast %jit3A_2239 : i32 to vector<16xi32>
    %select_n3A_2242 = arith.select %ge3A_2237, %broadcast_in_dim3A_2240, %broadcast_in_dim3A_2241 : vector<16xi1>, vector<16xi32>
    %add3A_2243 = arith.addi %add3A_2233, %select_n3A_2242 : vector<16xi32>
    %slice3A_2244 = vector.extract_strided_slice %get3A_197 {offsets = [6], sizes = [1], strides = [1]} : vector<16xi32> to vector<1xi32>
    %squeeze3A_2245 = vector.extract %slice3A_2244[0] : i32 from vector<1xi32>
    %ge3A_2246 = vector.broadcast %squeeze3A_2245 : i32 to vector<16xi32>
    %ge3A_2247 = arith.cmpi sge, %add3A_2191, %ge3A_2246 : vector<16xi32>
    %jit3A_2248 = arith.constant 1 : i32
    %jit3A_2249 = arith.constant 0 : i32
    %broadcast_in_dim3A_2250 = vector.broadcast %jit3A_2248 : i32 to vector<16xi32>
    %broadcast_in_dim3A_2251 = vector.broadcast %jit3A_2249 : i32 to vector<16xi32>
    %select_n3A_2252 = arith.select %ge3A_2247, %broadcast_in_dim3A_2250, %broadcast_in_dim3A_2251 : vector<16xi1>, vector<16xi32>
    %add3A_2253 = arith.addi %add3A_2243, %select_n3A_2252 : vector<16xi32>
    %slice3A_2254 = vector.extract_strided_slice %get3A_197 {offsets = [7], sizes = [1], strides = [1]} : vector<16xi32> to vector<1xi32>
    %squeeze3A_2255 = vector.extract %slice3A_2254[0] : i32 from vector<1xi32>
    %ge3A_2256 = vector.broadcast %squeeze3A_2255 : i32 to vector<16xi32>
    %ge3A_2257 = arith.cmpi sge, %add3A_2191, %ge3A_2256 : vector<16xi32>
    %jit3A_2258 = arith.constant 1 : i32
    %jit3A_2259 = arith.constant 0 : i32
    %broadcast_in_dim3A_2260 = vector.broadcast %jit3A_2258 : i32 to vector<16xi32>
    %broadcast_in_dim3A_2261 = vector.broadcast %jit3A_2259 : i32 to vector<16xi32>
    %select_n3A_2262 = arith.select %ge3A_2257, %broadcast_in_dim3A_2260, %broadcast_in_dim3A_2261 : vector<16xi1>, vector<16xi32>
    %add3A_2263 = arith.addi %add3A_2253, %select_n3A_2262 : vector<16xi32>
    %get3A_2264 = arith.constant 0 : i32
    %get3A_2265 = arith.index_cast %get3A_2264 : i32 to index
    %get3A_2266 = arith.constant 304 : index
    %get3A_2267 = tpu.vector_load %arg9[%get3A_2265, %get3A_2266] {strides = array<i32>} : memref<1x512xi32, #tpu.memory_space<vmem>>, vector<16xi32>,
    %mul3A_2268 = arith.constant 48 : i32
    %mul3A_2269 = vector.broadcast %mul3A_2268 : i32 to vector<16xi32>
    %mul3A_2270 = arith.muli %add3A_2263, %mul3A_2269 : vector<16xi32>
    %add3A_2271 = arith.addi %mul3A_2270, %get3A_2267 : vector<16xi32>
    tpu.vector_store_idx %arg11[%add3A_2271], %broadcast_in_dim3A_196 {add = true} : memref<1536xf32, #tpu.memory_space<vmem>>[vector<16xi32>], vector<16xf32>,
    %get3A_2272 = arith.constant 0 : i32
    %get3A_2273 = arith.index_cast %get3A_2272 : i32 to index
    %get3A_2274 = arith.constant 304 : index
    %get3A_2275 = tpu.vector_load %arg6[%get3A_2273, %get3A_2274] {strides = array<i32>} : memref<1x512xf32, #tpu.memory_space<vmem>>, vector<16xf32>,
    %add3A_2276 = arith.constant 384 : i32
    %add3A_2277 = vector.broadcast %add3A_2276 : i32 to vector<16xi32>
    %add3A_2278 = arith.addi %add3A_2271, %add3A_2277 : vector<16xi32>
    tpu.vector_store_idx %arg11[%add3A_2278], %get3A_2275 {add = true} : memref<1536xf32, #tpu.memory_space<vmem>>[vector<16xi32>], vector<16xf32>,
    %get3A_2279 = arith.constant 0 : i32
    %get3A_2280 = arith.index_cast %get3A_2279 : i32 to index
    %get3A_2281 = arith.constant 304 : index
    %get3A_2282 = tpu.vector_load %arg7[%get3A_2280, %get3A_2281] {strides = array<i32>} : memref<1x512xf32, #tpu.memory_space<vmem>>, vector<16xf32>,
    %add3A_2283 = arith.constant 768 : i32
    %add3A_2284 = vector.broadcast %add3A_2283 : i32 to vector<16xi32>
    %add3A_2285 = arith.addi %add3A_2271, %add3A_2284 : vector<16xi32>
    tpu.vector_store_idx %arg11[%add3A_2285], %get3A_2282 {add = true} : memref<1536xf32, #tpu.memory_space<vmem>>[vector<16xi32>], vector<16xf32>,
    %get3A_2286 = arith.constant 0 : i32
    %get3A_2287 = arith.index_cast %get3A_2286 : i32 to index
    %get3A_2288 = arith.constant 304 : index
    %get3A_2289 = tpu.vector_load %arg8[%get3A_2287, %get3A_2288] {strides = array<i32>} : memref<1x512xf32, #tpu.memory_space<vmem>>, vector<16xf32>,
    %add3A_2290 = arith.constant 1152 : i32
    %add3A_2291 = vector.broadcast %add3A_2290 : i32 to vector<16xi32>
    %add3A_2292 = arith.addi %add3A_2271, %add3A_2291 : vector<16xi32>
    tpu.vector_store_idx %arg11[%add3A_2292], %get3A_2289 {add = true} : memref<1536xf32, #tpu.memory_space<vmem>>[vector<16xi32>], vector<16xf32>,
    %add3A_2293 = arith.constant 320 : i32
    %add3A_2294 = arith.addi %add3A_2293, %mul3A_2 : i32
    %add3A_2295 = vector.broadcast %add3A_2294 : i32 to vector<16xi32>
    %add3A_2296 = arith.addi %iota3A, %add3A_2295 : vector<16xi32>
    %broadcast_in_dim3A_2297 = arith.constant 0 : i32
    %broadcast_in_dim3A_2298 = vector.broadcast %broadcast_in_dim3A_2297 : i32 to vector<16xi32>
    %slice3A_2299 = vector.extract_strided_slice %get3A_197 {offsets = [1], sizes = [1], strides = [1]} : vector<16xi32> to vector<1xi32>
    %squeeze3A_2300 = vector.extract %slice3A_2299[0] : i32 from vector<1xi32>
    %ge3A_2301 = vector.broadcast %squeeze3A_2300 : i32 to vector<16xi32>
    %ge3A_2302 = arith.cmpi sge, %add3A_2296, %ge3A_2301 : vector<16xi32>
    %jit3A_2303 = arith.constant 1 : i32
    %jit3A_2304 = arith.constant 0 : i32
    %broadcast_in_dim3A_2305 = vector.broadcast %jit3A_2303 : i32 to vector<16xi32>
    %broadcast_in_dim3A_2306 = vector.broadcast %jit3A_2304 : i32 to vector<16xi32>
    %select_n3A_2307 = arith.select %ge3A_2302, %broadcast_in_dim3A_2305, %broadcast_in_dim3A_2306 : vector<16xi1>, vector<16xi32>
    %add3A_2308 = arith.addi %broadcast_in_dim3A_2298, %select_n3A_2307 : vector<16xi32>
    %slice3A_2309 = vector.extract_strided_slice %get3A_197 {offsets = [2], sizes = [1], strides = [1]} : vector<16xi32> to vector<1xi32>
    %squeeze3A_2310 = vector.extract %slice3A_2309[0] : i32 from vector<1xi32>
    %ge3A_2311 = vector.broadcast %squeeze3A_2310 : i32 to vector<16xi32>
    %ge3A_2312 = arith.cmpi sge, %add3A_2296, %ge3A_2311 : vector<16xi32>
    %jit3A_2313 = arith.constant 1 : i32
    %jit3A_2314 = arith.constant 0 : i32
    %broadcast_in_dim3A_2315 = vector.broadcast %jit3A_2313 : i32 to vector<16xi32>
    %broadcast_in_dim3A_2316 = vector.broadcast %jit3A_2314 : i32 to vector<16xi32>
    %select_n3A_2317 = arith.select %ge3A_2312, %broadcast_in_dim3A_2315, %broadcast_in_dim3A_2316 : vector<16xi1>, vector<16xi32>
    %add3A_2318 = arith.addi %add3A_2308, %select_n3A_2317 : vector<16xi32>
    %slice3A_2319 = vector.extract_strided_slice %get3A_197 {offsets = [3], sizes = [1], strides = [1]} : vector<16xi32> to vector<1xi32>
    %squeeze3A_2320 = vector.extract %slice3A_2319[0] : i32 from vector<1xi32>
    %ge3A_2321 = vector.broadcast %squeeze3A_2320 : i32 to vector<16xi32>
    %ge3A_2322 = arith.cmpi sge, %add3A_2296, %ge3A_2321 : vector<16xi32>
    %jit3A_2323 = arith.constant 1 : i32
    %jit3A_2324 = arith.constant 0 : i32
    %broadcast_in_dim3A_2325 = vector.broadcast %jit3A_2323 : i32 to vector<16xi32>
    %broadcast_in_dim3A_2326 = vector.broadcast %jit3A_2324 : i32 to vector<16xi32>
    %select_n3A_2327 = arith.select %ge3A_2322, %broadcast_in_dim3A_2325, %broadcast_in_dim3A_2326 : vector<16xi1>, vector<16xi32>
    %add3A_2328 = arith.addi %add3A_2318, %select_n3A_2327 : vector<16xi32>
    %slice3A_2329 = vector.extract_strided_slice %get3A_197 {offsets = [4], sizes = [1], strides = [1]} : vector<16xi32> to vector<1xi32>
    %squeeze3A_2330 = vector.extract %slice3A_2329[0] : i32 from vector<1xi32>
    %ge3A_2331 = vector.broadcast %squeeze3A_2330 : i32 to vector<16xi32>
    %ge3A_2332 = arith.cmpi sge, %add3A_2296, %ge3A_2331 : vector<16xi32>
    %jit3A_2333 = arith.constant 1 : i32
    %jit3A_2334 = arith.constant 0 : i32
    %broadcast_in_dim3A_2335 = vector.broadcast %jit3A_2333 : i32 to vector<16xi32>
    %broadcast_in_dim3A_2336 = vector.broadcast %jit3A_2334 : i32 to vector<16xi32>
    %select_n3A_2337 = arith.select %ge3A_2332, %broadcast_in_dim3A_2335, %broadcast_in_dim3A_2336 : vector<16xi1>, vector<16xi32>
    %add3A_2338 = arith.addi %add3A_2328, %select_n3A_2337 : vector<16xi32>
    %slice3A_2339 = vector.extract_strided_slice %get3A_197 {offsets = [5], sizes = [1], strides = [1]} : vector<16xi32> to vector<1xi32>
    %squeeze3A_2340 = vector.extract %slice3A_2339[0] : i32 from vector<1xi32>
    %ge3A_2341 = vector.broadcast %squeeze3A_2340 : i32 to vector<16xi32>
    %ge3A_2342 = arith.cmpi sge, %add3A_2296, %ge3A_2341 : vector<16xi32>
    %jit3A_2343 = arith.constant 1 : i32
    %jit3A_2344 = arith.constant 0 : i32
    %broadcast_in_dim3A_2345 = vector.broadcast %jit3A_2343 : i32 to vector<16xi32>
    %broadcast_in_dim3A_2346 = vector.broadcast %jit3A_2344 : i32 to vector<16xi32>
    %select_n3A_2347 = arith.select %ge3A_2342, %broadcast_in_dim3A_2345, %broadcast_in_dim3A_2346 : vector<16xi1>, vector<16xi32>
    %add3A_2348 = arith.addi %add3A_2338, %select_n3A_2347 : vector<16xi32>
    %slice3A_2349 = vector.extract_strided_slice %get3A_197 {offsets = [6], sizes = [1], strides = [1]} : vector<16xi32> to vector<1xi32>
    %squeeze3A_2350 = vector.extract %slice3A_2349[0] : i32 from vector<1xi32>
    %ge3A_2351 = vector.broadcast %squeeze3A_2350 : i32 to vector<16xi32>
    %ge3A_2352 = arith.cmpi sge, %add3A_2296, %ge3A_2351 : vector<16xi32>
    %jit3A_2353 = arith.constant 1 : i32
    %jit3A_2354 = arith.constant 0 : i32
    %broadcast_in_dim3A_2355 = vector.broadcast %jit3A_2353 : i32 to vector<16xi32>
    %broadcast_in_dim3A_2356 = vector.broadcast %jit3A_2354 : i32 to vector<16xi32>
    %select_n3A_2357 = arith.select %ge3A_2352, %broadcast_in_dim3A_2355, %broadcast_in_dim3A_2356 : vector<16xi1>, vector<16xi32>
    %add3A_2358 = arith.addi %add3A_2348, %select_n3A_2357 : vector<16xi32>
    %slice3A_2359 = vector.extract_strided_slice %get3A_197 {offsets = [7], sizes = [1], strides = [1]} : vector<16xi32> to vector<1xi32>
    %squeeze3A_2360 = vector.extract %slice3A_2359[0] : i32 from vector<1xi32>
    %ge3A_2361 = vector.broadcast %squeeze3A_2360 : i32 to vector<16xi32>
    %ge3A_2362 = arith.cmpi sge, %add3A_2296, %ge3A_2361 : vector<16xi32>
    %jit3A_2363 = arith.constant 1 : i32
    %jit3A_2364 = arith.constant 0 : i32
    %broadcast_in_dim3A_2365 = vector.broadcast %jit3A_2363 : i32 to vector<16xi32>
    %broadcast_in_dim3A_2366 = vector.broadcast %jit3A_2364 : i32 to vector<16xi32>
    %select_n3A_2367 = arith.select %ge3A_2362, %broadcast_in_dim3A_2365, %broadcast_in_dim3A_2366 : vector<16xi1>, vector<16xi32>
    %add3A_2368 = arith.addi %add3A_2358, %select_n3A_2367 : vector<16xi32>
    %get3A_2369 = arith.constant 0 : i32
    %get3A_2370 = arith.index_cast %get3A_2369 : i32 to index
    %get3A_2371 = arith.constant 320 : index
    %get3A_2372 = tpu.vector_load %arg9[%get3A_2370, %get3A_2371] {strides = array<i32>} : memref<1x512xi32, #tpu.memory_space<vmem>>, vector<16xi32>,
    %mul3A_2373 = arith.constant 48 : i32
    %mul3A_2374 = vector.broadcast %mul3A_2373 : i32 to vector<16xi32>
    %mul3A_2375 = arith.muli %add3A_2368, %mul3A_2374 : vector<16xi32>
    %add3A_2376 = arith.addi %mul3A_2375, %get3A_2372 : vector<16xi32>
    tpu.vector_store_idx %arg11[%add3A_2376], %broadcast_in_dim3A_196 {add = true} : memref<1536xf32, #tpu.memory_space<vmem>>[vector<16xi32>], vector<16xf32>,
    %get3A_2377 = arith.constant 0 : i32
    %get3A_2378 = arith.index_cast %get3A_2377 : i32 to index
    %get3A_2379 = arith.constant 320 : index
    %get3A_2380 = tpu.vector_load %arg6[%get3A_2378, %get3A_2379] {strides = array<i32>} : memref<1x512xf32, #tpu.memory_space<vmem>>, vector<16xf32>,
    %add3A_2381 = arith.constant 384 : i32
    %add3A_2382 = vector.broadcast %add3A_2381 : i32 to vector<16xi32>
    %add3A_2383 = arith.addi %add3A_2376, %add3A_2382 : vector<16xi32>
    tpu.vector_store_idx %arg11[%add3A_2383], %get3A_2380 {add = true} : memref<1536xf32, #tpu.memory_space<vmem>>[vector<16xi32>], vector<16xf32>,
    %get3A_2384 = arith.constant 0 : i32
    %get3A_2385 = arith.index_cast %get3A_2384 : i32 to index
    %get3A_2386 = arith.constant 320 : index
    %get3A_2387 = tpu.vector_load %arg7[%get3A_2385, %get3A_2386] {strides = array<i32>} : memref<1x512xf32, #tpu.memory_space<vmem>>, vector<16xf32>,
    %add3A_2388 = arith.constant 768 : i32
    %add3A_2389 = vector.broadcast %add3A_2388 : i32 to vector<16xi32>
    %add3A_2390 = arith.addi %add3A_2376, %add3A_2389 : vector<16xi32>
    tpu.vector_store_idx %arg11[%add3A_2390], %get3A_2387 {add = true} : memref<1536xf32, #tpu.memory_space<vmem>>[vector<16xi32>], vector<16xf32>,
    %get3A_2391 = arith.constant 0 : i32
    %get3A_2392 = arith.index_cast %get3A_2391 : i32 to index
    %get3A_2393 = arith.constant 320 : index
    %get3A_2394 = tpu.vector_load %arg8[%get3A_2392, %get3A_2393] {strides = array<i32>} : memref<1x512xf32, #tpu.memory_space<vmem>>, vector<16xf32>,
    %add3A_2395 = arith.constant 1152 : i32
    %add3A_2396 = vector.broadcast %add3A_2395 : i32 to vector<16xi32>
    %add3A_2397 = arith.addi %add3A_2376, %add3A_2396 : vector<16xi32>
    tpu.vector_store_idx %arg11[%add3A_2397], %get3A_2394 {add = true} : memref<1536xf32, #tpu.memory_space<vmem>>[vector<16xi32>], vector<16xf32>,
    %add3A_2398 = arith.constant 336 : i32
    %add3A_2399 = arith.addi %add3A_2398, %mul3A_2 : i32
    %add3A_2400 = vector.broadcast %add3A_2399 : i32 to vector<16xi32>
    %add3A_2401 = arith.addi %iota3A, %add3A_2400 : vector<16xi32>
    %broadcast_in_dim3A_2402 = arith.constant 0 : i32
    %broadcast_in_dim3A_2403 = vector.broadcast %broadcast_in_dim3A_2402 : i32 to vector<16xi32>
    %slice3A_2404 = vector.extract_strided_slice %get3A_197 {offsets = [1], sizes = [1], strides = [1]} : vector<16xi32> to vector<1xi32>
    %squeeze3A_2405 = vector.extract %slice3A_2404[0] : i32 from vector<1xi32>
    %ge3A_2406 = vector.broadcast %squeeze3A_2405 : i32 to vector<16xi32>
    %ge3A_2407 = arith.cmpi sge, %add3A_2401, %ge3A_2406 : vector<16xi32>
    %jit3A_2408 = arith.constant 1 : i32
    %jit3A_2409 = arith.constant 0 : i32
    %broadcast_in_dim3A_2410 = vector.broadcast %jit3A_2408 : i32 to vector<16xi32>
    %broadcast_in_dim3A_2411 = vector.broadcast %jit3A_2409 : i32 to vector<16xi32>
    %select_n3A_2412 = arith.select %ge3A_2407, %broadcast_in_dim3A_2410, %broadcast_in_dim3A_2411 : vector<16xi1>, vector<16xi32>
    %add3A_2413 = arith.addi %broadcast_in_dim3A_2403, %select_n3A_2412 : vector<16xi32>
    %slice3A_2414 = vector.extract_strided_slice %get3A_197 {offsets = [2], sizes = [1], strides = [1]} : vector<16xi32> to vector<1xi32>
    %squeeze3A_2415 = vector.extract %slice3A_2414[0] : i32 from vector<1xi32>
    %ge3A_2416 = vector.broadcast %squeeze3A_2415 : i32 to vector<16xi32>
    %ge3A_2417 = arith.cmpi sge, %add3A_2401, %ge3A_2416 : vector<16xi32>
    %jit3A_2418 = arith.constant 1 : i32
    %jit3A_2419 = arith.constant 0 : i32
    %broadcast_in_dim3A_2420 = vector.broadcast %jit3A_2418 : i32 to vector<16xi32>
    %broadcast_in_dim3A_2421 = vector.broadcast %jit3A_2419 : i32 to vector<16xi32>
    %select_n3A_2422 = arith.select %ge3A_2417, %broadcast_in_dim3A_2420, %broadcast_in_dim3A_2421 : vector<16xi1>, vector<16xi32>
    %add3A_2423 = arith.addi %add3A_2413, %select_n3A_2422 : vector<16xi32>
    %slice3A_2424 = vector.extract_strided_slice %get3A_197 {offsets = [3], sizes = [1], strides = [1]} : vector<16xi32> to vector<1xi32>
    %squeeze3A_2425 = vector.extract %slice3A_2424[0] : i32 from vector<1xi32>
    %ge3A_2426 = vector.broadcast %squeeze3A_2425 : i32 to vector<16xi32>
    %ge3A_2427 = arith.cmpi sge, %add3A_2401, %ge3A_2426 : vector<16xi32>
    %jit3A_2428 = arith.constant 1 : i32
    %jit3A_2429 = arith.constant 0 : i32
    %broadcast_in_dim3A_2430 = vector.broadcast %jit3A_2428 : i32 to vector<16xi32>
    %broadcast_in_dim3A_2431 = vector.broadcast %jit3A_2429 : i32 to vector<16xi32>
    %select_n3A_2432 = arith.select %ge3A_2427, %broadcast_in_dim3A_2430, %broadcast_in_dim3A_2431 : vector<16xi1>, vector<16xi32>
    %add3A_2433 = arith.addi %add3A_2423, %select_n3A_2432 : vector<16xi32>
    %slice3A_2434 = vector.extract_strided_slice %get3A_197 {offsets = [4], sizes = [1], strides = [1]} : vector<16xi32> to vector<1xi32>
    %squeeze3A_2435 = vector.extract %slice3A_2434[0] : i32 from vector<1xi32>
    %ge3A_2436 = vector.broadcast %squeeze3A_2435 : i32 to vector<16xi32>
    %ge3A_2437 = arith.cmpi sge, %add3A_2401, %ge3A_2436 : vector<16xi32>
    %jit3A_2438 = arith.constant 1 : i32
    %jit3A_2439 = arith.constant 0 : i32
    %broadcast_in_dim3A_2440 = vector.broadcast %jit3A_2438 : i32 to vector<16xi32>
    %broadcast_in_dim3A_2441 = vector.broadcast %jit3A_2439 : i32 to vector<16xi32>
    %select_n3A_2442 = arith.select %ge3A_2437, %broadcast_in_dim3A_2440, %broadcast_in_dim3A_2441 : vector<16xi1>, vector<16xi32>
    %add3A_2443 = arith.addi %add3A_2433, %select_n3A_2442 : vector<16xi32>
    %slice3A_2444 = vector.extract_strided_slice %get3A_197 {offsets = [5], sizes = [1], strides = [1]} : vector<16xi32> to vector<1xi32>
    %squeeze3A_2445 = vector.extract %slice3A_2444[0] : i32 from vector<1xi32>
    %ge3A_2446 = vector.broadcast %squeeze3A_2445 : i32 to vector<16xi32>
    %ge3A_2447 = arith.cmpi sge, %add3A_2401, %ge3A_2446 : vector<16xi32>
    %jit3A_2448 = arith.constant 1 : i32
    %jit3A_2449 = arith.constant 0 : i32
    %broadcast_in_dim3A_2450 = vector.broadcast %jit3A_2448 : i32 to vector<16xi32>
    %broadcast_in_dim3A_2451 = vector.broadcast %jit3A_2449 : i32 to vector<16xi32>
    %select_n3A_2452 = arith.select %ge3A_2447, %broadcast_in_dim3A_2450, %broadcast_in_dim3A_2451 : vector<16xi1>, vector<16xi32>
    %add3A_2453 = arith.addi %add3A_2443, %select_n3A_2452 : vector<16xi32>
    %slice3A_2454 = vector.extract_strided_slice %get3A_197 {offsets = [6], sizes = [1], strides = [1]} : vector<16xi32> to vector<1xi32>
    %squeeze3A_2455 = vector.extract %slice3A_2454[0] : i32 from vector<1xi32>
    %ge3A_2456 = vector.broadcast %squeeze3A_2455 : i32 to vector<16xi32>
    %ge3A_2457 = arith.cmpi sge, %add3A_2401, %ge3A_2456 : vector<16xi32>
    %jit3A_2458 = arith.constant 1 : i32
    %jit3A_2459 = arith.constant 0 : i32
    %broadcast_in_dim3A_2460 = vector.broadcast %jit3A_2458 : i32 to vector<16xi32>
    %broadcast_in_dim3A_2461 = vector.broadcast %jit3A_2459 : i32 to vector<16xi32>
    %select_n3A_2462 = arith.select %ge3A_2457, %broadcast_in_dim3A_2460, %broadcast_in_dim3A_2461 : vector<16xi1>, vector<16xi32>
    %add3A_2463 = arith.addi %add3A_2453, %select_n3A_2462 : vector<16xi32>
    %slice3A_2464 = vector.extract_strided_slice %get3A_197 {offsets = [7], sizes = [1], strides = [1]} : vector<16xi32> to vector<1xi32>
    %squeeze3A_2465 = vector.extract %slice3A_2464[0] : i32 from vector<1xi32>
    %ge3A_2466 = vector.broadcast %squeeze3A_2465 : i32 to vector<16xi32>
    %ge3A_2467 = arith.cmpi sge, %add3A_2401, %ge3A_2466 : vector<16xi32>
    %jit3A_2468 = arith.constant 1 : i32
    %jit3A_2469 = arith.constant 0 : i32
    %broadcast_in_dim3A_2470 = vector.broadcast %jit3A_2468 : i32 to vector<16xi32>
    %broadcast_in_dim3A_2471 = vector.broadcast %jit3A_2469 : i32 to vector<16xi32>
    %select_n3A_2472 = arith.select %ge3A_2467, %broadcast_in_dim3A_2470, %broadcast_in_dim3A_2471 : vector<16xi1>, vector<16xi32>
    %add3A_2473 = arith.addi %add3A_2463, %select_n3A_2472 : vector<16xi32>
    %get3A_2474 = arith.constant 0 : i32
    %get3A_2475 = arith.index_cast %get3A_2474 : i32 to index
    %get3A_2476 = arith.constant 336 : index
    %get3A_2477 = tpu.vector_load %arg9[%get3A_2475, %get3A_2476] {strides = array<i32>} : memref<1x512xi32, #tpu.memory_space<vmem>>, vector<16xi32>,
    %mul3A_2478 = arith.constant 48 : i32
    %mul3A_2479 = vector.broadcast %mul3A_2478 : i32 to vector<16xi32>
    %mul3A_2480 = arith.muli %add3A_2473, %mul3A_2479 : vector<16xi32>
    %add3A_2481 = arith.addi %mul3A_2480, %get3A_2477 : vector<16xi32>
    tpu.vector_store_idx %arg11[%add3A_2481], %broadcast_in_dim3A_196 {add = true} : memref<1536xf32, #tpu.memory_space<vmem>>[vector<16xi32>], vector<16xf32>,
    %get3A_2482 = arith.constant 0 : i32
    %get3A_2483 = arith.index_cast %get3A_2482 : i32 to index
    %get3A_2484 = arith.constant 336 : index
    %get3A_2485 = tpu.vector_load %arg6[%get3A_2483, %get3A_2484] {strides = array<i32>} : memref<1x512xf32, #tpu.memory_space<vmem>>, vector<16xf32>,
    %add3A_2486 = arith.constant 384 : i32
    %add3A_2487 = vector.broadcast %add3A_2486 : i32 to vector<16xi32>
    %add3A_2488 = arith.addi %add3A_2481, %add3A_2487 : vector<16xi32>
    tpu.vector_store_idx %arg11[%add3A_2488], %get3A_2485 {add = true} : memref<1536xf32, #tpu.memory_space<vmem>>[vector<16xi32>], vector<16xf32>,
    %get3A_2489 = arith.constant 0 : i32
    %get3A_2490 = arith.index_cast %get3A_2489 : i32 to index
    %get3A_2491 = arith.constant 336 : index
    %get3A_2492 = tpu.vector_load %arg7[%get3A_2490, %get3A_2491] {strides = array<i32>} : memref<1x512xf32, #tpu.memory_space<vmem>>, vector<16xf32>,
    %add3A_2493 = arith.constant 768 : i32
    %add3A_2494 = vector.broadcast %add3A_2493 : i32 to vector<16xi32>
    %add3A_2495 = arith.addi %add3A_2481, %add3A_2494 : vector<16xi32>
    tpu.vector_store_idx %arg11[%add3A_2495], %get3A_2492 {add = true} : memref<1536xf32, #tpu.memory_space<vmem>>[vector<16xi32>], vector<16xf32>,
    %get3A_2496 = arith.constant 0 : i32
    %get3A_2497 = arith.index_cast %get3A_2496 : i32 to index
    %get3A_2498 = arith.constant 336 : index
    %get3A_2499 = tpu.vector_load %arg8[%get3A_2497, %get3A_2498] {strides = array<i32>} : memref<1x512xf32, #tpu.memory_space<vmem>>, vector<16xf32>,
    %add3A_2500 = arith.constant 1152 : i32
    %add3A_2501 = vector.broadcast %add3A_2500 : i32 to vector<16xi32>
    %add3A_2502 = arith.addi %add3A_2481, %add3A_2501 : vector<16xi32>
    tpu.vector_store_idx %arg11[%add3A_2502], %get3A_2499 {add = true} : memref<1536xf32, #tpu.memory_space<vmem>>[vector<16xi32>], vector<16xf32>,
    %add3A_2503 = arith.constant 352 : i32
    %add3A_2504 = arith.addi %add3A_2503, %mul3A_2 : i32
    %add3A_2505 = vector.broadcast %add3A_2504 : i32 to vector<16xi32>
    %add3A_2506 = arith.addi %iota3A, %add3A_2505 : vector<16xi32>
    %broadcast_in_dim3A_2507 = arith.constant 0 : i32
    %broadcast_in_dim3A_2508 = vector.broadcast %broadcast_in_dim3A_2507 : i32 to vector<16xi32>
    %slice3A_2509 = vector.extract_strided_slice %get3A_197 {offsets = [1], sizes = [1], strides = [1]} : vector<16xi32> to vector<1xi32>
    %squeeze3A_2510 = vector.extract %slice3A_2509[0] : i32 from vector<1xi32>
    %ge3A_2511 = vector.broadcast %squeeze3A_2510 : i32 to vector<16xi32>
    %ge3A_2512 = arith.cmpi sge, %add3A_2506, %ge3A_2511 : vector<16xi32>
    %jit3A_2513 = arith.constant 1 : i32
    %jit3A_2514 = arith.constant 0 : i32
    %broadcast_in_dim3A_2515 = vector.broadcast %jit3A_2513 : i32 to vector<16xi32>
    %broadcast_in_dim3A_2516 = vector.broadcast %jit3A_2514 : i32 to vector<16xi32>
    %select_n3A_2517 = arith.select %ge3A_2512, %broadcast_in_dim3A_2515, %broadcast_in_dim3A_2516 : vector<16xi1>, vector<16xi32>
    %add3A_2518 = arith.addi %broadcast_in_dim3A_2508, %select_n3A_2517 : vector<16xi32>
    %slice3A_2519 = vector.extract_strided_slice %get3A_197 {offsets = [2], sizes = [1], strides = [1]} : vector<16xi32> to vector<1xi32>
    %squeeze3A_2520 = vector.extract %slice3A_2519[0] : i32 from vector<1xi32>
    %ge3A_2521 = vector.broadcast %squeeze3A_2520 : i32 to vector<16xi32>
    %ge3A_2522 = arith.cmpi sge, %add3A_2506, %ge3A_2521 : vector<16xi32>
    %jit3A_2523 = arith.constant 1 : i32
    %jit3A_2524 = arith.constant 0 : i32
    %broadcast_in_dim3A_2525 = vector.broadcast %jit3A_2523 : i32 to vector<16xi32>
    %broadcast_in_dim3A_2526 = vector.broadcast %jit3A_2524 : i32 to vector<16xi32>
    %select_n3A_2527 = arith.select %ge3A_2522, %broadcast_in_dim3A_2525, %broadcast_in_dim3A_2526 : vector<16xi1>, vector<16xi32>
    %add3A_2528 = arith.addi %add3A_2518, %select_n3A_2527 : vector<16xi32>
    %slice3A_2529 = vector.extract_strided_slice %get3A_197 {offsets = [3], sizes = [1], strides = [1]} : vector<16xi32> to vector<1xi32>
    %squeeze3A_2530 = vector.extract %slice3A_2529[0] : i32 from vector<1xi32>
    %ge3A_2531 = vector.broadcast %squeeze3A_2530 : i32 to vector<16xi32>
    %ge3A_2532 = arith.cmpi sge, %add3A_2506, %ge3A_2531 : vector<16xi32>
    %jit3A_2533 = arith.constant 1 : i32
    %jit3A_2534 = arith.constant 0 : i32
    %broadcast_in_dim3A_2535 = vector.broadcast %jit3A_2533 : i32 to vector<16xi32>
    %broadcast_in_dim3A_2536 = vector.broadcast %jit3A_2534 : i32 to vector<16xi32>
    %select_n3A_2537 = arith.select %ge3A_2532, %broadcast_in_dim3A_2535, %broadcast_in_dim3A_2536 : vector<16xi1>, vector<16xi32>
    %add3A_2538 = arith.addi %add3A_2528, %select_n3A_2537 : vector<16xi32>
    %slice3A_2539 = vector.extract_strided_slice %get3A_197 {offsets = [4], sizes = [1], strides = [1]} : vector<16xi32> to vector<1xi32>
    %squeeze3A_2540 = vector.extract %slice3A_2539[0] : i32 from vector<1xi32>
    %ge3A_2541 = vector.broadcast %squeeze3A_2540 : i32 to vector<16xi32>
    %ge3A_2542 = arith.cmpi sge, %add3A_2506, %ge3A_2541 : vector<16xi32>
    %jit3A_2543 = arith.constant 1 : i32
    %jit3A_2544 = arith.constant 0 : i32
    %broadcast_in_dim3A_2545 = vector.broadcast %jit3A_2543 : i32 to vector<16xi32>
    %broadcast_in_dim3A_2546 = vector.broadcast %jit3A_2544 : i32 to vector<16xi32>
    %select_n3A_2547 = arith.select %ge3A_2542, %broadcast_in_dim3A_2545, %broadcast_in_dim3A_2546 : vector<16xi1>, vector<16xi32>
    %add3A_2548 = arith.addi %add3A_2538, %select_n3A_2547 : vector<16xi32>
    %slice3A_2549 = vector.extract_strided_slice %get3A_197 {offsets = [5], sizes = [1], strides = [1]} : vector<16xi32> to vector<1xi32>
    %squeeze3A_2550 = vector.extract %slice3A_2549[0] : i32 from vector<1xi32>
    %ge3A_2551 = vector.broadcast %squeeze3A_2550 : i32 to vector<16xi32>
    %ge3A_2552 = arith.cmpi sge, %add3A_2506, %ge3A_2551 : vector<16xi32>
    %jit3A_2553 = arith.constant 1 : i32
    %jit3A_2554 = arith.constant 0 : i32
    %broadcast_in_dim3A_2555 = vector.broadcast %jit3A_2553 : i32 to vector<16xi32>
    %broadcast_in_dim3A_2556 = vector.broadcast %jit3A_2554 : i32 to vector<16xi32>
    %select_n3A_2557 = arith.select %ge3A_2552, %broadcast_in_dim3A_2555, %broadcast_in_dim3A_2556 : vector<16xi1>, vector<16xi32>
    %add3A_2558 = arith.addi %add3A_2548, %select_n3A_2557 : vector<16xi32>
    %slice3A_2559 = vector.extract_strided_slice %get3A_197 {offsets = [6], sizes = [1], strides = [1]} : vector<16xi32> to vector<1xi32>
    %squeeze3A_2560 = vector.extract %slice3A_2559[0] : i32 from vector<1xi32>
    %ge3A_2561 = vector.broadcast %squeeze3A_2560 : i32 to vector<16xi32>
    %ge3A_2562 = arith.cmpi sge, %add3A_2506, %ge3A_2561 : vector<16xi32>
    %jit3A_2563 = arith.constant 1 : i32
    %jit3A_2564 = arith.constant 0 : i32
    %broadcast_in_dim3A_2565 = vector.broadcast %jit3A_2563 : i32 to vector<16xi32>
    %broadcast_in_dim3A_2566 = vector.broadcast %jit3A_2564 : i32 to vector<16xi32>
    %select_n3A_2567 = arith.select %ge3A_2562, %broadcast_in_dim3A_2565, %broadcast_in_dim3A_2566 : vector<16xi1>, vector<16xi32>
    %add3A_2568 = arith.addi %add3A_2558, %select_n3A_2567 : vector<16xi32>
    %slice3A_2569 = vector.extract_strided_slice %get3A_197 {offsets = [7], sizes = [1], strides = [1]} : vector<16xi32> to vector<1xi32>
    %squeeze3A_2570 = vector.extract %slice3A_2569[0] : i32 from vector<1xi32>
    %ge3A_2571 = vector.broadcast %squeeze3A_2570 : i32 to vector<16xi32>
    %ge3A_2572 = arith.cmpi sge, %add3A_2506, %ge3A_2571 : vector<16xi32>
    %jit3A_2573 = arith.constant 1 : i32
    %jit3A_2574 = arith.constant 0 : i32
    %broadcast_in_dim3A_2575 = vector.broadcast %jit3A_2573 : i32 to vector<16xi32>
    %broadcast_in_dim3A_2576 = vector.broadcast %jit3A_2574 : i32 to vector<16xi32>
    %select_n3A_2577 = arith.select %ge3A_2572, %broadcast_in_dim3A_2575, %broadcast_in_dim3A_2576 : vector<16xi1>, vector<16xi32>
    %add3A_2578 = arith.addi %add3A_2568, %select_n3A_2577 : vector<16xi32>
    %get3A_2579 = arith.constant 0 : i32
    %get3A_2580 = arith.index_cast %get3A_2579 : i32 to index
    %get3A_2581 = arith.constant 352 : index
    %get3A_2582 = tpu.vector_load %arg9[%get3A_2580, %get3A_2581] {strides = array<i32>} : memref<1x512xi32, #tpu.memory_space<vmem>>, vector<16xi32>,
    %mul3A_2583 = arith.constant 48 : i32
    %mul3A_2584 = vector.broadcast %mul3A_2583 : i32 to vector<16xi32>
    %mul3A_2585 = arith.muli %add3A_2578, %mul3A_2584 : vector<16xi32>
    %add3A_2586 = arith.addi %mul3A_2585, %get3A_2582 : vector<16xi32>
    tpu.vector_store_idx %arg11[%add3A_2586], %broadcast_in_dim3A_196 {add = true} : memref<1536xf32, #tpu.memory_space<vmem>>[vector<16xi32>], vector<16xf32>,
    %get3A_2587 = arith.constant 0 : i32
    %get3A_2588 = arith.index_cast %get3A_2587 : i32 to index
    %get3A_2589 = arith.constant 352 : index
    %get3A_2590 = tpu.vector_load %arg6[%get3A_2588, %get3A_2589] {strides = array<i32>} : memref<1x512xf32, #tpu.memory_space<vmem>>, vector<16xf32>,
    %add3A_2591 = arith.constant 384 : i32
    %add3A_2592 = vector.broadcast %add3A_2591 : i32 to vector<16xi32>
    %add3A_2593 = arith.addi %add3A_2586, %add3A_2592 : vector<16xi32>
    tpu.vector_store_idx %arg11[%add3A_2593], %get3A_2590 {add = true} : memref<1536xf32, #tpu.memory_space<vmem>>[vector<16xi32>], vector<16xf32>,
    %get3A_2594 = arith.constant 0 : i32
    %get3A_2595 = arith.index_cast %get3A_2594 : i32 to index
    %get3A_2596 = arith.constant 352 : index
    %get3A_2597 = tpu.vector_load %arg7[%get3A_2595, %get3A_2596] {strides = array<i32>} : memref<1x512xf32, #tpu.memory_space<vmem>>, vector<16xf32>,
    %add3A_2598 = arith.constant 768 : i32
    %add3A_2599 = vector.broadcast %add3A_2598 : i32 to vector<16xi32>
    %add3A_2600 = arith.addi %add3A_2586, %add3A_2599 : vector<16xi32>
    tpu.vector_store_idx %arg11[%add3A_2600], %get3A_2597 {add = true} : memref<1536xf32, #tpu.memory_space<vmem>>[vector<16xi32>], vector<16xf32>,
    %get3A_2601 = arith.constant 0 : i32
    %get3A_2602 = arith.index_cast %get3A_2601 : i32 to index
    %get3A_2603 = arith.constant 352 : index
    %get3A_2604 = tpu.vector_load %arg8[%get3A_2602, %get3A_2603] {strides = array<i32>} : memref<1x512xf32, #tpu.memory_space<vmem>>, vector<16xf32>,
    %add3A_2605 = arith.constant 1152 : i32
    %add3A_2606 = vector.broadcast %add3A_2605 : i32 to vector<16xi32>
    %add3A_2607 = arith.addi %add3A_2586, %add3A_2606 : vector<16xi32>
    tpu.vector_store_idx %arg11[%add3A_2607], %get3A_2604 {add = true} : memref<1536xf32, #tpu.memory_space<vmem>>[vector<16xi32>], vector<16xf32>,
    %add3A_2608 = arith.constant 368 : i32
    %add3A_2609 = arith.addi %add3A_2608, %mul3A_2 : i32
    %add3A_2610 = vector.broadcast %add3A_2609 : i32 to vector<16xi32>
    %add3A_2611 = arith.addi %iota3A, %add3A_2610 : vector<16xi32>
    %broadcast_in_dim3A_2612 = arith.constant 0 : i32
    %broadcast_in_dim3A_2613 = vector.broadcast %broadcast_in_dim3A_2612 : i32 to vector<16xi32>
    %slice3A_2614 = vector.extract_strided_slice %get3A_197 {offsets = [1], sizes = [1], strides = [1]} : vector<16xi32> to vector<1xi32>
    %squeeze3A_2615 = vector.extract %slice3A_2614[0] : i32 from vector<1xi32>
    %ge3A_2616 = vector.broadcast %squeeze3A_2615 : i32 to vector<16xi32>
    %ge3A_2617 = arith.cmpi sge, %add3A_2611, %ge3A_2616 : vector<16xi32>
    %jit3A_2618 = arith.constant 1 : i32
    %jit3A_2619 = arith.constant 0 : i32
    %broadcast_in_dim3A_2620 = vector.broadcast %jit3A_2618 : i32 to vector<16xi32>
    %broadcast_in_dim3A_2621 = vector.broadcast %jit3A_2619 : i32 to vector<16xi32>
    %select_n3A_2622 = arith.select %ge3A_2617, %broadcast_in_dim3A_2620, %broadcast_in_dim3A_2621 : vector<16xi1>, vector<16xi32>
    %add3A_2623 = arith.addi %broadcast_in_dim3A_2613, %select_n3A_2622 : vector<16xi32>
    %slice3A_2624 = vector.extract_strided_slice %get3A_197 {offsets = [2], sizes = [1], strides = [1]} : vector<16xi32> to vector<1xi32>
    %squeeze3A_2625 = vector.extract %slice3A_2624[0] : i32 from vector<1xi32>
    %ge3A_2626 = vector.broadcast %squeeze3A_2625 : i32 to vector<16xi32>
    %ge3A_2627 = arith.cmpi sge, %add3A_2611, %ge3A_2626 : vector<16xi32>
    %jit3A_2628 = arith.constant 1 : i32
    %jit3A_2629 = arith.constant 0 : i32
    %broadcast_in_dim3A_2630 = vector.broadcast %jit3A_2628 : i32 to vector<16xi32>
    %broadcast_in_dim3A_2631 = vector.broadcast %jit3A_2629 : i32 to vector<16xi32>
    %select_n3A_2632 = arith.select %ge3A_2627, %broadcast_in_dim3A_2630, %broadcast_in_dim3A_2631 : vector<16xi1>, vector<16xi32>
    %add3A_2633 = arith.addi %add3A_2623, %select_n3A_2632 : vector<16xi32>
    %slice3A_2634 = vector.extract_strided_slice %get3A_197 {offsets = [3], sizes = [1], strides = [1]} : vector<16xi32> to vector<1xi32>
    %squeeze3A_2635 = vector.extract %slice3A_2634[0] : i32 from vector<1xi32>
    %ge3A_2636 = vector.broadcast %squeeze3A_2635 : i32 to vector<16xi32>
    %ge3A_2637 = arith.cmpi sge, %add3A_2611, %ge3A_2636 : vector<16xi32>
    %jit3A_2638 = arith.constant 1 : i32
    %jit3A_2639 = arith.constant 0 : i32
    %broadcast_in_dim3A_2640 = vector.broadcast %jit3A_2638 : i32 to vector<16xi32>
    %broadcast_in_dim3A_2641 = vector.broadcast %jit3A_2639 : i32 to vector<16xi32>
    %select_n3A_2642 = arith.select %ge3A_2637, %broadcast_in_dim3A_2640, %broadcast_in_dim3A_2641 : vector<16xi1>, vector<16xi32>
    %add3A_2643 = arith.addi %add3A_2633, %select_n3A_2642 : vector<16xi32>
    %slice3A_2644 = vector.extract_strided_slice %get3A_197 {offsets = [4], sizes = [1], strides = [1]} : vector<16xi32> to vector<1xi32>
    %squeeze3A_2645 = vector.extract %slice3A_2644[0] : i32 from vector<1xi32>
    %ge3A_2646 = vector.broadcast %squeeze3A_2645 : i32 to vector<16xi32>
    %ge3A_2647 = arith.cmpi sge, %add3A_2611, %ge3A_2646 : vector<16xi32>
    %jit3A_2648 = arith.constant 1 : i32
    %jit3A_2649 = arith.constant 0 : i32
    %broadcast_in_dim3A_2650 = vector.broadcast %jit3A_2648 : i32 to vector<16xi32>
    %broadcast_in_dim3A_2651 = vector.broadcast %jit3A_2649 : i32 to vector<16xi32>
    %select_n3A_2652 = arith.select %ge3A_2647, %broadcast_in_dim3A_2650, %broadcast_in_dim3A_2651 : vector<16xi1>, vector<16xi32>
    %add3A_2653 = arith.addi %add3A_2643, %select_n3A_2652 : vector<16xi32>
    %slice3A_2654 = vector.extract_strided_slice %get3A_197 {offsets = [5], sizes = [1], strides = [1]} : vector<16xi32> to vector<1xi32>
    %squeeze3A_2655 = vector.extract %slice3A_2654[0] : i32 from vector<1xi32>
    %ge3A_2656 = vector.broadcast %squeeze3A_2655 : i32 to vector<16xi32>
    %ge3A_2657 = arith.cmpi sge, %add3A_2611, %ge3A_2656 : vector<16xi32>
    %jit3A_2658 = arith.constant 1 : i32
    %jit3A_2659 = arith.constant 0 : i32
    %broadcast_in_dim3A_2660 = vector.broadcast %jit3A_2658 : i32 to vector<16xi32>
    %broadcast_in_dim3A_2661 = vector.broadcast %jit3A_2659 : i32 to vector<16xi32>
    %select_n3A_2662 = arith.select %ge3A_2657, %broadcast_in_dim3A_2660, %broadcast_in_dim3A_2661 : vector<16xi1>, vector<16xi32>
    %add3A_2663 = arith.addi %add3A_2653, %select_n3A_2662 : vector<16xi32>
    %slice3A_2664 = vector.extract_strided_slice %get3A_197 {offsets = [6], sizes = [1], strides = [1]} : vector<16xi32> to vector<1xi32>
    %squeeze3A_2665 = vector.extract %slice3A_2664[0] : i32 from vector<1xi32>
    %ge3A_2666 = vector.broadcast %squeeze3A_2665 : i32 to vector<16xi32>
    %ge3A_2667 = arith.cmpi sge, %add3A_2611, %ge3A_2666 : vector<16xi32>
    %jit3A_2668 = arith.constant 1 : i32
    %jit3A_2669 = arith.constant 0 : i32
    %broadcast_in_dim3A_2670 = vector.broadcast %jit3A_2668 : i32 to vector<16xi32>
    %broadcast_in_dim3A_2671 = vector.broadcast %jit3A_2669 : i32 to vector<16xi32>
    %select_n3A_2672 = arith.select %ge3A_2667, %broadcast_in_dim3A_2670, %broadcast_in_dim3A_2671 : vector<16xi1>, vector<16xi32>
    %add3A_2673 = arith.addi %add3A_2663, %select_n3A_2672 : vector<16xi32>
    %slice3A_2674 = vector.extract_strided_slice %get3A_197 {offsets = [7], sizes = [1], strides = [1]} : vector<16xi32> to vector<1xi32>
    %squeeze3A_2675 = vector.extract %slice3A_2674[0] : i32 from vector<1xi32>
    %ge3A_2676 = vector.broadcast %squeeze3A_2675 : i32 to vector<16xi32>
    %ge3A_2677 = arith.cmpi sge, %add3A_2611, %ge3A_2676 : vector<16xi32>
    %jit3A_2678 = arith.constant 1 : i32
    %jit3A_2679 = arith.constant 0 : i32
    %broadcast_in_dim3A_2680 = vector.broadcast %jit3A_2678 : i32 to vector<16xi32>
    %broadcast_in_dim3A_2681 = vector.broadcast %jit3A_2679 : i32 to vector<16xi32>
    %select_n3A_2682 = arith.select %ge3A_2677, %broadcast_in_dim3A_2680, %broadcast_in_dim3A_2681 : vector<16xi1>, vector<16xi32>
    %add3A_2683 = arith.addi %add3A_2673, %select_n3A_2682 : vector<16xi32>
    %get3A_2684 = arith.constant 0 : i32
    %get3A_2685 = arith.index_cast %get3A_2684 : i32 to index
    %get3A_2686 = arith.constant 368 : index
    %get3A_2687 = tpu.vector_load %arg9[%get3A_2685, %get3A_2686] {strides = array<i32>} : memref<1x512xi32, #tpu.memory_space<vmem>>, vector<16xi32>,
    %mul3A_2688 = arith.constant 48 : i32
    %mul3A_2689 = vector.broadcast %mul3A_2688 : i32 to vector<16xi32>
    %mul3A_2690 = arith.muli %add3A_2683, %mul3A_2689 : vector<16xi32>
    %add3A_2691 = arith.addi %mul3A_2690, %get3A_2687 : vector<16xi32>
    tpu.vector_store_idx %arg11[%add3A_2691], %broadcast_in_dim3A_196 {add = true} : memref<1536xf32, #tpu.memory_space<vmem>>[vector<16xi32>], vector<16xf32>,
    %get3A_2692 = arith.constant 0 : i32
    %get3A_2693 = arith.index_cast %get3A_2692 : i32 to index
    %get3A_2694 = arith.constant 368 : index
    %get3A_2695 = tpu.vector_load %arg6[%get3A_2693, %get3A_2694] {strides = array<i32>} : memref<1x512xf32, #tpu.memory_space<vmem>>, vector<16xf32>,
    %add3A_2696 = arith.constant 384 : i32
    %add3A_2697 = vector.broadcast %add3A_2696 : i32 to vector<16xi32>
    %add3A_2698 = arith.addi %add3A_2691, %add3A_2697 : vector<16xi32>
    tpu.vector_store_idx %arg11[%add3A_2698], %get3A_2695 {add = true} : memref<1536xf32, #tpu.memory_space<vmem>>[vector<16xi32>], vector<16xf32>,
    %get3A_2699 = arith.constant 0 : i32
    %get3A_2700 = arith.index_cast %get3A_2699 : i32 to index
    %get3A_2701 = arith.constant 368 : index
    %get3A_2702 = tpu.vector_load %arg7[%get3A_2700, %get3A_2701] {strides = array<i32>} : memref<1x512xf32, #tpu.memory_space<vmem>>, vector<16xf32>,
    %add3A_2703 = arith.constant 768 : i32
    %add3A_2704 = vector.broadcast %add3A_2703 : i32 to vector<16xi32>
    %add3A_2705 = arith.addi %add3A_2691, %add3A_2704 : vector<16xi32>
    tpu.vector_store_idx %arg11[%add3A_2705], %get3A_2702 {add = true} : memref<1536xf32, #tpu.memory_space<vmem>>[vector<16xi32>], vector<16xf32>,
    %get3A_2706 = arith.constant 0 : i32
    %get3A_2707 = arith.index_cast %get3A_2706 : i32 to index
    %get3A_2708 = arith.constant 368 : index
    %get3A_2709 = tpu.vector_load %arg8[%get3A_2707, %get3A_2708] {strides = array<i32>} : memref<1x512xf32, #tpu.memory_space<vmem>>, vector<16xf32>,
    %add3A_2710 = arith.constant 1152 : i32
    %add3A_2711 = vector.broadcast %add3A_2710 : i32 to vector<16xi32>
    %add3A_2712 = arith.addi %add3A_2691, %add3A_2711 : vector<16xi32>
    tpu.vector_store_idx %arg11[%add3A_2712], %get3A_2709 {add = true} : memref<1536xf32, #tpu.memory_space<vmem>>[vector<16xi32>], vector<16xf32>,
    %add3A_2713 = arith.constant 384 : i32
    %add3A_2714 = arith.addi %add3A_2713, %mul3A_2 : i32
    %add3A_2715 = vector.broadcast %add3A_2714 : i32 to vector<16xi32>
    %add3A_2716 = arith.addi %iota3A, %add3A_2715 : vector<16xi32>
    %broadcast_in_dim3A_2717 = arith.constant 0 : i32
    %broadcast_in_dim3A_2718 = vector.broadcast %broadcast_in_dim3A_2717 : i32 to vector<16xi32>
    %slice3A_2719 = vector.extract_strided_slice %get3A_197 {offsets = [1], sizes = [1], strides = [1]} : vector<16xi32> to vector<1xi32>
    %squeeze3A_2720 = vector.extract %slice3A_2719[0] : i32 from vector<1xi32>
    %ge3A_2721 = vector.broadcast %squeeze3A_2720 : i32 to vector<16xi32>
    %ge3A_2722 = arith.cmpi sge, %add3A_2716, %ge3A_2721 : vector<16xi32>
    %jit3A_2723 = arith.constant 1 : i32
    %jit3A_2724 = arith.constant 0 : i32
    %broadcast_in_dim3A_2725 = vector.broadcast %jit3A_2723 : i32 to vector<16xi32>
    %broadcast_in_dim3A_2726 = vector.broadcast %jit3A_2724 : i32 to vector<16xi32>
    %select_n3A_2727 = arith.select %ge3A_2722, %broadcast_in_dim3A_2725, %broadcast_in_dim3A_2726 : vector<16xi1>, vector<16xi32>
    %add3A_2728 = arith.addi %broadcast_in_dim3A_2718, %select_n3A_2727 : vector<16xi32>
    %slice3A_2729 = vector.extract_strided_slice %get3A_197 {offsets = [2], sizes = [1], strides = [1]} : vector<16xi32> to vector<1xi32>
    %squeeze3A_2730 = vector.extract %slice3A_2729[0] : i32 from vector<1xi32>
    %ge3A_2731 = vector.broadcast %squeeze3A_2730 : i32 to vector<16xi32>
    %ge3A_2732 = arith.cmpi sge, %add3A_2716, %ge3A_2731 : vector<16xi32>
    %jit3A_2733 = arith.constant 1 : i32
    %jit3A_2734 = arith.constant 0 : i32
    %broadcast_in_dim3A_2735 = vector.broadcast %jit3A_2733 : i32 to vector<16xi32>
    %broadcast_in_dim3A_2736 = vector.broadcast %jit3A_2734 : i32 to vector<16xi32>
    %select_n3A_2737 = arith.select %ge3A_2732, %broadcast_in_dim3A_2735, %broadcast_in_dim3A_2736 : vector<16xi1>, vector<16xi32>
    %add3A_2738 = arith.addi %add3A_2728, %select_n3A_2737 : vector<16xi32>
    %slice3A_2739 = vector.extract_strided_slice %get3A_197 {offsets = [3], sizes = [1], strides = [1]} : vector<16xi32> to vector<1xi32>
    %squeeze3A_2740 = vector.extract %slice3A_2739[0] : i32 from vector<1xi32>
    %ge3A_2741 = vector.broadcast %squeeze3A_2740 : i32 to vector<16xi32>
    %ge3A_2742 = arith.cmpi sge, %add3A_2716, %ge3A_2741 : vector<16xi32>
    %jit3A_2743 = arith.constant 1 : i32
    %jit3A_2744 = arith.constant 0 : i32
    %broadcast_in_dim3A_2745 = vector.broadcast %jit3A_2743 : i32 to vector<16xi32>
    %broadcast_in_dim3A_2746 = vector.broadcast %jit3A_2744 : i32 to vector<16xi32>
    %select_n3A_2747 = arith.select %ge3A_2742, %broadcast_in_dim3A_2745, %broadcast_in_dim3A_2746 : vector<16xi1>, vector<16xi32>
    %add3A_2748 = arith.addi %add3A_2738, %select_n3A_2747 : vector<16xi32>
    %slice3A_2749 = vector.extract_strided_slice %get3A_197 {offsets = [4], sizes = [1], strides = [1]} : vector<16xi32> to vector<1xi32>
    %squeeze3A_2750 = vector.extract %slice3A_2749[0] : i32 from vector<1xi32>
    %ge3A_2751 = vector.broadcast %squeeze3A_2750 : i32 to vector<16xi32>
    %ge3A_2752 = arith.cmpi sge, %add3A_2716, %ge3A_2751 : vector<16xi32>
    %jit3A_2753 = arith.constant 1 : i32
    %jit3A_2754 = arith.constant 0 : i32
    %broadcast_in_dim3A_2755 = vector.broadcast %jit3A_2753 : i32 to vector<16xi32>
    %broadcast_in_dim3A_2756 = vector.broadcast %jit3A_2754 : i32 to vector<16xi32>
    %select_n3A_2757 = arith.select %ge3A_2752, %broadcast_in_dim3A_2755, %broadcast_in_dim3A_2756 : vector<16xi1>, vector<16xi32>
    %add3A_2758 = arith.addi %add3A_2748, %select_n3A_2757 : vector<16xi32>
    %slice3A_2759 = vector.extract_strided_slice %get3A_197 {offsets = [5], sizes = [1], strides = [1]} : vector<16xi32> to vector<1xi32>
    %squeeze3A_2760 = vector.extract %slice3A_2759[0] : i32 from vector<1xi32>
    %ge3A_2761 = vector.broadcast %squeeze3A_2760 : i32 to vector<16xi32>
    %ge3A_2762 = arith.cmpi sge, %add3A_2716, %ge3A_2761 : vector<16xi32>
    %jit3A_2763 = arith.constant 1 : i32
    %jit3A_2764 = arith.constant 0 : i32
    %broadcast_in_dim3A_2765 = vector.broadcast %jit3A_2763 : i32 to vector<16xi32>
    %broadcast_in_dim3A_2766 = vector.broadcast %jit3A_2764 : i32 to vector<16xi32>
    %select_n3A_2767 = arith.select %ge3A_2762, %broadcast_in_dim3A_2765, %broadcast_in_dim3A_2766 : vector<16xi1>, vector<16xi32>
    %add3A_2768 = arith.addi %add3A_2758, %select_n3A_2767 : vector<16xi32>
    %slice3A_2769 = vector.extract_strided_slice %get3A_197 {offsets = [6], sizes = [1], strides = [1]} : vector<16xi32> to vector<1xi32>
    %squeeze3A_2770 = vector.extract %slice3A_2769[0] : i32 from vector<1xi32>
    %ge3A_2771 = vector.broadcast %squeeze3A_2770 : i32 to vector<16xi32>
    %ge3A_2772 = arith.cmpi sge, %add3A_2716, %ge3A_2771 : vector<16xi32>
    %jit3A_2773 = arith.constant 1 : i32
    %jit3A_2774 = arith.constant 0 : i32
    %broadcast_in_dim3A_2775 = vector.broadcast %jit3A_2773 : i32 to vector<16xi32>
    %broadcast_in_dim3A_2776 = vector.broadcast %jit3A_2774 : i32 to vector<16xi32>
    %select_n3A_2777 = arith.select %ge3A_2772, %broadcast_in_dim3A_2775, %broadcast_in_dim3A_2776 : vector<16xi1>, vector<16xi32>
    %add3A_2778 = arith.addi %add3A_2768, %select_n3A_2777 : vector<16xi32>
    %slice3A_2779 = vector.extract_strided_slice %get3A_197 {offsets = [7], sizes = [1], strides = [1]} : vector<16xi32> to vector<1xi32>
    %squeeze3A_2780 = vector.extract %slice3A_2779[0] : i32 from vector<1xi32>
    %ge3A_2781 = vector.broadcast %squeeze3A_2780 : i32 to vector<16xi32>
    %ge3A_2782 = arith.cmpi sge, %add3A_2716, %ge3A_2781 : vector<16xi32>
    %jit3A_2783 = arith.constant 1 : i32
    %jit3A_2784 = arith.constant 0 : i32
    %broadcast_in_dim3A_2785 = vector.broadcast %jit3A_2783 : i32 to vector<16xi32>
    %broadcast_in_dim3A_2786 = vector.broadcast %jit3A_2784 : i32 to vector<16xi32>
    %select_n3A_2787 = arith.select %ge3A_2782, %broadcast_in_dim3A_2785, %broadcast_in_dim3A_2786 : vector<16xi1>, vector<16xi32>
    %add3A_2788 = arith.addi %add3A_2778, %select_n3A_2787 : vector<16xi32>
    %get3A_2789 = arith.constant 0 : i32
    %get3A_2790 = arith.index_cast %get3A_2789 : i32 to index
    %get3A_2791 = arith.constant 384 : index
    %get3A_2792 = tpu.vector_load %arg9[%get3A_2790, %get3A_2791] {strides = array<i32>} : memref<1x512xi32, #tpu.memory_space<vmem>>, vector<16xi32>,
    %mul3A_2793 = arith.constant 48 : i32
    %mul3A_2794 = vector.broadcast %mul3A_2793 : i32 to vector<16xi32>
    %mul3A_2795 = arith.muli %add3A_2788, %mul3A_2794 : vector<16xi32>
    %add3A_2796 = arith.addi %mul3A_2795, %get3A_2792 : vector<16xi32>
    tpu.vector_store_idx %arg11[%add3A_2796], %broadcast_in_dim3A_196 {add = true} : memref<1536xf32, #tpu.memory_space<vmem>>[vector<16xi32>], vector<16xf32>,
    %get3A_2797 = arith.constant 0 : i32
    %get3A_2798 = arith.index_cast %get3A_2797 : i32 to index
    %get3A_2799 = arith.constant 384 : index
    %get3A_2800 = tpu.vector_load %arg6[%get3A_2798, %get3A_2799] {strides = array<i32>} : memref<1x512xf32, #tpu.memory_space<vmem>>, vector<16xf32>,
    %add3A_2801 = arith.constant 384 : i32
    %add3A_2802 = vector.broadcast %add3A_2801 : i32 to vector<16xi32>
    %add3A_2803 = arith.addi %add3A_2796, %add3A_2802 : vector<16xi32>
    tpu.vector_store_idx %arg11[%add3A_2803], %get3A_2800 {add = true} : memref<1536xf32, #tpu.memory_space<vmem>>[vector<16xi32>], vector<16xf32>,
    %get3A_2804 = arith.constant 0 : i32
    %get3A_2805 = arith.index_cast %get3A_2804 : i32 to index
    %get3A_2806 = arith.constant 384 : index
    %get3A_2807 = tpu.vector_load %arg7[%get3A_2805, %get3A_2806] {strides = array<i32>} : memref<1x512xf32, #tpu.memory_space<vmem>>, vector<16xf32>,
    %add3A_2808 = arith.constant 768 : i32
    %add3A_2809 = vector.broadcast %add3A_2808 : i32 to vector<16xi32>
    %add3A_2810 = arith.addi %add3A_2796, %add3A_2809 : vector<16xi32>
    tpu.vector_store_idx %arg11[%add3A_2810], %get3A_2807 {add = true} : memref<1536xf32, #tpu.memory_space<vmem>>[vector<16xi32>], vector<16xf32>,
    %get3A_2811 = arith.constant 0 : i32
    %get3A_2812 = arith.index_cast %get3A_2811 : i32 to index
    %get3A_2813 = arith.constant 384 : index
    %get3A_2814 = tpu.vector_load %arg8[%get3A_2812, %get3A_2813] {strides = array<i32>} : memref<1x512xf32, #tpu.memory_space<vmem>>, vector<16xf32>,
    %add3A_2815 = arith.constant 1152 : i32
    %add3A_2816 = vector.broadcast %add3A_2815 : i32 to vector<16xi32>
    %add3A_2817 = arith.addi %add3A_2796, %add3A_2816 : vector<16xi32>
    tpu.vector_store_idx %arg11[%add3A_2817], %get3A_2814 {add = true} : memref<1536xf32, #tpu.memory_space<vmem>>[vector<16xi32>], vector<16xf32>,
    %add3A_2818 = arith.constant 400 : i32
    %add3A_2819 = arith.addi %add3A_2818, %mul3A_2 : i32
    %add3A_2820 = vector.broadcast %add3A_2819 : i32 to vector<16xi32>
    %add3A_2821 = arith.addi %iota3A, %add3A_2820 : vector<16xi32>
    %broadcast_in_dim3A_2822 = arith.constant 0 : i32
    %broadcast_in_dim3A_2823 = vector.broadcast %broadcast_in_dim3A_2822 : i32 to vector<16xi32>
    %slice3A_2824 = vector.extract_strided_slice %get3A_197 {offsets = [1], sizes = [1], strides = [1]} : vector<16xi32> to vector<1xi32>
    %squeeze3A_2825 = vector.extract %slice3A_2824[0] : i32 from vector<1xi32>
    %ge3A_2826 = vector.broadcast %squeeze3A_2825 : i32 to vector<16xi32>
    %ge3A_2827 = arith.cmpi sge, %add3A_2821, %ge3A_2826 : vector<16xi32>
    %jit3A_2828 = arith.constant 1 : i32
    %jit3A_2829 = arith.constant 0 : i32
    %broadcast_in_dim3A_2830 = vector.broadcast %jit3A_2828 : i32 to vector<16xi32>
    %broadcast_in_dim3A_2831 = vector.broadcast %jit3A_2829 : i32 to vector<16xi32>
    %select_n3A_2832 = arith.select %ge3A_2827, %broadcast_in_dim3A_2830, %broadcast_in_dim3A_2831 : vector<16xi1>, vector<16xi32>
    %add3A_2833 = arith.addi %broadcast_in_dim3A_2823, %select_n3A_2832 : vector<16xi32>
    %slice3A_2834 = vector.extract_strided_slice %get3A_197 {offsets = [2], sizes = [1], strides = [1]} : vector<16xi32> to vector<1xi32>
    %squeeze3A_2835 = vector.extract %slice3A_2834[0] : i32 from vector<1xi32>
    %ge3A_2836 = vector.broadcast %squeeze3A_2835 : i32 to vector<16xi32>
    %ge3A_2837 = arith.cmpi sge, %add3A_2821, %ge3A_2836 : vector<16xi32>
    %jit3A_2838 = arith.constant 1 : i32
    %jit3A_2839 = arith.constant 0 : i32
    %broadcast_in_dim3A_2840 = vector.broadcast %jit3A_2838 : i32 to vector<16xi32>
    %broadcast_in_dim3A_2841 = vector.broadcast %jit3A_2839 : i32 to vector<16xi32>
    %select_n3A_2842 = arith.select %ge3A_2837, %broadcast_in_dim3A_2840, %broadcast_in_dim3A_2841 : vector<16xi1>, vector<16xi32>
    %add3A_2843 = arith.addi %add3A_2833, %select_n3A_2842 : vector<16xi32>
    %slice3A_2844 = vector.extract_strided_slice %get3A_197 {offsets = [3], sizes = [1], strides = [1]} : vector<16xi32> to vector<1xi32>
    %squeeze3A_2845 = vector.extract %slice3A_2844[0] : i32 from vector<1xi32>
    %ge3A_2846 = vector.broadcast %squeeze3A_2845 : i32 to vector<16xi32>
    %ge3A_2847 = arith.cmpi sge, %add3A_2821, %ge3A_2846 : vector<16xi32>
    %jit3A_2848 = arith.constant 1 : i32
    %jit3A_2849 = arith.constant 0 : i32
    %broadcast_in_dim3A_2850 = vector.broadcast %jit3A_2848 : i32 to vector<16xi32>
    %broadcast_in_dim3A_2851 = vector.broadcast %jit3A_2849 : i32 to vector<16xi32>
    %select_n3A_2852 = arith.select %ge3A_2847, %broadcast_in_dim3A_2850, %broadcast_in_dim3A_2851 : vector<16xi1>, vector<16xi32>
    %add3A_2853 = arith.addi %add3A_2843, %select_n3A_2852 : vector<16xi32>
    %slice3A_2854 = vector.extract_strided_slice %get3A_197 {offsets = [4], sizes = [1], strides = [1]} : vector<16xi32> to vector<1xi32>
    %squeeze3A_2855 = vector.extract %slice3A_2854[0] : i32 from vector<1xi32>
    %ge3A_2856 = vector.broadcast %squeeze3A_2855 : i32 to vector<16xi32>
    %ge3A_2857 = arith.cmpi sge, %add3A_2821, %ge3A_2856 : vector<16xi32>
    %jit3A_2858 = arith.constant 1 : i32
    %jit3A_2859 = arith.constant 0 : i32
    %broadcast_in_dim3A_2860 = vector.broadcast %jit3A_2858 : i32 to vector<16xi32>
    %broadcast_in_dim3A_2861 = vector.broadcast %jit3A_2859 : i32 to vector<16xi32>
    %select_n3A_2862 = arith.select %ge3A_2857, %broadcast_in_dim3A_2860, %broadcast_in_dim3A_2861 : vector<16xi1>, vector<16xi32>
    %add3A_2863 = arith.addi %add3A_2853, %select_n3A_2862 : vector<16xi32>
    %slice3A_2864 = vector.extract_strided_slice %get3A_197 {offsets = [5], sizes = [1], strides = [1]} : vector<16xi32> to vector<1xi32>
    %squeeze3A_2865 = vector.extract %slice3A_2864[0] : i32 from vector<1xi32>
    %ge3A_2866 = vector.broadcast %squeeze3A_2865 : i32 to vector<16xi32>
    %ge3A_2867 = arith.cmpi sge, %add3A_2821, %ge3A_2866 : vector<16xi32>
    %jit3A_2868 = arith.constant 1 : i32
    %jit3A_2869 = arith.constant 0 : i32
    %broadcast_in_dim3A_2870 = vector.broadcast %jit3A_2868 : i32 to vector<16xi32>
    %broadcast_in_dim3A_2871 = vector.broadcast %jit3A_2869 : i32 to vector<16xi32>
    %select_n3A_2872 = arith.select %ge3A_2867, %broadcast_in_dim3A_2870, %broadcast_in_dim3A_2871 : vector<16xi1>, vector<16xi32>
    %add3A_2873 = arith.addi %add3A_2863, %select_n3A_2872 : vector<16xi32>
    %slice3A_2874 = vector.extract_strided_slice %get3A_197 {offsets = [6], sizes = [1], strides = [1]} : vector<16xi32> to vector<1xi32>
    %squeeze3A_2875 = vector.extract %slice3A_2874[0] : i32 from vector<1xi32>
    %ge3A_2876 = vector.broadcast %squeeze3A_2875 : i32 to vector<16xi32>
    %ge3A_2877 = arith.cmpi sge, %add3A_2821, %ge3A_2876 : vector<16xi32>
    %jit3A_2878 = arith.constant 1 : i32
    %jit3A_2879 = arith.constant 0 : i32
    %broadcast_in_dim3A_2880 = vector.broadcast %jit3A_2878 : i32 to vector<16xi32>
    %broadcast_in_dim3A_2881 = vector.broadcast %jit3A_2879 : i32 to vector<16xi32>
    %select_n3A_2882 = arith.select %ge3A_2877, %broadcast_in_dim3A_2880, %broadcast_in_dim3A_2881 : vector<16xi1>, vector<16xi32>
    %add3A_2883 = arith.addi %add3A_2873, %select_n3A_2882 : vector<16xi32>
    %slice3A_2884 = vector.extract_strided_slice %get3A_197 {offsets = [7], sizes = [1], strides = [1]} : vector<16xi32> to vector<1xi32>
    %squeeze3A_2885 = vector.extract %slice3A_2884[0] : i32 from vector<1xi32>
    %ge3A_2886 = vector.broadcast %squeeze3A_2885 : i32 to vector<16xi32>
    %ge3A_2887 = arith.cmpi sge, %add3A_2821, %ge3A_2886 : vector<16xi32>
    %jit3A_2888 = arith.constant 1 : i32
    %jit3A_2889 = arith.constant 0 : i32
    %broadcast_in_dim3A_2890 = vector.broadcast %jit3A_2888 : i32 to vector<16xi32>
    %broadcast_in_dim3A_2891 = vector.broadcast %jit3A_2889 : i32 to vector<16xi32>
    %select_n3A_2892 = arith.select %ge3A_2887, %broadcast_in_dim3A_2890, %broadcast_in_dim3A_2891 : vector<16xi1>, vector<16xi32>
    %add3A_2893 = arith.addi %add3A_2883, %select_n3A_2892 : vector<16xi32>
    %get3A_2894 = arith.constant 0 : i32
    %get3A_2895 = arith.index_cast %get3A_2894 : i32 to index
    %get3A_2896 = arith.constant 400 : index
    %get3A_2897 = tpu.vector_load %arg9[%get3A_2895, %get3A_2896] {strides = array<i32>} : memref<1x512xi32, #tpu.memory_space<vmem>>, vector<16xi32>,
    %mul3A_2898 = arith.constant 48 : i32
    %mul3A_2899 = vector.broadcast %mul3A_2898 : i32 to vector<16xi32>
    %mul3A_2900 = arith.muli %add3A_2893, %mul3A_2899 : vector<16xi32>
    %add3A_2901 = arith.addi %mul3A_2900, %get3A_2897 : vector<16xi32>
    tpu.vector_store_idx %arg11[%add3A_2901], %broadcast_in_dim3A_196 {add = true} : memref<1536xf32, #tpu.memory_space<vmem>>[vector<16xi32>], vector<16xf32>,
    %get3A_2902 = arith.constant 0 : i32
    %get3A_2903 = arith.index_cast %get3A_2902 : i32 to index
    %get3A_2904 = arith.constant 400 : index
    %get3A_2905 = tpu.vector_load %arg6[%get3A_2903, %get3A_2904] {strides = array<i32>} : memref<1x512xf32, #tpu.memory_space<vmem>>, vector<16xf32>,
    %add3A_2906 = arith.constant 384 : i32
    %add3A_2907 = vector.broadcast %add3A_2906 : i32 to vector<16xi32>
    %add3A_2908 = arith.addi %add3A_2901, %add3A_2907 : vector<16xi32>
    tpu.vector_store_idx %arg11[%add3A_2908], %get3A_2905 {add = true} : memref<1536xf32, #tpu.memory_space<vmem>>[vector<16xi32>], vector<16xf32>,
    %get3A_2909 = arith.constant 0 : i32
    %get3A_2910 = arith.index_cast %get3A_2909 : i32 to index
    %get3A_2911 = arith.constant 400 : index
    %get3A_2912 = tpu.vector_load %arg7[%get3A_2910, %get3A_2911] {strides = array<i32>} : memref<1x512xf32, #tpu.memory_space<vmem>>, vector<16xf32>,
    %add3A_2913 = arith.constant 768 : i32
    %add3A_2914 = vector.broadcast %add3A_2913 : i32 to vector<16xi32>
    %add3A_2915 = arith.addi %add3A_2901, %add3A_2914 : vector<16xi32>
    tpu.vector_store_idx %arg11[%add3A_2915], %get3A_2912 {add = true} : memref<1536xf32, #tpu.memory_space<vmem>>[vector<16xi32>], vector<16xf32>,
    %get3A_2916 = arith.constant 0 : i32
    %get3A_2917 = arith.index_cast %get3A_2916 : i32 to index
    %get3A_2918 = arith.constant 400 : index
    %get3A_2919 = tpu.vector_load %arg8[%get3A_2917, %get3A_2918] {strides = array<i32>} : memref<1x512xf32, #tpu.memory_space<vmem>>, vector<16xf32>,
    %add3A_2920 = arith.constant 1152 : i32
    %add3A_2921 = vector.broadcast %add3A_2920 : i32 to vector<16xi32>
    %add3A_2922 = arith.addi %add3A_2901, %add3A_2921 : vector<16xi32>
    tpu.vector_store_idx %arg11[%add3A_2922], %get3A_2919 {add = true} : memref<1536xf32, #tpu.memory_space<vmem>>[vector<16xi32>], vector<16xf32>,
    %add3A_2923 = arith.constant 416 : i32
    %add3A_2924 = arith.addi %add3A_2923, %mul3A_2 : i32
    %add3A_2925 = vector.broadcast %add3A_2924 : i32 to vector<16xi32>
    %add3A_2926 = arith.addi %iota3A, %add3A_2925 : vector<16xi32>
    %broadcast_in_dim3A_2927 = arith.constant 0 : i32
    %broadcast_in_dim3A_2928 = vector.broadcast %broadcast_in_dim3A_2927 : i32 to vector<16xi32>
    %slice3A_2929 = vector.extract_strided_slice %get3A_197 {offsets = [1], sizes = [1], strides = [1]} : vector<16xi32> to vector<1xi32>
    %squeeze3A_2930 = vector.extract %slice3A_2929[0] : i32 from vector<1xi32>
    %ge3A_2931 = vector.broadcast %squeeze3A_2930 : i32 to vector<16xi32>
    %ge3A_2932 = arith.cmpi sge, %add3A_2926, %ge3A_2931 : vector<16xi32>
    %jit3A_2933 = arith.constant 1 : i32
    %jit3A_2934 = arith.constant 0 : i32
    %broadcast_in_dim3A_2935 = vector.broadcast %jit3A_2933 : i32 to vector<16xi32>
    %broadcast_in_dim3A_2936 = vector.broadcast %jit3A_2934 : i32 to vector<16xi32>
    %select_n3A_2937 = arith.select %ge3A_2932, %broadcast_in_dim3A_2935, %broadcast_in_dim3A_2936 : vector<16xi1>, vector<16xi32>
    %add3A_2938 = arith.addi %broadcast_in_dim3A_2928, %select_n3A_2937 : vector<16xi32>
    %slice3A_2939 = vector.extract_strided_slice %get3A_197 {offsets = [2], sizes = [1], strides = [1]} : vector<16xi32> to vector<1xi32>
    %squeeze3A_2940 = vector.extract %slice3A_2939[0] : i32 from vector<1xi32>
    %ge3A_2941 = vector.broadcast %squeeze3A_2940 : i32 to vector<16xi32>
    %ge3A_2942 = arith.cmpi sge, %add3A_2926, %ge3A_2941 : vector<16xi32>
    %jit3A_2943 = arith.constant 1 : i32
    %jit3A_2944 = arith.constant 0 : i32
    %broadcast_in_dim3A_2945 = vector.broadcast %jit3A_2943 : i32 to vector<16xi32>
    %broadcast_in_dim3A_2946 = vector.broadcast %jit3A_2944 : i32 to vector<16xi32>
    %select_n3A_2947 = arith.select %ge3A_2942, %broadcast_in_dim3A_2945, %broadcast_in_dim3A_2946 : vector<16xi1>, vector<16xi32>
    %add3A_2948 = arith.addi %add3A_2938, %select_n3A_2947 : vector<16xi32>
    %slice3A_2949 = vector.extract_strided_slice %get3A_197 {offsets = [3], sizes = [1], strides = [1]} : vector<16xi32> to vector<1xi32>
    %squeeze3A_2950 = vector.extract %slice3A_2949[0] : i32 from vector<1xi32>
    %ge3A_2951 = vector.broadcast %squeeze3A_2950 : i32 to vector<16xi32>
    %ge3A_2952 = arith.cmpi sge, %add3A_2926, %ge3A_2951 : vector<16xi32>
    %jit3A_2953 = arith.constant 1 : i32
    %jit3A_2954 = arith.constant 0 : i32
    %broadcast_in_dim3A_2955 = vector.broadcast %jit3A_2953 : i32 to vector<16xi32>
    %broadcast_in_dim3A_2956 = vector.broadcast %jit3A_2954 : i32 to vector<16xi32>
    %select_n3A_2957 = arith.select %ge3A_2952, %broadcast_in_dim3A_2955, %broadcast_in_dim3A_2956 : vector<16xi1>, vector<16xi32>
    %add3A_2958 = arith.addi %add3A_2948, %select_n3A_2957 : vector<16xi32>
    %slice3A_2959 = vector.extract_strided_slice %get3A_197 {offsets = [4], sizes = [1], strides = [1]} : vector<16xi32> to vector<1xi32>
    %squeeze3A_2960 = vector.extract %slice3A_2959[0] : i32 from vector<1xi32>
    %ge3A_2961 = vector.broadcast %squeeze3A_2960 : i32 to vector<16xi32>
    %ge3A_2962 = arith.cmpi sge, %add3A_2926, %ge3A_2961 : vector<16xi32>
    %jit3A_2963 = arith.constant 1 : i32
    %jit3A_2964 = arith.constant 0 : i32
    %broadcast_in_dim3A_2965 = vector.broadcast %jit3A_2963 : i32 to vector<16xi32>
    %broadcast_in_dim3A_2966 = vector.broadcast %jit3A_2964 : i32 to vector<16xi32>
    %select_n3A_2967 = arith.select %ge3A_2962, %broadcast_in_dim3A_2965, %broadcast_in_dim3A_2966 : vector<16xi1>, vector<16xi32>
    %add3A_2968 = arith.addi %add3A_2958, %select_n3A_2967 : vector<16xi32>
    %slice3A_2969 = vector.extract_strided_slice %get3A_197 {offsets = [5], sizes = [1], strides = [1]} : vector<16xi32> to vector<1xi32>
    %squeeze3A_2970 = vector.extract %slice3A_2969[0] : i32 from vector<1xi32>
    %ge3A_2971 = vector.broadcast %squeeze3A_2970 : i32 to vector<16xi32>
    %ge3A_2972 = arith.cmpi sge, %add3A_2926, %ge3A_2971 : vector<16xi32>
    %jit3A_2973 = arith.constant 1 : i32
    %jit3A_2974 = arith.constant 0 : i32
    %broadcast_in_dim3A_2975 = vector.broadcast %jit3A_2973 : i32 to vector<16xi32>
    %broadcast_in_dim3A_2976 = vector.broadcast %jit3A_2974 : i32 to vector<16xi32>
    %select_n3A_2977 = arith.select %ge3A_2972, %broadcast_in_dim3A_2975, %broadcast_in_dim3A_2976 : vector<16xi1>, vector<16xi32>
    %add3A_2978 = arith.addi %add3A_2968, %select_n3A_2977 : vector<16xi32>
    %slice3A_2979 = vector.extract_strided_slice %get3A_197 {offsets = [6], sizes = [1], strides = [1]} : vector<16xi32> to vector<1xi32>
    %squeeze3A_2980 = vector.extract %slice3A_2979[0] : i32 from vector<1xi32>
    %ge3A_2981 = vector.broadcast %squeeze3A_2980 : i32 to vector<16xi32>
    %ge3A_2982 = arith.cmpi sge, %add3A_2926, %ge3A_2981 : vector<16xi32>
    %jit3A_2983 = arith.constant 1 : i32
    %jit3A_2984 = arith.constant 0 : i32
    %broadcast_in_dim3A_2985 = vector.broadcast %jit3A_2983 : i32 to vector<16xi32>
    %broadcast_in_dim3A_2986 = vector.broadcast %jit3A_2984 : i32 to vector<16xi32>
    %select_n3A_2987 = arith.select %ge3A_2982, %broadcast_in_dim3A_2985, %broadcast_in_dim3A_2986 : vector<16xi1>, vector<16xi32>
    %add3A_2988 = arith.addi %add3A_2978, %select_n3A_2987 : vector<16xi32>
    %slice3A_2989 = vector.extract_strided_slice %get3A_197 {offsets = [7], sizes = [1], strides = [1]} : vector<16xi32> to vector<1xi32>
    %squeeze3A_2990 = vector.extract %slice3A_2989[0] : i32 from vector<1xi32>
    %ge3A_2991 = vector.broadcast %squeeze3A_2990 : i32 to vector<16xi32>
    %ge3A_2992 = arith.cmpi sge, %add3A_2926, %ge3A_2991 : vector<16xi32>
    %jit3A_2993 = arith.constant 1 : i32
    %jit3A_2994 = arith.constant 0 : i32
    %broadcast_in_dim3A_2995 = vector.broadcast %jit3A_2993 : i32 to vector<16xi32>
    %broadcast_in_dim3A_2996 = vector.broadcast %jit3A_2994 : i32 to vector<16xi32>
    %select_n3A_2997 = arith.select %ge3A_2992, %broadcast_in_dim3A_2995, %broadcast_in_dim3A_2996 : vector<16xi1>, vector<16xi32>
    %add3A_2998 = arith.addi %add3A_2988, %select_n3A_2997 : vector<16xi32>
    %get3A_2999 = arith.constant 0 : i32
    %get3A_3000 = arith.index_cast %get3A_2999 : i32 to index
    %get3A_3001 = arith.constant 416 : index
    %get3A_3002 = tpu.vector_load %arg9[%get3A_3000, %get3A_3001] {strides = array<i32>} : memref<1x512xi32, #tpu.memory_space<vmem>>, vector<16xi32>,
    %mul3A_3003 = arith.constant 48 : i32
    %mul3A_3004 = vector.broadcast %mul3A_3003 : i32 to vector<16xi32>
    %mul3A_3005 = arith.muli %add3A_2998, %mul3A_3004 : vector<16xi32>
    %add3A_3006 = arith.addi %mul3A_3005, %get3A_3002 : vector<16xi32>
    tpu.vector_store_idx %arg11[%add3A_3006], %broadcast_in_dim3A_196 {add = true} : memref<1536xf32, #tpu.memory_space<vmem>>[vector<16xi32>], vector<16xf32>,
    %get3A_3007 = arith.constant 0 : i32
    %get3A_3008 = arith.index_cast %get3A_3007 : i32 to index
    %get3A_3009 = arith.constant 416 : index
    %get3A_3010 = tpu.vector_load %arg6[%get3A_3008, %get3A_3009] {strides = array<i32>} : memref<1x512xf32, #tpu.memory_space<vmem>>, vector<16xf32>,
    %add3A_3011 = arith.constant 384 : i32
    %add3A_3012 = vector.broadcast %add3A_3011 : i32 to vector<16xi32>
    %add3A_3013 = arith.addi %add3A_3006, %add3A_3012 : vector<16xi32>
    tpu.vector_store_idx %arg11[%add3A_3013], %get3A_3010 {add = true} : memref<1536xf32, #tpu.memory_space<vmem>>[vector<16xi32>], vector<16xf32>,
    %get3A_3014 = arith.constant 0 : i32
    %get3A_3015 = arith.index_cast %get3A_3014 : i32 to index
    %get3A_3016 = arith.constant 416 : index
    %get3A_3017 = tpu.vector_load %arg7[%get3A_3015, %get3A_3016] {strides = array<i32>} : memref<1x512xf32, #tpu.memory_space<vmem>>, vector<16xf32>,
    %add3A_3018 = arith.constant 768 : i32
    %add3A_3019 = vector.broadcast %add3A_3018 : i32 to vector<16xi32>
    %add3A_3020 = arith.addi %add3A_3006, %add3A_3019 : vector<16xi32>
    tpu.vector_store_idx %arg11[%add3A_3020], %get3A_3017 {add = true} : memref<1536xf32, #tpu.memory_space<vmem>>[vector<16xi32>], vector<16xf32>,
    %get3A_3021 = arith.constant 0 : i32
    %get3A_3022 = arith.index_cast %get3A_3021 : i32 to index
    %get3A_3023 = arith.constant 416 : index
    %get3A_3024 = tpu.vector_load %arg8[%get3A_3022, %get3A_3023] {strides = array<i32>} : memref<1x512xf32, #tpu.memory_space<vmem>>, vector<16xf32>,
    %add3A_3025 = arith.constant 1152 : i32
    %add3A_3026 = vector.broadcast %add3A_3025 : i32 to vector<16xi32>
    %add3A_3027 = arith.addi %add3A_3006, %add3A_3026 : vector<16xi32>
    tpu.vector_store_idx %arg11[%add3A_3027], %get3A_3024 {add = true} : memref<1536xf32, #tpu.memory_space<vmem>>[vector<16xi32>], vector<16xf32>,
    %add3A_3028 = arith.constant 432 : i32
    %add3A_3029 = arith.addi %add3A_3028, %mul3A_2 : i32
    %add3A_3030 = vector.broadcast %add3A_3029 : i32 to vector<16xi32>
    %add3A_3031 = arith.addi %iota3A, %add3A_3030 : vector<16xi32>
    %broadcast_in_dim3A_3032 = arith.constant 0 : i32
    %broadcast_in_dim3A_3033 = vector.broadcast %broadcast_in_dim3A_3032 : i32 to vector<16xi32>
    %slice3A_3034 = vector.extract_strided_slice %get3A_197 {offsets = [1], sizes = [1], strides = [1]} : vector<16xi32> to vector<1xi32>
    %squeeze3A_3035 = vector.extract %slice3A_3034[0] : i32 from vector<1xi32>
    %ge3A_3036 = vector.broadcast %squeeze3A_3035 : i32 to vector<16xi32>
    %ge3A_3037 = arith.cmpi sge, %add3A_3031, %ge3A_3036 : vector<16xi32>
    %jit3A_3038 = arith.constant 1 : i32
    %jit3A_3039 = arith.constant 0 : i32
    %broadcast_in_dim3A_3040 = vector.broadcast %jit3A_3038 : i32 to vector<16xi32>
    %broadcast_in_dim3A_3041 = vector.broadcast %jit3A_3039 : i32 to vector<16xi32>
    %select_n3A_3042 = arith.select %ge3A_3037, %broadcast_in_dim3A_3040, %broadcast_in_dim3A_3041 : vector<16xi1>, vector<16xi32>
    %add3A_3043 = arith.addi %broadcast_in_dim3A_3033, %select_n3A_3042 : vector<16xi32>
    %slice3A_3044 = vector.extract_strided_slice %get3A_197 {offsets = [2], sizes = [1], strides = [1]} : vector<16xi32> to vector<1xi32>
    %squeeze3A_3045 = vector.extract %slice3A_3044[0] : i32 from vector<1xi32>
    %ge3A_3046 = vector.broadcast %squeeze3A_3045 : i32 to vector<16xi32>
    %ge3A_3047 = arith.cmpi sge, %add3A_3031, %ge3A_3046 : vector<16xi32>
    %jit3A_3048 = arith.constant 1 : i32
    %jit3A_3049 = arith.constant 0 : i32
    %broadcast_in_dim3A_3050 = vector.broadcast %jit3A_3048 : i32 to vector<16xi32>
    %broadcast_in_dim3A_3051 = vector.broadcast %jit3A_3049 : i32 to vector<16xi32>
    %select_n3A_3052 = arith.select %ge3A_3047, %broadcast_in_dim3A_3050, %broadcast_in_dim3A_3051 : vector<16xi1>, vector<16xi32>
    %add3A_3053 = arith.addi %add3A_3043, %select_n3A_3052 : vector<16xi32>
    %slice3A_3054 = vector.extract_strided_slice %get3A_197 {offsets = [3], sizes = [1], strides = [1]} : vector<16xi32> to vector<1xi32>
    %squeeze3A_3055 = vector.extract %slice3A_3054[0] : i32 from vector<1xi32>
    %ge3A_3056 = vector.broadcast %squeeze3A_3055 : i32 to vector<16xi32>
    %ge3A_3057 = arith.cmpi sge, %add3A_3031, %ge3A_3056 : vector<16xi32>
    %jit3A_3058 = arith.constant 1 : i32
    %jit3A_3059 = arith.constant 0 : i32
    %broadcast_in_dim3A_3060 = vector.broadcast %jit3A_3058 : i32 to vector<16xi32>
    %broadcast_in_dim3A_3061 = vector.broadcast %jit3A_3059 : i32 to vector<16xi32>
    %select_n3A_3062 = arith.select %ge3A_3057, %broadcast_in_dim3A_3060, %broadcast_in_dim3A_3061 : vector<16xi1>, vector<16xi32>
    %add3A_3063 = arith.addi %add3A_3053, %select_n3A_3062 : vector<16xi32>
    %slice3A_3064 = vector.extract_strided_slice %get3A_197 {offsets = [4], sizes = [1], strides = [1]} : vector<16xi32> to vector<1xi32>
    %squeeze3A_3065 = vector.extract %slice3A_3064[0] : i32 from vector<1xi32>
    %ge3A_3066 = vector.broadcast %squeeze3A_3065 : i32 to vector<16xi32>
    %ge3A_3067 = arith.cmpi sge, %add3A_3031, %ge3A_3066 : vector<16xi32>
    %jit3A_3068 = arith.constant 1 : i32
    %jit3A_3069 = arith.constant 0 : i32
    %broadcast_in_dim3A_3070 = vector.broadcast %jit3A_3068 : i32 to vector<16xi32>
    %broadcast_in_dim3A_3071 = vector.broadcast %jit3A_3069 : i32 to vector<16xi32>
    %select_n3A_3072 = arith.select %ge3A_3067, %broadcast_in_dim3A_3070, %broadcast_in_dim3A_3071 : vector<16xi1>, vector<16xi32>
    %add3A_3073 = arith.addi %add3A_3063, %select_n3A_3072 : vector<16xi32>
    %slice3A_3074 = vector.extract_strided_slice %get3A_197 {offsets = [5], sizes = [1], strides = [1]} : vector<16xi32> to vector<1xi32>
    %squeeze3A_3075 = vector.extract %slice3A_3074[0] : i32 from vector<1xi32>
    %ge3A_3076 = vector.broadcast %squeeze3A_3075 : i32 to vector<16xi32>
    %ge3A_3077 = arith.cmpi sge, %add3A_3031, %ge3A_3076 : vector<16xi32>
    %jit3A_3078 = arith.constant 1 : i32
    %jit3A_3079 = arith.constant 0 : i32
    %broadcast_in_dim3A_3080 = vector.broadcast %jit3A_3078 : i32 to vector<16xi32>
    %broadcast_in_dim3A_3081 = vector.broadcast %jit3A_3079 : i32 to vector<16xi32>
    %select_n3A_3082 = arith.select %ge3A_3077, %broadcast_in_dim3A_3080, %broadcast_in_dim3A_3081 : vector<16xi1>, vector<16xi32>
    %add3A_3083 = arith.addi %add3A_3073, %select_n3A_3082 : vector<16xi32>
    %slice3A_3084 = vector.extract_strided_slice %get3A_197 {offsets = [6], sizes = [1], strides = [1]} : vector<16xi32> to vector<1xi32>
    %squeeze3A_3085 = vector.extract %slice3A_3084[0] : i32 from vector<1xi32>
    %ge3A_3086 = vector.broadcast %squeeze3A_3085 : i32 to vector<16xi32>
    %ge3A_3087 = arith.cmpi sge, %add3A_3031, %ge3A_3086 : vector<16xi32>
    %jit3A_3088 = arith.constant 1 : i32
    %jit3A_3089 = arith.constant 0 : i32
    %broadcast_in_dim3A_3090 = vector.broadcast %jit3A_3088 : i32 to vector<16xi32>
    %broadcast_in_dim3A_3091 = vector.broadcast %jit3A_3089 : i32 to vector<16xi32>
    %select_n3A_3092 = arith.select %ge3A_3087, %broadcast_in_dim3A_3090, %broadcast_in_dim3A_3091 : vector<16xi1>, vector<16xi32>
    %add3A_3093 = arith.addi %add3A_3083, %select_n3A_3092 : vector<16xi32>
    %slice3A_3094 = vector.extract_strided_slice %get3A_197 {offsets = [7], sizes = [1], strides = [1]} : vector<16xi32> to vector<1xi32>
    %squeeze3A_3095 = vector.extract %slice3A_3094[0] : i32 from vector<1xi32>
    %ge3A_3096 = vector.broadcast %squeeze3A_3095 : i32 to vector<16xi32>
    %ge3A_3097 = arith.cmpi sge, %add3A_3031, %ge3A_3096 : vector<16xi32>
    %jit3A_3098 = arith.constant 1 : i32
    %jit3A_3099 = arith.constant 0 : i32
    %broadcast_in_dim3A_3100 = vector.broadcast %jit3A_3098 : i32 to vector<16xi32>
    %broadcast_in_dim3A_3101 = vector.broadcast %jit3A_3099 : i32 to vector<16xi32>
    %select_n3A_3102 = arith.select %ge3A_3097, %broadcast_in_dim3A_3100, %broadcast_in_dim3A_3101 : vector<16xi1>, vector<16xi32>
    %add3A_3103 = arith.addi %add3A_3093, %select_n3A_3102 : vector<16xi32>
    %get3A_3104 = arith.constant 0 : i32
    %get3A_3105 = arith.index_cast %get3A_3104 : i32 to index
    %get3A_3106 = arith.constant 432 : index
    %get3A_3107 = tpu.vector_load %arg9[%get3A_3105, %get3A_3106] {strides = array<i32>} : memref<1x512xi32, #tpu.memory_space<vmem>>, vector<16xi32>,
    %mul3A_3108 = arith.constant 48 : i32
    %mul3A_3109 = vector.broadcast %mul3A_3108 : i32 to vector<16xi32>
    %mul3A_3110 = arith.muli %add3A_3103, %mul3A_3109 : vector<16xi32>
    %add3A_3111 = arith.addi %mul3A_3110, %get3A_3107 : vector<16xi32>
    tpu.vector_store_idx %arg11[%add3A_3111], %broadcast_in_dim3A_196 {add = true} : memref<1536xf32, #tpu.memory_space<vmem>>[vector<16xi32>], vector<16xf32>,
    %get3A_3112 = arith.constant 0 : i32
    %get3A_3113 = arith.index_cast %get3A_3112 : i32 to index
    %get3A_3114 = arith.constant 432 : index
    %get3A_3115 = tpu.vector_load %arg6[%get3A_3113, %get3A_3114] {strides = array<i32>} : memref<1x512xf32, #tpu.memory_space<vmem>>, vector<16xf32>,
    %add3A_3116 = arith.constant 384 : i32
    %add3A_3117 = vector.broadcast %add3A_3116 : i32 to vector<16xi32>
    %add3A_3118 = arith.addi %add3A_3111, %add3A_3117 : vector<16xi32>
    tpu.vector_store_idx %arg11[%add3A_3118], %get3A_3115 {add = true} : memref<1536xf32, #tpu.memory_space<vmem>>[vector<16xi32>], vector<16xf32>,
    %get3A_3119 = arith.constant 0 : i32
    %get3A_3120 = arith.index_cast %get3A_3119 : i32 to index
    %get3A_3121 = arith.constant 432 : index
    %get3A_3122 = tpu.vector_load %arg7[%get3A_3120, %get3A_3121] {strides = array<i32>} : memref<1x512xf32, #tpu.memory_space<vmem>>, vector<16xf32>,
    %add3A_3123 = arith.constant 768 : i32
    %add3A_3124 = vector.broadcast %add3A_3123 : i32 to vector<16xi32>
    %add3A_3125 = arith.addi %add3A_3111, %add3A_3124 : vector<16xi32>
    tpu.vector_store_idx %arg11[%add3A_3125], %get3A_3122 {add = true} : memref<1536xf32, #tpu.memory_space<vmem>>[vector<16xi32>], vector<16xf32>,
    %get3A_3126 = arith.constant 0 : i32
    %get3A_3127 = arith.index_cast %get3A_3126 : i32 to index
    %get3A_3128 = arith.constant 432 : index
    %get3A_3129 = tpu.vector_load %arg8[%get3A_3127, %get3A_3128] {strides = array<i32>} : memref<1x512xf32, #tpu.memory_space<vmem>>, vector<16xf32>,
    %add3A_3130 = arith.constant 1152 : i32
    %add3A_3131 = vector.broadcast %add3A_3130 : i32 to vector<16xi32>
    %add3A_3132 = arith.addi %add3A_3111, %add3A_3131 : vector<16xi32>
    tpu.vector_store_idx %arg11[%add3A_3132], %get3A_3129 {add = true} : memref<1536xf32, #tpu.memory_space<vmem>>[vector<16xi32>], vector<16xf32>,
    %add3A_3133 = arith.constant 448 : i32
    %add3A_3134 = arith.addi %add3A_3133, %mul3A_2 : i32
    %add3A_3135 = vector.broadcast %add3A_3134 : i32 to vector<16xi32>
    %add3A_3136 = arith.addi %iota3A, %add3A_3135 : vector<16xi32>
    %broadcast_in_dim3A_3137 = arith.constant 0 : i32
    %broadcast_in_dim3A_3138 = vector.broadcast %broadcast_in_dim3A_3137 : i32 to vector<16xi32>
    %slice3A_3139 = vector.extract_strided_slice %get3A_197 {offsets = [1], sizes = [1], strides = [1]} : vector<16xi32> to vector<1xi32>
    %squeeze3A_3140 = vector.extract %slice3A_3139[0] : i32 from vector<1xi32>
    %ge3A_3141 = vector.broadcast %squeeze3A_3140 : i32 to vector<16xi32>
    %ge3A_3142 = arith.cmpi sge, %add3A_3136, %ge3A_3141 : vector<16xi32>
    %jit3A_3143 = arith.constant 1 : i32
    %jit3A_3144 = arith.constant 0 : i32
    %broadcast_in_dim3A_3145 = vector.broadcast %jit3A_3143 : i32 to vector<16xi32>
    %broadcast_in_dim3A_3146 = vector.broadcast %jit3A_3144 : i32 to vector<16xi32>
    %select_n3A_3147 = arith.select %ge3A_3142, %broadcast_in_dim3A_3145, %broadcast_in_dim3A_3146 : vector<16xi1>, vector<16xi32>
    %add3A_3148 = arith.addi %broadcast_in_dim3A_3138, %select_n3A_3147 : vector<16xi32>
    %slice3A_3149 = vector.extract_strided_slice %get3A_197 {offsets = [2], sizes = [1], strides = [1]} : vector<16xi32> to vector<1xi32>
    %squeeze3A_3150 = vector.extract %slice3A_3149[0] : i32 from vector<1xi32>
    %ge3A_3151 = vector.broadcast %squeeze3A_3150 : i32 to vector<16xi32>
    %ge3A_3152 = arith.cmpi sge, %add3A_3136, %ge3A_3151 : vector<16xi32>
    %jit3A_3153 = arith.constant 1 : i32
    %jit3A_3154 = arith.constant 0 : i32
    %broadcast_in_dim3A_3155 = vector.broadcast %jit3A_3153 : i32 to vector<16xi32>
    %broadcast_in_dim3A_3156 = vector.broadcast %jit3A_3154 : i32 to vector<16xi32>
    %select_n3A_3157 = arith.select %ge3A_3152, %broadcast_in_dim3A_3155, %broadcast_in_dim3A_3156 : vector<16xi1>, vector<16xi32>
    %add3A_3158 = arith.addi %add3A_3148, %select_n3A_3157 : vector<16xi32>
    %slice3A_3159 = vector.extract_strided_slice %get3A_197 {offsets = [3], sizes = [1], strides = [1]} : vector<16xi32> to vector<1xi32>
    %squeeze3A_3160 = vector.extract %slice3A_3159[0] : i32 from vector<1xi32>
    %ge3A_3161 = vector.broadcast %squeeze3A_3160 : i32 to vector<16xi32>
    %ge3A_3162 = arith.cmpi sge, %add3A_3136, %ge3A_3161 : vector<16xi32>
    %jit3A_3163 = arith.constant 1 : i32
    %jit3A_3164 = arith.constant 0 : i32
    %broadcast_in_dim3A_3165 = vector.broadcast %jit3A_3163 : i32 to vector<16xi32>
    %broadcast_in_dim3A_3166 = vector.broadcast %jit3A_3164 : i32 to vector<16xi32>
    %select_n3A_3167 = arith.select %ge3A_3162, %broadcast_in_dim3A_3165, %broadcast_in_dim3A_3166 : vector<16xi1>, vector<16xi32>
    %add3A_3168 = arith.addi %add3A_3158, %select_n3A_3167 : vector<16xi32>
    %slice3A_3169 = vector.extract_strided_slice %get3A_197 {offsets = [4], sizes = [1], strides = [1]} : vector<16xi32> to vector<1xi32>
    %squeeze3A_3170 = vector.extract %slice3A_3169[0] : i32 from vector<1xi32>
    %ge3A_3171 = vector.broadcast %squeeze3A_3170 : i32 to vector<16xi32>
    %ge3A_3172 = arith.cmpi sge, %add3A_3136, %ge3A_3171 : vector<16xi32>
    %jit3A_3173 = arith.constant 1 : i32
    %jit3A_3174 = arith.constant 0 : i32
    %broadcast_in_dim3A_3175 = vector.broadcast %jit3A_3173 : i32 to vector<16xi32>
    %broadcast_in_dim3A_3176 = vector.broadcast %jit3A_3174 : i32 to vector<16xi32>
    %select_n3A_3177 = arith.select %ge3A_3172, %broadcast_in_dim3A_3175, %broadcast_in_dim3A_3176 : vector<16xi1>, vector<16xi32>
    %add3A_3178 = arith.addi %add3A_3168, %select_n3A_3177 : vector<16xi32>
    %slice3A_3179 = vector.extract_strided_slice %get3A_197 {offsets = [5], sizes = [1], strides = [1]} : vector<16xi32> to vector<1xi32>
    %squeeze3A_3180 = vector.extract %slice3A_3179[0] : i32 from vector<1xi32>
    %ge3A_3181 = vector.broadcast %squeeze3A_3180 : i32 to vector<16xi32>
    %ge3A_3182 = arith.cmpi sge, %add3A_3136, %ge3A_3181 : vector<16xi32>
    %jit3A_3183 = arith.constant 1 : i32
    %jit3A_3184 = arith.constant 0 : i32
    %broadcast_in_dim3A_3185 = vector.broadcast %jit3A_3183 : i32 to vector<16xi32>
    %broadcast_in_dim3A_3186 = vector.broadcast %jit3A_3184 : i32 to vector<16xi32>
    %select_n3A_3187 = arith.select %ge3A_3182, %broadcast_in_dim3A_3185, %broadcast_in_dim3A_3186 : vector<16xi1>, vector<16xi32>
    %add3A_3188 = arith.addi %add3A_3178, %select_n3A_3187 : vector<16xi32>
    %slice3A_3189 = vector.extract_strided_slice %get3A_197 {offsets = [6], sizes = [1], strides = [1]} : vector<16xi32> to vector<1xi32>
    %squeeze3A_3190 = vector.extract %slice3A_3189[0] : i32 from vector<1xi32>
    %ge3A_3191 = vector.broadcast %squeeze3A_3190 : i32 to vector<16xi32>
    %ge3A_3192 = arith.cmpi sge, %add3A_3136, %ge3A_3191 : vector<16xi32>
    %jit3A_3193 = arith.constant 1 : i32
    %jit3A_3194 = arith.constant 0 : i32
    %broadcast_in_dim3A_3195 = vector.broadcast %jit3A_3193 : i32 to vector<16xi32>
    %broadcast_in_dim3A_3196 = vector.broadcast %jit3A_3194 : i32 to vector<16xi32>
    %select_n3A_3197 = arith.select %ge3A_3192, %broadcast_in_dim3A_3195, %broadcast_in_dim3A_3196 : vector<16xi1>, vector<16xi32>
    %add3A_3198 = arith.addi %add3A_3188, %select_n3A_3197 : vector<16xi32>
    %slice3A_3199 = vector.extract_strided_slice %get3A_197 {offsets = [7], sizes = [1], strides = [1]} : vector<16xi32> to vector<1xi32>
    %squeeze3A_3200 = vector.extract %slice3A_3199[0] : i32 from vector<1xi32>
    %ge3A_3201 = vector.broadcast %squeeze3A_3200 : i32 to vector<16xi32>
    %ge3A_3202 = arith.cmpi sge, %add3A_3136, %ge3A_3201 : vector<16xi32>
    %jit3A_3203 = arith.constant 1 : i32
    %jit3A_3204 = arith.constant 0 : i32
    %broadcast_in_dim3A_3205 = vector.broadcast %jit3A_3203 : i32 to vector<16xi32>
    %broadcast_in_dim3A_3206 = vector.broadcast %jit3A_3204 : i32 to vector<16xi32>
    %select_n3A_3207 = arith.select %ge3A_3202, %broadcast_in_dim3A_3205, %broadcast_in_dim3A_3206 : vector<16xi1>, vector<16xi32>
    %add3A_3208 = arith.addi %add3A_3198, %select_n3A_3207 : vector<16xi32>
    %get3A_3209 = arith.constant 0 : i32
    %get3A_3210 = arith.index_cast %get3A_3209 : i32 to index
    %get3A_3211 = arith.constant 448 : index
    %get3A_3212 = tpu.vector_load %arg9[%get3A_3210, %get3A_3211] {strides = array<i32>} : memref<1x512xi32, #tpu.memory_space<vmem>>, vector<16xi32>,
    %mul3A_3213 = arith.constant 48 : i32
    %mul3A_3214 = vector.broadcast %mul3A_3213 : i32 to vector<16xi32>
    %mul3A_3215 = arith.muli %add3A_3208, %mul3A_3214 : vector<16xi32>
    %add3A_3216 = arith.addi %mul3A_3215, %get3A_3212 : vector<16xi32>
    tpu.vector_store_idx %arg11[%add3A_3216], %broadcast_in_dim3A_196 {add = true} : memref<1536xf32, #tpu.memory_space<vmem>>[vector<16xi32>], vector<16xf32>,
    %get3A_3217 = arith.constant 0 : i32
    %get3A_3218 = arith.index_cast %get3A_3217 : i32 to index
    %get3A_3219 = arith.constant 448 : index
    %get3A_3220 = tpu.vector_load %arg6[%get3A_3218, %get3A_3219] {strides = array<i32>} : memref<1x512xf32, #tpu.memory_space<vmem>>, vector<16xf32>,
    %add3A_3221 = arith.constant 384 : i32
    %add3A_3222 = vector.broadcast %add3A_3221 : i32 to vector<16xi32>
    %add3A_3223 = arith.addi %add3A_3216, %add3A_3222 : vector<16xi32>
    tpu.vector_store_idx %arg11[%add3A_3223], %get3A_3220 {add = true} : memref<1536xf32, #tpu.memory_space<vmem>>[vector<16xi32>], vector<16xf32>,
    %get3A_3224 = arith.constant 0 : i32
    %get3A_3225 = arith.index_cast %get3A_3224 : i32 to index
    %get3A_3226 = arith.constant 448 : index
    %get3A_3227 = tpu.vector_load %arg7[%get3A_3225, %get3A_3226] {strides = array<i32>} : memref<1x512xf32, #tpu.memory_space<vmem>>, vector<16xf32>,
    %add3A_3228 = arith.constant 768 : i32
    %add3A_3229 = vector.broadcast %add3A_3228 : i32 to vector<16xi32>
    %add3A_3230 = arith.addi %add3A_3216, %add3A_3229 : vector<16xi32>
    tpu.vector_store_idx %arg11[%add3A_3230], %get3A_3227 {add = true} : memref<1536xf32, #tpu.memory_space<vmem>>[vector<16xi32>], vector<16xf32>,
    %get3A_3231 = arith.constant 0 : i32
    %get3A_3232 = arith.index_cast %get3A_3231 : i32 to index
    %get3A_3233 = arith.constant 448 : index
    %get3A_3234 = tpu.vector_load %arg8[%get3A_3232, %get3A_3233] {strides = array<i32>} : memref<1x512xf32, #tpu.memory_space<vmem>>, vector<16xf32>,
    %add3A_3235 = arith.constant 1152 : i32
    %add3A_3236 = vector.broadcast %add3A_3235 : i32 to vector<16xi32>
    %add3A_3237 = arith.addi %add3A_3216, %add3A_3236 : vector<16xi32>
    tpu.vector_store_idx %arg11[%add3A_3237], %get3A_3234 {add = true} : memref<1536xf32, #tpu.memory_space<vmem>>[vector<16xi32>], vector<16xf32>,
    %add3A_3238 = arith.constant 464 : i32
    %add3A_3239 = arith.addi %add3A_3238, %mul3A_2 : i32
    %add3A_3240 = vector.broadcast %add3A_3239 : i32 to vector<16xi32>
    %add3A_3241 = arith.addi %iota3A, %add3A_3240 : vector<16xi32>
    %broadcast_in_dim3A_3242 = arith.constant 0 : i32
    %broadcast_in_dim3A_3243 = vector.broadcast %broadcast_in_dim3A_3242 : i32 to vector<16xi32>
    %slice3A_3244 = vector.extract_strided_slice %get3A_197 {offsets = [1], sizes = [1], strides = [1]} : vector<16xi32> to vector<1xi32>
    %squeeze3A_3245 = vector.extract %slice3A_3244[0] : i32 from vector<1xi32>
    %ge3A_3246 = vector.broadcast %squeeze3A_3245 : i32 to vector<16xi32>
    %ge3A_3247 = arith.cmpi sge, %add3A_3241, %ge3A_3246 : vector<16xi32>
    %jit3A_3248 = arith.constant 1 : i32
    %jit3A_3249 = arith.constant 0 : i32
    %broadcast_in_dim3A_3250 = vector.broadcast %jit3A_3248 : i32 to vector<16xi32>
    %broadcast_in_dim3A_3251 = vector.broadcast %jit3A_3249 : i32 to vector<16xi32>
    %select_n3A_3252 = arith.select %ge3A_3247, %broadcast_in_dim3A_3250, %broadcast_in_dim3A_3251 : vector<16xi1>, vector<16xi32>
    %add3A_3253 = arith.addi %broadcast_in_dim3A_3243, %select_n3A_3252 : vector<16xi32>
    %slice3A_3254 = vector.extract_strided_slice %get3A_197 {offsets = [2], sizes = [1], strides = [1]} : vector<16xi32> to vector<1xi32>
    %squeeze3A_3255 = vector.extract %slice3A_3254[0] : i32 from vector<1xi32>
    %ge3A_3256 = vector.broadcast %squeeze3A_3255 : i32 to vector<16xi32>
    %ge3A_3257 = arith.cmpi sge, %add3A_3241, %ge3A_3256 : vector<16xi32>
    %jit3A_3258 = arith.constant 1 : i32
    %jit3A_3259 = arith.constant 0 : i32
    %broadcast_in_dim3A_3260 = vector.broadcast %jit3A_3258 : i32 to vector<16xi32>
    %broadcast_in_dim3A_3261 = vector.broadcast %jit3A_3259 : i32 to vector<16xi32>
    %select_n3A_3262 = arith.select %ge3A_3257, %broadcast_in_dim3A_3260, %broadcast_in_dim3A_3261 : vector<16xi1>, vector<16xi32>
    %add3A_3263 = arith.addi %add3A_3253, %select_n3A_3262 : vector<16xi32>
    %slice3A_3264 = vector.extract_strided_slice %get3A_197 {offsets = [3], sizes = [1], strides = [1]} : vector<16xi32> to vector<1xi32>
    %squeeze3A_3265 = vector.extract %slice3A_3264[0] : i32 from vector<1xi32>
    %ge3A_3266 = vector.broadcast %squeeze3A_3265 : i32 to vector<16xi32>
    %ge3A_3267 = arith.cmpi sge, %add3A_3241, %ge3A_3266 : vector<16xi32>
    %jit3A_3268 = arith.constant 1 : i32
    %jit3A_3269 = arith.constant 0 : i32
    %broadcast_in_dim3A_3270 = vector.broadcast %jit3A_3268 : i32 to vector<16xi32>
    %broadcast_in_dim3A_3271 = vector.broadcast %jit3A_3269 : i32 to vector<16xi32>
    %select_n3A_3272 = arith.select %ge3A_3267, %broadcast_in_dim3A_3270, %broadcast_in_dim3A_3271 : vector<16xi1>, vector<16xi32>
    %add3A_3273 = arith.addi %add3A_3263, %select_n3A_3272 : vector<16xi32>
    %slice3A_3274 = vector.extract_strided_slice %get3A_197 {offsets = [4], sizes = [1], strides = [1]} : vector<16xi32> to vector<1xi32>
    %squeeze3A_3275 = vector.extract %slice3A_3274[0] : i32 from vector<1xi32>
    %ge3A_3276 = vector.broadcast %squeeze3A_3275 : i32 to vector<16xi32>
    %ge3A_3277 = arith.cmpi sge, %add3A_3241, %ge3A_3276 : vector<16xi32>
    %jit3A_3278 = arith.constant 1 : i32
    %jit3A_3279 = arith.constant 0 : i32
    %broadcast_in_dim3A_3280 = vector.broadcast %jit3A_3278 : i32 to vector<16xi32>
    %broadcast_in_dim3A_3281 = vector.broadcast %jit3A_3279 : i32 to vector<16xi32>
    %select_n3A_3282 = arith.select %ge3A_3277, %broadcast_in_dim3A_3280, %broadcast_in_dim3A_3281 : vector<16xi1>, vector<16xi32>
    %add3A_3283 = arith.addi %add3A_3273, %select_n3A_3282 : vector<16xi32>
    %slice3A_3284 = vector.extract_strided_slice %get3A_197 {offsets = [5], sizes = [1], strides = [1]} : vector<16xi32> to vector<1xi32>
    %squeeze3A_3285 = vector.extract %slice3A_3284[0] : i32 from vector<1xi32>
    %ge3A_3286 = vector.broadcast %squeeze3A_3285 : i32 to vector<16xi32>
    %ge3A_3287 = arith.cmpi sge, %add3A_3241, %ge3A_3286 : vector<16xi32>
    %jit3A_3288 = arith.constant 1 : i32
    %jit3A_3289 = arith.constant 0 : i32
    %broadcast_in_dim3A_3290 = vector.broadcast %jit3A_3288 : i32 to vector<16xi32>
    %broadcast_in_dim3A_3291 = vector.broadcast %jit3A_3289 : i32 to vector<16xi32>
    %select_n3A_3292 = arith.select %ge3A_3287, %broadcast_in_dim3A_3290, %broadcast_in_dim3A_3291 : vector<16xi1>, vector<16xi32>
    %add3A_3293 = arith.addi %add3A_3283, %select_n3A_3292 : vector<16xi32>
    %slice3A_3294 = vector.extract_strided_slice %get3A_197 {offsets = [6], sizes = [1], strides = [1]} : vector<16xi32> to vector<1xi32>
    %squeeze3A_3295 = vector.extract %slice3A_3294[0] : i32 from vector<1xi32>
    %ge3A_3296 = vector.broadcast %squeeze3A_3295 : i32 to vector<16xi32>
    %ge3A_3297 = arith.cmpi sge, %add3A_3241, %ge3A_3296 : vector<16xi32>
    %jit3A_3298 = arith.constant 1 : i32
    %jit3A_3299 = arith.constant 0 : i32
    %broadcast_in_dim3A_3300 = vector.broadcast %jit3A_3298 : i32 to vector<16xi32>
    %broadcast_in_dim3A_3301 = vector.broadcast %jit3A_3299 : i32 to vector<16xi32>
    %select_n3A_3302 = arith.select %ge3A_3297, %broadcast_in_dim3A_3300, %broadcast_in_dim3A_3301 : vector<16xi1>, vector<16xi32>
    %add3A_3303 = arith.addi %add3A_3293, %select_n3A_3302 : vector<16xi32>
    %slice3A_3304 = vector.extract_strided_slice %get3A_197 {offsets = [7], sizes = [1], strides = [1]} : vector<16xi32> to vector<1xi32>
    %squeeze3A_3305 = vector.extract %slice3A_3304[0] : i32 from vector<1xi32>
    %ge3A_3306 = vector.broadcast %squeeze3A_3305 : i32 to vector<16xi32>
    %ge3A_3307 = arith.cmpi sge, %add3A_3241, %ge3A_3306 : vector<16xi32>
    %jit3A_3308 = arith.constant 1 : i32
    %jit3A_3309 = arith.constant 0 : i32
    %broadcast_in_dim3A_3310 = vector.broadcast %jit3A_3308 : i32 to vector<16xi32>
    %broadcast_in_dim3A_3311 = vector.broadcast %jit3A_3309 : i32 to vector<16xi32>
    %select_n3A_3312 = arith.select %ge3A_3307, %broadcast_in_dim3A_3310, %broadcast_in_dim3A_3311 : vector<16xi1>, vector<16xi32>
    %add3A_3313 = arith.addi %add3A_3303, %select_n3A_3312 : vector<16xi32>
    %get3A_3314 = arith.constant 0 : i32
    %get3A_3315 = arith.index_cast %get3A_3314 : i32 to index
    %get3A_3316 = arith.constant 464 : index
    %get3A_3317 = tpu.vector_load %arg9[%get3A_3315, %get3A_3316] {strides = array<i32>} : memref<1x512xi32, #tpu.memory_space<vmem>>, vector<16xi32>,
    %mul3A_3318 = arith.constant 48 : i32
    %mul3A_3319 = vector.broadcast %mul3A_3318 : i32 to vector<16xi32>
    %mul3A_3320 = arith.muli %add3A_3313, %mul3A_3319 : vector<16xi32>
    %add3A_3321 = arith.addi %mul3A_3320, %get3A_3317 : vector<16xi32>
    tpu.vector_store_idx %arg11[%add3A_3321], %broadcast_in_dim3A_196 {add = true} : memref<1536xf32, #tpu.memory_space<vmem>>[vector<16xi32>], vector<16xf32>,
    %get3A_3322 = arith.constant 0 : i32
    %get3A_3323 = arith.index_cast %get3A_3322 : i32 to index
    %get3A_3324 = arith.constant 464 : index
    %get3A_3325 = tpu.vector_load %arg6[%get3A_3323, %get3A_3324] {strides = array<i32>} : memref<1x512xf32, #tpu.memory_space<vmem>>, vector<16xf32>,
    %add3A_3326 = arith.constant 384 : i32
    %add3A_3327 = vector.broadcast %add3A_3326 : i32 to vector<16xi32>
    %add3A_3328 = arith.addi %add3A_3321, %add3A_3327 : vector<16xi32>
    tpu.vector_store_idx %arg11[%add3A_3328], %get3A_3325 {add = true} : memref<1536xf32, #tpu.memory_space<vmem>>[vector<16xi32>], vector<16xf32>,
    %get3A_3329 = arith.constant 0 : i32
    %get3A_3330 = arith.index_cast %get3A_3329 : i32 to index
    %get3A_3331 = arith.constant 464 : index
    %get3A_3332 = tpu.vector_load %arg7[%get3A_3330, %get3A_3331] {strides = array<i32>} : memref<1x512xf32, #tpu.memory_space<vmem>>, vector<16xf32>,
    %add3A_3333 = arith.constant 768 : i32
    %add3A_3334 = vector.broadcast %add3A_3333 : i32 to vector<16xi32>
    %add3A_3335 = arith.addi %add3A_3321, %add3A_3334 : vector<16xi32>
    tpu.vector_store_idx %arg11[%add3A_3335], %get3A_3332 {add = true} : memref<1536xf32, #tpu.memory_space<vmem>>[vector<16xi32>], vector<16xf32>,
    %get3A_3336 = arith.constant 0 : i32
    %get3A_3337 = arith.index_cast %get3A_3336 : i32 to index
    %get3A_3338 = arith.constant 464 : index
    %get3A_3339 = tpu.vector_load %arg8[%get3A_3337, %get3A_3338] {strides = array<i32>} : memref<1x512xf32, #tpu.memory_space<vmem>>, vector<16xf32>,
    %add3A_3340 = arith.constant 1152 : i32
    %add3A_3341 = vector.broadcast %add3A_3340 : i32 to vector<16xi32>
    %add3A_3342 = arith.addi %add3A_3321, %add3A_3341 : vector<16xi32>
    tpu.vector_store_idx %arg11[%add3A_3342], %get3A_3339 {add = true} : memref<1536xf32, #tpu.memory_space<vmem>>[vector<16xi32>], vector<16xf32>,
    %add3A_3343 = arith.constant 480 : i32
    %add3A_3344 = arith.addi %add3A_3343, %mul3A_2 : i32
    %add3A_3345 = vector.broadcast %add3A_3344 : i32 to vector<16xi32>
    %add3A_3346 = arith.addi %iota3A, %add3A_3345 : vector<16xi32>
    %broadcast_in_dim3A_3347 = arith.constant 0 : i32
    %broadcast_in_dim3A_3348 = vector.broadcast %broadcast_in_dim3A_3347 : i32 to vector<16xi32>
    %slice3A_3349 = vector.extract_strided_slice %get3A_197 {offsets = [1], sizes = [1], strides = [1]} : vector<16xi32> to vector<1xi32>
    %squeeze3A_3350 = vector.extract %slice3A_3349[0] : i32 from vector<1xi32>
    %ge3A_3351 = vector.broadcast %squeeze3A_3350 : i32 to vector<16xi32>
    %ge3A_3352 = arith.cmpi sge, %add3A_3346, %ge3A_3351 : vector<16xi32>
    %jit3A_3353 = arith.constant 1 : i32
    %jit3A_3354 = arith.constant 0 : i32
    %broadcast_in_dim3A_3355 = vector.broadcast %jit3A_3353 : i32 to vector<16xi32>
    %broadcast_in_dim3A_3356 = vector.broadcast %jit3A_3354 : i32 to vector<16xi32>
    %select_n3A_3357 = arith.select %ge3A_3352, %broadcast_in_dim3A_3355, %broadcast_in_dim3A_3356 : vector<16xi1>, vector<16xi32>
    %add3A_3358 = arith.addi %broadcast_in_dim3A_3348, %select_n3A_3357 : vector<16xi32>
    %slice3A_3359 = vector.extract_strided_slice %get3A_197 {offsets = [2], sizes = [1], strides = [1]} : vector<16xi32> to vector<1xi32>
    %squeeze3A_3360 = vector.extract %slice3A_3359[0] : i32 from vector<1xi32>
    %ge3A_3361 = vector.broadcast %squeeze3A_3360 : i32 to vector<16xi32>
    %ge3A_3362 = arith.cmpi sge, %add3A_3346, %ge3A_3361 : vector<16xi32>
    %jit3A_3363 = arith.constant 1 : i32
    %jit3A_3364 = arith.constant 0 : i32
    %broadcast_in_dim3A_3365 = vector.broadcast %jit3A_3363 : i32 to vector<16xi32>
    %broadcast_in_dim3A_3366 = vector.broadcast %jit3A_3364 : i32 to vector<16xi32>
    %select_n3A_3367 = arith.select %ge3A_3362, %broadcast_in_dim3A_3365, %broadcast_in_dim3A_3366 : vector<16xi1>, vector<16xi32>
    %add3A_3368 = arith.addi %add3A_3358, %select_n3A_3367 : vector<16xi32>
    %slice3A_3369 = vector.extract_strided_slice %get3A_197 {offsets = [3], sizes = [1], strides = [1]} : vector<16xi32> to vector<1xi32>
    %squeeze3A_3370 = vector.extract %slice3A_3369[0] : i32 from vector<1xi32>
    %ge3A_3371 = vector.broadcast %squeeze3A_3370 : i32 to vector<16xi32>
    %ge3A_3372 = arith.cmpi sge, %add3A_3346, %ge3A_3371 : vector<16xi32>
    %jit3A_3373 = arith.constant 1 : i32
    %jit3A_3374 = arith.constant 0 : i32
    %broadcast_in_dim3A_3375 = vector.broadcast %jit3A_3373 : i32 to vector<16xi32>
    %broadcast_in_dim3A_3376 = vector.broadcast %jit3A_3374 : i32 to vector<16xi32>
    %select_n3A_3377 = arith.select %ge3A_3372, %broadcast_in_dim3A_3375, %broadcast_in_dim3A_3376 : vector<16xi1>, vector<16xi32>
    %add3A_3378 = arith.addi %add3A_3368, %select_n3A_3377 : vector<16xi32>
    %slice3A_3379 = vector.extract_strided_slice %get3A_197 {offsets = [4], sizes = [1], strides = [1]} : vector<16xi32> to vector<1xi32>
    %squeeze3A_3380 = vector.extract %slice3A_3379[0] : i32 from vector<1xi32>
    %ge3A_3381 = vector.broadcast %squeeze3A_3380 : i32 to vector<16xi32>
    %ge3A_3382 = arith.cmpi sge, %add3A_3346, %ge3A_3381 : vector<16xi32>
    %jit3A_3383 = arith.constant 1 : i32
    %jit3A_3384 = arith.constant 0 : i32
    %broadcast_in_dim3A_3385 = vector.broadcast %jit3A_3383 : i32 to vector<16xi32>
    %broadcast_in_dim3A_3386 = vector.broadcast %jit3A_3384 : i32 to vector<16xi32>
    %select_n3A_3387 = arith.select %ge3A_3382, %broadcast_in_dim3A_3385, %broadcast_in_dim3A_3386 : vector<16xi1>, vector<16xi32>
    %add3A_3388 = arith.addi %add3A_3378, %select_n3A_3387 : vector<16xi32>
    %slice3A_3389 = vector.extract_strided_slice %get3A_197 {offsets = [5], sizes = [1], strides = [1]} : vector<16xi32> to vector<1xi32>
    %squeeze3A_3390 = vector.extract %slice3A_3389[0] : i32 from vector<1xi32>
    %ge3A_3391 = vector.broadcast %squeeze3A_3390 : i32 to vector<16xi32>
    %ge3A_3392 = arith.cmpi sge, %add3A_3346, %ge3A_3391 : vector<16xi32>
    %jit3A_3393 = arith.constant 1 : i32
    %jit3A_3394 = arith.constant 0 : i32
    %broadcast_in_dim3A_3395 = vector.broadcast %jit3A_3393 : i32 to vector<16xi32>
    %broadcast_in_dim3A_3396 = vector.broadcast %jit3A_3394 : i32 to vector<16xi32>
    %select_n3A_3397 = arith.select %ge3A_3392, %broadcast_in_dim3A_3395, %broadcast_in_dim3A_3396 : vector<16xi1>, vector<16xi32>
    %add3A_3398 = arith.addi %add3A_3388, %select_n3A_3397 : vector<16xi32>
    %slice3A_3399 = vector.extract_strided_slice %get3A_197 {offsets = [6], sizes = [1], strides = [1]} : vector<16xi32> to vector<1xi32>
    %squeeze3A_3400 = vector.extract %slice3A_3399[0] : i32 from vector<1xi32>
    %ge3A_3401 = vector.broadcast %squeeze3A_3400 : i32 to vector<16xi32>
    %ge3A_3402 = arith.cmpi sge, %add3A_3346, %ge3A_3401 : vector<16xi32>
    %jit3A_3403 = arith.constant 1 : i32
    %jit3A_3404 = arith.constant 0 : i32
    %broadcast_in_dim3A_3405 = vector.broadcast %jit3A_3403 : i32 to vector<16xi32>
    %broadcast_in_dim3A_3406 = vector.broadcast %jit3A_3404 : i32 to vector<16xi32>
    %select_n3A_3407 = arith.select %ge3A_3402, %broadcast_in_dim3A_3405, %broadcast_in_dim3A_3406 : vector<16xi1>, vector<16xi32>
    %add3A_3408 = arith.addi %add3A_3398, %select_n3A_3407 : vector<16xi32>
    %slice3A_3409 = vector.extract_strided_slice %get3A_197 {offsets = [7], sizes = [1], strides = [1]} : vector<16xi32> to vector<1xi32>
    %squeeze3A_3410 = vector.extract %slice3A_3409[0] : i32 from vector<1xi32>
    %ge3A_3411 = vector.broadcast %squeeze3A_3410 : i32 to vector<16xi32>
    %ge3A_3412 = arith.cmpi sge, %add3A_3346, %ge3A_3411 : vector<16xi32>
    %jit3A_3413 = arith.constant 1 : i32
    %jit3A_3414 = arith.constant 0 : i32
    %broadcast_in_dim3A_3415 = vector.broadcast %jit3A_3413 : i32 to vector<16xi32>
    %broadcast_in_dim3A_3416 = vector.broadcast %jit3A_3414 : i32 to vector<16xi32>
    %select_n3A_3417 = arith.select %ge3A_3412, %broadcast_in_dim3A_3415, %broadcast_in_dim3A_3416 : vector<16xi1>, vector<16xi32>
    %add3A_3418 = arith.addi %add3A_3408, %select_n3A_3417 : vector<16xi32>
    %get3A_3419 = arith.constant 0 : i32
    %get3A_3420 = arith.index_cast %get3A_3419 : i32 to index
    %get3A_3421 = arith.constant 480 : index
    %get3A_3422 = tpu.vector_load %arg9[%get3A_3420, %get3A_3421] {strides = array<i32>} : memref<1x512xi32, #tpu.memory_space<vmem>>, vector<16xi32>,
    %mul3A_3423 = arith.constant 48 : i32
    %mul3A_3424 = vector.broadcast %mul3A_3423 : i32 to vector<16xi32>
    %mul3A_3425 = arith.muli %add3A_3418, %mul3A_3424 : vector<16xi32>
    %add3A_3426 = arith.addi %mul3A_3425, %get3A_3422 : vector<16xi32>
    tpu.vector_store_idx %arg11[%add3A_3426], %broadcast_in_dim3A_196 {add = true} : memref<1536xf32, #tpu.memory_space<vmem>>[vector<16xi32>], vector<16xf32>,
    %get3A_3427 = arith.constant 0 : i32
    %get3A_3428 = arith.index_cast %get3A_3427 : i32 to index
    %get3A_3429 = arith.constant 480 : index
    %get3A_3430 = tpu.vector_load %arg6[%get3A_3428, %get3A_3429] {strides = array<i32>} : memref<1x512xf32, #tpu.memory_space<vmem>>, vector<16xf32>,
    %add3A_3431 = arith.constant 384 : i32
    %add3A_3432 = vector.broadcast %add3A_3431 : i32 to vector<16xi32>
    %add3A_3433 = arith.addi %add3A_3426, %add3A_3432 : vector<16xi32>
    tpu.vector_store_idx %arg11[%add3A_3433], %get3A_3430 {add = true} : memref<1536xf32, #tpu.memory_space<vmem>>[vector<16xi32>], vector<16xf32>,
    %get3A_3434 = arith.constant 0 : i32
    %get3A_3435 = arith.index_cast %get3A_3434 : i32 to index
    %get3A_3436 = arith.constant 480 : index
    %get3A_3437 = tpu.vector_load %arg7[%get3A_3435, %get3A_3436] {strides = array<i32>} : memref<1x512xf32, #tpu.memory_space<vmem>>, vector<16xf32>,
    %add3A_3438 = arith.constant 768 : i32
    %add3A_3439 = vector.broadcast %add3A_3438 : i32 to vector<16xi32>
    %add3A_3440 = arith.addi %add3A_3426, %add3A_3439 : vector<16xi32>
    tpu.vector_store_idx %arg11[%add3A_3440], %get3A_3437 {add = true} : memref<1536xf32, #tpu.memory_space<vmem>>[vector<16xi32>], vector<16xf32>,
    %get3A_3441 = arith.constant 0 : i32
    %get3A_3442 = arith.index_cast %get3A_3441 : i32 to index
    %get3A_3443 = arith.constant 480 : index
    %get3A_3444 = tpu.vector_load %arg8[%get3A_3442, %get3A_3443] {strides = array<i32>} : memref<1x512xf32, #tpu.memory_space<vmem>>, vector<16xf32>,
    %add3A_3445 = arith.constant 1152 : i32
    %add3A_3446 = vector.broadcast %add3A_3445 : i32 to vector<16xi32>
    %add3A_3447 = arith.addi %add3A_3426, %add3A_3446 : vector<16xi32>
    tpu.vector_store_idx %arg11[%add3A_3447], %get3A_3444 {add = true} : memref<1536xf32, #tpu.memory_space<vmem>>[vector<16xi32>], vector<16xf32>,
    %add3A_3448 = arith.constant 496 : i32
    %add3A_3449 = arith.addi %add3A_3448, %mul3A_2 : i32
    %add3A_3450 = vector.broadcast %add3A_3449 : i32 to vector<16xi32>
    %add3A_3451 = arith.addi %iota3A, %add3A_3450 : vector<16xi32>
    %broadcast_in_dim3A_3452 = arith.constant 0 : i32
    %broadcast_in_dim3A_3453 = vector.broadcast %broadcast_in_dim3A_3452 : i32 to vector<16xi32>
    %slice3A_3454 = vector.extract_strided_slice %get3A_197 {offsets = [1], sizes = [1], strides = [1]} : vector<16xi32> to vector<1xi32>
    %squeeze3A_3455 = vector.extract %slice3A_3454[0] : i32 from vector<1xi32>
    %ge3A_3456 = vector.broadcast %squeeze3A_3455 : i32 to vector<16xi32>
    %ge3A_3457 = arith.cmpi sge, %add3A_3451, %ge3A_3456 : vector<16xi32>
    %jit3A_3458 = arith.constant 1 : i32
    %jit3A_3459 = arith.constant 0 : i32
    %broadcast_in_dim3A_3460 = vector.broadcast %jit3A_3458 : i32 to vector<16xi32>
    %broadcast_in_dim3A_3461 = vector.broadcast %jit3A_3459 : i32 to vector<16xi32>
    %select_n3A_3462 = arith.select %ge3A_3457, %broadcast_in_dim3A_3460, %broadcast_in_dim3A_3461 : vector<16xi1>, vector<16xi32>
    %add3A_3463 = arith.addi %broadcast_in_dim3A_3453, %select_n3A_3462 : vector<16xi32>
    %slice3A_3464 = vector.extract_strided_slice %get3A_197 {offsets = [2], sizes = [1], strides = [1]} : vector<16xi32> to vector<1xi32>
    %squeeze3A_3465 = vector.extract %slice3A_3464[0] : i32 from vector<1xi32>
    %ge3A_3466 = vector.broadcast %squeeze3A_3465 : i32 to vector<16xi32>
    %ge3A_3467 = arith.cmpi sge, %add3A_3451, %ge3A_3466 : vector<16xi32>
    %jit3A_3468 = arith.constant 1 : i32
    %jit3A_3469 = arith.constant 0 : i32
    %broadcast_in_dim3A_3470 = vector.broadcast %jit3A_3468 : i32 to vector<16xi32>
    %broadcast_in_dim3A_3471 = vector.broadcast %jit3A_3469 : i32 to vector<16xi32>
    %select_n3A_3472 = arith.select %ge3A_3467, %broadcast_in_dim3A_3470, %broadcast_in_dim3A_3471 : vector<16xi1>, vector<16xi32>
    %add3A_3473 = arith.addi %add3A_3463, %select_n3A_3472 : vector<16xi32>
    %slice3A_3474 = vector.extract_strided_slice %get3A_197 {offsets = [3], sizes = [1], strides = [1]} : vector<16xi32> to vector<1xi32>
    %squeeze3A_3475 = vector.extract %slice3A_3474[0] : i32 from vector<1xi32>
    %ge3A_3476 = vector.broadcast %squeeze3A_3475 : i32 to vector<16xi32>
    %ge3A_3477 = arith.cmpi sge, %add3A_3451, %ge3A_3476 : vector<16xi32>
    %jit3A_3478 = arith.constant 1 : i32
    %jit3A_3479 = arith.constant 0 : i32
    %broadcast_in_dim3A_3480 = vector.broadcast %jit3A_3478 : i32 to vector<16xi32>
    %broadcast_in_dim3A_3481 = vector.broadcast %jit3A_3479 : i32 to vector<16xi32>
    %select_n3A_3482 = arith.select %ge3A_3477, %broadcast_in_dim3A_3480, %broadcast_in_dim3A_3481 : vector<16xi1>, vector<16xi32>
    %add3A_3483 = arith.addi %add3A_3473, %select_n3A_3482 : vector<16xi32>
    %slice3A_3484 = vector.extract_strided_slice %get3A_197 {offsets = [4], sizes = [1], strides = [1]} : vector<16xi32> to vector<1xi32>
    %squeeze3A_3485 = vector.extract %slice3A_3484[0] : i32 from vector<1xi32>
    %ge3A_3486 = vector.broadcast %squeeze3A_3485 : i32 to vector<16xi32>
    %ge3A_3487 = arith.cmpi sge, %add3A_3451, %ge3A_3486 : vector<16xi32>
    %jit3A_3488 = arith.constant 1 : i32
    %jit3A_3489 = arith.constant 0 : i32
    %broadcast_in_dim3A_3490 = vector.broadcast %jit3A_3488 : i32 to vector<16xi32>
    %broadcast_in_dim3A_3491 = vector.broadcast %jit3A_3489 : i32 to vector<16xi32>
    %select_n3A_3492 = arith.select %ge3A_3487, %broadcast_in_dim3A_3490, %broadcast_in_dim3A_3491 : vector<16xi1>, vector<16xi32>
    %add3A_3493 = arith.addi %add3A_3483, %select_n3A_3492 : vector<16xi32>
    %slice3A_3494 = vector.extract_strided_slice %get3A_197 {offsets = [5], sizes = [1], strides = [1]} : vector<16xi32> to vector<1xi32>
    %squeeze3A_3495 = vector.extract %slice3A_3494[0] : i32 from vector<1xi32>
    %ge3A_3496 = vector.broadcast %squeeze3A_3495 : i32 to vector<16xi32>
    %ge3A_3497 = arith.cmpi sge, %add3A_3451, %ge3A_3496 : vector<16xi32>
    %jit3A_3498 = arith.constant 1 : i32
    %jit3A_3499 = arith.constant 0 : i32
    %broadcast_in_dim3A_3500 = vector.broadcast %jit3A_3498 : i32 to vector<16xi32>
    %broadcast_in_dim3A_3501 = vector.broadcast %jit3A_3499 : i32 to vector<16xi32>
    %select_n3A_3502 = arith.select %ge3A_3497, %broadcast_in_dim3A_3500, %broadcast_in_dim3A_3501 : vector<16xi1>, vector<16xi32>
    %add3A_3503 = arith.addi %add3A_3493, %select_n3A_3502 : vector<16xi32>
    %slice3A_3504 = vector.extract_strided_slice %get3A_197 {offsets = [6], sizes = [1], strides = [1]} : vector<16xi32> to vector<1xi32>
    %squeeze3A_3505 = vector.extract %slice3A_3504[0] : i32 from vector<1xi32>
    %ge3A_3506 = vector.broadcast %squeeze3A_3505 : i32 to vector<16xi32>
    %ge3A_3507 = arith.cmpi sge, %add3A_3451, %ge3A_3506 : vector<16xi32>
    %jit3A_3508 = arith.constant 1 : i32
    %jit3A_3509 = arith.constant 0 : i32
    %broadcast_in_dim3A_3510 = vector.broadcast %jit3A_3508 : i32 to vector<16xi32>
    %broadcast_in_dim3A_3511 = vector.broadcast %jit3A_3509 : i32 to vector<16xi32>
    %select_n3A_3512 = arith.select %ge3A_3507, %broadcast_in_dim3A_3510, %broadcast_in_dim3A_3511 : vector<16xi1>, vector<16xi32>
    %add3A_3513 = arith.addi %add3A_3503, %select_n3A_3512 : vector<16xi32>
    %slice3A_3514 = vector.extract_strided_slice %get3A_197 {offsets = [7], sizes = [1], strides = [1]} : vector<16xi32> to vector<1xi32>
    %squeeze3A_3515 = vector.extract %slice3A_3514[0] : i32 from vector<1xi32>
    %ge3A_3516 = vector.broadcast %squeeze3A_3515 : i32 to vector<16xi32>
    %ge3A_3517 = arith.cmpi sge, %add3A_3451, %ge3A_3516 : vector<16xi32>
    %jit3A_3518 = arith.constant 1 : i32
    %jit3A_3519 = arith.constant 0 : i32
    %broadcast_in_dim3A_3520 = vector.broadcast %jit3A_3518 : i32 to vector<16xi32>
    %broadcast_in_dim3A_3521 = vector.broadcast %jit3A_3519 : i32 to vector<16xi32>
    %select_n3A_3522 = arith.select %ge3A_3517, %broadcast_in_dim3A_3520, %broadcast_in_dim3A_3521 : vector<16xi1>, vector<16xi32>
    %add3A_3523 = arith.addi %add3A_3513, %select_n3A_3522 : vector<16xi32>
    %get3A_3524 = arith.constant 0 : i32
    %get3A_3525 = arith.index_cast %get3A_3524 : i32 to index
    %get3A_3526 = arith.constant 496 : index
    %get3A_3527 = tpu.vector_load %arg9[%get3A_3525, %get3A_3526] {strides = array<i32>} : memref<1x512xi32, #tpu.memory_space<vmem>>, vector<16xi32>,
    %mul3A_3528 = arith.constant 48 : i32
    %mul3A_3529 = vector.broadcast %mul3A_3528 : i32 to vector<16xi32>
    %mul3A_3530 = arith.muli %add3A_3523, %mul3A_3529 : vector<16xi32>
    %add3A_3531 = arith.addi %mul3A_3530, %get3A_3527 : vector<16xi32>
    tpu.vector_store_idx %arg11[%add3A_3531], %broadcast_in_dim3A_196 {add = true} : memref<1536xf32, #tpu.memory_space<vmem>>[vector<16xi32>], vector<16xf32>,
    %get3A_3532 = arith.constant 0 : i32
    %get3A_3533 = arith.index_cast %get3A_3532 : i32 to index
    %get3A_3534 = arith.constant 496 : index
    %get3A_3535 = tpu.vector_load %arg6[%get3A_3533, %get3A_3534] {strides = array<i32>} : memref<1x512xf32, #tpu.memory_space<vmem>>, vector<16xf32>,
    %add3A_3536 = arith.constant 384 : i32
    %add3A_3537 = vector.broadcast %add3A_3536 : i32 to vector<16xi32>
    %add3A_3538 = arith.addi %add3A_3531, %add3A_3537 : vector<16xi32>
    tpu.vector_store_idx %arg11[%add3A_3538], %get3A_3535 {add = true} : memref<1536xf32, #tpu.memory_space<vmem>>[vector<16xi32>], vector<16xf32>,
    %get3A_3539 = arith.constant 0 : i32
    %get3A_3540 = arith.index_cast %get3A_3539 : i32 to index
    %get3A_3541 = arith.constant 496 : index
    %get3A_3542 = tpu.vector_load %arg7[%get3A_3540, %get3A_3541] {strides = array<i32>} : memref<1x512xf32, #tpu.memory_space<vmem>>, vector<16xf32>,
    %add3A_3543 = arith.constant 768 : i32
    %add3A_3544 = vector.broadcast %add3A_3543 : i32 to vector<16xi32>
    %add3A_3545 = arith.addi %add3A_3531, %add3A_3544 : vector<16xi32>
    tpu.vector_store_idx %arg11[%add3A_3545], %get3A_3542 {add = true} : memref<1536xf32, #tpu.memory_space<vmem>>[vector<16xi32>], vector<16xf32>,
    %get3A_3546 = arith.constant 0 : i32
    %get3A_3547 = arith.index_cast %get3A_3546 : i32 to index
    %get3A_3548 = arith.constant 496 : index
    %get3A_3549 = tpu.vector_load %arg8[%get3A_3547, %get3A_3548] {strides = array<i32>} : memref<1x512xf32, #tpu.memory_space<vmem>>, vector<16xf32>,
    %add3A_3550 = arith.constant 1152 : i32
    %add3A_3551 = vector.broadcast %add3A_3550 : i32 to vector<16xi32>
    %add3A_3552 = arith.addi %add3A_3531, %add3A_3551 : vector<16xi32>
    tpu.vector_store_idx %arg11[%add3A_3552], %get3A_3549 {add = true} : memref<1536xf32, #tpu.memory_space<vmem>>[vector<16xi32>], vector<16xf32>,
    "tpu.region"() ({
      %run_scoped3A = tpu.sem_alloc : memref<!tpu.dma_semaphore, #tpu.memory_space<semaphore_mem>>
      %dma_start3A = arith.constant 0 : i32
      %dma_start3A_3553 = tpu.memref_slice %arg5[%add3A, %dma_start3A] : memref<32x1536xf32, #tpu.memory_space<hbm>> -> memref<1x1536xf32, #tpu.memory_space<hbm>>
      %dma_start3A_3554 = tpu.memref_squeeze %dma_start3A_3553 : memref<1x1536xf32, #tpu.memory_space<hbm>> -> memref<1536xf32, #tpu.memory_space<hbm>>
      %dma_start3A_3555 = arith.constant 0 : i32
      %dma_start3A_3556 = tpu.memref_slice %arg5[%add3A, %dma_start3A_3555] : memref<32x1536xf32, #tpu.memory_space<hbm>> -> memref<1x1536xf32, #tpu.memory_space<hbm>>
      %dma_start3A_3557 = tpu.memref_squeeze %dma_start3A_3556 : memref<1x1536xf32, #tpu.memory_space<hbm>> -> memref<1536xf32, #tpu.memory_space<hbm>>
      tpu.enqueue_dma source(%arg11 : memref<1536xf32, #tpu.memory_space<vmem>>) target(%dma_start3A_3557 : memref<1536xf32, #tpu.memory_space<hbm>>) target_semaphore(%run_scoped3A : memref<!tpu.dma_semaphore, #tpu.memory_space<semaphore_mem>>)
      %dma_wait3A = arith.constant 0 : i32
      %dma_wait3A_3558 = tpu.memref_slice %arg5[%add3A, %dma_wait3A] : memref<32x1536xf32, #tpu.memory_space<hbm>> -> memref<1x1536xf32, #tpu.memory_space<hbm>>
      %dma_wait3A_3559 = tpu.memref_squeeze %dma_wait3A_3558 : memref<1x1536xf32, #tpu.memory_space<hbm>> -> memref<1536xf32, #tpu.memory_space<hbm>>
      %dma_wait3A_3560 = arith.constant 0 : i32
      %dma_wait3A_3561 = tpu.memref_slice %arg5[%add3A, %dma_wait3A_3560] : memref<32x1536xf32, #tpu.memory_space<hbm>> -> memref<1x1536xf32, #tpu.memory_space<hbm>>
      %dma_wait3A_3562 = tpu.memref_squeeze %dma_wait3A_3561 : memref<1x1536xf32, #tpu.memory_space<hbm>> -> memref<1536xf32, #tpu.memory_space<hbm>>
      tpu.wait_dma2 semaphore(%run_scoped3A : memref<!tpu.dma_semaphore, #tpu.memory_space<semaphore_mem>>) src(%arg11 : memref<1536xf32, #tpu.memory_space<vmem>>) dst(%dma_wait3A_3562 : memref<1536xf32, #tpu.memory_space<hbm>>)
      tpu.yield
    }) : () -> ()
    return
  }
}

module attributes {stable_mosaic.version = 14 : i64} {
  func.func @_loss_body(%arg0: memref<9xi32, #tpu.memory_space<smem>>, %arg1: memref<3x16384xf32, #tpu.memory_space<vmem>>, %arg2: memref<1x16384xi32, #tpu.memory_space<vmem>>, %arg3: memref<32x32x48xf32, #tpu.memory_space<vmem>>, %arg4: memref<1x1xf32, #tpu.memory_space<vmem>>) attributes {dimension_semantics = [], scalar_prefetch = 0 : i64, scratch_operands = 0 : i64, tpu.core_type = #tpu.core_type<tc>} {
    %iota3A = tpu.iota {dimensions = array<i32: 1>} : vector<8x16384xi32>
    %get3A = arith.constant 0 : index
    %get3A_0 = memref.load %arg0[%get3A] : memref<9xi32, #tpu.memory_space<smem>>
    %broadcast_in_dim3A = vector.broadcast %get3A_0 : i32 to vector<1x1xi32>
    %get3A_1 = arith.constant 1 : index
    %get3A_2 = memref.load %arg0[%get3A_1] : memref<9xi32, #tpu.memory_space<smem>>
    %broadcast_in_dim3A_3 = vector.broadcast %get3A_2 : i32 to vector<1x1xi32>
    %get3A_4 = arith.constant 2 : index
    %get3A_5 = memref.load %arg0[%get3A_4] : memref<9xi32, #tpu.memory_space<smem>>
    %broadcast_in_dim3A_6 = vector.broadcast %get3A_5 : i32 to vector<1x1xi32>
    %get3A_7 = arith.constant 3 : index
    %get3A_8 = memref.load %arg0[%get3A_7] : memref<9xi32, #tpu.memory_space<smem>>
    %broadcast_in_dim3A_9 = vector.broadcast %get3A_8 : i32 to vector<1x1xi32>
    %get3A_10 = arith.constant 4 : index
    %get3A_11 = memref.load %arg0[%get3A_10] : memref<9xi32, #tpu.memory_space<smem>>
    %broadcast_in_dim3A_12 = vector.broadcast %get3A_11 : i32 to vector<1x1xi32>
    %get3A_13 = arith.constant 5 : index
    %get3A_14 = memref.load %arg0[%get3A_13] : memref<9xi32, #tpu.memory_space<smem>>
    %broadcast_in_dim3A_15 = vector.broadcast %get3A_14 : i32 to vector<1x1xi32>
    %get3A_16 = arith.constant 6 : index
    %get3A_17 = memref.load %arg0[%get3A_16] : memref<9xi32, #tpu.memory_space<smem>>
    %broadcast_in_dim3A_18 = vector.broadcast %get3A_17 : i32 to vector<1x1xi32>
    %get3A_19 = arith.constant 7 : index
    %get3A_20 = memref.load %arg0[%get3A_19] : memref<9xi32, #tpu.memory_space<smem>>
    %broadcast_in_dim3A_21 = vector.broadcast %get3A_20 : i32 to vector<1x1xi32>
    %concatenate3A = tpu.concatenate %broadcast_in_dim3A, %broadcast_in_dim3A_3, %broadcast_in_dim3A_6, %broadcast_in_dim3A_9, %broadcast_in_dim3A_12, %broadcast_in_dim3A_15, %broadcast_in_dim3A_18, %broadcast_in_dim3A_21 in 0 : vector<1x1xi32>, vector<1x1xi32>, vector<1x1xi32>, vector<1x1xi32>, vector<1x1xi32>, vector<1x1xi32>, vector<1x1xi32>, vector<1x1xi32> -> vector<8x1xi32>
    %get3A_22 = arith.constant 1 : index
    %get3A_23 = memref.load %arg0[%get3A_22] : memref<9xi32, #tpu.memory_space<smem>>
    %broadcast_in_dim3A_24 = vector.broadcast %get3A_23 : i32 to vector<1x1xi32>
    %get3A_25 = arith.constant 2 : index
    %get3A_26 = memref.load %arg0[%get3A_25] : memref<9xi32, #tpu.memory_space<smem>>
    %broadcast_in_dim3A_27 = vector.broadcast %get3A_26 : i32 to vector<1x1xi32>
    %get3A_28 = arith.constant 3 : index
    %get3A_29 = memref.load %arg0[%get3A_28] : memref<9xi32, #tpu.memory_space<smem>>
    %broadcast_in_dim3A_30 = vector.broadcast %get3A_29 : i32 to vector<1x1xi32>
    %get3A_31 = arith.constant 4 : index
    %get3A_32 = memref.load %arg0[%get3A_31] : memref<9xi32, #tpu.memory_space<smem>>
    %broadcast_in_dim3A_33 = vector.broadcast %get3A_32 : i32 to vector<1x1xi32>
    %get3A_34 = arith.constant 5 : index
    %get3A_35 = memref.load %arg0[%get3A_34] : memref<9xi32, #tpu.memory_space<smem>>
    %broadcast_in_dim3A_36 = vector.broadcast %get3A_35 : i32 to vector<1x1xi32>
    %get3A_37 = arith.constant 6 : index
    %get3A_38 = memref.load %arg0[%get3A_37] : memref<9xi32, #tpu.memory_space<smem>>
    %broadcast_in_dim3A_39 = vector.broadcast %get3A_38 : i32 to vector<1x1xi32>
    %get3A_40 = arith.constant 7 : index
    %get3A_41 = memref.load %arg0[%get3A_40] : memref<9xi32, #tpu.memory_space<smem>>
    %broadcast_in_dim3A_42 = vector.broadcast %get3A_41 : i32 to vector<1x1xi32>
    %get3A_43 = arith.constant 8 : index
    %get3A_44 = memref.load %arg0[%get3A_43] : memref<9xi32, #tpu.memory_space<smem>>
    %broadcast_in_dim3A_45 = vector.broadcast %get3A_44 : i32 to vector<1x1xi32>
    %concatenate3A_46 = tpu.concatenate %broadcast_in_dim3A_24, %broadcast_in_dim3A_27, %broadcast_in_dim3A_30, %broadcast_in_dim3A_33, %broadcast_in_dim3A_36, %broadcast_in_dim3A_39, %broadcast_in_dim3A_42, %broadcast_in_dim3A_45 in 0 : vector<1x1xi32>, vector<1x1xi32>, vector<1x1xi32>, vector<1x1xi32>, vector<1x1xi32>, vector<1x1xi32>, vector<1x1xi32>, vector<1x1xi32> -> vector<8x1xi32>
    %ge3A = vector.broadcast %concatenate3A : vector<8x1xi32> to vector<8x16384xi32>
    %ge3A_47 = arith.cmpi sge, %iota3A, %ge3A : vector<8x16384xi32>
    %lt3A = vector.broadcast %concatenate3A_46 : vector<8x1xi32> to vector<8x16384xi32>
    %lt3A_48 = arith.cmpi slt, %iota3A, %lt3A : vector<8x16384xi32>
    %and3A = arith.andi %ge3A_47, %lt3A_48 : vector<8x16384xi1>
    %convert_element_type3A = arith.extui %and3A : vector<8x16384xi1> to vector<8x16384xi32>
    %convert_element_type3A_49 = arith.sitofp %convert_element_type3A : vector<8x16384xi32> to vector<8x16384xf32>
    %get3A_50 = arith.constant 0 : index
    %get3A_51 = arith.constant 0 : index
    %get3A_52 = vector.load %arg2[%get3A_50, %get3A_51] : memref<1x16384xi32, #tpu.memory_space<vmem>>, vector<1x16384xi32>
    %iota3A_53 = tpu.iota {dimensions = array<i32: 0>} : vector<48x16384xi32>
    %eq3A = vector.broadcast %get3A_52 : vector<1x16384xi32> to vector<48x16384xi32>
    %eq3A_54 = arith.cmpi eq, %iota3A_53, %eq3A : vector<48x16384xi32>
    %convert_element_type3A_55 = arith.extui %eq3A_54 : vector<48x16384xi1> to vector<48x16384xi32>
    %convert_element_type3A_56 = arith.sitofp %convert_element_type3A_55 : vector<48x16384xi32> to vector<48x16384xf32>
    %get3A_57 = arith.constant 0 : index
    %get3A_58 = arith.constant 0 : index
    %get3A_59 = vector.load %arg1[%get3A_57, %get3A_58] : memref<3x16384xf32, #tpu.memory_space<vmem>>, vector<3x16384xf32>
    %get3A_60 = arith.constant 0 : index
    %get3A_61 = arith.constant 0 : index
    %get3A_62 = arith.constant 0 : index
    %get3A_63 = vector.load %arg3[%get3A_60, %get3A_61, %get3A_62] : memref<32x32x48xf32, #tpu.memory_space<vmem>>, vector<32x32x48xf32>
    %slice3A = vector.extract_strided_slice %get3A_63 {offsets = [0, 0, 0], sizes = [1, 32, 48], strides = [1, 1, 1]} : vector<32x32x48xf32> to vector<1x32x48xf32>
    %squeeze3A = vector.shape_cast %slice3A : vector<1x32x48xf32> to vector<32x48xf32>
    %slice3A_64 = vector.extract_strided_slice %get3A_63 {offsets = [1, 0, 0], sizes = [1, 32, 48], strides = [1, 1, 1]} : vector<32x32x48xf32> to vector<1x32x48xf32>
    %squeeze3A_65 = vector.shape_cast %slice3A_64 : vector<1x32x48xf32> to vector<32x48xf32>
    %add3A = arith.addf %squeeze3A, %squeeze3A_65 : vector<32x48xf32>
    %slice3A_66 = vector.extract_strided_slice %get3A_63 {offsets = [2, 0, 0], sizes = [1, 32, 48], strides = [1, 1, 1]} : vector<32x32x48xf32> to vector<1x32x48xf32>
    %squeeze3A_67 = vector.shape_cast %slice3A_66 : vector<1x32x48xf32> to vector<32x48xf32>
    %add3A_68 = arith.addf %add3A, %squeeze3A_67 : vector<32x48xf32>
    %slice3A_69 = vector.extract_strided_slice %get3A_63 {offsets = [3, 0, 0], sizes = [1, 32, 48], strides = [1, 1, 1]} : vector<32x32x48xf32> to vector<1x32x48xf32>
    %squeeze3A_70 = vector.shape_cast %slice3A_69 : vector<1x32x48xf32> to vector<32x48xf32>
    %add3A_71 = arith.addf %add3A_68, %squeeze3A_70 : vector<32x48xf32>
    %slice3A_72 = vector.extract_strided_slice %get3A_63 {offsets = [4, 0, 0], sizes = [1, 32, 48], strides = [1, 1, 1]} : vector<32x32x48xf32> to vector<1x32x48xf32>
    %squeeze3A_73 = vector.shape_cast %slice3A_72 : vector<1x32x48xf32> to vector<32x48xf32>
    %add3A_74 = arith.addf %add3A_71, %squeeze3A_73 : vector<32x48xf32>
    %slice3A_75 = vector.extract_strided_slice %get3A_63 {offsets = [5, 0, 0], sizes = [1, 32, 48], strides = [1, 1, 1]} : vector<32x32x48xf32> to vector<1x32x48xf32>
    %squeeze3A_76 = vector.shape_cast %slice3A_75 : vector<1x32x48xf32> to vector<32x48xf32>
    %add3A_77 = arith.addf %add3A_74, %squeeze3A_76 : vector<32x48xf32>
    %slice3A_78 = vector.extract_strided_slice %get3A_63 {offsets = [6, 0, 0], sizes = [1, 32, 48], strides = [1, 1, 1]} : vector<32x32x48xf32> to vector<1x32x48xf32>
    %squeeze3A_79 = vector.shape_cast %slice3A_78 : vector<1x32x48xf32> to vector<32x48xf32>
    %add3A_80 = arith.addf %add3A_77, %squeeze3A_79 : vector<32x48xf32>
    %slice3A_81 = vector.extract_strided_slice %get3A_63 {offsets = [7, 0, 0], sizes = [1, 32, 48], strides = [1, 1, 1]} : vector<32x32x48xf32> to vector<1x32x48xf32>
    %squeeze3A_82 = vector.shape_cast %slice3A_81 : vector<1x32x48xf32> to vector<32x48xf32>
    %add3A_83 = arith.addf %add3A_80, %squeeze3A_82 : vector<32x48xf32>
    %slice3A_84 = vector.extract_strided_slice %get3A_63 {offsets = [8, 0, 0], sizes = [1, 32, 48], strides = [1, 1, 1]} : vector<32x32x48xf32> to vector<1x32x48xf32>
    %squeeze3A_85 = vector.shape_cast %slice3A_84 : vector<1x32x48xf32> to vector<32x48xf32>
    %add3A_86 = arith.addf %add3A_83, %squeeze3A_85 : vector<32x48xf32>
    %slice3A_87 = vector.extract_strided_slice %get3A_63 {offsets = [9, 0, 0], sizes = [1, 32, 48], strides = [1, 1, 1]} : vector<32x32x48xf32> to vector<1x32x48xf32>
    %squeeze3A_88 = vector.shape_cast %slice3A_87 : vector<1x32x48xf32> to vector<32x48xf32>
    %add3A_89 = arith.addf %add3A_86, %squeeze3A_88 : vector<32x48xf32>
    %slice3A_90 = vector.extract_strided_slice %get3A_63 {offsets = [10, 0, 0], sizes = [1, 32, 48], strides = [1, 1, 1]} : vector<32x32x48xf32> to vector<1x32x48xf32>
    %squeeze3A_91 = vector.shape_cast %slice3A_90 : vector<1x32x48xf32> to vector<32x48xf32>
    %add3A_92 = arith.addf %add3A_89, %squeeze3A_91 : vector<32x48xf32>
    %slice3A_93 = vector.extract_strided_slice %get3A_63 {offsets = [11, 0, 0], sizes = [1, 32, 48], strides = [1, 1, 1]} : vector<32x32x48xf32> to vector<1x32x48xf32>
    %squeeze3A_94 = vector.shape_cast %slice3A_93 : vector<1x32x48xf32> to vector<32x48xf32>
    %add3A_95 = arith.addf %add3A_92, %squeeze3A_94 : vector<32x48xf32>
    %slice3A_96 = vector.extract_strided_slice %get3A_63 {offsets = [12, 0, 0], sizes = [1, 32, 48], strides = [1, 1, 1]} : vector<32x32x48xf32> to vector<1x32x48xf32>
    %squeeze3A_97 = vector.shape_cast %slice3A_96 : vector<1x32x48xf32> to vector<32x48xf32>
    %add3A_98 = arith.addf %add3A_95, %squeeze3A_97 : vector<32x48xf32>
    %slice3A_99 = vector.extract_strided_slice %get3A_63 {offsets = [13, 0, 0], sizes = [1, 32, 48], strides = [1, 1, 1]} : vector<32x32x48xf32> to vector<1x32x48xf32>
    %squeeze3A_100 = vector.shape_cast %slice3A_99 : vector<1x32x48xf32> to vector<32x48xf32>
    %add3A_101 = arith.addf %add3A_98, %squeeze3A_100 : vector<32x48xf32>
    %slice3A_102 = vector.extract_strided_slice %get3A_63 {offsets = [14, 0, 0], sizes = [1, 32, 48], strides = [1, 1, 1]} : vector<32x32x48xf32> to vector<1x32x48xf32>
    %squeeze3A_103 = vector.shape_cast %slice3A_102 : vector<1x32x48xf32> to vector<32x48xf32>
    %add3A_104 = arith.addf %add3A_101, %squeeze3A_103 : vector<32x48xf32>
    %slice3A_105 = vector.extract_strided_slice %get3A_63 {offsets = [15, 0, 0], sizes = [1, 32, 48], strides = [1, 1, 1]} : vector<32x32x48xf32> to vector<1x32x48xf32>
    %squeeze3A_106 = vector.shape_cast %slice3A_105 : vector<1x32x48xf32> to vector<32x48xf32>
    %add3A_107 = arith.addf %add3A_104, %squeeze3A_106 : vector<32x48xf32>
    %slice3A_108 = vector.extract_strided_slice %get3A_63 {offsets = [16, 0, 0], sizes = [1, 32, 48], strides = [1, 1, 1]} : vector<32x32x48xf32> to vector<1x32x48xf32>
    %squeeze3A_109 = vector.shape_cast %slice3A_108 : vector<1x32x48xf32> to vector<32x48xf32>
    %add3A_110 = arith.addf %add3A_107, %squeeze3A_109 : vector<32x48xf32>
    %slice3A_111 = vector.extract_strided_slice %get3A_63 {offsets = [17, 0, 0], sizes = [1, 32, 48], strides = [1, 1, 1]} : vector<32x32x48xf32> to vector<1x32x48xf32>
    %squeeze3A_112 = vector.shape_cast %slice3A_111 : vector<1x32x48xf32> to vector<32x48xf32>
    %add3A_113 = arith.addf %add3A_110, %squeeze3A_112 : vector<32x48xf32>
    %slice3A_114 = vector.extract_strided_slice %get3A_63 {offsets = [18, 0, 0], sizes = [1, 32, 48], strides = [1, 1, 1]} : vector<32x32x48xf32> to vector<1x32x48xf32>
    %squeeze3A_115 = vector.shape_cast %slice3A_114 : vector<1x32x48xf32> to vector<32x48xf32>
    %add3A_116 = arith.addf %add3A_113, %squeeze3A_115 : vector<32x48xf32>
    %slice3A_117 = vector.extract_strided_slice %get3A_63 {offsets = [19, 0, 0], sizes = [1, 32, 48], strides = [1, 1, 1]} : vector<32x32x48xf32> to vector<1x32x48xf32>
    %squeeze3A_118 = vector.shape_cast %slice3A_117 : vector<1x32x48xf32> to vector<32x48xf32>
    %add3A_119 = arith.addf %add3A_116, %squeeze3A_118 : vector<32x48xf32>
    %slice3A_120 = vector.extract_strided_slice %get3A_63 {offsets = [20, 0, 0], sizes = [1, 32, 48], strides = [1, 1, 1]} : vector<32x32x48xf32> to vector<1x32x48xf32>
    %squeeze3A_121 = vector.shape_cast %slice3A_120 : vector<1x32x48xf32> to vector<32x48xf32>
    %add3A_122 = arith.addf %add3A_119, %squeeze3A_121 : vector<32x48xf32>
    %slice3A_123 = vector.extract_strided_slice %get3A_63 {offsets = [21, 0, 0], sizes = [1, 32, 48], strides = [1, 1, 1]} : vector<32x32x48xf32> to vector<1x32x48xf32>
    %squeeze3A_124 = vector.shape_cast %slice3A_123 : vector<1x32x48xf32> to vector<32x48xf32>
    %add3A_125 = arith.addf %add3A_122, %squeeze3A_124 : vector<32x48xf32>
    %slice3A_126 = vector.extract_strided_slice %get3A_63 {offsets = [22, 0, 0], sizes = [1, 32, 48], strides = [1, 1, 1]} : vector<32x32x48xf32> to vector<1x32x48xf32>
    %squeeze3A_127 = vector.shape_cast %slice3A_126 : vector<1x32x48xf32> to vector<32x48xf32>
    %add3A_128 = arith.addf %add3A_125, %squeeze3A_127 : vector<32x48xf32>
    %slice3A_129 = vector.extract_strided_slice %get3A_63 {offsets = [23, 0, 0], sizes = [1, 32, 48], strides = [1, 1, 1]} : vector<32x32x48xf32> to vector<1x32x48xf32>
    %squeeze3A_130 = vector.shape_cast %slice3A_129 : vector<1x32x48xf32> to vector<32x48xf32>
    %add3A_131 = arith.addf %add3A_128, %squeeze3A_130 : vector<32x48xf32>
    %slice3A_132 = vector.extract_strided_slice %get3A_63 {offsets = [24, 0, 0], sizes = [1, 32, 48], strides = [1, 1, 1]} : vector<32x32x48xf32> to vector<1x32x48xf32>
    %squeeze3A_133 = vector.shape_cast %slice3A_132 : vector<1x32x48xf32> to vector<32x48xf32>
    %add3A_134 = arith.addf %add3A_131, %squeeze3A_133 : vector<32x48xf32>
    %slice3A_135 = vector.extract_strided_slice %get3A_63 {offsets = [25, 0, 0], sizes = [1, 32, 48], strides = [1, 1, 1]} : vector<32x32x48xf32> to vector<1x32x48xf32>
    %squeeze3A_136 = vector.shape_cast %slice3A_135 : vector<1x32x48xf32> to vector<32x48xf32>
    %add3A_137 = arith.addf %add3A_134, %squeeze3A_136 : vector<32x48xf32>
    %slice3A_138 = vector.extract_strided_slice %get3A_63 {offsets = [26, 0, 0], sizes = [1, 32, 48], strides = [1, 1, 1]} : vector<32x32x48xf32> to vector<1x32x48xf32>
    %squeeze3A_139 = vector.shape_cast %slice3A_138 : vector<1x32x48xf32> to vector<32x48xf32>
    %add3A_140 = arith.addf %add3A_137, %squeeze3A_139 : vector<32x48xf32>
    %slice3A_141 = vector.extract_strided_slice %get3A_63 {offsets = [27, 0, 0], sizes = [1, 32, 48], strides = [1, 1, 1]} : vector<32x32x48xf32> to vector<1x32x48xf32>
    %squeeze3A_142 = vector.shape_cast %slice3A_141 : vector<1x32x48xf32> to vector<32x48xf32>
    %add3A_143 = arith.addf %add3A_140, %squeeze3A_142 : vector<32x48xf32>
    %slice3A_144 = vector.extract_strided_slice %get3A_63 {offsets = [28, 0, 0], sizes = [1, 32, 48], strides = [1, 1, 1]} : vector<32x32x48xf32> to vector<1x32x48xf32>
    %squeeze3A_145 = vector.shape_cast %slice3A_144 : vector<1x32x48xf32> to vector<32x48xf32>
    %add3A_146 = arith.addf %add3A_143, %squeeze3A_145 : vector<32x48xf32>
    %slice3A_147 = vector.extract_strided_slice %get3A_63 {offsets = [29, 0, 0], sizes = [1, 32, 48], strides = [1, 1, 1]} : vector<32x32x48xf32> to vector<1x32x48xf32>
    %squeeze3A_148 = vector.shape_cast %slice3A_147 : vector<1x32x48xf32> to vector<32x48xf32>
    %add3A_149 = arith.addf %add3A_146, %squeeze3A_148 : vector<32x48xf32>
    %slice3A_150 = vector.extract_strided_slice %get3A_63 {offsets = [30, 0, 0], sizes = [1, 32, 48], strides = [1, 1, 1]} : vector<32x32x48xf32> to vector<1x32x48xf32>
    %squeeze3A_151 = vector.shape_cast %slice3A_150 : vector<1x32x48xf32> to vector<32x48xf32>
    %add3A_152 = arith.addf %add3A_149, %squeeze3A_151 : vector<32x48xf32>
    %slice3A_153 = vector.extract_strided_slice %get3A_63 {offsets = [31, 0, 0], sizes = [1, 32, 48], strides = [1, 1, 1]} : vector<32x32x48xf32> to vector<1x32x48xf32>
    %squeeze3A_154 = vector.shape_cast %slice3A_153 : vector<1x32x48xf32> to vector<32x48xf32>
    %add3A_155 = arith.addf %add3A_152, %squeeze3A_154 : vector<32x48xf32>
    %slice3A_156 = vector.extract_strided_slice %add3A_155 {offsets = [0, 0], sizes = [8, 48], strides = [1, 1]} : vector<32x48xf32> to vector<8x48xf32>
    %reduce_sum3A = arith.constant dense<0.000000e+00> : vector<8xf32>
    %reduce_sum3A_157 = vector.multi_reduction <add>, %slice3A_156, %reduce_sum3A [1] : vector<8x48xf32> to vector<8xf32>
    %broadcast_in_dim3A_158 = vector.shape_cast %reduce_sum3A_157 : vector<8xf32> to vector<8x1xf32>
    %slice3A_159 = vector.extract_strided_slice %get3A_59 {offsets = [0, 0], sizes = [1, 16384], strides = [1, 1]} : vector<3x16384xf32> to vector<1x16384xf32>
    %mul3A = vector.broadcast %slice3A_159 : vector<1x16384xf32> to vector<8x16384xf32>
    %mul3A_160 = arith.mulf %convert_element_type3A_49, %mul3A : vector<8x16384xf32>
    %slice3A_161 = vector.extract_strided_slice %get3A_59 {offsets = [1, 0], sizes = [1, 16384], strides = [1, 1]} : vector<3x16384xf32> to vector<1x16384xf32>
    %mul3A_162 = vector.broadcast %slice3A_161 : vector<1x16384xf32> to vector<8x16384xf32>
    %mul3A_163 = arith.mulf %convert_element_type3A_49, %mul3A_162 : vector<8x16384xf32>
    %slice3A_164 = vector.extract_strided_slice %get3A_59 {offsets = [2, 0], sizes = [1, 16384], strides = [1, 1]} : vector<3x16384xf32> to vector<1x16384xf32>
    %mul3A_165 = vector.broadcast %slice3A_164 : vector<1x16384xf32> to vector<8x16384xf32>
    %mul3A_166 = arith.mulf %convert_element_type3A_49, %mul3A_165 : vector<8x16384xf32>
    %concatenate3A_167 = tpu.concatenate %mul3A_160, %mul3A_163, %mul3A_166 in 0 : vector<8x16384xf32>, vector<8x16384xf32>, vector<8x16384xf32> -> vector<24x16384xf32>
    %concatenate3A_168 = tpu.concatenate %convert_element_type3A_49, %concatenate3A_167 in 0 : vector<8x16384xf32>, vector<24x16384xf32> -> vector<32x16384xf32>
    %eq3A_169 = arith.constant 0.000000e+00 : f32
    %eq3A_170 = vector.broadcast %eq3A_169 : f32 to vector<8x48xf32>
    %eq3A_171 = arith.cmpf oeq, %slice3A_156, %eq3A_170 : vector<8x48xf32>
    %jit3A = arith.constant 1.000000e+00 : f32
    %broadcast_in_dim3A_172 = vector.broadcast %jit3A : f32 to vector<8x48xf32>
    %select_n3A = arith.select %eq3A_171, %broadcast_in_dim3A_172, %slice3A_156 : vector<8x48xi1>, vector<8x48xf32>
    %concatenate3A_173 = tpu.concatenate %slice3A_156, %slice3A_156, %slice3A_156 in 0 : vector<8x48xf32>, vector<8x48xf32>, vector<8x48xf32> -> vector<24x48xf32>
    %eq3A_174 = arith.constant 0.000000e+00 : f32
    %eq3A_175 = vector.broadcast %eq3A_174 : f32 to vector<24x48xf32>
    %eq3A_176 = arith.cmpf oeq, %concatenate3A_173, %eq3A_175 : vector<24x48xf32>
    %slice3A_177 = vector.extract_strided_slice %add3A_155 {offsets = [8, 0], sizes = [24, 48], strides = [1, 1]} : vector<32x48xf32> to vector<24x48xf32>
    %eq3A_178 = arith.constant 0.000000e+00 : f32
    %eq3A_179 = vector.broadcast %eq3A_178 : f32 to vector<24x48xf32>
    %eq3A_180 = arith.cmpf oeq, %concatenate3A_173, %eq3A_179 : vector<24x48xf32>
    %jit3A_181 = arith.constant 1.000000e+00 : f32
    %broadcast_in_dim3A_182 = vector.broadcast %jit3A_181 : f32 to vector<24x48xf32>
    %select_n3A_183 = arith.select %eq3A_180, %broadcast_in_dim3A_182, %concatenate3A_173 : vector<24x48xi1>, vector<24x48xf32>
    %div3A = arith.divf %slice3A_177, %select_n3A_183 : vector<24x48xf32>
    %jit3A_184 = arith.constant 0.000000e+00 : f32
    %broadcast_in_dim3A_185 = vector.broadcast %jit3A_184 : f32 to vector<24x48xf32>
    %select_n3A_186 = arith.select %eq3A_176, %broadcast_in_dim3A_185, %div3A : vector<24x48xi1>, vector<24x48xf32>
    %slice3A_187 = vector.extract_strided_slice %select_n3A_186 {offsets = [0, 0], sizes = [8, 48], strides = [1, 1]} : vector<24x48xf32> to vector<8x48xf32>
    %slice3A_188 = vector.extract_strided_slice %select_n3A_186 {offsets = [0, 0], sizes = [8, 48], strides = [1, 1]} : vector<24x48xf32> to vector<8x48xf32>
    %mul3A_189 = arith.mulf %slice3A_187, %slice3A_188 : vector<8x48xf32>
    %slice3A_190 = vector.extract_strided_slice %select_n3A_186 {offsets = [8, 0], sizes = [8, 48], strides = [1, 1]} : vector<24x48xf32> to vector<8x48xf32>
    %slice3A_191 = vector.extract_strided_slice %select_n3A_186 {offsets = [8, 0], sizes = [8, 48], strides = [1, 1]} : vector<24x48xf32> to vector<8x48xf32>
    %mul3A_192 = arith.mulf %slice3A_190, %slice3A_191 : vector<8x48xf32>
    %add3A_193 = arith.addf %mul3A_189, %mul3A_192 : vector<8x48xf32>
    %slice3A_194 = vector.extract_strided_slice %select_n3A_186 {offsets = [16, 0], sizes = [8, 48], strides = [1, 1]} : vector<24x48xf32> to vector<8x48xf32>
    %slice3A_195 = vector.extract_strided_slice %select_n3A_186 {offsets = [16, 0], sizes = [8, 48], strides = [1, 1]} : vector<24x48xf32> to vector<8x48xf32>
    %mul3A_196 = arith.mulf %slice3A_194, %slice3A_195 : vector<8x48xf32>
    %add3A_197 = arith.addf %add3A_193, %mul3A_196 : vector<8x48xf32>
    %mul3A_198 = arith.constant -2.000000e+00 : f32
    %mul3A_199 = vector.broadcast %mul3A_198 : f32 to vector<24x48xf32>
    %mul3A_200 = arith.mulf %mul3A_199, %select_n3A_186 : vector<24x48xf32>
    %concatenate3A_201 = tpu.concatenate %add3A_197, %mul3A_200 in 0 : vector<8x48xf32>, vector<24x48xf32> -> vector<32x48xf32>
    %slice3A_202 = vector.extract_strided_slice %get3A_59 {offsets = [0, 0], sizes = [1, 16384], strides = [1, 1]} : vector<3x16384xf32> to vector<1x16384xf32>
    %slice3A_203 = vector.extract_strided_slice %get3A_59 {offsets = [0, 0], sizes = [1, 16384], strides = [1, 1]} : vector<3x16384xf32> to vector<1x16384xf32>
    %mul3A_204 = arith.mulf %slice3A_202, %slice3A_203 : vector<1x16384xf32>
    %slice3A_205 = vector.extract_strided_slice %get3A_59 {offsets = [1, 0], sizes = [1, 16384], strides = [1, 1]} : vector<3x16384xf32> to vector<1x16384xf32>
    %slice3A_206 = vector.extract_strided_slice %get3A_59 {offsets = [1, 0], sizes = [1, 16384], strides = [1, 1]} : vector<3x16384xf32> to vector<1x16384xf32>
    %mul3A_207 = arith.mulf %slice3A_205, %slice3A_206 : vector<1x16384xf32>
    %add3A_208 = arith.addf %mul3A_204, %mul3A_207 : vector<1x16384xf32>
    %slice3A_209 = vector.extract_strided_slice %get3A_59 {offsets = [2, 0], sizes = [1, 16384], strides = [1, 1]} : vector<3x16384xf32> to vector<1x16384xf32>
    %slice3A_210 = vector.extract_strided_slice %get3A_59 {offsets = [2, 0], sizes = [1, 16384], strides = [1, 1]} : vector<3x16384xf32> to vector<1x16384xf32>
    %mul3A_211 = arith.mulf %slice3A_209, %slice3A_210 : vector<1x16384xf32>
    %add3A_212 = arith.addf %add3A_208, %mul3A_211 : vector<1x16384xf32>
    %dot_general3A = arith.constant dense<0.000000e+00> : vector<48x16384xf32>
    %dot_general3A_213 = tpu.matmul %concatenate3A_201, %concatenate3A_168, %dot_general3A {dimension_numbers = #tpu.dot_dimension_numbers<[0], [0], [1], [1], [0, 1, 1, 1], [], []>, transpose_lhs_hint = false} : vector<32x48xf32>, vector<32x16384xf32>, vector<48x16384xf32> -> vector<48x16384xf32>
    %add3A_214 = vector.broadcast %add3A_212 : vector<1x16384xf32> to vector<48x16384xf32>
    %add3A_215 = arith.addf %dot_general3A_213, %add3A_214 : vector<48x16384xf32>
    %neg3A = arith.constant 0.000000e+00 : f32
    %neg3A_216 = vector.broadcast %neg3A : f32 to vector<48x16384xf32>
    %neg3A_217 = arith.subf %neg3A_216, %add3A_215 : vector<48x16384xf32>
    %exp3A = math.exp %neg3A_217 : vector<48x16384xf32>
    %mul3A_218 = arith.mulf %add3A_215, %convert_element_type3A_56 : vector<48x16384xf32>
    %reduce_sum3A_219 = arith.constant dense<0.000000e+00> : vector<16384xf32>
    %reduce_sum3A_220 = vector.multi_reduction <add>, %mul3A_218, %reduce_sum3A_219 [0] : vector<48x16384xf32> to vector<16384xf32>
    %broadcast_in_dim3A_221 = vector.shape_cast %reduce_sum3A_220 : vector<16384xf32> to vector<1x16384xf32>
    %mul3A_222 = arith.constant 2.71828175 : f32
    %mul3A_223 = vector.broadcast %mul3A_222 : f32 to vector<1x16384xf32>
    %mul3A_224 = arith.mulf %mul3A_223, %broadcast_in_dim3A_221 : vector<1x16384xf32>
    %add3A_225 = arith.constant 1.000000e+00 : f32
    %add3A_226 = vector.broadcast %add3A_225 : f32 to vector<1x16384xf32>
    %add3A_227 = arith.addf %mul3A_224, %add3A_226 : vector<1x16384xf32>
    %log3A = math.log %add3A_227 : vector<1x16384xf32>
    %neg3A_228 = arith.constant 0.000000e+00 : f32
    %neg3A_229 = vector.broadcast %neg3A_228 : f32 to vector<1x16384xf32>
    %neg3A_230 = arith.subf %neg3A_229, %broadcast_in_dim3A_221 : vector<1x16384xf32>
    %exp3A_231 = math.exp %neg3A_230 : vector<1x16384xf32>
    %mul3A_232 = vector.broadcast %log3A : vector<1x16384xf32> to vector<8x16384xf32>
    %mul3A_233 = arith.mulf %convert_element_type3A_49, %mul3A_232 : vector<8x16384xf32>
    %mul3A_234 = vector.broadcast %exp3A_231 : vector<1x16384xf32> to vector<8x16384xf32>
    %mul3A_235 = arith.mulf %convert_element_type3A_49, %mul3A_234 : vector<8x16384xf32>
    %concatenate3A_236 = tpu.concatenate %mul3A_233, %mul3A_235 in 0 : vector<8x16384xf32>, vector<8x16384xf32> -> vector<16x16384xf32>
    %dot_general3A_237 = arith.constant dense<0.000000e+00> : vector<16x48xf32>
    %dot_general3A_238 = tpu.matmul %concatenate3A_236, %convert_element_type3A_56, %dot_general3A_237 {dimension_numbers = #tpu.dot_dimension_numbers<[1], [1], [0], [0], [0, 0, 1, 0], [], []>, transpose_lhs_hint = false} : vector<16x16384xf32>, vector<48x16384xf32>, vector<16x48xf32> -> vector<16x48xf32>
    %slice3A_239 = vector.extract_strided_slice %dot_general3A_238 {offsets = [0, 0], sizes = [8, 48], strides = [1, 1]} : vector<16x48xf32> to vector<8x48xf32>
    %slice3A_240 = vector.extract_strided_slice %dot_general3A_238 {offsets = [8, 0], sizes = [8, 48], strides = [1, 1]} : vector<16x48xf32> to vector<8x48xf32>
    %dot_general3A_241 = arith.constant dense<0.000000e+00> : vector<8x48xf32>
    %dot_general3A_242 = tpu.matmul %convert_element_type3A_49, %exp3A, %dot_general3A_241 {dimension_numbers = #tpu.dot_dimension_numbers<[1], [1], [0], [0], [0, 0, 1, 0], [], []>, transpose_lhs_hint = false} : vector<8x16384xf32>, vector<48x16384xf32>, vector<8x48xf32> -> vector<8x48xf32>
    %sub3A = arith.subf %dot_general3A_242, %slice3A_240 : vector<8x48xf32>
    %gt3A = arith.constant 0.000000e+00 : f32
    %gt3A_243 = vector.broadcast %gt3A : f32 to vector<8x48xf32>
    %gt3A_244 = arith.cmpf ogt, %slice3A_156, %gt3A_243 : vector<8x48xf32>
    %convert_element_type3A_245 = arith.extui %gt3A_244 : vector<8x48xi1> to vector<8x48xi32>
    %convert_element_type3A_246 = arith.sitofp %convert_element_type3A_245 : vector<8x48xi32> to vector<8x48xf32>
    %reduce_sum3A_247 = arith.constant dense<0.000000e+00> : vector<8xf32>
    %reduce_sum3A_248 = vector.multi_reduction <add>, %convert_element_type3A_246, %reduce_sum3A_247 [1] : vector<8x48xf32> to vector<8xf32>
    %broadcast_in_dim3A_249 = vector.shape_cast %reduce_sum3A_248 : vector<8xf32> to vector<8x1xf32>
    %div3A_250 = arith.divf %slice3A_239, %select_n3A : vector<8x48xf32>
    %jit3A_251 = arith.constant 0.000000e+00 : f32
    %broadcast_in_dim3A_252 = vector.broadcast %jit3A_251 : f32 to vector<8x48xf32>
    %select_n3A_253 = arith.select %gt3A_244, %div3A_250, %broadcast_in_dim3A_252 : vector<8x48xi1>, vector<8x48xf32>
    %reduce_sum3A_254 = arith.constant dense<0.000000e+00> : vector<8xf32>
    %reduce_sum3A_255 = vector.multi_reduction <add>, %select_n3A_253, %reduce_sum3A_254 [1] : vector<8x48xf32> to vector<8xf32>
    %broadcast_in_dim3A_256 = vector.shape_cast %reduce_sum3A_255 : vector<8xf32> to vector<8x1xf32>
    %eq3A_257 = arith.constant 0.000000e+00 : f32
    %eq3A_258 = vector.broadcast %eq3A_257 : f32 to vector<8x1xf32>
    %eq3A_259 = arith.cmpf oeq, %broadcast_in_dim3A_249, %eq3A_258 : vector<8x1xf32>
    %jit3A_260 = arith.constant 1.000000e+00 : f32
    %broadcast_in_dim3A_261 = vector.broadcast %jit3A_260 : f32 to vector<8x1xf32>
    %select_n3A_262 = arith.select %eq3A_259, %broadcast_in_dim3A_261, %broadcast_in_dim3A_249 : vector<8x1xi1>, vector<8x1xf32>
    %eq3A_263 = arith.constant 0.000000e+00 : f32
    %eq3A_264 = vector.broadcast %eq3A_263 : f32 to vector<8x1xf32>
    %eq3A_265 = arith.cmpf oeq, %broadcast_in_dim3A_249, %eq3A_264 : vector<8x1xf32>
    %div3A_266 = arith.divf %broadcast_in_dim3A_256, %select_n3A_262 : vector<8x1xf32>
    %jit3A_267 = arith.constant 0.000000e+00 : f32
    %broadcast_in_dim3A_268 = vector.broadcast %jit3A_267 : f32 to vector<8x1xf32>
    %select_n3A_269 = arith.select %eq3A_265, %broadcast_in_dim3A_268, %div3A_266 : vector<8x1xi1>, vector<8x1xf32>
    %sub3A_270 = vector.broadcast %broadcast_in_dim3A_158 : vector<8x1xf32> to vector<8x48xf32>
    %sub3A_271 = arith.subf %sub3A_270, %slice3A_156 : vector<8x48xf32>
    %jit3A_272 = arith.constant 1.000000e+00 : f32
    %broadcast_in_dim3A_273 = vector.broadcast %jit3A_272 : f32 to vector<8x48xf32>
    %select_n3A_274 = arith.select %gt3A_244, %sub3A_271, %broadcast_in_dim3A_273 : vector<8x48xi1>, vector<8x48xf32>
    %div3A_275 = arith.divf %sub3A, %select_n3A_274 : vector<8x48xf32>
    %jit3A_276 = arith.constant 0.000000e+00 : f32
    %broadcast_in_dim3A_277 = vector.broadcast %jit3A_276 : f32 to vector<8x48xf32>
    %select_n3A_278 = arith.select %gt3A_244, %div3A_275, %broadcast_in_dim3A_277 : vector<8x48xi1>, vector<8x48xf32>
    %reduce_sum3A_279 = arith.constant dense<0.000000e+00> : vector<8xf32>
    %reduce_sum3A_280 = vector.multi_reduction <add>, %select_n3A_278, %reduce_sum3A_279 [1] : vector<8x48xf32> to vector<8xf32>
    %broadcast_in_dim3A_281 = vector.shape_cast %reduce_sum3A_280 : vector<8xf32> to vector<8x1xf32>
    %add3A_282 = arith.constant 1.000000e-03 : f32
    %add3A_283 = vector.broadcast %add3A_282 : f32 to vector<8x1xf32>
    %add3A_284 = arith.addf %broadcast_in_dim3A_249, %add3A_283 : vector<8x1xf32>
    %div3A_285 = arith.divf %broadcast_in_dim3A_281, %add3A_284 : vector<8x1xf32>
    %add3A_286 = arith.addf %select_n3A_269, %div3A_285 : vector<8x1xf32>
    %ge3A_287 = arith.constant 2.000000e+01 : f32
    %ge3A_288 = vector.broadcast %ge3A_287 : f32 to vector<8x1xf32>
    %ge3A_289 = arith.cmpf oge, %broadcast_in_dim3A_158, %ge3A_288 : vector<8x1xf32>
    %gt3A_290 = arith.constant 0.000000e+00 : f32
    %gt3A_291 = vector.broadcast %gt3A_290 : f32 to vector<8x1xf32>
    %gt3A_292 = arith.cmpf ogt, %broadcast_in_dim3A_249, %gt3A_291 : vector<8x1xf32>
    %and3A_293 = arith.andi %ge3A_289, %gt3A_292 : vector<8x1xi1>
    %jit3A_294 = arith.constant 0.000000e+00 : f32
    %broadcast_in_dim3A_295 = vector.broadcast %jit3A_294 : f32 to vector<8x1xf32>
    %select_n3A_296 = arith.select %and3A_293, %add3A_286, %broadcast_in_dim3A_295 : vector<8x1xi1>, vector<8x1xf32>
    %reduce_sum3A_297 = vector.shape_cast %select_n3A_296 : vector<8x1xf32> to vector<1x8x1xf32>
    %reduce_sum3A_298 = arith.constant dense<0.000000e+00> : vector<1xf32>
    %reduce_sum3A_299 = vector.multi_reduction <add>, %reduce_sum3A_297, %reduce_sum3A_298 [1, 2] : vector<1x8x1xf32> to vector<1xf32>
    %reduce_sum3A_300 = vector.shape_cast %reduce_sum3A_299 : vector<1xf32> to vector<1x1x1xf32>
    %reduce_sum3A_301 = vector.extract %reduce_sum3A_300[0, 0, 0] : f32 from vector<1x1x1xf32>
    %broadcast_in_dim3A_302 = vector.broadcast %reduce_sum3A_301 : f32 to vector<1x1xf32>
    %swap3A = arith.constant 0 : index
    %swap3A_303 = arith.constant 0 : index
    %swap3A_304 = vector.load %arg4[%swap3A, %swap3A_303] : memref<1x1xf32, #tpu.memory_space<vmem>>, vector<1x1xf32>
    tpu.vector_store %arg4[%swap3A, %swap3A_303], %broadcast_in_dim3A_302 {strides = array<i32>} : memref<1x1xf32, #tpu.memory_space<vmem>>, vector<1x1xf32>,
    return
  }
}

</mosaic_0001>

<sc_bundles>
// kernel: kernel.4.cloned.1.call-start
scs
__scs_entry_jumppad:
0x0: {  	(pc) =	sbr.rel $0x88, $3  }
0x1: {  	(tag) =	ssettag $0x0;
	lr =	simm.s32 $0x1  }
0x2: {  	[smem:$0x3F9E] =	sst lr;
	_ =	strace $0xD0000000  }
0x3: {  	_ = 	snop  }
0x4: {  	_ = 	snop  }
0x5: {  	_ = 	snop  }
0x6: {  	_ = 	snop  }
0x7: {  	_ = 	snop  }
__scs_overlays_trampoline_lowered:
0x8: {  	[smem:$0x3FAD] =	sst s0  }
0x9: {  	[smem:$0x3FAE] =	sst s1  }
0xa: {  	[smem:$0x3FAF] =	sst s2  }
0xb: {  	[smem:$0x3FB0] =	sst s3  }
0xc: {  	[smem:$0x3FB1] =	sst s4  }
0xd: {  	[smem:$0x3FB2] =	sst s5  }
0xe: {  	[smem:$0x3FB3] =	sst s6  }
0xf: {  	[smem:$0x3FB4] =	sst s7  }
0x10: {  	[smem:$0x3FB5] =	sst s8  }
0x11: {  	[smem:$0x3FB6] =	sst s9;
	s0 =	simm.s32 @!p0 $0x0  }
0x12: {  	s1 =	sld [smem:$0x3F9C];
	s0 =	simm.s32 @p0 $0x1  }
0x13: {  	[smem:$0x3FB7] =	sst s0;
	s0 =	simm.s32 @!p1 $0x0  }
0x14: {  	s2 =	sld [smem:$0x3F9B];
	s0 =	simm.s32 @p1 $0x1  }
0x15: {  	[smem:$0x3FB8] =	sst s0;
	s0 =	simm.s32 @!p2 $0x0  }
0x16: {  	s3 =	sld [smem:$0x3FDB];
	s0 =	simm.s32 @p2 $0x1  }
0x17: {  	s4 =	simm.s32 $0x1BF5;
	[smem:$0x3FBA] =	sst s0  }
0x18: {  	s0 =	sld [smem:$0x3F9D];
	_ =	swait.ge [sflag:s4], $0x0  }
0x19: {  	s7 =	sld [smem:$0x3F9E]  }
0x1a: {  	s8 =	sadd.s32 $0xFFFFE003, lr  }
0x1b: {  	s9 =	sadd.s32 $0xFFFFFEF7, lr;
	s5 =	simm.s32 $0xFFFFFFFF;
	p2 =	slt.u32 s8, $0xFFFFF086  }
0x1c: {  	p1 =	slt.u32 s9, $0xF7A;
	s5 =	simm.s32 @!p2 $0x0  }
0x1d: {  	s5 =	simm.s32 @p1 $0x1;
	p0 =	seq.s32 s7, s2  }
0x1e: {  	s7 =	smul.u32 @!p0 $0xF7A, s2;
	p2 =	seq.s32 @!p0 s5, $0x0  }
0x1f: {  	s9 =	smul.u32 $0xF7A, s1;
	s8 =	simm.s32 @!p0 $0x1BF5;
	p2 =	por !p2, p0  }
0x20: {  	[sflag:s8] =	ssyncset.s32 @!p0 $0xFFFFF086;
	s6 =	sadd.s32 @!p0 s3, s7;
	s7 =	simm.s32 @!p0 $0x108  }
0x21: {  	s3 =	sadd.s32 s3, s9;
	s6 =	sadd.s32 @!p0 $0x88, s6;
	s7 =	simm.s32 @p2 $0x1082  }
0x22: {  	[simem:s7], [sflag:s8] =	dma.local @!p0 [hbm:s6], $0xF7A  }
0x23: {  	s9 =	sor.u32 $0xD0000000, s2;
	s6 =	simm.s32 $0x108;
	_ =	swait.ge @!p0 [sflag:s8], $0x0  }
0x24: {  	s3 =	sadd.s32 $0x88, s3;
	s6 =	simm.s32 @!p1 $0x1082;
	[sflag:s4] =	ssyncset.s32 $0xFFFFF086  }
0x25: {  	[simem:s6], [sflag:s4] =	dma.local [hbm:s3], $0xF7A  }
0x26: {  	[smem:$0x3F9E] =	sst s1;
	(tag) =	ssettag s2;
	_ =	strace s9  }
0x27: {  	s1 =	sld [smem:$0x3FAE]  }
0x28: {  	s2 =	sld [smem:$0x3FAF]  }
0x29: {  	s4 =	sld [smem:$0x3FB1]  }
0x2a: {  	p0 =	seq.s32 s5, $0x0;
	s5 =	sld [smem:$0x3FB2]  }
0x2b: {  	s6 =	sld [smem:$0x3FB3]  }
0x2c: {  	s7 =	sld [smem:$0x3FB4]  }
0x2d: {  	s3 =	simm.s32 $0x108;
	s8 =	sld [smem:$0x3FB5]  }
0x2e: {  	s3 =	simm.s32 @!p0 $0x1082;
	s9 =	sld [smem:$0x3FB6]  }
0x2f: {  	lr =	sadd.s32 s0, s3;
	s0 =	sld [smem:$0x3FAD]  }
0x30: {  	s3 =	sld [smem:$0x3FB0]  }
0x31: {  	[smem:$0x3FB9] =	sst s10  }
0x32: {  	s10 =	sld [smem:$0x3FB7];
	_ =	sdelay $0x3  }
0x33: {  	p0 =	seq.s32 s10, $0x1;
	s10 =	sld [smem:$0x3FB9];
	_ =	sdelay $0x3  }
0x34: {  	[smem:$0x3FB9] =	sst s10  }
0x35: {  	s10 =	sld [smem:$0x3FB8];
	_ =	sdelay $0x3  }
0x36: {  	p1 =	seq.s32 s10, $0x1;
	s10 =	sld [smem:$0x3FB9];
	_ =	sdelay $0x3  }
0x37: {  	[smem:$0x3FB9] =	sst s10  }
0x38: {  	s10 =	sld [smem:$0x3FBA]  }
0x39: {  	_ = 	snop;
	(pc) =	sbr.ind lr, $3  }
0x3a: {  	_ = 	snop  }
0x3b: {  	_ = 	snop  }
0x3c: {  	p2 =	seq.s32 s10, $0x1;
	s10 =	sld [smem:$0x3FB9]  }
0x3d: {  	_ =	shalt  }
0x3e: {  	_ =	shalt  }
0x3f: {  	_ =	shalt  }
0x40: {  	_ =	shalt  }
0x41: {  	_ =	shalt  }
0x42: {  	_ =	shalt  }
0x43: {  	_ =	shalt  }
0x44: {  	_ =	shalt  }
0x45: {  	_ =	shalt  }
0x46: {  	_ =	shalt  }
0x47: {  	_ =	shalt  }
0x48: {  	_ =	shalt  }
0x49: {  	_ =	shalt  }
0x4a: {  	_ =	shalt  }
0x4b: {  	_ =	shalt  }
0x4c: {  	_ =	shalt  }
0x4d: {  	_ =	shalt  }
0x4e: {  	_ =	shalt  }
0x4f: {  	_ =	shalt  }
0x50: {  	_ =	shalt  }
0x51: {  	_ =	shalt  }
0x52: {  	_ =	shalt  }
0x53: {  	_ =	shalt  }
0x54: {  	_ =	shalt  }
0x55: {  	_ =	shalt  }
0x56: {  	_ =	shalt  }
0x57: {  	_ =	shalt  }
0x58: {  	_ =	shalt  }
0x59: {  	_ =	shalt  }
0x5a: {  	_ =	shalt  }
0x5b: {  	_ =	shalt  }
0x5c: {  	_ =	shalt  }
0x5d: {  	_ =	shalt  }
0x5e: {  	_ =	shalt  }
0x5f: {  	_ =	shalt  }
0x60: {  	_ =	shalt  }
0x61: {  	_ =	shalt  }
0x62: {  	_ =	shalt  }
0x63: {  	_ =	shalt  }
0x64: {  	_ =	shalt  }
0x65: {  	_ =	shalt  }
0x66: {  	_ =	shalt  }
0x67: {  	_ =	shalt  }
0x68: {  	_ =	shalt  }
0x69: {  	_ =	shalt  }
0x6a: {  	_ =	shalt  }
0x6b: {  	_ =	shalt  }
0x6c: {  	_ =	shalt  }
0x6d: {  	_ =	shalt  }
0x6e: {  	_ =	shalt  }
0x6f: {  	_ =	shalt  }
0x70: {  	_ =	shalt  }
0x71: {  	_ =	shalt  }
0x72: {  	_ =	shalt  }
0x73: {  	_ =	shalt  }
0x74: {  	_ =	shalt  }
0x75: {  	_ =	shalt  }
0x76: {  	_ =	shalt  }
0x77: {  	_ =	shalt  }
0x78: {  	_ =	shalt  }
0x79: {  	_ =	shalt  }
0x7a: {  	_ =	shalt  }
0x7b: {  	_ =	shalt  }
0x7c: {  	_ =	shalt  }
0x7d: {  	_ =	shalt  }
0x7e: {  	_ =	shalt  }
0x7f: {  	_ =	shalt  }
0x80: {  	_ =	shalt  }
0x81: {  	_ =	shalt  }
0x82: {  	_ =	shalt  }
0x83: {  	_ =	shalt  }
0x84: {  	_ =	shalt  }
0x85: {  	_ =	shalt  }
0x86: {  	_ =	shalt  }
0x87: {  	_ =	shalt  }
.Lfunc_end0:
.L_simem_size_0:
called_computation_lowered:
.L_overlay_start_0:
0x88: {  	s2 =	sld [smem:$0x3FD9]  }
0x89: {  	s3 =	sld [smem:$0x3FFE];
	_ =	sdelay $0x1  }
0x8a: {  	s1 =	srdreg.scid  }
0x8b: {  	s0 =	sand.u32 $0x1, s1  }
0x8c: {  	s15 =	sshll.u32 s0, $0xA;
	s2 =	sadd.s32 s3, s2  }
0x8d: {  	s2 =	sadd.s32 s2, s15  }
0x8e: {  	[smem:$0x3FC5] =	sst s2  }
0x8f: {  	_ = 	snop  }
0x90: {  	s2 =	sld [smem:$0x3FD0];
	_ =	sdelay $0x1  }
0x91: {  	s16 =	sld [smem:$0x3FC9]  }
0x92: {  	s5 =	simm.s32 $0xA;
	s6 =	simm.s32 $0x10;
	s4 =	sld [smem:$0x3FC8]  }
0x93: {  	[smem:s6], [sflag:s5] =	dma.local [hbm:s2], $0x1  }
0x94: {  	_ =	swait.eq [sflag:s5], $0x1  }
0x95: {  	[sflag:s5] =	ssyncset.done $0x0  }
0x96: {  	s17 =	sld [smem:$0x10];
	[sflag:s5] =	ssyncadd.s32 $0xFFFFFFFF  }
0x97: {  	s18 =	sld [smem:$0x11];
	(tm) =	ssettm $0x1  }
0x98: {  	s19 =	sld [smem:$0x3FFB];
	_ =	sdelay $0x3  }
0x99: {  	_ =	strace s19  }
0x9a: {  	s6 =	sld [smem:$0x3FFC];
	_ =	sdelay $0x3  }
0x9b: {  	_ =	strace s6  }
0x9c: {  	s6 =	sld [smem:$0x3FFD];
	_ =	sdelay $0x3  }
0x9d: {  	_ =	strace s6  }
0x9e: {  	_ =	strace $0x8FFFFFFF  }
0x9f: {  	s20 =	sld [smem:$0x3FDB];
	_ =	sdelay $0x1  }
0xa0: {  	s7 =	simm.s32 $_scs_section_size  }
0xa1: {  	s8 =	simm.s32 $_size__tile_overlayer_lowered;
	s9 =	simm.s32 $_tile_overlayer_lowered  }
0xa2: {  	s23 =	simm.s32 $0x1BFF;
	s22 =	sshll.u32 s9, $0x1;
	s6 =	sadd.s32 s7, s20  }
0xa3: {  	s10 =	simm.s32 $0x0;
	s21 =	sshll.u32 s8, $0x1;
	s8 =	sadd.s32 s22, s6  }
0xa4: {  	[timem:s10], [sflag:s23] =	dma.local [hbm:s8], s21  }
0xa5: {  	_ =	swait.ge [sflag:s23], s21  }
0xa6: {  	s7 =	ssub.s32 $0x0, s21;
	[sflag:s23] =	ssyncset.done $0x0  }
0xa7: {  	[sflag:s23] =	ssyncadd.s32 s7;
	_ =	sdelay $0x1  }
0xa8: {  	s24 =	simm.s32 $0x1B8B  }
0xa9: {  	_ =	swait.ge [sflag:s24], $0x1  }
0xaa: {  	[sflag:s24] =	ssyncset.done $0x0  }
0xab: {  	s25 =	simm.s32 $0x1B8E;
	[sflag:s24] =	ssyncadd.s32 $0xFFFFFFFF  }
0xac: {  	s26 =	simm.s32 $execute0_lowered;
	[smem:$0x3FD2] =	sst s25  }
0xad: {  	s7 =	sshll.u32 s26, $0x1;
	_ =	strace $0x80000046;
	[dreg:$0x1] =	wrdreg $0xFFFFFFFF  }
0xae: {  	s28 =	simm.s32 $_size_execute0_lowered;
	s6 =	sadd.s32 s6, s7;
	[dreg:$0x0] =	wrdreg $0x0  }
0xaf: {  	s7 =	sshll.u32 s28, $0x1;
	[dreg:$0x2] =	wrdreg s6  }
0xb0: {  	[dreg:$0x3] =	wrdreg s7  }
0xb1: {  	[dreg:$0x4] =	wrdreg $0xC0  }
0xb2: {  	_ =	task [dreg:s10], $0x5FFFF  }
0xb3: {  	[dreg:$0x1] =	wrdreg $0xFFFFFFFF  }
0xb4: {  	[dreg:$0x0] =	wrdreg $0x60  }
0xb5: {  	[dreg:$0x2] =	wrdreg s16  }
0xb6: {  	[dreg:$0x3] =	wrdreg s4  }
0xb7: {  	[dreg:$0x4] =	wrdreg s18  }
0xb8: {  	[dreg:$0x5] =	wrdreg s17  }
0xb9: {  	[dreg:$0x6] =	wrdreg $0x9  }
0xba: {  	_ =	task.clear_ibuf [dreg:s10], $0x7FFFF;
	_ =	strace $0x90000046  }
0xbb: {  	s29 =	simm.s32 $0x9;
	_ =	strace $0x80000048  }
0xbc: {  	_ =	swait.ge [sflag:s29], $0x1  }
0xbd: {  	[sflag:s29] =	ssyncadd.s32 $0xFFFFFFFF  }
0xbe: {  	_ =	strace $0x90000048  }
0xbf: {  	_ =	sfence  }
0xc0: {  	s30 =	sld [smem:$0x0];
	_ =	sdelay $0x2  }
0xc1: {  	s31 =	sshll.u32 s1, $0xD;
	s1 =	sshrl.u32 s1, $0x2  }
0xc2: {  	s3 =	sand.u32 $0x4000, s31;
	s1 =	sadd.s32 s1, s30  }
0xc3: {  	s0 =	sor.u32 s3, s0;
	s1 =	sshll.u32 s1, $0x11  }
0xc4: {  	s0 =	sor.u32 s1, s0  }
0xc5: {  	s0 =	sadd.s32 $0x8F2B, s0  }
0xc6: {  	[sflag:s0] =	ssyncadd.remote.s32 $0x1  }
0xc7: {  	_ =	sfence.sel $0xFFFF  }
0xc8: {  	[dreg:$0x0] =	wrdreg $0xFFFFFFFF;
	(pc) =	sbr.abs _section_cstart, $3  }
0xc9: {  	[dreg:$0x1] =	wrdreg $0xFFFFFFFF  }
0xca: {  	_ =	task.clear_ibuf [dreg:s10], $0x2FFFF;
	_ =	strace $0x9FFFFFFF  }
0xcb: {  	(tm) =	ssettm $0x7FFFFFFF  }
tec
execute0_lowered:
.L_overlay_start_1:
0x0: {  	(tag) =	ssettag $0x1  }
0x1: {  	s4 =	rddreg [dreg:$0x0]  }
0x2: {  	s7 =	rddreg [dreg:$0x1]  }
0x3: {  	s2 =	rddreg [dreg:$0x2]  }
0x4: {  	s8 =	rddreg [dreg:$0x3]  }
0x5: {  	s3 =	srdreg.scid;
	s1 =	stileid.u32  }
0x6: {  	s0 =	rddreg [dreg:$0x4];
	s5 =	sand.u32 $0x1, s3;
	s6 =	sshll.u32 s1, $0x1  }
0x7: {  	s3 =	simm.s32 $0x0;
	s9 =	ssub.s32 $0x2, s5;
	s11 =	sor.u32 s5, s6  }
0x8: {  	[smem:$0x7FF] =	sst s3;
	s28 =	sshrl.u32 s9, $0x1;
	s6 =	sshll.u32 s11, $0x8  }
0x9: {  	_ =	strace $0x80000047;
	s10 =	sshll.u32 s11, $0x9;
	s12 =	sshll.u32 s11, $0x6  }
0xa: {  	s11 =	sshll.u32 s11, $0x7;
	s9 =	ssub.s32 s9, s28;
	s4 =	sadd.s32 s4, s6  }
0xb: {  	s7 =	sadd.s32 s7, s12;
	s29 =	sor.u32 $0x10, s10;
	s13 =	sor.u32 $0x20, s10  }
0xc: {  	s14 =	sor.u32 $0x30, s10;
	s15 =	sor.u32 $0x40, s10;
	s16 =	sor.u32 $0x50, s10  }
0xd: {  	s17 =	sor.u32 $0x60, s10;
	s18 =	sor.u32 $0x70, s10;
	s19 =	sor.u32 $0x80, s10  }
0xe: {  	s20 =	sor.u32 $0x90, s10;
	s21 =	sor.u32 $0xA0, s10;
	s30 =	sor.u32 $0xB0, s10  }
0xf: {  	v31 =	vlaneseq.u32;
	v32 =	vimm.f32 $0.0e+00;
	v33 =	vimm.s32 $0x0;
	s31 =	sor.u32 $0xC0, s10;
	s22 =	sor.u32 $0xD0, s10;
	s23 =	sor.u32 $0x100, s10  }
0x10: {  	v34 =	vimm.f32 $1.000000000e+00;
	s24 =	sor.u32 $0x130, s10;
	s25 =	sor.u32 $0x140, s10;
	s26 =	sor.u32 $0x150, s10;
	v24 =	vor.u32 s10, v31;
	v0 =	vor.u32 s29, v31  }
0x11: {  	s28 =	sor.u32 $0x160, s10;
	s11 =	sand.u32 $0x380, s11;
	s12 =	simm.s32 $0x1;
	v1 =	vor.u32 s13, v31;
	v2 =	vor.u32 s14, v31;
	v3 =	vor.u32 s15, v31  }
0x12: {  	s5 =	sadd.s32 $0x10, s4;
	s6 =	sadd.s32 $0x20, s4;
	v4 =	vor.u32 s16, v31;
	s15 =	sor.u32 $0xE0, s10;
	v5 =	vor.u32 s17, v31;
	v6 =	vor.u32 s18, v31  }
0x13: {  	s16 =	sor.u32 $0xF0, s10;
	v7 =	vor.u32 s19, v31;
	s18 =	sor.u32 $0x110, s10;
	s19 =	sor.u32 $0x120, s10;
	v8 =	vor.u32 s20, v31;
	v9 =	vor.u32 s21, v31  }
0x14: {  	v10 =	vor.u32 s30, v31;
	v11 =	vor.u32 s31, v31;
	v12 =	vor.u32 s22, v31;
	s29 =	sor.u32 $0x170, s10;
	s30 =	sor.u32 $0x180, s10;
	s31 =	sshrl.u32 s1, $0x2  }
0x15: {  	v15 =	vor.u32 s23, v31;
	s17 =	sor.u32 $0x190, s10;
	v18 =	vor.u32 s24, v31;
	v19 =	vor.u32 s25, v31;
	s24 =	sor.u32 $0x1A0, s10;
	s25 =	sor.u32 $0x1B0, s10  }
0x16: {  	v20 =	vor.u32 s26, v31;
	v21 =	vor.u32 s28, v31;
	s26 =	sor.u32 $0x1C0, s10;
	s28 =	sor.u32 $0x1D0, s10;
	v13 =	vor.u32 s15, v31;
	s23 =	smul.u32 $0x3000, s31  }
0x17: {  	s9 =	smax.u32 s9, $0x1;
	s13 =	simm.s32 $0x400;
	s14 =	simm.s32 $0x600;
	v14 =	vor.u32 s16, v31;
	v16 =	vor.u32 s18, v31;
	v17 =	vor.u32 s19, v31  }
0x18: {  	v22 =	vor.u32 s29, v31;
	v23 =	vor.u32 s30, v31;
	v25 =	vor.u32 s17, v31;
	s29 =	sor.u32 $0x1E0, s10;
	s30 =	sor.u32 $0x1F0, s10;
	s11 =	sor.u32 s23, s11  }
0x19: {  	v26 =	vor.u32 s24, v31;
	v27 =	vor.u32 s25, v31;
	v28 =	vor.u32 s26, v31;
	s10 =	simm.s32 $0x80;
	s15 =	simm.s32 $0x800;
	s31 =	sshrl.u32 s11, $0x3  }
0x1a: {  	v29 =	vor.u32 s28, v31;
	s16 =	simm.s32 $0x880;
	v30 =	vor.u32 s29, v31;
	v31 =	vor.u32 s30, v31;
	s11 =	simm.s32 $0x200;
	s8 =	sadd.s32 s8, s31  }
.LBB2_1:
0x1b: {  	[tilespmem:s3], [sflag:$0x1] =	stream.strided.gather [hbm4b:s4+s10], $0x200, s11, s10, $0x38;
	[tilespmem:$0xE80] =	vst v63  }
0x1c: {  	_ =	swait.ge [sflag:s12], $0x200  }
0x1d: {  	[sflag:s12] =	ssyncset.done $0x0  }
0x1e: {  	[sflag:s12] =	ssyncadd.s32 $0xFFFFFE00  }
0x1f: {  	[tilespmem:s11], [sflag:$0x1] =	stream.strided.gather [hbm4b:s5+s10], $0x200, s11, s10, $0x38;
	[tilespmem:$0xE80] =	vst v63  }
0x20: {  	_ =	swait.ge [sflag:s12], $0x200  }
0x21: {  	[sflag:s12] =	ssyncset.done $0x0  }
0x22: {  	[sflag:s12] =	ssyncadd.s32 $0xFFFFFE00  }
0x23: {  	[tilespmem:s13], [sflag:$0x1] =	stream.strided.gather [hbm4b:s6+s10], $0x200, s11, s10, $0x38;
	[tilespmem:$0xE80] =	vst v63  }
0x24: {  	_ =	swait.ge [sflag:s12], $0x200  }
0x25: {  	[sflag:s12] =	ssyncset.done $0x0  }
0x26: {  	[sflag:s12] =	ssyncadd.s32 $0xFFFFFE00  }
0x27: {  	[tilespmem:s14], [sflag:$0x1] =	stream.linear.gather [hbm4b:s7+s3], $0x200, $0x38;
	[tilespmem:$0xE80] =	vst v63  }
0x28: {  	_ =	swait.ge [sflag:s12], $0x200  }
0x29: {  	[sflag:s12] =	ssyncset.done $0x0  }
0x2a: {  	[sflag:s12] =	ssyncadd.s32 $0xFFFFFE00  }
0x2b: {  	[tilespmem:s15], [sflag:$0x1] =	stream.linear.gather [hbm4b:s2+s3], $0x80, $0x38;
	[tilespmem:$0xE80] =	vst v63  }
0x2c: {  	_ =	swait.ge [sflag:s12], $0x80  }
0x2d: {  	[sflag:s12] =	ssyncset.done $0x0  }
0x2e: {  	[sflag:s12] =	ssyncadd.s32 $0xFFFFFF80  }
0x2f: {  	[tilespmem:$0x880] =	vst v32  }
0x30: {  	[tilespmem:$0x890] =	vst v32  }
0x31: {  	[tilespmem:$0x8A0] =	vst v32  }
0x32: {  	[tilespmem:$0x8B0] =	vst v32  }
0x33: {  	[tilespmem:$0x8C0] =	vst v32  }
0x34: {  	[tilespmem:$0x8D0] =	vst v32  }
0x35: {  	[tilespmem:$0x8E0] =	vst v32  }
0x36: {  	[tilespmem:$0x8F0] =	vst v32  }
0x37: {  	[tilespmem:$0x900] =	vst v32  }
0x38: {  	[tilespmem:$0x910] =	vst v32  }
0x39: {  	[tilespmem:$0x920] =	vst v32  }
0x3a: {  	[tilespmem:$0x930] =	vst v32  }
0x3b: {  	[tilespmem:$0x940] =	vst v32  }
0x3c: {  	[tilespmem:$0x950] =	vst v32  }
0x3d: {  	[tilespmem:$0x960] =	vst v32  }
0x3e: {  	[tilespmem:$0x970] =	vst v32  }
0x3f: {  	[tilespmem:$0x980] =	vst v32  }
0x40: {  	[tilespmem:$0x990] =	vst v32  }
0x41: {  	[tilespmem:$0x9A0] =	vst v32  }
0x42: {  	[tilespmem:$0x9B0] =	vst v32  }
0x43: {  	[tilespmem:$0x9C0] =	vst v32  }
0x44: {  	[tilespmem:$0x9D0] =	vst v32  }
0x45: {  	[tilespmem:$0x9E0] =	vst v32  }
0x46: {  	[tilespmem:$0x9F0] =	vst v32  }
0x47: {  	[tilespmem:$0xA00] =	vst v32  }
0x48: {  	[tilespmem:$0xA10] =	vst v32  }
0x49: {  	[tilespmem:$0xA20] =	vst v32  }
0x4a: {  	[tilespmem:$0xA30] =	vst v32  }
0x4b: {  	[tilespmem:$0xA40] =	vst v32  }
0x4c: {  	[tilespmem:$0xA50] =	vst v32  }
0x4d: {  	[tilespmem:$0xA60] =	vst v32  }
0x4e: {  	[tilespmem:$0xA70] =	vst v32  }
0x4f: {  	[tilespmem:$0xA80] =	vst v32  }
0x50: {  	[tilespmem:$0xA90] =	vst v32  }
0x51: {  	[tilespmem:$0xAA0] =	vst v32  }
0x52: {  	[tilespmem:$0xAB0] =	vst v32  }
0x53: {  	[tilespmem:$0xAC0] =	vst v32  }
0x54: {  	[tilespmem:$0xAD0] =	vst v32  }
0x55: {  	[tilespmem:$0xAE0] =	vst v32  }
0x56: {  	[tilespmem:$0xAF0] =	vst v32  }
0x57: {  	[tilespmem:$0xB00] =	vst v32  }
0x58: {  	[tilespmem:$0xB10] =	vst v32  }
0x59: {  	[tilespmem:$0xB20] =	vst v32  }
0x5a: {  	[tilespmem:$0xB30] =	vst v32  }
0x5b: {  	[tilespmem:$0xB40] =	vst v32  }
0x5c: {  	[tilespmem:$0xB50] =	vst v32  }
0x5d: {  	[tilespmem:$0xB60] =	vst v32  }
0x5e: {  	[tilespmem:$0xB70] =	vst v32  }
0x5f: {  	[tilespmem:$0xB80] =	vst v32  }
0x60: {  	[tilespmem:$0xB90] =	vst v32  }
0x61: {  	[tilespmem:$0xBA0] =	vst v32  }
0x62: {  	[tilespmem:$0xBB0] =	vst v32  }
0x63: {  	[tilespmem:$0xBC0] =	vst v32  }
0x64: {  	[tilespmem:$0xBD0] =	vst v32  }
0x65: {  	[tilespmem:$0xBE0] =	vst v32  }
0x66: {  	[tilespmem:$0xBF0] =	vst v32  }
0x67: {  	[tilespmem:$0xC00] =	vst v32  }
0x68: {  	[tilespmem:$0xC10] =	vst v32  }
0x69: {  	[tilespmem:$0xC20] =	vst v32  }
0x6a: {  	[tilespmem:$0xC30] =	vst v32  }
0x6b: {  	[tilespmem:$0xC40] =	vst v32  }
0x6c: {  	[tilespmem:$0xC50] =	vst v32  }
0x6d: {  	[tilespmem:$0xC60] =	vst v32  }
0x6e: {  	[tilespmem:$0xC70] =	vst v32  }
0x6f: {  	[tilespmem:$0xC80] =	vst v32  }
0x70: {  	[tilespmem:$0xC90] =	vst v32  }
0x71: {  	[tilespmem:$0xCA0] =	vst v32  }
0x72: {  	[tilespmem:$0xCB0] =	vst v32  }
0x73: {  	[tilespmem:$0xCC0] =	vst v32  }
0x74: {  	[tilespmem:$0xCD0] =	vst v32  }
0x75: {  	[tilespmem:$0xCE0] =	vst v32  }
0x76: {  	[tilespmem:$0xCF0] =	vst v32  }
0x77: {  	[tilespmem:$0xD00] =	vst v32  }
0x78: {  	v41 =	vld [tilespmem:$0x800];
	[tilespmem:$0xD10] =	vst v32  }
0x79: {  	[tilespmem:$0xD20] =	vst v32  }
0x7a: {  	[tilespmem:$0xD30] =	vst v32  }
0x7b: {  	[tilespmem:$0xD40] =	vst v32  }
0x7c: {  	[tilespmem:$0xD50] =	vst v32  }
0x7d: {  	[tilespmem:$0xD60] =	vst v32;
	v35 =	vbroadcast v41, $0x1;
	v36 =	vbroadcast v41, $0x2  }
0x7e: {  	[tilespmem:$0xD70] =	vst v32;
	v37 =	vbroadcast v41, $0x3  }
0x7f: {  	[tilespmem:$0xD80] =	vst v32;
	v38 =	vbroadcast v41, $0x4;
	vm0 =	vge.s32 v24, v35;
	vm10 =	vge.s32 v24, v36  }
0x80: {  	[tilespmem:$0xD90] =	vst v32;
	vm11 =	vge.s32 v24, v37;
	v39 =	vsel vm0, $0x1, v33;
	v40 =	vsel vm10, $0x1, v33  }
0x81: {  	[tilespmem:$0xDA0] =	vst v32;
	v42 =	vsel vm11, $0x1, v33;
	v40 =	vadd.s32 v40, v39;
	v39 =	vbroadcast v41, $0x5  }
0x82: {  	[tilespmem:$0xDB0] =	vst v32;
	vm12 =	vge.s32 v24, v38;
	v42 =	vadd.s32 v42, v40;
	v40 =	vbroadcast v41, $0x6  }
0x83: {  	[tilespmem:$0xDC0] =	vst v32;
	v43 =	vsel vm12, $0x1, v33;
	v41 =	vbroadcast v41, $0x7;
	vm13 =	vge.s32 v24, v39  }
0x84: {  	[tilespmem:$0xDD0] =	vst v32;
	v42 =	vadd.s32 v43, v42;
	v52 =	vsel vm13, $0x1, v33;
	vm14 =	vge.s32 v24, v40  }
0x85: {  	[tilespmem:$0xDE0] =	vst v32;
	v44 =	vld [tilespmem:$0x600];
	vm15 =	vge.s32 v24, v41;
	v42 =	vadd.s32 v52, v42;
	v53 =	vsel vm14, $0x1, v33  }
0x86: {  	[tilespmem:$0xDF0] =	vst v32;
	v54 =	vsel vm15, $0x1, v33;
	v42 =	vadd.s32 v53, v42  }
0x87: {  	[tilespmem:$0xE00] =	vst v32;
	v42 =	vadd.s32 v54, v42  }
0x88: {  	[tilespmem:$0xE10] =	vst v32;
	v42 =	vmul.u32 $0x30, v42  }
0x89: {  	[tilespmem:$0xE20] =	vst v32  }
0x8a: {  	[tilespmem:$0xE30] =	vst v32;
	v42 =	vadd.s32 v44, v42  }
0x8b: {  	[tilespmem:$0xE40] =	vst v32  }
0x8c: {  	[tilespmem:$0xE50] =	vst v32  }
0x8d: {  	[tilespmem:$0xE60] =	vst v32  }
0x8e: {  	[tilespmem:$0xE70] =	vst v32  }
0x8f: {  	[tilespmem:v42+s16+$0x0] =	vst.idx.add.f32.msk $0xffff, v34  }
0x90: {  	v44 =	vadd.s32 $0x180, v42;
	v55 =	vld [tilespmem:$0x0];
	_ =	sdelay $0x4  }
0x91: {  	[tilespmem:v44+s16+$0x0] =	vst.idx.add.f32.msk $0xffff, v55  }
0x92: {  	v56 =	vadd.s32 $0x300, v42;
	v43 =	vld [tilespmem:$0x200];
	_ =	sdelay $0x4  }
0x93: {  	[tilespmem:v56+s16+$0x0] =	vst.idx.add.f32.msk $0xffff, v43  }
0x94: {  	v42 =	vadd.s32 $0x480, v42;
	v43 =	vld [tilespmem:$0x400]  }
0x95: {  	vm4 =	vge.s32 v0, v35;
	vm1 =	vge.s32 v0, v36  }
0x96: {  	vm5 =	vge.s32 v0, v37;
	v57 =	vsel vm4, $0x1, v33;
	v45 =	vsel vm1, $0x1, v33  }
0x97: {  	vm6 =	vge.s32 v0, v38;
	v58 =	vsel vm5, $0x1, v33;
	v44 =	vadd.s32 v45, v57  }
0x98: {  	v59 =	vsel vm6, $0x1, v33;
	vm7 =	vge.s32 v0, v39;
	v44 =	vadd.s32 v58, v44  }
0x99: {  	v61 =	vsel vm7, $0x1, v33;
	vm8 =	vge.s32 v0, v40;
	v60 =	vadd.s32 v59, v44;
	[tilespmem:v42+s16+$0x0] =	vst.idx.add.f32.msk $0xffff, v43  }
0x9a: {  	vm9 =	vge.s32 v0, v41;
	v62 =	vsel vm8, $0x1, v33;
	v42 =	vadd.s32 v61, v60;
	v63 =	vld [tilespmem:$0x610]  }
0x9b: {  	v47 =	vsel vm9, $0x1, v33;
	v42 =	vadd.s32 v62, v42  }
0x9c: {  	v42 =	vadd.s32 v47, v42  }
0x9d: {  	v42 =	vmul.u32 $0x30, v42;
	_ =	sdelay $0x1  }
0x9e: {  	v42 =	vadd.s32 v63, v42;
	_ =	sdelay $0x4  }
0x9f: {  	[tilespmem:v42+s16+$0x0] =	vst.idx.add.f32.msk $0xffff, v34  }
0xa0: {  	v44 =	vadd.s32 $0x180, v42;
	v48 =	vld [tilespmem:$0x10];
	_ =	sdelay $0x4  }
0xa1: {  	[tilespmem:v44+s16+$0x0] =	vst.idx.add.f32.msk $0xffff, v48  }
0xa2: {  	v49 =	vadd.s32 $0x300, v42;
	v43 =	vld [tilespmem:$0x210];
	_ =	sdelay $0x4  }
0xa3: {  	[tilespmem:v49+s16+$0x0] =	vst.idx.add.f32.msk $0xffff, v43  }
0xa4: {  	v42 =	vadd.s32 $0x480, v42;
	v43 =	vld [tilespmem:$0x410]  }
0xa5: {  	vm10 =	vge.s32 v1, v35;
	vm11 =	vge.s32 v1, v36  }
0xa6: {  	vm12 =	vge.s32 v1, v37;
	v50 =	vsel vm10, $0x1, v33;
	v51 =	vsel vm11, $0x1, v33  }
0xa7: {  	vm13 =	vge.s32 v1, v38;
	v52 =	vsel vm12, $0x1, v33;
	v44 =	vadd.s32 v51, v50  }
0xa8: {  	vm14 =	vge.s32 v1, v39;
	v53 =	vsel vm13, $0x1, v33;
	v44 =	vadd.s32 v52, v44  }
0xa9: {  	vm15 =	vge.s32 v1, v40;
	v55 =	vsel vm14, $0x1, v33;
	v54 =	vadd.s32 v53, v44;
	[tilespmem:v42+s16+$0x0] =	vst.idx.add.f32.msk $0xffff, v43  }
0xaa: {  	vm4 =	vge.s32 v1, v41;
	v56 =	vsel vm15, $0x1, v33;
	v42 =	vadd.s32 v55, v54;
	v57 =	vld [tilespmem:$0x620]  }
0xab: {  	v58 =	vsel vm4, $0x1, v33;
	v42 =	vadd.s32 v56, v42  }
0xac: {  	v42 =	vadd.s32 v58, v42  }
0xad: {  	v42 =	vmul.u32 $0x30, v42;
	_ =	sdelay $0x1  }
0xae: {  	v42 =	vadd.s32 v42, v57;
	_ =	sdelay $0x4  }
0xaf: {  	[tilespmem:v42+s16+$0x0] =	vst.idx.add.f32.msk $0xffff, v34  }
0xb0: {  	v44 =	vadd.s32 $0x180, v42;
	v59 =	vld [tilespmem:$0x20];
	_ =	sdelay $0x4  }
0xb1: {  	[tilespmem:v44+s16+$0x0] =	vst.idx.add.f32.msk $0xffff, v59  }
0xb2: {  	v60 =	vadd.s32 $0x300, v42;
	v43 =	vld [tilespmem:$0x220];
	_ =	sdelay $0x4  }
0xb3: {  	[tilespmem:v60+s16+$0x0] =	vst.idx.add.f32.msk $0xffff, v43  }
0xb4: {  	v42 =	vadd.s32 $0x480, v42;
	v43 =	vld [tilespmem:$0x420]  }
0xb5: {  	vm5 =	vge.s32 v2, v35;
	vm6 =	vge.s32 v2, v36  }
0xb6: {  	vm7 =	vge.s32 v2, v37;
	v61 =	vsel vm5, $0x1, v33;
	v62 =	vsel vm6, $0x1, v33  }
0xb7: {  	vm8 =	vge.s32 v2, v38;
	v63 =	vsel vm7, $0x1, v33;
	v44 =	vadd.s32 v62, v61  }
0xb8: {  	vm9 =	vge.s32 v2, v39;
	v48 =	vsel vm8, $0x1, v33;
	v44 =	vadd.s32 v63, v44  }
0xb9: {  	vm10 =	vge.s32 v2, v40;
	v50 =	vsel vm9, $0x1, v33;
	v49 =	vadd.s32 v48, v44;
	[tilespmem:v42+s16+$0x0] =	vst.idx.add.f32.msk $0xffff, v43  }
0xba: {  	vm11 =	vge.s32 v2, v41;
	v51 =	vsel vm10, $0x1, v33;
	v42 =	vadd.s32 v50, v49;
	v52 =	vld [tilespmem:$0x630]  }
0xbb: {  	v53 =	vsel vm11, $0x1, v33;
	v42 =	vadd.s32 v51, v42  }
0xbc: {  	v42 =	vadd.s32 v53, v42  }
0xbd: {  	v42 =	vmul.u32 $0x30, v42;
	_ =	sdelay $0x1  }
0xbe: {  	v42 =	vadd.s32 v42, v52;
	_ =	sdelay $0x4  }
0xbf: {  	[tilespmem:v42+s16+$0x0] =	vst.idx.add.f32.msk $0xffff, v34  }
0xc0: {  	v44 =	vadd.s32 $0x180, v42;
	v54 =	vld [tilespmem:$0x30];
	_ =	sdelay $0x4  }
0xc1: {  	[tilespmem:v44+s16+$0x0] =	vst.idx.add.f32.msk $0xffff, v54  }
0xc2: {  	v55 =	vadd.s32 $0x300, v42;
	v43 =	vld [tilespmem:$0x230];
	_ =	sdelay $0x4  }
0xc3: {  	[tilespmem:v55+s16+$0x0] =	vst.idx.add.f32.msk $0xffff, v43  }
0xc4: {  	v42 =	vadd.s32 $0x480, v42;
	v43 =	vld [tilespmem:$0x430]  }
0xc5: {  	vm12 =	vge.s32 v3, v35;
	vm13 =	vge.s32 v3, v36  }
0xc6: {  	vm14 =	vge.s32 v3, v37;
	v56 =	vsel vm12, $0x1, v33;
	v57 =	vsel vm13, $0x1, v33  }
0xc7: {  	vm15 =	vge.s32 v3, v38;
	v58 =	vsel vm14, $0x1, v33;
	v44 =	vadd.s32 v57, v56  }
0xc8: {  	vm4 =	vge.s32 v3, v39;
	v59 =	vsel vm15, $0x1, v33;
	v44 =	vadd.s32 v58, v44  }
0xc9: {  	vm5 =	vge.s32 v3, v40;
	v61 =	vsel vm4, $0x1, v33;
	v60 =	vadd.s32 v59, v44;
	[tilespmem:v42+s16+$0x0] =	vst.idx.add.f32.msk $0xffff, v43  }
0xca: {  	vm6 =	vge.s32 v3, v41;
	v62 =	vsel vm5, $0x1, v33;
	v42 =	vadd.s32 v61, v60;
	v63 =	vld [tilespmem:$0x640]  }
0xcb: {  	v47 =	vsel vm6, $0x1, v33;
	v42 =	vadd.s32 v62, v42  }
0xcc: {  	v42 =	vadd.s32 v47, v42  }
0xcd: {  	v42 =	vmul.u32 $0x30, v42;
	_ =	sdelay $0x1  }
0xce: {  	v42 =	vadd.s32 v42, v63;
	_ =	sdelay $0x4  }
0xcf: {  	[tilespmem:v42+s16+$0x0] =	vst.idx.add.f32.msk $0xffff, v34  }
0xd0: {  	v44 =	vadd.s32 $0x180, v42;
	v48 =	vld [tilespmem:$0x40];
	_ =	sdelay $0x4  }
0xd1: {  	[tilespmem:v44+s16+$0x0] =	vst.idx.add.f32.msk $0xffff, v48  }
0xd2: {  	v49 =	vadd.s32 $0x300, v42;
	v43 =	vld [tilespmem:$0x240];
	_ =	sdelay $0x4  }
0xd3: {  	[tilespmem:v49+s16+$0x0] =	vst.idx.add.f32.msk $0xffff, v43  }
0xd4: {  	v42 =	vadd.s32 $0x480, v42;
	v43 =	vld [tilespmem:$0x440]  }
0xd5: {  	vm7 =	vge.s32 v4, v35;
	vm8 =	vge.s32 v4, v36  }
0xd6: {  	vm9 =	vge.s32 v4, v37;
	v50 =	vsel vm7, $0x1, v33;
	v51 =	vsel vm8, $0x1, v33  }
0xd7: {  	vm10 =	vge.s32 v4, v38;
	v52 =	vsel vm9, $0x1, v33;
	v44 =	vadd.s32 v51, v50  }
0xd8: {  	vm11 =	vge.s32 v4, v39;
	v53 =	vsel vm10, $0x1, v33;
	v44 =	vadd.s32 v52, v44  }
0xd9: {  	vm12 =	vge.s32 v4, v40;
	v55 =	vsel vm11, $0x1, v33;
	v54 =	vadd.s32 v53, v44;
	[tilespmem:v42+s16+$0x0] =	vst.idx.add.f32.msk $0xffff, v43  }
0xda: {  	vm13 =	vge.s32 v4, v41;
	v56 =	vsel vm12, $0x1, v33;
	v42 =	vadd.s32 v55, v54;
	v57 =	vld [tilespmem:$0x650]  }
0xdb: {  	v58 =	vsel vm13, $0x1, v33;
	v42 =	vadd.s32 v56, v42  }
0xdc: {  	v42 =	vadd.s32 v58, v42  }
0xdd: {  	v42 =	vmul.u32 $0x30, v42;
	_ =	sdelay $0x1  }
0xde: {  	v42 =	vadd.s32 v42, v57;
	_ =	sdelay $0x4  }
0xdf: {  	[tilespmem:v42+s16+$0x0] =	vst.idx.add.f32.msk $0xffff, v34  }
0xe0: {  	v44 =	vadd.s32 $0x180, v42;
	v59 =	vld [tilespmem:$0x50];
	_ =	sdelay $0x4  }
0xe1: {  	[tilespmem:v44+s16+$0x0] =	vst.idx.add.f32.msk $0xffff, v59  }
0xe2: {  	v60 =	vadd.s32 $0x300, v42;
	v43 =	vld [tilespmem:$0x250];
	_ =	sdelay $0x4  }
0xe3: {  	[tilespmem:v60+s16+$0x0] =	vst.idx.add.f32.msk $0xffff, v43  }
0xe4: {  	v42 =	vadd.s32 $0x480, v42;
	v43 =	vld [tilespmem:$0x450]  }
0xe5: {  	vm14 =	vge.s32 v5, v35;
	vm15 =	vge.s32 v5, v36  }
0xe6: {  	vm4 =	vge.s32 v5, v37;
	v61 =	vsel vm14, $0x1, v33;
	v62 =	vsel vm15, $0x1, v33  }
0xe7: {  	vm5 =	vge.s32 v5, v38;
	v63 =	vsel vm4, $0x1, v33;
	v44 =	vadd.s32 v62, v61  }
0xe8: {  	vm6 =	vge.s32 v5, v39;
	v48 =	vsel vm5, $0x1, v33;
	v44 =	vadd.s32 v63, v44  }
0xe9: {  	vm7 =	vge.s32 v5, v40;
	v50 =	vsel vm6, $0x1, v33;
	v49 =	vadd.s32 v48, v44;
	[tilespmem:v42+s16+$0x0] =	vst.idx.add.f32.msk $0xffff, v43  }
0xea: {  	vm8 =	vge.s32 v5, v41;
	v51 =	vsel vm7, $0x1, v33;
	v42 =	vadd.s32 v50, v49;
	v52 =	vld [tilespmem:$0x660]  }
0xeb: {  	v53 =	vsel vm8, $0x1, v33;
	v42 =	vadd.s32 v51, v42  }
0xec: {  	v42 =	vadd.s32 v53, v42  }
0xed: {  	v42 =	vmul.u32 $0x30, v42;
	_ =	sdelay $0x1  }
0xee: {  	v42 =	vadd.s32 v42, v52;
	_ =	sdelay $0x4  }
0xef: {  	[tilespmem:v42+s16+$0x0] =	vst.idx.add.f32.msk $0xffff, v34  }
0xf0: {  	v44 =	vadd.s32 $0x180, v42;
	v54 =	vld [tilespmem:$0x60];
	_ =	sdelay $0x4  }
0xf1: {  	[tilespmem:v44+s16+$0x0] =	vst.idx.add.f32.msk $0xffff, v54  }
0xf2: {  	v55 =	vadd.s32 $0x300, v42;
	v43 =	vld [tilespmem:$0x260];
	_ =	sdelay $0x4  }
0xf3: {  	[tilespmem:v55+s16+$0x0] =	vst.idx.add.f32.msk $0xffff, v43  }
0xf4: {  	v42 =	vadd.s32 $0x480, v42;
	v43 =	vld [tilespmem:$0x460]  }
0xf5: {  	vm10 =	vge.s32 v6, v36;
	vm9 =	vge.s32 v6, v35  }
0xf6: {  	vm11 =	vge.s32 v6, v37;
	v56 =	vsel vm9, $0x1, v33;
	v57 =	vsel vm10, $0x1, v33  }
0xf7: {  	vm12 =	vge.s32 v6, v38;
	v58 =	vsel vm11, $0x1, v33;
	v44 =	vadd.s32 v57, v56  }
0xf8: {  	vm13 =	vge.s32 v6, v39;
	v59 =	vsel vm12, $0x1, v33;
	v44 =	vadd.s32 v58, v44  }
0xf9: {  	vm14 =	vge.s32 v6, v40;
	v61 =	vsel vm13, $0x1, v33;
	v60 =	vadd.s32 v59, v44;
	[tilespmem:v42+s16+$0x0] =	vst.idx.add.f32.msk $0xffff, v43  }
0xfa: {  	vm15 =	vge.s32 v6, v41;
	v62 =	vsel vm14, $0x1, v33;
	v42 =	vadd.s32 v61, v60;
	v63 =	vld [tilespmem:$0x670]  }
0xfb: {  	v47 =	vsel vm15, $0x1, v33;
	v42 =	vadd.s32 v62, v42  }
0xfc: {  	v42 =	vadd.s32 v47, v42  }
0xfd: {  	v42 =	vmul.u32 $0x30, v42;
	_ =	sdelay $0x1  }
0xfe: {  	v42 =	vadd.s32 v42, v63;
	_ =	sdelay $0x4  }
0xff: {  	[tilespmem:v42+s16+$0x0] =	vst.idx.add.f32.msk $0xffff, v34  }
0x100: {  	v44 =	vadd.s32 $0x180, v42;
	v48 =	vld [tilespmem:$0x70];
	_ =	sdelay $0x4  }
0x101: {  	[tilespmem:v44+s16+$0x0] =	vst.idx.add.f32.msk $0xffff, v48  }
0x102: {  	v49 =	vadd.s32 $0x300, v42;
	v43 =	vld [tilespmem:$0x270];
	_ =	sdelay $0x4  }
0x103: {  	[tilespmem:v49+s16+$0x0] =	vst.idx.add.f32.msk $0xffff, v43  }
0x104: {  	v42 =	vadd.s32 $0x480, v42;
	v43 =	vld [tilespmem:$0x470]  }
0x105: {  	vm4 =	vge.s32 v7, v35;
	vm5 =	vge.s32 v7, v36  }
0x106: {  	vm6 =	vge.s32 v7, v37;
	v50 =	vsel vm4, $0x1, v33;
	v51 =	vsel vm5, $0x1, v33  }
0x107: {  	vm7 =	vge.s32 v7, v38;
	v52 =	vsel vm6, $0x1, v33;
	v44 =	vadd.s32 v51, v50  }
0x108: {  	vm8 =	vge.s32 v7, v39;
	v53 =	vsel vm7, $0x1, v33;
	v44 =	vadd.s32 v52, v44  }
0x109: {  	vm9 =	vge.s32 v7, v40;
	v55 =	vsel vm8, $0x1, v33;
	v54 =	vadd.s32 v53, v44;
	[tilespmem:v42+s16+$0x0] =	vst.idx.add.f32.msk $0xffff, v43  }
0x10a: {  	vm10 =	vge.s32 v7, v41;
	v56 =	vsel vm9, $0x1, v33;
	v42 =	vadd.s32 v55, v54;
	v57 =	vld [tilespmem:$0x680]  }
0x10b: {  	v58 =	vsel vm10, $0x1, v33;
	v42 =	vadd.s32 v56, v42  }
0x10c: {  	v42 =	vadd.s32 v58, v42  }
0x10d: {  	v42 =	vmul.u32 $0x30, v42;
	_ =	sdelay $0x1  }
0x10e: {  	v42 =	vadd.s32 v42, v57;
	_ =	sdelay $0x4  }
0x10f: {  	[tilespmem:v42+s16+$0x0] =	vst.idx.add.f32.msk $0xffff, v34  }
0x110: {  	v44 =	vadd.s32 $0x180, v42;
	v59 =	vld [tilespmem:$0x80];
	_ =	sdelay $0x4  }
0x111: {  	[tilespmem:v44+s16+$0x0] =	vst.idx.add.f32.msk $0xffff, v59  }
0x112: {  	v60 =	vadd.s32 $0x300, v42;
	v43 =	vld [tilespmem:$0x280];
	_ =	sdelay $0x4  }
0x113: {  	[tilespmem:v60+s16+$0x0] =	vst.idx.add.f32.msk $0xffff, v43  }
0x114: {  	v42 =	vadd.s32 $0x480, v42;
	v43 =	vld [tilespmem:$0x480]  }
0x115: {  	vm11 =	vge.s32 v8, v35;
	vm12 =	vge.s32 v8, v36  }
0x116: {  	vm13 =	vge.s32 v8, v37;
	v61 =	vsel vm11, $0x1, v33;
	v62 =	vsel vm12, $0x1, v33  }
0x117: {  	vm14 =	vge.s32 v8, v38;
	v63 =	vsel vm13, $0x1, v33;
	v44 =	vadd.s32 v62, v61  }
0x118: {  	vm15 =	vge.s32 v8, v39;
	v48 =	vsel vm14, $0x1, v33;
	v44 =	vadd.s32 v63, v44  }
0x119: {  	vm4 =	vge.s32 v8, v40;
	v50 =	vsel vm15, $0x1, v33;
	v49 =	vadd.s32 v48, v44;
	[tilespmem:v42+s16+$0x0] =	vst.idx.add.f32.msk $0xffff, v43  }
0x11a: {  	vm5 =	vge.s32 v8, v41;
	v51 =	vsel vm4, $0x1, v33;
	v42 =	vadd.s32 v50, v49;
	v52 =	vld [tilespmem:$0x690]  }
0x11b: {  	v53 =	vsel vm5, $0x1, v33;
	v42 =	vadd.s32 v51, v42  }
0x11c: {  	v42 =	vadd.s32 v53, v42  }
0x11d: {  	v42 =	vmul.u32 $0x30, v42;
	_ =	sdelay $0x1  }
0x11e: {  	v42 =	vadd.s32 v42, v52;
	_ =	sdelay $0x4  }
0x11f: {  	[tilespmem:v42+s16+$0x0] =	vst.idx.add.f32.msk $0xffff, v34  }
0x120: {  	v44 =	vadd.s32 $0x180, v42;
	v54 =	vld [tilespmem:$0x90];
	_ =	sdelay $0x4  }
0x121: {  	[tilespmem:v44+s16+$0x0] =	vst.idx.add.f32.msk $0xffff, v54  }
0x122: {  	v55 =	vadd.s32 $0x300, v42;
	v43 =	vld [tilespmem:$0x290];
	_ =	sdelay $0x4  }
0x123: {  	[tilespmem:v55+s16+$0x0] =	vst.idx.add.f32.msk $0xffff, v43  }
0x124: {  	v42 =	vadd.s32 $0x480, v42;
	v43 =	vld [tilespmem:$0x490]  }
0x125: {  	vm7 =	vge.s32 v9, v36;
	vm6 =	vge.s32 v9, v35  }
0x126: {  	vm8 =	vge.s32 v9, v37;
	v56 =	vsel vm6, $0x1, v33;
	v57 =	vsel vm7, $0x1, v33  }
0x127: {  	vm9 =	vge.s32 v9, v38;
	v58 =	vsel vm8, $0x1, v33;
	v44 =	vadd.s32 v57, v56  }
0x128: {  	vm10 =	vge.s32 v9, v39;
	v59 =	vsel vm9, $0x1, v33;
	v44 =	vadd.s32 v58, v44  }
0x129: {  	vm11 =	vge.s32 v9, v40;
	v61 =	vsel vm10, $0x1, v33;
	v60 =	vadd.s32 v59, v44;
	[tilespmem:v42+s16+$0x0] =	vst.idx.add.f32.msk $0xffff, v43  }
0x12a: {  	vm12 =	vge.s32 v9, v41;
	v62 =	vsel vm11, $0x1, v33;
	v42 =	vadd.s32 v61, v60;
	v63 =	vld [tilespmem:$0x6A0]  }
0x12b: {  	v47 =	vsel vm12, $0x1, v33;
	v42 =	vadd.s32 v62, v42  }
0x12c: {  	v42 =	vadd.s32 v47, v42  }
0x12d: {  	v42 =	vmul.u32 $0x30, v42;
	_ =	sdelay $0x1  }
0x12e: {  	v42 =	vadd.s32 v42, v63;
	_ =	sdelay $0x4  }
0x12f: {  	[tilespmem:v42+s16+$0x0] =	vst.idx.add.f32.msk $0xffff, v34  }
0x130: {  	v44 =	vadd.s32 $0x180, v42;
	v48 =	vld [tilespmem:$0xA0];
	_ =	sdelay $0x4  }
0x131: {  	[tilespmem:v44+s16+$0x0] =	vst.idx.add.f32.msk $0xffff, v48  }
0x132: {  	v49 =	vadd.s32 $0x300, v42;
	v43 =	vld [tilespmem:$0x2A0];
	_ =	sdelay $0x4  }
0x133: {  	[tilespmem:v49+s16+$0x0] =	vst.idx.add.f32.msk $0xffff, v43  }
0x134: {  	v42 =	vadd.s32 $0x480, v42;
	v43 =	vld [tilespmem:$0x4A0]  }
0x135: {  	vm13 =	vge.s32 v10, v35;
	vm14 =	vge.s32 v10, v36  }
0x136: {  	vm15 =	vge.s32 v10, v37;
	v50 =	vsel vm13, $0x1, v33;
	v51 =	vsel vm14, $0x1, v33  }
0x137: {  	vm4 =	vge.s32 v10, v38;
	v52 =	vsel vm15, $0x1, v33;
	v44 =	vadd.s32 v51, v50  }
0x138: {  	vm5 =	vge.s32 v10, v39;
	v53 =	vsel vm4, $0x1, v33;
	v44 =	vadd.s32 v52, v44  }
0x139: {  	vm6 =	vge.s32 v10, v40;
	v55 =	vsel vm5, $0x1, v33;
	v54 =	vadd.s32 v53, v44;
	[tilespmem:v42+s16+$0x0] =	vst.idx.add.f32.msk $0xffff, v43  }
0x13a: {  	vm7 =	vge.s32 v10, v41;
	v56 =	vsel vm6, $0x1, v33;
	v42 =	vadd.s32 v55, v54;
	v57 =	vld [tilespmem:$0x6B0]  }
0x13b: {  	v58 =	vsel vm7, $0x1, v33;
	v42 =	vadd.s32 v56, v42  }
0x13c: {  	v42 =	vadd.s32 v58, v42  }
0x13d: {  	v42 =	vmul.u32 $0x30, v42;
	_ =	sdelay $0x1  }
0x13e: {  	v42 =	vadd.s32 v42, v57;
	_ =	sdelay $0x4  }
0x13f: {  	[tilespmem:v42+s16+$0x0] =	vst.idx.add.f32.msk $0xffff, v34  }
0x140: {  	v44 =	vadd.s32 $0x180, v42;
	v59 =	vld [tilespmem:$0xB0];
	_ =	sdelay $0x4  }
0x141: {  	[tilespmem:v44+s16+$0x0] =	vst.idx.add.f32.msk $0xffff, v59  }
0x142: {  	v60 =	vadd.s32 $0x300, v42;
	v43 =	vld [tilespmem:$0x2B0];
	_ =	sdelay $0x4  }
0x143: {  	[tilespmem:v60+s16+$0x0] =	vst.idx.add.f32.msk $0xffff, v43  }
0x144: {  	v42 =	vadd.s32 $0x480, v42;
	v43 =	vld [tilespmem:$0x4B0]  }
0x145: {  	vm8 =	vge.s32 v11, v35;
	vm9 =	vge.s32 v11, v36  }
0x146: {  	vm10 =	vge.s32 v11, v37;
	v61 =	vsel vm8, $0x1, v33;
	v62 =	vsel vm9, $0x1, v33  }
0x147: {  	vm11 =	vge.s32 v11, v38;
	v63 =	vsel vm10, $0x1, v33;
	v44 =	vadd.s32 v62, v61  }
0x148: {  	vm12 =	vge.s32 v11, v39;
	v48 =	vsel vm11, $0x1, v33;
	v44 =	vadd.s32 v63, v44  }
0x149: {  	vm13 =	vge.s32 v11, v40;
	v50 =	vsel vm12, $0x1, v33;
	v49 =	vadd.s32 v48, v44;
	[tilespmem:v42+s16+$0x0] =	vst.idx.add.f32.msk $0xffff, v43  }
0x14a: {  	vm14 =	vge.s32 v11, v41;
	v51 =	vsel vm13, $0x1, v33;
	v42 =	vadd.s32 v50, v49;
	v52 =	vld [tilespmem:$0x6C0]  }
0x14b: {  	v53 =	vsel vm14, $0x1, v33;
	v42 =	vadd.s32 v51, v42  }
0x14c: {  	v42 =	vadd.s32 v53, v42  }
0x14d: {  	v42 =	vmul.u32 $0x30, v42;
	_ =	sdelay $0x1  }
0x14e: {  	v42 =	vadd.s32 v42, v52;
	_ =	sdelay $0x4  }
0x14f: {  	[tilespmem:v42+s16+$0x0] =	vst.idx.add.f32.msk $0xffff, v34  }
0x150: {  	v44 =	vadd.s32 $0x180, v42;
	v54 =	vld [tilespmem:$0xC0];
	_ =	sdelay $0x4  }
0x151: {  	[tilespmem:v44+s16+$0x0] =	vst.idx.add.f32.msk $0xffff, v54  }
0x152: {  	v55 =	vadd.s32 $0x300, v42;
	v43 =	vld [tilespmem:$0x2C0];
	_ =	sdelay $0x4  }
0x153: {  	[tilespmem:v55+s16+$0x0] =	vst.idx.add.f32.msk $0xffff, v43  }
0x154: {  	v42 =	vadd.s32 $0x480, v42;
	v43 =	vld [tilespmem:$0x4C0]  }
0x155: {  	vm4 =	vge.s32 v12, v36;
	vm15 =	vge.s32 v12, v35  }
0x156: {  	vm5 =	vge.s32 v12, v37;
	v56 =	vsel vm15, $0x1, v33;
	v57 =	vsel vm4, $0x1, v33  }
0x157: {  	vm6 =	vge.s32 v12, v38;
	v58 =	vsel vm5, $0x1, v33;
	v44 =	vadd.s32 v57, v56  }
0x158: {  	vm7 =	vge.s32 v12, v39;
	v59 =	vsel vm6, $0x1, v33;
	v44 =	vadd.s32 v58, v44  }
0x159: {  	vm8 =	vge.s32 v12, v40;
	v61 =	vsel vm7, $0x1, v33;
	v60 =	vadd.s32 v59, v44;
	[tilespmem:v42+s16+$0x0] =	vst.idx.add.f32.msk $0xffff, v43  }
0x15a: {  	vm9 =	vge.s32 v12, v41;
	v62 =	vsel vm8, $0x1, v33;
	v42 =	vadd.s32 v61, v60;
	v63 =	vld [tilespmem:$0x6D0]  }
0x15b: {  	v47 =	vsel vm9, $0x1, v33;
	v42 =	vadd.s32 v62, v42  }
0x15c: {  	v42 =	vadd.s32 v47, v42  }
0x15d: {  	v42 =	vmul.u32 $0x30, v42;
	_ =	sdelay $0x1  }
0x15e: {  	v42 =	vadd.s32 v42, v63;
	_ =	sdelay $0x4  }
0x15f: {  	[tilespmem:v42+s16+$0x0] =	vst.idx.add.f32.msk $0xffff, v34  }
0x160: {  	v44 =	vadd.s32 $0x180, v42;
	v48 =	vld [tilespmem:$0xD0];
	_ =	sdelay $0x4  }
0x161: {  	[tilespmem:v44+s16+$0x0] =	vst.idx.add.f32.msk $0xffff, v48  }
0x162: {  	v49 =	vadd.s32 $0x300, v42;
	v43 =	vld [tilespmem:$0x2D0];
	_ =	sdelay $0x4  }
0x163: {  	[tilespmem:v49+s16+$0x0] =	vst.idx.add.f32.msk $0xffff, v43  }
0x164: {  	v42 =	vadd.s32 $0x480, v42;
	v43 =	vld [tilespmem:$0x4D0]  }
0x165: {  	vm10 =	vge.s32 v13, v35;
	vm11 =	vge.s32 v13, v36  }
0x166: {  	vm12 =	vge.s32 v13, v37;
	v50 =	vsel vm10, $0x1, v33;
	v51 =	vsel vm11, $0x1, v33  }
0x167: {  	vm13 =	vge.s32 v13, v38;
	v52 =	vsel vm12, $0x1, v33;
	v44 =	vadd.s32 v51, v50  }
0x168: {  	vm14 =	vge.s32 v13, v39;
	v53 =	vsel vm13, $0x1, v33;
	v44 =	vadd.s32 v52, v44  }
0x169: {  	vm15 =	vge.s32 v13, v40;
	v55 =	vsel vm14, $0x1, v33;
	v54 =	vadd.s32 v53, v44;
	[tilespmem:v42+s16+$0x0] =	vst.idx.add.f32.msk $0xffff, v43  }
0x16a: {  	vm4 =	vge.s32 v13, v41;
	v56 =	vsel vm15, $0x1, v33;
	v42 =	vadd.s32 v55, v54;
	v57 =	vld [tilespmem:$0x6E0]  }
0x16b: {  	v58 =	vsel vm4, $0x1, v33;
	v42 =	vadd.s32 v56, v42  }
0x16c: {  	v42 =	vadd.s32 v58, v42  }
0x16d: {  	v42 =	vmul.u32 $0x30, v42;
	_ =	sdelay $0x1  }
0x16e: {  	v42 =	vadd.s32 v42, v57;
	_ =	sdelay $0x4  }
0x16f: {  	[tilespmem:v42+s16+$0x0] =	vst.idx.add.f32.msk $0xffff, v34  }
0x170: {  	v44 =	vadd.s32 $0x180, v42;
	v59 =	vld [tilespmem:$0xE0];
	_ =	sdelay $0x4  }
0x171: {  	[tilespmem:v44+s16+$0x0] =	vst.idx.add.f32.msk $0xffff, v59  }
0x172: {  	v60 =	vadd.s32 $0x300, v42;
	v43 =	vld [tilespmem:$0x2E0];
	_ =	sdelay $0x4  }
0x173: {  	[tilespmem:v60+s16+$0x0] =	vst.idx.add.f32.msk $0xffff, v43  }
0x174: {  	v42 =	vadd.s32 $0x480, v42;
	v43 =	vld [tilespmem:$0x4E0]  }
0x175: {  	vm5 =	vge.s32 v14, v35;
	vm6 =	vge.s32 v14, v36  }
0x176: {  	vm7 =	vge.s32 v14, v37;
	v61 =	vsel vm5, $0x1, v33;
	v62 =	vsel vm6, $0x1, v33  }
0x177: {  	vm8 =	vge.s32 v14, v38;
	v63 =	vsel vm7, $0x1, v33;
	v44 =	vadd.s32 v62, v61  }
0x178: {  	vm9 =	vge.s32 v14, v39;
	v48 =	vsel vm8, $0x1, v33;
	v44 =	vadd.s32 v63, v44  }
0x179: {  	vm10 =	vge.s32 v14, v40;
	v50 =	vsel vm9, $0x1, v33;
	v49 =	vadd.s32 v48, v44;
	[tilespmem:v42+s16+$0x0] =	vst.idx.add.f32.msk $0xffff, v43  }
0x17a: {  	vm11 =	vge.s32 v14, v41;
	v51 =	vsel vm10, $0x1, v33;
	v42 =	vadd.s32 v50, v49;
	v52 =	vld [tilespmem:$0x6F0]  }
0x17b: {  	v53 =	vsel vm11, $0x1, v33;
	v42 =	vadd.s32 v51, v42  }
0x17c: {  	v42 =	vadd.s32 v53, v42  }
0x17d: {  	v42 =	vmul.u32 $0x30, v42;
	_ =	sdelay $0x1  }
0x17e: {  	v42 =	vadd.s32 v42, v52;
	_ =	sdelay $0x4  }
0x17f: {  	[tilespmem:v42+s16+$0x0] =	vst.idx.add.f32.msk $0xffff, v34  }
0x180: {  	v44 =	vadd.s32 $0x180, v42;
	v54 =	vld [tilespmem:$0xF0];
	_ =	sdelay $0x4  }
0x181: {  	[tilespmem:v44+s16+$0x0] =	vst.idx.add.f32.msk $0xffff, v54  }
0x182: {  	v55 =	vadd.s32 $0x300, v42;
	v43 =	vld [tilespmem:$0x2F0];
	_ =	sdelay $0x4  }
0x183: {  	[tilespmem:v55+s16+$0x0] =	vst.idx.add.f32.msk $0xffff, v43  }
0x184: {  	v42 =	vadd.s32 $0x480, v42;
	v43 =	vld [tilespmem:$0x4F0]  }
0x185: {  	vm13 =	vge.s32 v15, v36;
	vm12 =	vge.s32 v15, v35  }
0x186: {  	vm14 =	vge.s32 v15, v37;
	v56 =	vsel vm12, $0x1, v33;
	v57 =	vsel vm13, $0x1, v33  }
0x187: {  	vm15 =	vge.s32 v15, v38;
	v58 =	vsel vm14, $0x1, v33;
	v44 =	vadd.s32 v57, v56  }
0x188: {  	vm4 =	vge.s32 v15, v39;
	v59 =	vsel vm15, $0x1, v33;
	v44 =	vadd.s32 v58, v44  }
0x189: {  	vm5 =	vge.s32 v15, v40;
	v61 =	vsel vm4, $0x1, v33;
	v60 =	vadd.s32 v59, v44;
	[tilespmem:v42+s16+$0x0] =	vst.idx.add.f32.msk $0xffff, v43  }
0x18a: {  	vm6 =	vge.s32 v15, v41;
	v62 =	vsel vm5, $0x1, v33;
	v42 =	vadd.s32 v61, v60;
	v63 =	vld [tilespmem:$0x700]  }
0x18b: {  	v47 =	vsel vm6, $0x1, v33;
	v42 =	vadd.s32 v62, v42  }
0x18c: {  	v42 =	vadd.s32 v47, v42  }
0x18d: {  	v42 =	vmul.u32 $0x30, v42;
	_ =	sdelay $0x1  }
0x18e: {  	v42 =	vadd.s32 v42, v63;
	_ =	sdelay $0x4  }
0x18f: {  	[tilespmem:v42+s16+$0x0] =	vst.idx.add.f32.msk $0xffff, v34  }
0x190: {  	v44 =	vadd.s32 $0x180, v42;
	v48 =	vld [tilespmem:$0x100];
	_ =	sdelay $0x4  }
0x191: {  	[tilespmem:v44+s16+$0x0] =	vst.idx.add.f32.msk $0xffff, v48  }
0x192: {  	v49 =	vadd.s32 $0x300, v42;
	v43 =	vld [tilespmem:$0x300];
	_ =	sdelay $0x4  }
0x193: {  	[tilespmem:v49+s16+$0x0] =	vst.idx.add.f32.msk $0xffff, v43  }
0x194: {  	v42 =	vadd.s32 $0x480, v42;
	v43 =	vld [tilespmem:$0x500]  }
0x195: {  	vm7 =	vge.s32 v16, v35;
	vm8 =	vge.s32 v16, v36  }
0x196: {  	vm9 =	vge.s32 v16, v37;
	v50 =	vsel vm7, $0x1, v33;
	v51 =	vsel vm8, $0x1, v33  }
0x197: {  	vm10 =	vge.s32 v16, v38;
	v52 =	vsel vm9, $0x1, v33;
	v44 =	vadd.s32 v51, v50  }
0x198: {  	vm11 =	vge.s32 v16, v39;
	v53 =	vsel vm10, $0x1, v33;
	v44 =	vadd.s32 v52, v44  }
0x199: {  	vm12 =	vge.s32 v16, v40;
	v55 =	vsel vm11, $0x1, v33;
	v54 =	vadd.s32 v53, v44;
	[tilespmem:v42+s16+$0x0] =	vst.idx.add.f32.msk $0xffff, v43  }
0x19a: {  	vm13 =	vge.s32 v16, v41;
	v56 =	vsel vm12, $0x1, v33;
	v42 =	vadd.s32 v55, v54;
	v57 =	vld [tilespmem:$0x710]  }
0x19b: {  	v58 =	vsel vm13, $0x1, v33;
	v42 =	vadd.s32 v56, v42  }
0x19c: {  	v42 =	vadd.s32 v58, v42  }
0x19d: {  	v42 =	vmul.u32 $0x30, v42;
	_ =	sdelay $0x1  }
0x19e: {  	v42 =	vadd.s32 v42, v57;
	_ =	sdelay $0x4  }
0x19f: {  	[tilespmem:v42+s16+$0x0] =	vst.idx.add.f32.msk $0xffff, v34  }
0x1a0: {  	v44 =	vadd.s32 $0x180, v42;
	v59 =	vld [tilespmem:$0x110];
	_ =	sdelay $0x4  }
0x1a1: {  	[tilespmem:v44+s16+$0x0] =	vst.idx.add.f32.msk $0xffff, v59  }
0x1a2: {  	v60 =	vadd.s32 $0x300, v42;
	v43 =	vld [tilespmem:$0x310];
	_ =	sdelay $0x4  }
0x1a3: {  	[tilespmem:v60+s16+$0x0] =	vst.idx.add.f32.msk $0xffff, v43  }
0x1a4: {  	v42 =	vadd.s32 $0x480, v42;
	v43 =	vld [tilespmem:$0x510]  }
0x1a5: {  	vm14 =	vge.s32 v17, v35;
	vm15 =	vge.s32 v17, v36  }
0x1a6: {  	vm4 =	vge.s32 v17, v37;
	v61 =	vsel vm14, $0x1, v33;
	v62 =	vsel vm15, $0x1, v33  }
0x1a7: {  	vm5 =	vge.s32 v17, v38;
	v63 =	vsel vm4, $0x1, v33;
	v44 =	vadd.s32 v62, v61  }
0x1a8: {  	vm6 =	vge.s32 v17, v39;
	v48 =	vsel vm5, $0x1, v33;
	v44 =	vadd.s32 v63, v44  }
0x1a9: {  	vm7 =	vge.s32 v17, v40;
	v50 =	vsel vm6, $0x1, v33;
	v49 =	vadd.s32 v48, v44;
	[tilespmem:v42+s16+$0x0] =	vst.idx.add.f32.msk $0xffff, v43  }
0x1aa: {  	vm8 =	vge.s32 v17, v41;
	v51 =	vsel vm7, $0x1, v33;
	v42 =	vadd.s32 v50, v49;
	v52 =	vld [tilespmem:$0x720]  }
0x1ab: {  	v53 =	vsel vm8, $0x1, v33;
	v42 =	vadd.s32 v51, v42  }
0x1ac: {  	v42 =	vadd.s32 v53, v42  }
0x1ad: {  	v42 =	vmul.u32 $0x30, v42;
	_ =	sdelay $0x1  }
0x1ae: {  	v42 =	vadd.s32 v42, v52;
	_ =	sdelay $0x4  }
0x1af: {  	[tilespmem:v42+s16+$0x0] =	vst.idx.add.f32.msk $0xffff, v34  }
0x1b0: {  	v44 =	vadd.s32 $0x180, v42;
	v54 =	vld [tilespmem:$0x120];
	_ =	sdelay $0x4  }
0x1b1: {  	[tilespmem:v44+s16+$0x0] =	vst.idx.add.f32.msk $0xffff, v54  }
0x1b2: {  	v55 =	vadd.s32 $0x300, v42;
	v43 =	vld [tilespmem:$0x320];
	_ =	sdelay $0x4  }
0x1b3: {  	[tilespmem:v55+s16+$0x0] =	vst.idx.add.f32.msk $0xffff, v43  }
0x1b4: {  	v42 =	vadd.s32 $0x480, v42;
	v43 =	vld [tilespmem:$0x520]  }
0x1b5: {  	vm10 =	vge.s32 v18, v36;
	vm9 =	vge.s32 v18, v35  }
0x1b6: {  	vm11 =	vge.s32 v18, v37;
	v56 =	vsel vm9, $0x1, v33;
	v57 =	vsel vm10, $0x1, v33  }
0x1b7: {  	vm12 =	vge.s32 v18, v38;
	v58 =	vsel vm11, $0x1, v33;
	v44 =	vadd.s32 v57, v56  }
0x1b8: {  	vm13 =	vge.s32 v18, v39;
	v59 =	vsel vm12, $0x1, v33;
	v44 =	vadd.s32 v58, v44  }
0x1b9: {  	vm14 =	vge.s32 v18, v40;
	v61 =	vsel vm13, $0x1, v33;
	v60 =	vadd.s32 v59, v44;
	[tilespmem:v42+s16+$0x0] =	vst.idx.add.f32.msk $0xffff, v43  }
0x1ba: {  	vm15 =	vge.s32 v18, v41;
	v62 =	vsel vm14, $0x1, v33;
	v42 =	vadd.s32 v61, v60;
	v63 =	vld [tilespmem:$0x730]  }
0x1bb: {  	v47 =	vsel vm15, $0x1, v33;
	v42 =	vadd.s32 v62, v42  }
0x1bc: {  	v42 =	vadd.s32 v47, v42  }
0x1bd: {  	v42 =	vmul.u32 $0x30, v42;
	_ =	sdelay $0x1  }
0x1be: {  	v42 =	vadd.s32 v42, v63;
	_ =	sdelay $0x4  }
0x1bf: {  	[tilespmem:v42+s16+$0x0] =	vst.idx.add.f32.msk $0xffff, v34  }
0x1c0: {  	v44 =	vadd.s32 $0x180, v42;
	v48 =	vld [tilespmem:$0x130];
	_ =	sdelay $0x4  }
0x1c1: {  	[tilespmem:v44+s16+$0x0] =	vst.idx.add.f32.msk $0xffff, v48  }
0x1c2: {  	v49 =	vadd.s32 $0x300, v42;
	v43 =	vld [tilespmem:$0x330];
	_ =	sdelay $0x4  }
0x1c3: {  	[tilespmem:v49+s16+$0x0] =	vst.idx.add.f32.msk $0xffff, v43  }
0x1c4: {  	v42 =	vadd.s32 $0x480, v42;
	v43 =	vld [tilespmem:$0x530]  }
0x1c5: {  	vm4 =	vge.s32 v19, v35;
	vm5 =	vge.s32 v19, v36  }
0x1c6: {  	vm6 =	vge.s32 v19, v37;
	v50 =	vsel vm4, $0x1, v33;
	v51 =	vsel vm5, $0x1, v33  }
0x1c7: {  	vm7 =	vge.s32 v19, v38;
	v52 =	vsel vm6, $0x1, v33;
	v44 =	vadd.s32 v51, v50  }
0x1c8: {  	vm8 =	vge.s32 v19, v39;
	v53 =	vsel vm7, $0x1, v33;
	v44 =	vadd.s32 v52, v44  }
0x1c9: {  	vm9 =	vge.s32 v19, v40;
	v55 =	vsel vm8, $0x1, v33;
	v54 =	vadd.s32 v53, v44;
	[tilespmem:v42+s16+$0x0] =	vst.idx.add.f32.msk $0xffff, v43  }
0x1ca: {  	vm10 =	vge.s32 v19, v41;
	v56 =	vsel vm9, $0x1, v33;
	v42 =	vadd.s32 v55, v54;
	v57 =	vld [tilespmem:$0x740]  }
0x1cb: {  	v58 =	vsel vm10, $0x1, v33;
	v42 =	vadd.s32 v56, v42  }
0x1cc: {  	v42 =	vadd.s32 v58, v42  }
0x1cd: {  	v42 =	vmul.u32 $0x30, v42;
	_ =	sdelay $0x1  }
0x1ce: {  	v42 =	vadd.s32 v42, v57;
	_ =	sdelay $0x4  }
0x1cf: {  	[tilespmem:v42+s16+$0x0] =	vst.idx.add.f32.msk $0xffff, v34  }
0x1d0: {  	v44 =	vadd.s32 $0x180, v42;
	v59 =	vld [tilespmem:$0x140];
	_ =	sdelay $0x4  }
0x1d1: {  	[tilespmem:v44+s16+$0x0] =	vst.idx.add.f32.msk $0xffff, v59  }
0x1d2: {  	v60 =	vadd.s32 $0x300, v42;
	v43 =	vld [tilespmem:$0x340];
	_ =	sdelay $0x4  }
0x1d3: {  	[tilespmem:v60+s16+$0x0] =	vst.idx.add.f32.msk $0xffff, v43  }
0x1d4: {  	v42 =	vadd.s32 $0x480, v42;
	v43 =	vld [tilespmem:$0x540]  }
0x1d5: {  	vm11 =	vge.s32 v20, v35;
	vm12 =	vge.s32 v20, v36  }
0x1d6: {  	vm13 =	vge.s32 v20, v37;
	v61 =	vsel vm11, $0x1, v33;
	v62 =	vsel vm12, $0x1, v33  }
0x1d7: {  	vm14 =	vge.s32 v20, v38;
	v63 =	vsel vm13, $0x1, v33;
	v44 =	vadd.s32 v62, v61  }
0x1d8: {  	vm15 =	vge.s32 v20, v39;
	v48 =	vsel vm14, $0x1, v33;
	v44 =	vadd.s32 v63, v44  }
0x1d9: {  	vm4 =	vge.s32 v20, v40;
	v50 =	vsel vm15, $0x1, v33;
	v49 =	vadd.s32 v48, v44;
	[tilespmem:v42+s16+$0x0] =	vst.idx.add.f32.msk $0xffff, v43  }
0x1da: {  	vm5 =	vge.s32 v20, v41;
	v51 =	vsel vm4, $0x1, v33;
	v42 =	vadd.s32 v50, v49;
	v52 =	vld [tilespmem:$0x750]  }
0x1db: {  	v53 =	vsel vm5, $0x1, v33;
	v42 =	vadd.s32 v51, v42  }
0x1dc: {  	v42 =	vadd.s32 v53, v42  }
0x1dd: {  	v42 =	vmul.u32 $0x30, v42;
	_ =	sdelay $0x1  }
0x1de: {  	v42 =	vadd.s32 v42, v52;
	_ =	sdelay $0x4  }
0x1df: {  	[tilespmem:v42+s16+$0x0] =	vst.idx.add.f32.msk $0xffff, v34  }
0x1e0: {  	v44 =	vadd.s32 $0x180, v42;
	v54 =	vld [tilespmem:$0x150];
	_ =	sdelay $0x4  }
0x1e1: {  	[tilespmem:v44+s16+$0x0] =	vst.idx.add.f32.msk $0xffff, v54  }
0x1e2: {  	v55 =	vadd.s32 $0x300, v42;
	v43 =	vld [tilespmem:$0x350];
	_ =	sdelay $0x4  }
0x1e3: {  	[tilespmem:v55+s16+$0x0] =	vst.idx.add.f32.msk $0xffff, v43  }
0x1e4: {  	v42 =	vadd.s32 $0x480, v42;
	v43 =	vld [tilespmem:$0x550]  }
0x1e5: {  	vm7 =	vge.s32 v21, v36;
	vm6 =	vge.s32 v21, v35  }
0x1e6: {  	vm8 =	vge.s32 v21, v37;
	v56 =	vsel vm6, $0x1, v33;
	v57 =	vsel vm7, $0x1, v33  }
0x1e7: {  	vm9 =	vge.s32 v21, v38;
	v58 =	vsel vm8, $0x1, v33;
	v44 =	vadd.s32 v57, v56  }
0x1e8: {  	vm10 =	vge.s32 v21, v39;
	v59 =	vsel vm9, $0x1, v33;
	v44 =	vadd.s32 v58, v44  }
0x1e9: {  	vm11 =	vge.s32 v21, v40;
	v61 =	vsel vm10, $0x1, v33;
	v60 =	vadd.s32 v59, v44;
	[tilespmem:v42+s16+$0x0] =	vst.idx.add.f32.msk $0xffff, v43  }
0x1ea: {  	vm12 =	vge.s32 v21, v41;
	v62 =	vsel vm11, $0x1, v33;
	v42 =	vadd.s32 v61, v60;
	v63 =	vld [tilespmem:$0x760]  }
0x1eb: {  	v47 =	vsel vm12, $0x1, v33;
	v42 =	vadd.s32 v62, v42  }
0x1ec: {  	v42 =	vadd.s32 v47, v42  }
0x1ed: {  	v42 =	vmul.u32 $0x30, v42;
	_ =	sdelay $0x1  }
0x1ee: {  	v42 =	vadd.s32 v42, v63;
	_ =	sdelay $0x4  }
0x1ef: {  	[tilespmem:v42+s16+$0x0] =	vst.idx.add.f32.msk $0xffff, v34  }
0x1f0: {  	v44 =	vadd.s32 $0x180, v42;
	v48 =	vld [tilespmem:$0x160];
	_ =	sdelay $0x4  }
0x1f1: {  	[tilespmem:v44+s16+$0x0] =	vst.idx.add.f32.msk $0xffff, v48  }
0x1f2: {  	v49 =	vadd.s32 $0x300, v42;
	v43 =	vld [tilespmem:$0x360];
	_ =	sdelay $0x4  }
0x1f3: {  	[tilespmem:v49+s16+$0x0] =	vst.idx.add.f32.msk $0xffff, v43  }
0x1f4: {  	v42 =	vadd.s32 $0x480, v42;
	v43 =	vld [tilespmem:$0x560]  }
0x1f5: {  	vm13 =	vge.s32 v22, v35;
	vm14 =	vge.s32 v22, v36  }
0x1f6: {  	vm15 =	vge.s32 v22, v37;
	v50 =	vsel vm13, $0x1, v33;
	v51 =	vsel vm14, $0x1, v33  }
0x1f7: {  	vm4 =	vge.s32 v22, v38;
	v52 =	vsel vm15, $0x1, v33;
	v44 =	vadd.s32 v51, v50  }
0x1f8: {  	vm5 =	vge.s32 v22, v39;
	v53 =	vsel vm4, $0x1, v33;
	v44 =	vadd.s32 v52, v44  }
0x1f9: {  	vm6 =	vge.s32 v22, v40;
	v55 =	vsel vm5, $0x1, v33;
	v54 =	vadd.s32 v53, v44;
	[tilespmem:v42+s16+$0x0] =	vst.idx.add.f32.msk $0xffff, v43  }
0x1fa: {  	vm7 =	vge.s32 v22, v41;
	v56 =	vsel vm6, $0x1, v33;
	v42 =	vadd.s32 v55, v54;
	v57 =	vld [tilespmem:$0x770]  }
0x1fb: {  	v58 =	vsel vm7, $0x1, v33;
	v42 =	vadd.s32 v56, v42  }
0x1fc: {  	v42 =	vadd.s32 v58, v42  }
0x1fd: {  	v42 =	vmul.u32 $0x30, v42;
	_ =	sdelay $0x1  }
0x1fe: {  	v42 =	vadd.s32 v42, v57;
	_ =	sdelay $0x4  }
0x1ff: {  	[tilespmem:v42+s16+$0x0] =	vst.idx.add.f32.msk $0xffff, v34  }
0x200: {  	v44 =	vadd.s32 $0x180, v42;
	v59 =	vld [tilespmem:$0x170];
	_ =	sdelay $0x4  }
0x201: {  	[tilespmem:v44+s16+$0x0] =	vst.idx.add.f32.msk $0xffff, v59  }
0x202: {  	v60 =	vadd.s32 $0x300, v42;
	v43 =	vld [tilespmem:$0x370];
	_ =	sdelay $0x4  }
0x203: {  	[tilespmem:v60+s16+$0x0] =	vst.idx.add.f32.msk $0xffff, v43  }
0x204: {  	v42 =	vadd.s32 $0x480, v42;
	v43 =	vld [tilespmem:$0x570]  }
0x205: {  	vm8 =	vge.s32 v23, v35;
	vm9 =	vge.s32 v23, v36  }
0x206: {  	vm10 =	vge.s32 v23, v37;
	v61 =	vsel vm8, $0x1, v33;
	v62 =	vsel vm9, $0x1, v33  }
0x207: {  	vm11 =	vge.s32 v23, v38;
	v63 =	vsel vm10, $0x1, v33;
	v44 =	vadd.s32 v62, v61  }
0x208: {  	vm12 =	vge.s32 v23, v39;
	v48 =	vsel vm11, $0x1, v33;
	v44 =	vadd.s32 v63, v44  }
0x209: {  	vm13 =	vge.s32 v23, v40;
	v50 =	vsel vm12, $0x1, v33;
	v49 =	vadd.s32 v48, v44;
	[tilespmem:v42+s16+$0x0] =	vst.idx.add.f32.msk $0xffff, v43  }
0x20a: {  	vm14 =	vge.s32 v23, v41;
	v51 =	vsel vm13, $0x1, v33;
	v42 =	vadd.s32 v50, v49;
	v52 =	vld [tilespmem:$0x780]  }
0x20b: {  	v53 =	vsel vm14, $0x1, v33;
	v42 =	vadd.s32 v51, v42  }
0x20c: {  	v42 =	vadd.s32 v53, v42  }
0x20d: {  	v42 =	vmul.u32 $0x30, v42;
	_ =	sdelay $0x1  }
0x20e: {  	v42 =	vadd.s32 v42, v52;
	_ =	sdelay $0x4  }
0x20f: {  	[tilespmem:v42+s16+$0x0] =	vst.idx.add.f32.msk $0xffff, v34  }
0x210: {  	v44 =	vadd.s32 $0x180, v42;
	v54 =	vld [tilespmem:$0x180];
	_ =	sdelay $0x4  }
0x211: {  	[tilespmem:v44+s16+$0x0] =	vst.idx.add.f32.msk $0xffff, v54  }
0x212: {  	v55 =	vadd.s32 $0x300, v42;
	v43 =	vld [tilespmem:$0x380];
	_ =	sdelay $0x4  }
0x213: {  	[tilespmem:v55+s16+$0x0] =	vst.idx.add.f32.msk $0xffff, v43  }
0x214: {  	v42 =	vadd.s32 $0x480, v42;
	v43 =	vld [tilespmem:$0x580]  }
0x215: {  	vm4 =	vge.s32 v25, v36;
	vm15 =	vge.s32 v25, v35  }
0x216: {  	vm5 =	vge.s32 v25, v37;
	v56 =	vsel vm15, $0x1, v33;
	v57 =	vsel vm4, $0x1, v33  }
0x217: {  	vm6 =	vge.s32 v25, v38;
	v58 =	vsel vm5, $0x1, v33;
	v44 =	vadd.s32 v57, v56  }
0x218: {  	vm7 =	vge.s32 v25, v39;
	v59 =	vsel vm6, $0x1, v33;
	v44 =	vadd.s32 v58, v44  }
0x219: {  	vm8 =	vge.s32 v25, v40;
	v61 =	vsel vm7, $0x1, v33;
	v60 =	vadd.s32 v59, v44;
	[tilespmem:v42+s16+$0x0] =	vst.idx.add.f32.msk $0xffff, v43  }
0x21a: {  	vm9 =	vge.s32 v25, v41;
	v62 =	vsel vm8, $0x1, v33;
	v42 =	vadd.s32 v61, v60;
	v63 =	vld [tilespmem:$0x790]  }
0x21b: {  	v47 =	vsel vm9, $0x1, v33;
	v42 =	vadd.s32 v62, v42  }
0x21c: {  	v42 =	vadd.s32 v47, v42  }
0x21d: {  	v42 =	vmul.u32 $0x30, v42;
	_ =	sdelay $0x1  }
0x21e: {  	v42 =	vadd.s32 v42, v63;
	_ =	sdelay $0x4  }
0x21f: {  	[tilespmem:v42+s16+$0x0] =	vst.idx.add.f32.msk $0xffff, v34  }
0x220: {  	v44 =	vadd.s32 $0x180, v42;
	v48 =	vld [tilespmem:$0x190];
	_ =	sdelay $0x4  }
0x221: {  	[tilespmem:v44+s16+$0x0] =	vst.idx.add.f32.msk $0xffff, v48  }
0x222: {  	v49 =	vadd.s32 $0x300, v42;
	v43 =	vld [tilespmem:$0x390];
	_ =	sdelay $0x4  }
0x223: {  	[tilespmem:v49+s16+$0x0] =	vst.idx.add.f32.msk $0xffff, v43  }
0x224: {  	v42 =	vadd.s32 $0x480, v42;
	v43 =	vld [tilespmem:$0x590]  }
0x225: {  	vm10 =	vge.s32 v26, v35;
	vm11 =	vge.s32 v26, v36  }
0x226: {  	vm12 =	vge.s32 v26, v37;
	v50 =	vsel vm10, $0x1, v33;
	v51 =	vsel vm11, $0x1, v33  }
0x227: {  	vm13 =	vge.s32 v26, v38;
	v52 =	vsel vm12, $0x1, v33;
	v44 =	vadd.s32 v51, v50  }
0x228: {  	vm14 =	vge.s32 v26, v39;
	v53 =	vsel vm13, $0x1, v33;
	v44 =	vadd.s32 v52, v44  }
0x229: {  	vm15 =	vge.s32 v26, v40;
	v55 =	vsel vm14, $0x1, v33;
	v54 =	vadd.s32 v53, v44;
	[tilespmem:v42+s16+$0x0] =	vst.idx.add.f32.msk $0xffff, v43  }
0x22a: {  	vm4 =	vge.s32 v26, v41;
	v56 =	vsel vm15, $0x1, v33;
	v42 =	vadd.s32 v55, v54;
	v57 =	vld [tilespmem:$0x7A0]  }
0x22b: {  	v58 =	vsel vm4, $0x1, v33;
	v42 =	vadd.s32 v56, v42  }
0x22c: {  	v42 =	vadd.s32 v58, v42  }
0x22d: {  	v42 =	vmul.u32 $0x30, v42;
	_ =	sdelay $0x1  }
0x22e: {  	v42 =	vadd.s32 v42, v57;
	_ =	sdelay $0x4  }
0x22f: {  	[tilespmem:v42+s16+$0x0] =	vst.idx.add.f32.msk $0xffff, v34  }
0x230: {  	v44 =	vadd.s32 $0x180, v42;
	v59 =	vld [tilespmem:$0x1A0];
	_ =	sdelay $0x4  }
0x231: {  	[tilespmem:v44+s16+$0x0] =	vst.idx.add.f32.msk $0xffff, v59  }
0x232: {  	v60 =	vadd.s32 $0x300, v42;
	v43 =	vld [tilespmem:$0x3A0];
	_ =	sdelay $0x4  }
0x233: {  	[tilespmem:v60+s16+$0x0] =	vst.idx.add.f32.msk $0xffff, v43  }
0x234: {  	v42 =	vadd.s32 $0x480, v42;
	v43 =	vld [tilespmem:$0x5A0]  }
0x235: {  	vm5 =	vge.s32 v27, v35;
	vm6 =	vge.s32 v27, v36  }
0x236: {  	vm7 =	vge.s32 v27, v37;
	v61 =	vsel vm5, $0x1, v33;
	v62 =	vsel vm6, $0x1, v33  }
0x237: {  	vm8 =	vge.s32 v27, v38;
	v63 =	vsel vm7, $0x1, v33;
	v44 =	vadd.s32 v62, v61  }
0x238: {  	vm9 =	vge.s32 v27, v39;
	v48 =	vsel vm8, $0x1, v33;
	v44 =	vadd.s32 v63, v44  }
0x239: {  	vm10 =	vge.s32 v27, v40;
	v50 =	vsel vm9, $0x1, v33;
	v49 =	vadd.s32 v48, v44;
	[tilespmem:v42+s16+$0x0] =	vst.idx.add.f32.msk $0xffff, v43  }
0x23a: {  	vm11 =	vge.s32 v27, v41;
	v51 =	vsel vm10, $0x1, v33;
	v42 =	vadd.s32 v50, v49;
	v52 =	vld [tilespmem:$0x7B0]  }
0x23b: {  	v53 =	vsel vm11, $0x1, v33;
	v42 =	vadd.s32 v51, v42  }
0x23c: {  	v42 =	vadd.s32 v53, v42  }
0x23d: {  	v42 =	vmul.u32 $0x30, v42;
	_ =	sdelay $0x1  }
0x23e: {  	v42 =	vadd.s32 v42, v52;
	_ =	sdelay $0x4  }
0x23f: {  	[tilespmem:v42+s16+$0x0] =	vst.idx.add.f32.msk $0xffff, v34  }
0x240: {  	v44 =	vadd.s32 $0x180, v42;
	v54 =	vld [tilespmem:$0x1B0];
	_ =	sdelay $0x4  }
0x241: {  	[tilespmem:v44+s16+$0x0] =	vst.idx.add.f32.msk $0xffff, v54  }
0x242: {  	v55 =	vadd.s32 $0x300, v42;
	v43 =	vld [tilespmem:$0x3B0];
	_ =	sdelay $0x4  }
0x243: {  	[tilespmem:v55+s16+$0x0] =	vst.idx.add.f32.msk $0xffff, v43  }
0x244: {  	v42 =	vadd.s32 $0x480, v42;
	v43 =	vld [tilespmem:$0x5B0]  }
0x245: {  	vm13 =	vge.s32 v28, v36;
	vm12 =	vge.s32 v28, v35  }
0x246: {  	vm14 =	vge.s32 v28, v37;
	v56 =	vsel vm12, $0x1, v33;
	v57 =	vsel vm13, $0x1, v33  }
0x247: {  	vm15 =	vge.s32 v28, v38;
	v58 =	vsel vm14, $0x1, v33;
	v44 =	vadd.s32 v57, v56  }
0x248: {  	vm4 =	vge.s32 v28, v39;
	v59 =	vsel vm15, $0x1, v33;
	v44 =	vadd.s32 v58, v44  }
0x249: {  	vm5 =	vge.s32 v28, v40;
	v61 =	vsel vm4, $0x1, v33;
	v60 =	vadd.s32 v59, v44;
	[tilespmem:v42+s16+$0x0] =	vst.idx.add.f32.msk $0xffff, v43  }
0x24a: {  	vm6 =	vge.s32 v28, v41;
	v62 =	vsel vm5, $0x1, v33;
	v42 =	vadd.s32 v61, v60;
	v63 =	vld [tilespmem:$0x7C0]  }
0x24b: {  	v47 =	vsel vm6, $0x1, v33;
	v42 =	vadd.s32 v62, v42  }
0x24c: {  	v42 =	vadd.s32 v47, v42  }
0x24d: {  	v42 =	vmul.u32 $0x30, v42;
	_ =	sdelay $0x1  }
0x24e: {  	v42 =	vadd.s32 v42, v63;
	_ =	sdelay $0x4  }
0x24f: {  	[tilespmem:v42+s16+$0x0] =	vst.idx.add.f32.msk $0xffff, v34  }
0x250: {  	v44 =	vadd.s32 $0x180, v42;
	v48 =	vld [tilespmem:$0x1C0];
	_ =	sdelay $0x4  }
0x251: {  	[tilespmem:v44+s16+$0x0] =	vst.idx.add.f32.msk $0xffff, v48  }
0x252: {  	v49 =	vadd.s32 $0x300, v42;
	v43 =	vld [tilespmem:$0x3C0];
	_ =	sdelay $0x4  }
0x253: {  	[tilespmem:v49+s16+$0x0] =	vst.idx.add.f32.msk $0xffff, v43  }
0x254: {  	v42 =	vadd.s32 $0x480, v42;
	v43 =	vld [tilespmem:$0x5C0]  }
0x255: {  	vm7 =	vge.s32 v29, v35;
	vm8 =	vge.s32 v29, v36  }
0x256: {  	vm9 =	vge.s32 v29, v37;
	v50 =	vsel vm7, $0x1, v33;
	v51 =	vsel vm8, $0x1, v33  }
0x257: {  	vm10 =	vge.s32 v29, v38;
	v52 =	vsel vm9, $0x1, v33;
	v44 =	vadd.s32 v51, v50  }
0x258: {  	vm11 =	vge.s32 v29, v39;
	v53 =	vsel vm10, $0x1, v33;
	v44 =	vadd.s32 v52, v44  }
0x259: {  	vm12 =	vge.s32 v29, v40;
	v55 =	vsel vm11, $0x1, v33;
	v54 =	vadd.s32 v53, v44;
	[tilespmem:v42+s16+$0x0] =	vst.idx.add.f32.msk $0xffff, v43  }
0x25a: {  	vm13 =	vge.s32 v29, v41;
	v56 =	vsel vm12, $0x1, v33;
	v42 =	vadd.s32 v55, v54;
	v57 =	vld [tilespmem:$0x7D0]  }
0x25b: {  	v58 =	vsel vm13, $0x1, v33;
	v42 =	vadd.s32 v56, v42  }
0x25c: {  	v42 =	vadd.s32 v58, v42  }
0x25d: {  	v42 =	vmul.u32 $0x30, v42;
	_ =	sdelay $0x1  }
0x25e: {  	v42 =	vadd.s32 v42, v57;
	_ =	sdelay $0x4  }
0x25f: {  	[tilespmem:v42+s16+$0x0] =	vst.idx.add.f32.msk $0xffff, v34  }
0x260: {  	v44 =	vadd.s32 $0x180, v42;
	v59 =	vld [tilespmem:$0x1D0];
	_ =	sdelay $0x4  }
0x261: {  	[tilespmem:v44+s16+$0x0] =	vst.idx.add.f32.msk $0xffff, v59  }
0x262: {  	v60 =	vadd.s32 $0x300, v42;
	v43 =	vld [tilespmem:$0x3D0];
	_ =	sdelay $0x4  }
0x263: {  	[tilespmem:v60+s16+$0x0] =	vst.idx.add.f32.msk $0xffff, v43  }
0x264: {  	v42 =	vadd.s32 $0x480, v42;
	v43 =	vld [tilespmem:$0x5D0]  }
0x265: {  	vm14 =	vge.s32 v30, v35;
	vm15 =	vge.s32 v30, v36  }
0x266: {  	vm4 =	vge.s32 v30, v37;
	v61 =	vsel vm14, $0x1, v33;
	v62 =	vsel vm15, $0x1, v33  }
0x267: {  	vm5 =	vge.s32 v30, v38;
	v63 =	vsel vm4, $0x1, v33;
	v44 =	vadd.s32 v62, v61  }
0x268: {  	vm6 =	vge.s32 v30, v39;
	v48 =	vsel vm5, $0x1, v33;
	v44 =	vadd.s32 v63, v44  }
0x269: {  	vm7 =	vge.s32 v30, v40;
	v50 =	vsel vm6, $0x1, v33;
	v49 =	vadd.s32 v48, v44;
	[tilespmem:v42+s16+$0x0] =	vst.idx.add.f32.msk $0xffff, v43  }
0x26a: {  	vm8 =	vge.s32 v30, v41;
	v51 =	vsel vm7, $0x1, v33;
	v42 =	vadd.s32 v50, v49;
	v52 =	vld [tilespmem:$0x7E0]  }
0x26b: {  	v53 =	vsel vm8, $0x1, v33;
	v42 =	vadd.s32 v51, v42  }
0x26c: {  	v42 =	vadd.s32 v53, v42  }
0x26d: {  	v42 =	vmul.u32 $0x30, v42;
	_ =	sdelay $0x1  }
0x26e: {  	v42 =	vadd.s32 v42, v52;
	_ =	sdelay $0x4  }
0x26f: {  	[tilespmem:v42+s16+$0x0] =	vst.idx.add.f32.msk $0xffff, v34  }
0x270: {  	v44 =	vadd.s32 $0x180, v42;
	v54 =	vld [tilespmem:$0x1E0];
	_ =	sdelay $0x4  }
0x271: {  	[tilespmem:v44+s16+$0x0] =	vst.idx.add.f32.msk $0xffff, v54  }
0x272: {  	v55 =	vadd.s32 $0x300, v42;
	v43 =	vld [tilespmem:$0x3E0];
	_ =	sdelay $0x4  }
0x273: {  	[tilespmem:v55+s16+$0x0] =	vst.idx.add.f32.msk $0xffff, v43  }
0x274: {  	v42 =	vadd.s32 $0x480, v42;
	v43 =	vld [tilespmem:$0x5E0]  }
0x275: {  	vm10 =	vge.s32 v31, v36;
	vm9 =	vge.s32 v31, v35  }
0x276: {  	v36 =	vsel vm10, $0x1, v33;
	v35 =	vsel vm9, $0x1, v33;
	vm11 =	vge.s32 v31, v37  }
0x277: {  	v35 =	vadd.s32 v36, v35;
	vm12 =	vge.s32 v31, v38;
	v56 =	vsel vm11, $0x1, v33  }
0x278: {  	vm13 =	vge.s32 v31, v39;
	v35 =	vadd.s32 v56, v35;
	v57 =	vsel vm12, $0x1, v33  }
0x279: {  	vm14 =	vge.s32 v31, v40;
	v58 =	vsel vm13, $0x1, v33;
	v35 =	vadd.s32 v57, v35;
	[tilespmem:v42+s16+$0x0] =	vst.idx.add.f32.msk $0xffff, v43  }
0x27a: {  	vm15 =	vge.s32 v31, v41;
	v35 =	vadd.s32 v58, v35;
	v59 =	vsel vm14, $0x1, v33;
	v60 =	vld [tilespmem:$0x7F0]  }
0x27b: {  	v61 =	vsel vm15, $0x1, v33;
	v35 =	vadd.s32 v59, v35  }
0x27c: {  	v35 =	vadd.s32 v61, v35  }
0x27d: {  	v35 =	vmul.u32 $0x30, v35;
	_ =	sdelay $0x1  }
0x27e: {  	v35 =	vadd.s32 v35, v60;
	_ =	sdelay $0x4  }
0x27f: {  	[tilespmem:v35+s16+$0x0] =	vst.idx.add.f32.msk $0xffff, v34  }
0x280: {  	v37 =	vadd.s32 $0x180, v35;
	v62 =	vld [tilespmem:$0x1F0];
	_ =	sdelay $0x4  }
0x281: {  	[tilespmem:v37+s16+$0x0] =	vst.idx.add.f32.msk $0xffff, v62  }
0x282: {  	v63 =	vadd.s32 $0x300, v35;
	v36 =	vld [tilespmem:$0x3F0];
	_ =	sdelay $0x4  }
0x283: {  	[tilespmem:v63+s16+$0x0] =	vst.idx.add.f32.msk $0xffff, v36  }
0x284: {  	v35 =	vadd.s32 $0x480, v35;
	v36 =	vld [tilespmem:$0x5F0];
	_ =	sdelay $0x3  }
0x285: {  	p0 =	sne.s32 s9, $0x1  }
.Ltmp0:
0x286: {  	[tilespmem:v35+s16+$0x0] =	vst.idx.add.f32.msk $0xffff, v36;
	(pc) =	sbr.rel @p0 .LBB2_1-.Ltmp0, $4  }
0x287: {  	[hbm4b:s8+s10] =	stream.strided.scatter [tilespmem:s16], [sflag:$0x1], $0x600, s13, s10, $0x38;
	[tilespmem:$0xE80] =	vst v63  }
0x288: {  	_ =	swait.ge [sflag:s12], $0x600  }
0x289: {  	[sflag:s12] =	ssyncset.done $0x0  }
0x28a: {  	s9 =	sadd.s32 $0xFFFFFFFF, s9;
	[sflag:s12] =	ssyncadd.s32 $0xFFFFFA00  }
0x28b: {  	_ =	sfence.sel $0x180000  }
0x28c: {  	[bflag:$0x0] =	sbarrier.arrive $0xFFFF  }
0x28d: {  	p0 =	sne.s32 s1, $0x0;
	_ =	strace $0x90000047  }
0x28e: {  	s0 =	sadd.s32 @!p0 $0x100000, s0;
	[bflag:$0x2] =	sbarrier.arrive $0xFFFF  }
0x28f: {  	[sflag:s0] =	ssyncadd.tile.s32 @!p0 $0x1;
	_ =	shalt  }
.Lfunc_end2:
_tile_overlayer_lowered:
.L_overlay_start_2:
0x290: {  	(tag) =	ssettag $0x2  }
0x291: {  	s0 =	rddreg [dreg:$0x0];
	s2 =	stileid.u32  }
0x292: {  	s1 =	rddreg [dreg:$0x1];
	p0 =	sne.s32 s2, $0x0  }
0x293: {  	s3 =	rddreg [dreg:$0x2];
	[bflag:$0x3] =	sbarrier.arrive $0xFFFF;
	s2 =	simm.s32 @!p0 $0x1C01  }
0x294: {  	[timem:s3], [sflag:s2] =	dma.local @!p0 [hbm:s0], s1  }
0x295: {  	s0 =	simm.s32 @!p0 $0x1  }
0x296: {  	_ =	swait.ge @!p0 [sflag:s0], s1  }
0x297: {  	s1 =	ssub.s32 @!p0 $0x0, s1;
	[sflag:s0] =	ssyncset.done @!p0 $0x0  }
0x298: {  	[sflag:s0] =	ssyncadd.s32 @!p0 s1  }
0x299: {  	[bflag:$0x3] =	sbarrier.arrive $0xFFFF  }
0x29a: {  	_ =	shalt  }

</sc_bundles>
